<compile_context>
chip_gen: v7x
topology: tpu7x:2x2x1
jax: 0.10.2.dev20260603
libtpu: 0.0.44.dev20260713+nightly
codegen_flags: <defaults>
</compile_context>

<pallas_src>
import math

import jax
import jax.numpy as jnp
from jax.experimental import pallas as pl
from jax.experimental.pallas import tpu as pltpu

B = 2
N = 20000
PRE = 2000
POST = 1000
NP = 2048
T = 128
NBLK = NP // T
OUT = 1024
IMW = 800.0
IMH = 800.0
MIN_SIZE = 1.0
SCORE_TH = 0.0
NMS_TH = 0.7
BBOX_XFORM_CLIP = math.log(1000.0 / 16.0)


def _rpn_kernel(sc_ref, anc_ref, dlt_ref, ob_ref, os_ref, iou_scr):
    anc = anc_ref[0]
    dlt = dlt_ref[0]
    raw = sc_ref[0]

    x0a = anc[0:1, :]
    y0a = anc[1:2, :]
    x1a = anc[2:3, :]
    y1a = anc[3:4, :]
    dx = dlt[0:1, :]
    dy = dlt[1:2, :]
    dw = jnp.minimum(dlt[2:3, :], BBOX_XFORM_CLIP)
    dh = jnp.minimum(dlt[3:4, :], BBOX_XFORM_CLIP)

    wa = x1a - x0a
    ha = y1a - y0a
    cxa = x0a + 0.5 * wa
    cya = y0a + 0.5 * ha
    pcx = dx * wa + cxa
    pcy = dy * ha + cya
    pw = jnp.exp(dw) * wa
    ph = jnp.exp(dh) * ha

    bx0 = jnp.clip(pcx - 0.5 * pw, 0.0, IMW)
    by0 = jnp.clip(pcy - 0.5 * ph, 0.0, IMH)
    bx1 = jnp.clip(pcx + 0.5 * pw, 0.0, IMW)
    by1 = jnp.clip(pcy + 0.5 * ph, 0.0, IMH)

    ws = bx1 - bx0
    hs = by1 - by0
    areas = ws * hs
    sc = jax.nn.sigmoid(raw)

    valid = (ws >= MIN_SIZE) & (hs >= MIN_SIZE) & (sc >= SCORE_TH)
    K0 = jnp.where(valid, 1.0, 0.0)
    kblocks = [K0[:, j * T:(j + 1) * T] for j in range(NBLK)]

    x0m = bx0.reshape(NBLK, T)
    y0m = by0.reshape(NBLK, T)
    x1m = bx1.reshape(NBLK, T)
    y1m = by1.reshape(NBLK, T)
    am = areas.reshape(NBLK, T)

    lane_t = jax.lax.broadcasted_iota(jnp.int32, (1, T), 1)
    lane_np = jax.lax.broadcasted_iota(jnp.int32, (1, NP), 1)
    row_t = jax.lax.broadcasted_iota(jnp.int32, (T, 1), 0)
    ui = jax.lax.broadcasted_iota(jnp.int32, (T, T), 0)
    uj = jax.lax.broadcasted_iota(jnp.int32, (T, T), 1)
    eye = jnp.where(ui == uj, 1.0, 0.0)

    for bi in range(NBLK):
        s = bi * T
        c0 = x0m[bi][:, None]
        c1 = y0m[bi][:, None]
        c2 = x1m[bi][:, None]
        c3 = y1m[bi][:, None]
        ca = am[bi][:, None]

        ltx = jnp.maximum(c0, x0m[bi][None, :])
        lty = jnp.maximum(c1, y0m[bi][None, :])
        rbx = jnp.minimum(c2, x1m[bi][None, :])
        rby = jnp.minimum(c3, y1m[bi][None, :])
        iw = jnp.maximum(rbx - ltx, 0.0)
        ih = jnp.maximum(rby - lty, 0.0)
        inter = iw * ih
        uni = ca + am[bi][None, :] - inter + 1e-6
        iou_scr[...] = jnp.where(
            (inter > NMS_TH * uni) & (ui < uj), 1.0, 0.0)

        kb_init = kblocks[bi]

        def cond_fn(st):
            return st[1] > 0.0

        def body_fn(st):
            kb, _, it = st
            sup = jnp.dot(kb, iou_scr[...],
                          preferred_element_type=jnp.float32)
            kb_new = jnp.where(sup < 0.5, kb_init, 0.0)
            changed = jnp.sum(jnp.abs(kb_new - kb))
            changed = jnp.where(it < T, changed, 0.0)
            return kb_new, changed, it + 1

        kb, _, _ = jax.lax.while_loop(
            cond_fn, body_fn,
            (kb_init, jnp.float32(1.0), jnp.int32(0)))
        kblocks[bi] = kb

        kbc = jax.lax.dot_general(
            eye, kb, (((1,), (1,)), ((), ())),
            preferred_element_type=jnp.float32)
        gix = s + row_t
        ltx = jnp.maximum(c0, bx0)
        lty = jnp.maximum(c1, by0)
        rbx = jnp.minimum(c2, bx1)
        rby = jnp.minimum(c3, by1)
        iw = jnp.maximum(rbx - ltx, 0.0)
        ih = jnp.maximum(rby - lty, 0.0)
        inter = iw * ih
        uni = ca + areas - inter + 1e-6
        sup = (inter > NMS_TH * uni) & (kbc > 0.0) & (lane_np > gix)
        sup_any = jnp.max(jnp.where(sup, 1.0, 0.0), axis=0, keepdims=True)
        for j in range(bi + 1, NBLK):
            kblocks[j] = jnp.where(
                sup_any[:, j * T:(j + 1) * T] > 0.0, 0.0, kblocks[j])

    K = jnp.concatenate(kblocks, axis=1)
    Km = K.reshape(NBLK, T)
    U = jnp.where(ui <= uj, 1.0, 0.0)
    intra = jnp.dot(Km, U, preferred_element_type=jnp.float32)
    tot = jnp.sum(Km, axis=1, keepdims=True)
    mr = jax.lax.broadcasted_iota(jnp.int32, (NBLK, NBLK), 0)
    mq = jax.lax.broadcasted_iota(jnp.int32, (NBLK, NBLK), 1)
    M2 = jnp.where(mq < mr, 1.0, 0.0)
    off = jnp.dot(M2, tot, preferred_element_type=jnp.float32)
    p = intra + off - 1.0

    prow = p.astype(jnp.int32).reshape(1, NP)
    jcol = jax.lax.broadcasted_iota(jnp.int32, (OUT, 1), 0)
    P = jnp.where((jcol == prow) & (K > 0.0), 1.0, 0.0)

    data = jnp.concatenate([bx0, by0, bx1, by1, sc], axis=0)
    out = jax.lax.dot_general(
        data, P, (((1,), (1,)), ((), ())),
        preferred_element_type=jnp.float32)

    ob_ref[0] = out[0:4, :]
    os_ref[0] = out[4:5, :]


def kernel(box_cls, box_regression, anchors):
    scores = box_cls.reshape(B, N)
    top_scores, top_idx = jax.lax.top_k(scores, PRE)
    ga = jnp.take_along_axis(
        anchors.reshape(B, N, 4), top_idx[..., None], axis=1)
    gd = jnp.take_along_axis(
        box_regression.reshape(B, N, 4), top_idx[..., None], axis=1)

    pad = NP - PRE
    sc_p = jnp.pad(top_scores, ((0, 0), (0, pad))).reshape(B, 1, NP)
    ga_t = jnp.pad(ga.transpose(0, 2, 1), ((0, 0), (0, 0), (0, pad)))
    gd_t = jnp.pad(gd.transpose(0, 2, 1), ((0, 0), (0, 0), (0, pad)))

    outb, outs = pl.pallas_call(
        _rpn_kernel,
        grid=(B,),
        in_specs=[
            pl.BlockSpec((1, 1, NP), lambda b: (b, 0, 0)),
            pl.BlockSpec((1, 4, NP), lambda b: (b, 0, 0)),
            pl.BlockSpec((1, 4, NP), lambda b: (b, 0, 0)),
        ],
        out_specs=[
            pl.BlockSpec((1, 4, OUT), lambda b: (b, 0, 0)),
            pl.BlockSpec((1, 1, OUT), lambda b: (b, 0, 0)),
        ],
        out_shape=[
            jax.ShapeDtypeStruct((B, 4, OUT), jnp.float32),
            jax.ShapeDtypeStruct((B, 1, OUT), jnp.float32),
        ],
        scratch_shapes=[pltpu.VMEM((T, T), jnp.float32)],
        compiler_params=pltpu.CompilerParams(
            dimension_semantics=("parallel",)),
    )(sc_p, ga_t, gd_t)

    boxes = outb[:, :, :POST].transpose(0, 2, 1)
    return boxes, outs.reshape(B, OUT)[:, :POST]

# --- scband reference (transcript-rebuilt; emitter-appended) ---
"""Pipeline reference for scband-rpn-21758304322176 (READ-ONLY COPY).

The authoritative reference and input builder live on the scoring server;
editing this copy changes nothing except your own understanding.
"""

import math
import jax, jax.numpy as jnp
import numpy as np

B = 2
N = 20000
PRE = 2000
POST = 1000
IMW = 800.0
IMH = 800.0
MIN_SIZE = 1.0
SCORE_TH = 0.0
NMS_TH = 0.7
BBOX_XFORM_CLIP = math.log(1000.0 / 16.0)


def setup_inputs(seed: int = 0) -> dict:
    key = jax.random.key(seed)
    k1, k2, k3, k4, k5, k6 = jax.random.split(key, 6)
    box_cls = jax.random.normal(k1, (B * N, 1), dtype=jnp.float32)
    box_regression = jax.random.normal(k2, (B * N, 4), dtype=jnp.float32) * 0.5
    cx = jax.random.uniform(k3, (B * N,), minval=0.0, maxval=IMW)
    cy = jax.random.uniform(k4, (B * N,), minval=0.0, maxval=IMH)
    w = jax.random.uniform(k5, (B * N,), minval=16.0, maxval=256.0)
    h = jax.random.uniform(k6, (B * N,), minval=16.0, maxval=256.0)
    anchors = jnp.stack([cx - w / 2, cy - h / 2, cx + w / 2, cy + h / 2], axis=1).astype(jnp.float32)
    return {"box_cls": box_cls, "box_regression": box_regression, "anchors": anchors}


def _decode(deltas, anchors):
    # BoxCoder.decode with weights (1,1,1,1)
    w = anchors[:, 2] - anchors[:, 0]
    h = anchors[:, 3] - anchors[:, 1]
    cx = anchors[:, 0] + 0.5 * w
    cy = anchors[:, 1] + 0.5 * h
    dx, dy = deltas[:, 0], deltas[:, 1]
    dw = jnp.minimum(deltas[:, 2], BBOX_XFORM_CLIP)
    dh = jnp.minimum(deltas[:, 3], BBOX_XFORM_CLIP)
    pcx = dx * w + cx
    pcy = dy * h + cy
    pw = jnp.exp(dw) * w
    ph = jnp.exp(dh) * h
    return jnp.stack([pcx - 0.5 * pw, pcy - 0.5 * ph, pcx + 0.5 * pw, pcy + 0.5 * ph], axis=1)


def _box_iou(b1, b2):
    a1 = (b1[:, 2] - b1[:, 0]) * (b1[:, 3] - b1[:, 1])
    a2 = (b2[:, 2] - b2[:, 0]) * (b2[:, 3] - b2[:, 1])
    lt = jnp.maximum(b1[:, None, :2], b2[None, :, :2])
    rb = jnp.minimum(b1[:, None, 2:], b2[None, :, 2:])
    wh = jnp.maximum(rb - lt, 0.0)
    inter = wh[..., 0] * wh[..., 1]
    return inter / (a1[:, None] + a2[None, :] - inter + 1e-6)


def _filter_one(props, scores):
    # pre-NMS top-n (single feature level)
    top_scores, top_idx = jax.lax.top_k(scores, PRE)
    boxes = props[top_idx]
    sc = jax.nn.sigmoid(top_scores)
    # clip_boxes_to_image
    boxes = jnp.stack([
        jnp.clip(boxes[:, 0], 0.0, IMW),
        jnp.clip(boxes[:, 1], 0.0, IMH),
        jnp.clip(boxes[:, 2], 0.0, IMW),
        jnp.clip(boxes[:, 3], 0.0, IMH),
    ], axis=1)
    ws = boxes[:, 2] - boxes[:, 0]
    hs = boxes[:, 3] - boxes[:, 1]
    # remove_small_boxes + score threshold (mask instead of dynamic removal)
    valid = (ws >= MIN_SIZE) & (hs >= MIN_SIZE) & (sc >= SCORE_TH)
    sc_m = jnp.where(valid, sc, -jnp.inf)
    # batched_nms (single level -> plain greedy NMS)
    order = jnp.argsort(-sc_m)
    b = boxes[order]
    s = sc_m[order]
    iou = _box_iou(b, b)
    idxs = jnp.arange(PRE)

    def body(i, keep):
        sup = (iou[i] > NMS_TH) & keep[i] & (idxs > i)
        return keep & (~sup)

    keep = jax.lax.fori_loop(0, PRE, body, valid[order])
    kept_s = jnp.where(keep, s, -jnp.inf)
    vals, fidx = jax.lax.top_k(kept_s, POST)
    mask = jnp.isfinite(vals)
    out_b = b[fidx] * mask[:, None].astype(b.dtype)
    out_s = jnp.where(mask, vals, 0.0)
    return out_b, out_s


def reference(box_cls, box_regression, anchors):
    proposals = _decode(box_regression, anchors).reshape(B, N, 4)
    scores = box_cls.reshape(B, N)
    boxes, sc = jax.vmap(_filter_one)(proposals, scores)
    return boxes, sc

if __name__ == "__main__":
    import jax
    _d = setup_inputs()
    print(jax.jit(kernel)(*tuple(_d.values())))

</pallas_src>

<mosaic_0001>
module attributes {stable_mosaic.version = 14 : i64} {
  func.func @_rpn_kernel(%arg0: i32, %arg1: memref<1x1x2048xf32, #tpu.memory_space<vmem>>, %arg2: memref<1x4x2048xf32, #tpu.memory_space<vmem>>, %arg3: memref<1x4x2048xf32, #tpu.memory_space<vmem>>, %arg4: memref<1x4x1024xf32, #tpu.memory_space<vmem>>, %arg5: memref<1x1x1024xf32, #tpu.memory_space<vmem>>, %arg6: memref<128x128xf32, #tpu.memory_space<vmem>>) attributes {dimension_semantics = [#tpu.dimension_semantics<parallel>], iteration_bounds = array<i64: 2>, scalar_prefetch = 0 : i64, scratch_operands = 1 : i64, tpu.core_type = #tpu.core_type<tc>, window_params = [{transform_indices = @transform_0, window_bounds = array<i64: 1, 1, 2048>}, {transform_indices = @transform_1, window_bounds = array<i64: 1, 4, 2048>}, {transform_indices = @transform_2, window_bounds = array<i64: 1, 4, 2048>}, {transform_indices = @transform_3, window_bounds = array<i64: 1, 4, 1024>}, {transform_indices = @transform_4, window_bounds = array<i64: 1, 1, 1024>}]} {
    %get3A = arith.constant 0 : index
    %get3A_0 = arith.constant 0 : index
    %get3A_1 = arith.constant 0 : index
    %get3A_2 = vector.load %arg2[%get3A, %get3A_0, %get3A_1] : memref<1x4x2048xf32, #tpu.memory_space<vmem>>, vector<1x4x2048xf32>
    %get3A_3 = vector.shape_cast %get3A_2 : vector<1x4x2048xf32> to vector<4x2048xf32>
    %get3A_4 = arith.constant 0 : index
    %get3A_5 = arith.constant 0 : index
    %get3A_6 = arith.constant 0 : index
    %get3A_7 = vector.load %arg3[%get3A_4, %get3A_5, %get3A_6] : memref<1x4x2048xf32, #tpu.memory_space<vmem>>, vector<1x4x2048xf32>
    %get3A_8 = vector.shape_cast %get3A_7 : vector<1x4x2048xf32> to vector<4x2048xf32>
    %get3A_9 = arith.constant 0 : index
    %get3A_10 = arith.constant 0 : index
    %get3A_11 = arith.constant 0 : index
    %get3A_12 = vector.load %arg1[%get3A_9, %get3A_10, %get3A_11] : memref<1x1x2048xf32, #tpu.memory_space<vmem>>, vector<1x1x2048xf32>
    %get3A_13 = vector.shape_cast %get3A_12 : vector<1x1x2048xf32> to vector<1x2048xf32>
    %slice3A = vector.extract_strided_slice %get3A_3 {offsets = [0, 0], sizes = [1, 2048], strides = [1, 1]} : vector<4x2048xf32> to vector<1x2048xf32>
    %slice3A_14 = vector.extract_strided_slice %get3A_3 {offsets = [1, 0], sizes = [1, 2048], strides = [1, 1]} : vector<4x2048xf32> to vector<1x2048xf32>
    %slice3A_15 = vector.extract_strided_slice %get3A_3 {offsets = [2, 0], sizes = [1, 2048], strides = [1, 1]} : vector<4x2048xf32> to vector<1x2048xf32>
    %slice3A_16 = vector.extract_strided_slice %get3A_3 {offsets = [3, 0], sizes = [1, 2048], strides = [1, 1]} : vector<4x2048xf32> to vector<1x2048xf32>
    %slice3A_17 = vector.extract_strided_slice %get3A_8 {offsets = [0, 0], sizes = [1, 2048], strides = [1, 1]} : vector<4x2048xf32> to vector<1x2048xf32>
    %slice3A_18 = vector.extract_strided_slice %get3A_8 {offsets = [1, 0], sizes = [1, 2048], strides = [1, 1]} : vector<4x2048xf32> to vector<1x2048xf32>
    %slice3A_19 = vector.extract_strided_slice %get3A_8 {offsets = [2, 0], sizes = [1, 2048], strides = [1, 1]} : vector<4x2048xf32> to vector<1x2048xf32>
    %min3A = arith.constant 4.13516665 : f32
    %min3A_20 = vector.broadcast %min3A : f32 to vector<1x2048xf32>
    %min3A_21 = arith.minimumf %slice3A_19, %min3A_20 : vector<1x2048xf32>
    %slice3A_22 = vector.extract_strided_slice %get3A_8 {offsets = [3, 0], sizes = [1, 2048], strides = [1, 1]} : vector<4x2048xf32> to vector<1x2048xf32>
    %min3A_23 = arith.constant 4.13516665 : f32
    %min3A_24 = vector.broadcast %min3A_23 : f32 to vector<1x2048xf32>
    %min3A_25 = arith.minimumf %slice3A_22, %min3A_24 : vector<1x2048xf32>
    %sub3A = arith.subf %slice3A_15, %slice3A : vector<1x2048xf32>
    %sub3A_26 = arith.subf %slice3A_16, %slice3A_14 : vector<1x2048xf32>
    %mul3A = arith.constant 5.000000e-01 : f32
    %mul3A_27 = vector.broadcast %mul3A : f32 to vector<1x2048xf32>
    %mul3A_28 = arith.mulf %mul3A_27, %sub3A : vector<1x2048xf32>
    %add3A = arith.addf %slice3A, %mul3A_28 : vector<1x2048xf32>
    %mul3A_29 = arith.constant 5.000000e-01 : f32
    %mul3A_30 = vector.broadcast %mul3A_29 : f32 to vector<1x2048xf32>
    %mul3A_31 = arith.mulf %mul3A_30, %sub3A_26 : vector<1x2048xf32>
    %add3A_32 = arith.addf %slice3A_14, %mul3A_31 : vector<1x2048xf32>
    %mul3A_33 = arith.mulf %slice3A_17, %sub3A : vector<1x2048xf32>
    %add3A_34 = arith.addf %mul3A_33, %add3A : vector<1x2048xf32>
    %mul3A_35 = arith.mulf %slice3A_18, %sub3A_26 : vector<1x2048xf32>
    %add3A_36 = arith.addf %mul3A_35, %add3A_32 : vector<1x2048xf32>
    %exp3A = math.exp %min3A_21 : vector<1x2048xf32>
    %mul3A_37 = arith.mulf %exp3A, %sub3A : vector<1x2048xf32>
    %exp3A_38 = math.exp %min3A_25 : vector<1x2048xf32>
    %mul3A_39 = arith.mulf %exp3A_38, %sub3A_26 : vector<1x2048xf32>
    %mul3A_40 = arith.constant 5.000000e-01 : f32
    %mul3A_41 = vector.broadcast %mul3A_40 : f32 to vector<1x2048xf32>
    %mul3A_42 = arith.mulf %mul3A_41, %mul3A_37 : vector<1x2048xf32>
    %sub3A_43 = arith.subf %add3A_34, %mul3A_42 : vector<1x2048xf32>
    %jit3A = arith.constant 0.000000e+00 : f32
    %jit3A_44 = arith.constant 8.000000e+02 : f32
    %max3A = vector.broadcast %jit3A : f32 to vector<1x2048xf32>
    %max3A_45 = arith.maximumf %max3A, %sub3A_43 : vector<1x2048xf32>
    %min3A_46 = vector.broadcast %jit3A_44 : f32 to vector<1x2048xf32>
    %min3A_47 = arith.minimumf %min3A_46, %max3A_45 : vector<1x2048xf32>
    %mul3A_48 = arith.constant 5.000000e-01 : f32
    %mul3A_49 = vector.broadcast %mul3A_48 : f32 to vector<1x2048xf32>
    %mul3A_50 = arith.mulf %mul3A_49, %mul3A_39 : vector<1x2048xf32>
    %sub3A_51 = arith.subf %add3A_36, %mul3A_50 : vector<1x2048xf32>
    %jit3A_52 = arith.constant 0.000000e+00 : f32
    %jit3A_53 = arith.constant 8.000000e+02 : f32
    %max3A_54 = vector.broadcast %jit3A_52 : f32 to vector<1x2048xf32>
    %max3A_55 = arith.maximumf %max3A_54, %sub3A_51 : vector<1x2048xf32>
    %min3A_56 = vector.broadcast %jit3A_53 : f32 to vector<1x2048xf32>
    %min3A_57 = arith.minimumf %min3A_56, %max3A_55 : vector<1x2048xf32>
    %mul3A_58 = arith.constant 5.000000e-01 : f32
    %mul3A_59 = vector.broadcast %mul3A_58 : f32 to vector<1x2048xf32>
    %mul3A_60 = arith.mulf %mul3A_59, %mul3A_37 : vector<1x2048xf32>
    %add3A_61 = arith.addf %add3A_34, %mul3A_60 : vector<1x2048xf32>
    %jit3A_62 = arith.constant 0.000000e+00 : f32
    %jit3A_63 = arith.constant 8.000000e+02 : f32
    %max3A_64 = vector.broadcast %jit3A_62 : f32 to vector<1x2048xf32>
    %max3A_65 = arith.maximumf %max3A_64, %add3A_61 : vector<1x2048xf32>
    %min3A_66 = vector.broadcast %jit3A_63 : f32 to vector<1x2048xf32>
    %min3A_67 = arith.minimumf %min3A_66, %max3A_65 : vector<1x2048xf32>
    %mul3A_68 = arith.constant 5.000000e-01 : f32
    %mul3A_69 = vector.broadcast %mul3A_68 : f32 to vector<1x2048xf32>
    %mul3A_70 = arith.mulf %mul3A_69, %mul3A_39 : vector<1x2048xf32>
    %add3A_71 = arith.addf %add3A_36, %mul3A_70 : vector<1x2048xf32>
    %jit3A_72 = arith.constant 0.000000e+00 : f32
    %jit3A_73 = arith.constant 8.000000e+02 : f32
    %max3A_74 = vector.broadcast %jit3A_72 : f32 to vector<1x2048xf32>
    %max3A_75 = arith.maximumf %max3A_74, %add3A_71 : vector<1x2048xf32>
    %min3A_76 = vector.broadcast %jit3A_73 : f32 to vector<1x2048xf32>
    %min3A_77 = arith.minimumf %min3A_76, %max3A_75 : vector<1x2048xf32>
    %sub3A_78 = arith.subf %min3A_67, %min3A_47 : vector<1x2048xf32>
    %sub3A_79 = arith.subf %min3A_77, %min3A_57 : vector<1x2048xf32>
    %mul3A_80 = arith.mulf %sub3A_78, %sub3A_79 : vector<1x2048xf32>
    %logistic3A = arith.negf %get3A_13 : vector<1x2048xf32>
    %logistic3A_81 = math.exp %logistic3A : vector<1x2048xf32>
    %logistic3A_82 = arith.constant 1.000000e+00 : f32
    %logistic3A_83 = vector.broadcast %logistic3A_82 : f32 to vector<1x2048xf32>
    %logistic3A_84 = arith.addf %logistic3A_83, %logistic3A_81 : vector<1x2048xf32>
    %logistic3A_85 = arith.divf %logistic3A_83, %logistic3A_84 : vector<1x2048xf32>
    %ge3A = arith.constant 1.000000e+00 : f32
    %ge3A_86 = vector.broadcast %ge3A : f32 to vector<1x2048xf32>
    %ge3A_87 = arith.cmpf oge, %sub3A_78, %ge3A_86 : vector<1x2048xf32>
    %ge3A_88 = arith.constant 1.000000e+00 : f32
    %ge3A_89 = vector.broadcast %ge3A_88 : f32 to vector<1x2048xf32>
    %ge3A_90 = arith.cmpf oge, %sub3A_79, %ge3A_89 : vector<1x2048xf32>
    %and3A = arith.andi %ge3A_87, %ge3A_90 : vector<1x2048xi1>
    %ge3A_91 = arith.constant 0.000000e+00 : f32
    %ge3A_92 = vector.broadcast %ge3A_91 : f32 to vector<1x2048xf32>
    %ge3A_93 = arith.cmpf oge, %logistic3A_85, %ge3A_92 : vector<1x2048xf32>
    %and3A_94 = arith.andi %and3A, %ge3A_93 : vector<1x2048xi1>
    %jit3A_95 = arith.constant 1.000000e+00 : f32
    %jit3A_96 = arith.constant 0.000000e+00 : f32
    %broadcast_in_dim3A = vector.broadcast %jit3A_95 : f32 to vector<1x2048xf32>
    %broadcast_in_dim3A_97 = vector.broadcast %jit3A_96 : f32 to vector<1x2048xf32>
    %select_n3A = arith.select %and3A_94, %broadcast_in_dim3A, %broadcast_in_dim3A_97 : vector<1x2048xi1>, vector<1x2048xf32>
    %slice3A_98 = vector.extract_strided_slice %select_n3A {offsets = [0, 0], sizes = [1, 128], strides = [1, 1]} : vector<1x2048xf32> to vector<1x128xf32>
    %slice3A_99 = vector.extract_strided_slice %select_n3A {offsets = [0, 128], sizes = [1, 128], strides = [1, 1]} : vector<1x2048xf32> to vector<1x128xf32>
    %slice3A_100 = vector.extract_strided_slice %select_n3A {offsets = [0, 256], sizes = [1, 128], strides = [1, 1]} : vector<1x2048xf32> to vector<1x128xf32>
    %slice3A_101 = vector.extract_strided_slice %select_n3A {offsets = [0, 384], sizes = [1, 128], strides = [1, 1]} : vector<1x2048xf32> to vector<1x128xf32>
    %slice3A_102 = vector.extract_strided_slice %select_n3A {offsets = [0, 512], sizes = [1, 128], strides = [1, 1]} : vector<1x2048xf32> to vector<1x128xf32>
    %slice3A_103 = vector.extract_strided_slice %select_n3A {offsets = [0, 640], sizes = [1, 128], strides = [1, 1]} : vector<1x2048xf32> to vector<1x128xf32>
    %slice3A_104 = vector.extract_strided_slice %select_n3A {offsets = [0, 768], sizes = [1, 128], strides = [1, 1]} : vector<1x2048xf32> to vector<1x128xf32>
    %slice3A_105 = vector.extract_strided_slice %select_n3A {offsets = [0, 896], sizes = [1, 128], strides = [1, 1]} : vector<1x2048xf32> to vector<1x128xf32>
    %slice3A_106 = vector.extract_strided_slice %select_n3A {offsets = [0, 1024], sizes = [1, 128], strides = [1, 1]} : vector<1x2048xf32> to vector<1x128xf32>
    %slice3A_107 = vector.extract_strided_slice %select_n3A {offsets = [0, 1152], sizes = [1, 128], strides = [1, 1]} : vector<1x2048xf32> to vector<1x128xf32>
    %slice3A_108 = vector.extract_strided_slice %select_n3A {offsets = [0, 1280], sizes = [1, 128], strides = [1, 1]} : vector<1x2048xf32> to vector<1x128xf32>
    %slice3A_109 = vector.extract_strided_slice %select_n3A {offsets = [0, 1408], sizes = [1, 128], strides = [1, 1]} : vector<1x2048xf32> to vector<1x128xf32>
    %slice3A_110 = vector.extract_strided_slice %select_n3A {offsets = [0, 1536], sizes = [1, 128], strides = [1, 1]} : vector<1x2048xf32> to vector<1x128xf32>
    %slice3A_111 = vector.extract_strided_slice %select_n3A {offsets = [0, 1664], sizes = [1, 128], strides = [1, 1]} : vector<1x2048xf32> to vector<1x128xf32>
    %slice3A_112 = vector.extract_strided_slice %select_n3A {offsets = [0, 1792], sizes = [1, 128], strides = [1, 1]} : vector<1x2048xf32> to vector<1x128xf32>
    %slice3A_113 = vector.extract_strided_slice %select_n3A {offsets = [0, 1920], sizes = [1, 128], strides = [1, 1]} : vector<1x2048xf32> to vector<1x128xf32>
    %reshape3A = vector.shape_cast %min3A_47 : vector<1x2048xf32> to vector<16x128xf32>
    %reshape3A_114 = vector.shape_cast %min3A_57 : vector<1x2048xf32> to vector<16x128xf32>
    %reshape3A_115 = vector.shape_cast %min3A_67 : vector<1x2048xf32> to vector<16x128xf32>
    %reshape3A_116 = vector.shape_cast %min3A_77 : vector<1x2048xf32> to vector<16x128xf32>
    %reshape3A_117 = vector.shape_cast %mul3A_80 : vector<1x2048xf32> to vector<16x128xf32>
    %iota3A = tpu.iota {dimensions = array<i32: 1>} : vector<1x2048xi32>
    %iota3A_118 = tpu.iota {dimensions = array<i32: 0>} : vector<128x1xi32>
    %iota3A_119 = tpu.iota {dimensions = array<i32: 0>} : vector<128x128xi32>
    %iota3A_120 = tpu.iota {dimensions = array<i32: 1>} : vector<128x128xi32>
    %eq3A = arith.cmpi eq, %iota3A_119, %iota3A_120 : vector<128x128xi32>
    %jit3A_121 = arith.constant 1.000000e+00 : f32
    %jit3A_122 = arith.constant 0.000000e+00 : f32
    %broadcast_in_dim3A_123 = vector.broadcast %jit3A_121 : f32 to vector<128x128xf32>
    %broadcast_in_dim3A_124 = vector.broadcast %jit3A_122 : f32 to vector<128x128xf32>
    %select_n3A_125 = arith.select %eq3A, %broadcast_in_dim3A_123, %broadcast_in_dim3A_124 : vector<128x128xi1>, vector<128x128xf32>
    %slice3A_126 = vector.extract_strided_slice %reshape3A {offsets = [0, 0], sizes = [1, 128], strides = [1, 1]} : vector<16x128xf32> to vector<1x128xf32>
    %squeeze3A = vector.shape_cast %slice3A_126 : vector<1x128xf32> to vector<128xf32>
    %broadcast_in_dim3A_127 = vector.shape_cast %squeeze3A : vector<128xf32> to vector<128x1xf32>
    %slice3A_128 = vector.extract_strided_slice %reshape3A_114 {offsets = [0, 0], sizes = [1, 128], strides = [1, 1]} : vector<16x128xf32> to vector<1x128xf32>
    %squeeze3A_129 = vector.shape_cast %slice3A_128 : vector<1x128xf32> to vector<128xf32>
    %broadcast_in_dim3A_130 = vector.shape_cast %squeeze3A_129 : vector<128xf32> to vector<128x1xf32>
    %slice3A_131 = vector.extract_strided_slice %reshape3A_115 {offsets = [0, 0], sizes = [1, 128], strides = [1, 1]} : vector<16x128xf32> to vector<1x128xf32>
    %squeeze3A_132 = vector.shape_cast %slice3A_131 : vector<1x128xf32> to vector<128xf32>
    %broadcast_in_dim3A_133 = vector.shape_cast %squeeze3A_132 : vector<128xf32> to vector<128x1xf32>
    %slice3A_134 = vector.extract_strided_slice %reshape3A_116 {offsets = [0, 0], sizes = [1, 128], strides = [1, 1]} : vector<16x128xf32> to vector<1x128xf32>
    %squeeze3A_135 = vector.shape_cast %slice3A_134 : vector<1x128xf32> to vector<128xf32>
    %broadcast_in_dim3A_136 = vector.shape_cast %squeeze3A_135 : vector<128xf32> to vector<128x1xf32>
    %slice3A_137 = vector.extract_strided_slice %reshape3A_117 {offsets = [0, 0], sizes = [1, 128], strides = [1, 1]} : vector<16x128xf32> to vector<1x128xf32>
    %squeeze3A_138 = vector.shape_cast %slice3A_137 : vector<1x128xf32> to vector<128xf32>
    %broadcast_in_dim3A_139 = vector.shape_cast %squeeze3A_138 : vector<128xf32> to vector<128x1xf32>
    %slice3A_140 = vector.extract_strided_slice %reshape3A {offsets = [0, 0], sizes = [1, 128], strides = [1, 1]} : vector<16x128xf32> to vector<1x128xf32>
    %squeeze3A_141 = vector.shape_cast %slice3A_140 : vector<1x128xf32> to vector<128xf32>
    %broadcast_in_dim3A_142 = vector.shape_cast %squeeze3A_141 : vector<128xf32> to vector<1x128xf32>
    %max3A_143 = vector.broadcast %broadcast_in_dim3A_127 : vector<128x1xf32> to vector<128x128xf32>
    %max3A_144 = vector.broadcast %broadcast_in_dim3A_142 : vector<1x128xf32> to vector<128x128xf32>
    %max3A_145 = arith.maximumf %max3A_143, %max3A_144 : vector<128x128xf32>
    %slice3A_146 = vector.extract_strided_slice %reshape3A_114 {offsets = [0, 0], sizes = [1, 128], strides = [1, 1]} : vector<16x128xf32> to vector<1x128xf32>
    %squeeze3A_147 = vector.shape_cast %slice3A_146 : vector<1x128xf32> to vector<128xf32>
    %broadcast_in_dim3A_148 = vector.shape_cast %squeeze3A_147 : vector<128xf32> to vector<1x128xf32>
    %max3A_149 = vector.broadcast %broadcast_in_dim3A_130 : vector<128x1xf32> to vector<128x128xf32>
    %max3A_150 = vector.broadcast %broadcast_in_dim3A_148 : vector<1x128xf32> to vector<128x128xf32>
    %max3A_151 = arith.maximumf %max3A_149, %max3A_150 : vector<128x128xf32>
    %slice3A_152 = vector.extract_strided_slice %reshape3A_115 {offsets = [0, 0], sizes = [1, 128], strides = [1, 1]} : vector<16x128xf32> to vector<1x128xf32>
    %squeeze3A_153 = vector.shape_cast %slice3A_152 : vector<1x128xf32> to vector<128xf32>
    %broadcast_in_dim3A_154 = vector.shape_cast %squeeze3A_153 : vector<128xf32> to vector<1x128xf32>
    %min3A_155 = vector.broadcast %broadcast_in_dim3A_133 : vector<128x1xf32> to vector<128x128xf32>
    %min3A_156 = vector.broadcast %broadcast_in_dim3A_154 : vector<1x128xf32> to vector<128x128xf32>
    %min3A_157 = arith.minimumf %min3A_155, %min3A_156 : vector<128x128xf32>
    %slice3A_158 = vector.extract_strided_slice %reshape3A_116 {offsets = [0, 0], sizes = [1, 128], strides = [1, 1]} : vector<16x128xf32> to vector<1x128xf32>
    %squeeze3A_159 = vector.shape_cast %slice3A_158 : vector<1x128xf32> to vector<128xf32>
    %broadcast_in_dim3A_160 = vector.shape_cast %squeeze3A_159 : vector<128xf32> to vector<1x128xf32>
    %min3A_161 = vector.broadcast %broadcast_in_dim3A_136 : vector<128x1xf32> to vector<128x128xf32>
    %min3A_162 = vector.broadcast %broadcast_in_dim3A_160 : vector<1x128xf32> to vector<128x128xf32>
    %min3A_163 = arith.minimumf %min3A_161, %min3A_162 : vector<128x128xf32>
    %sub3A_164 = arith.subf %min3A_157, %max3A_145 : vector<128x128xf32>
    %max3A_165 = arith.constant 0.000000e+00 : f32
    %max3A_166 = vector.broadcast %max3A_165 : f32 to vector<128x128xf32>
    %max3A_167 = arith.maximumf %sub3A_164, %max3A_166 : vector<128x128xf32>
    %sub3A_168 = arith.subf %min3A_163, %max3A_151 : vector<128x128xf32>
    %max3A_169 = arith.constant 0.000000e+00 : f32
    %max3A_170 = vector.broadcast %max3A_169 : f32 to vector<128x128xf32>
    %max3A_171 = arith.maximumf %sub3A_168, %max3A_170 : vector<128x128xf32>
    %mul3A_172 = arith.mulf %max3A_167, %max3A_171 : vector<128x128xf32>
    %slice3A_173 = vector.extract_strided_slice %reshape3A_117 {offsets = [0, 0], sizes = [1, 128], strides = [1, 1]} : vector<16x128xf32> to vector<1x128xf32>
    %squeeze3A_174 = vector.shape_cast %slice3A_173 : vector<1x128xf32> to vector<128xf32>
    %broadcast_in_dim3A_175 = vector.shape_cast %squeeze3A_174 : vector<128xf32> to vector<1x128xf32>
    %add3A_176 = vector.broadcast %broadcast_in_dim3A_139 : vector<128x1xf32> to vector<128x128xf32>
    %add3A_177 = vector.broadcast %broadcast_in_dim3A_175 : vector<1x128xf32> to vector<128x128xf32>
    %add3A_178 = arith.addf %add3A_176, %add3A_177 : vector<128x128xf32>
    %sub3A_179 = arith.subf %add3A_178, %mul3A_172 : vector<128x128xf32>
    %add3A_180 = arith.constant 9.99999997E-7 : f32
    %add3A_181 = vector.broadcast %add3A_180 : f32 to vector<128x128xf32>
    %add3A_182 = arith.addf %sub3A_179, %add3A_181 : vector<128x128xf32>
    %mul3A_183 = arith.constant 0.699999988 : f32
    %mul3A_184 = vector.broadcast %mul3A_183 : f32 to vector<128x128xf32>
    %mul3A_185 = arith.mulf %mul3A_184, %add3A_182 : vector<128x128xf32>
    %gt3A = arith.cmpf ogt, %mul3A_172, %mul3A_185 : vector<128x128xf32>
    %lt3A = arith.cmpi slt, %iota3A_119, %iota3A_120 : vector<128x128xi32>
    %and3A_186 = arith.andi %gt3A, %lt3A : vector<128x128xi1>
    %jit3A_187 = arith.constant 1.000000e+00 : f32
    %jit3A_188 = arith.constant 0.000000e+00 : f32
    %broadcast_in_dim3A_189 = vector.broadcast %jit3A_187 : f32 to vector<128x128xf32>
    %broadcast_in_dim3A_190 = vector.broadcast %jit3A_188 : f32 to vector<128x128xf32>
    %select_n3A_191 = arith.select %and3A_186, %broadcast_in_dim3A_189, %broadcast_in_dim3A_190 : vector<128x128xi1>, vector<128x128xf32>
    %swap3A = arith.constant 0 : index
    %swap3A_192 = arith.constant 0 : index
    %swap3A_193 = vector.load %arg6[%swap3A, %swap3A_192] : memref<128x128xf32, #tpu.memory_space<vmem>>, vector<128x128xf32>
    tpu.vector_store %arg6[%swap3A, %swap3A_192], %select_n3A_191 {strides = array<i32>} : memref<128x128xf32, #tpu.memory_space<vmem>>, vector<128x128xf32>,
    %while3A = arith.constant 1.000000e+00 : f32
    %while3A_194 = arith.constant 0 : i32
    %while3A_195:3 = scf.while (%while3A_3026 = %slice3A_98, %while3A_3027 = %while3A, %while3A_3028 = %while3A_194) : (vector<1x128xf32>, f32, i32) -> (vector<1x128xf32>, f32, i32) {
      %gt3A_3029 = arith.constant 0.000000e+00 : f32
      %gt3A_3030 = arith.cmpf ogt, %while3A_3027, %gt3A_3029 : f32
      scf.condition(%gt3A_3030) %while3A_3026, %while3A_3027, %while3A_3028 : vector<1x128xf32>, f32, i32
    } do {
    ^bb0(%while3A_3026: vector<1x128xf32>, %while3A_3027: f32, %while3A_3028: i32):
      %get3A_3029 = arith.constant 0 : index
      %get3A_3030 = arith.constant 0 : index
      %get3A_3031 = vector.load %arg6[%get3A_3029, %get3A_3030] : memref<128x128xf32, #tpu.memory_space<vmem>>, vector<128x128xf32>
      %dot_general3A_3032 = arith.constant dense<0.000000e+00> : vector<1x128xf32>
      %dot_general3A_3033 = tpu.matmul %while3A_3026, %get3A_3031, %dot_general3A_3032 {dimension_numbers = #tpu.dot_dimension_numbers<[1], [0], [0], [1], [0, 0, 1, 1], [], []>, transpose_lhs_hint = false} : vector<1x128xf32>, vector<128x128xf32>, vector<1x128xf32> -> vector<1x128xf32>
      %lt3A_3034 = arith.constant 5.000000e-01 : f32
      %lt3A_3035 = vector.broadcast %lt3A_3034 : f32 to vector<1x128xf32>
      %lt3A_3036 = arith.cmpf olt, %dot_general3A_3033, %lt3A_3035 : vector<1x128xf32>
      %jit3A_3037 = arith.constant 0.000000e+00 : f32
      %broadcast_in_dim3A_3038 = vector.broadcast %jit3A_3037 : f32 to vector<1x128xf32>
      %select_n3A_3039 = arith.select %lt3A_3036, %slice3A_98, %broadcast_in_dim3A_3038 : vector<1x128xi1>, vector<1x128xf32>
      %sub3A_3040 = arith.subf %select_n3A_3039, %while3A_3026 : vector<1x128xf32>
      %abs3A = math.absf %sub3A_3040 : vector<1x128xf32>
      %reduce_sum3A_3041 = vector.shape_cast %abs3A : vector<1x128xf32> to vector<1x1x128xf32>
      %reduce_sum3A_3042 = arith.constant dense<0.000000e+00> : vector<1xf32>
      %reduce_sum3A_3043 = vector.multi_reduction <add>, %reduce_sum3A_3041, %reduce_sum3A_3042 [1, 2] : vector<1x1x128xf32> to vector<1xf32>
      %reduce_sum3A_3044 = vector.shape_cast %reduce_sum3A_3043 : vector<1xf32> to vector<1x1x1xf32>
      %reduce_sum3A_3045 = vector.extract %reduce_sum3A_3044[0, 0, 0] : f32 from vector<1x1x1xf32>
      %lt3A_3046 = arith.constant 128 : i32
      %lt3A_3047 = arith.cmpi slt, %while3A_3028, %lt3A_3046 : i32
      %jit3A_3048 = arith.constant 0.000000e+00 : f32
      %select_n3A_3049 = arith.select %lt3A_3047, %reduce_sum3A_3045, %jit3A_3048 : f32
      %add3A_3050 = arith.constant 1 : i32
      %add3A_3051 = arith.addi %while3A_3028, %add3A_3050 : i32
      scf.yield %select_n3A_3039, %select_n3A_3049, %add3A_3051 : vector<1x128xf32>, f32, i32
    }
    %dot_general3A = arith.constant dense<0.000000e+00> : vector<128x1xf32>
    %dot_general3A_196 = tpu.matmul %select_n3A_125, %while3A_195#0, %dot_general3A {dimension_numbers = #tpu.dot_dimension_numbers<[1], [1], [0], [0], [0, 0, 1, 0], [], []>, transpose_lhs_hint = false} : vector<128x128xf32>, vector<1x128xf32>, vector<128x1xf32> -> vector<128x1xf32>
    %add3A_197 = arith.constant 0 : i32
    %add3A_198 = vector.broadcast %add3A_197 : i32 to vector<128x1xi32>
    %add3A_199 = arith.addi %add3A_198, %iota3A_118 : vector<128x1xi32>
    %max3A_200 = vector.broadcast %broadcast_in_dim3A_127 : vector<128x1xf32> to vector<128x2048xf32>
    %max3A_201 = vector.broadcast %min3A_47 : vector<1x2048xf32> to vector<128x2048xf32>
    %max3A_202 = arith.maximumf %max3A_200, %max3A_201 : vector<128x2048xf32>
    %max3A_203 = vector.broadcast %broadcast_in_dim3A_130 : vector<128x1xf32> to vector<128x2048xf32>
    %max3A_204 = vector.broadcast %min3A_57 : vector<1x2048xf32> to vector<128x2048xf32>
    %max3A_205 = arith.maximumf %max3A_203, %max3A_204 : vector<128x2048xf32>
    %min3A_206 = vector.broadcast %broadcast_in_dim3A_133 : vector<128x1xf32> to vector<128x2048xf32>
    %min3A_207 = vector.broadcast %min3A_67 : vector<1x2048xf32> to vector<128x2048xf32>
    %min3A_208 = arith.minimumf %min3A_206, %min3A_207 : vector<128x2048xf32>
    %min3A_209 = vector.broadcast %broadcast_in_dim3A_136 : vector<128x1xf32> to vector<128x2048xf32>
    %min3A_210 = vector.broadcast %min3A_77 : vector<1x2048xf32> to vector<128x2048xf32>
    %min3A_211 = arith.minimumf %min3A_209, %min3A_210 : vector<128x2048xf32>
    %sub3A_212 = arith.subf %min3A_208, %max3A_202 : vector<128x2048xf32>
    %max3A_213 = arith.constant 0.000000e+00 : f32
    %max3A_214 = vector.broadcast %max3A_213 : f32 to vector<128x2048xf32>
    %max3A_215 = arith.maximumf %sub3A_212, %max3A_214 : vector<128x2048xf32>
    %sub3A_216 = arith.subf %min3A_211, %max3A_205 : vector<128x2048xf32>
    %max3A_217 = arith.constant 0.000000e+00 : f32
    %max3A_218 = vector.broadcast %max3A_217 : f32 to vector<128x2048xf32>
    %max3A_219 = arith.maximumf %sub3A_216, %max3A_218 : vector<128x2048xf32>
    %mul3A_220 = arith.mulf %max3A_215, %max3A_219 : vector<128x2048xf32>
    %add3A_221 = vector.broadcast %broadcast_in_dim3A_139 : vector<128x1xf32> to vector<128x2048xf32>
    %add3A_222 = vector.broadcast %mul3A_80 : vector<1x2048xf32> to vector<128x2048xf32>
    %add3A_223 = arith.addf %add3A_221, %add3A_222 : vector<128x2048xf32>
    %sub3A_224 = arith.subf %add3A_223, %mul3A_220 : vector<128x2048xf32>
    %add3A_225 = arith.constant 9.99999997E-7 : f32
    %add3A_226 = vector.broadcast %add3A_225 : f32 to vector<128x2048xf32>
    %add3A_227 = arith.addf %sub3A_224, %add3A_226 : vector<128x2048xf32>
    %mul3A_228 = arith.constant 0.699999988 : f32
    %mul3A_229 = vector.broadcast %mul3A_228 : f32 to vector<128x2048xf32>
    %mul3A_230 = arith.mulf %mul3A_229, %add3A_227 : vector<128x2048xf32>
    %gt3A_231 = arith.cmpf ogt, %mul3A_220, %mul3A_230 : vector<128x2048xf32>
    %gt3A_232 = arith.constant 0.000000e+00 : f32
    %gt3A_233 = vector.broadcast %gt3A_232 : f32 to vector<128x1xf32>
    %gt3A_234 = arith.cmpf ogt, %dot_general3A_196, %gt3A_233 : vector<128x1xf32>
    %and3A_235 = vector.broadcast %gt3A_234 : vector<128x1xi1> to vector<128x2048xi1>
    %and3A_236 = arith.andi %gt3A_231, %and3A_235 : vector<128x2048xi1>
    %gt3A_237 = vector.broadcast %iota3A : vector<1x2048xi32> to vector<128x2048xi32>
    %gt3A_238 = vector.broadcast %add3A_199 : vector<128x1xi32> to vector<128x2048xi32>
    %gt3A_239 = arith.cmpi sgt, %gt3A_237, %gt3A_238 : vector<128x2048xi32>
    %and3A_240 = arith.andi %and3A_236, %gt3A_239 : vector<128x2048xi1>
    %jit3A_241 = arith.constant 1.000000e+00 : f32
    %jit3A_242 = arith.constant 0.000000e+00 : f32
    %broadcast_in_dim3A_243 = vector.broadcast %jit3A_241 : f32 to vector<128x2048xf32>
    %broadcast_in_dim3A_244 = vector.broadcast %jit3A_242 : f32 to vector<128x2048xf32>
    %select_n3A_245 = arith.select %and3A_240, %broadcast_in_dim3A_243, %broadcast_in_dim3A_244 : vector<128x2048xi1>, vector<128x2048xf32>
    %reduce_max3A = arith.constant dense<0xFF800000> : vector<2048xf32>
    %reduce_max3A_246 = vector.multi_reduction <maximumf>, %select_n3A_245, %reduce_max3A [0] : vector<128x2048xf32> to vector<2048xf32>
    %broadcast_in_dim3A_247 = vector.shape_cast %reduce_max3A_246 : vector<2048xf32> to vector<1x2048xf32>
    %slice3A_248 = vector.extract_strided_slice %broadcast_in_dim3A_247 {offsets = [0, 128], sizes = [1, 128], strides = [1, 1]} : vector<1x2048xf32> to vector<1x128xf32>
    %gt3A_249 = arith.constant 0.000000e+00 : f32
    %gt3A_250 = vector.broadcast %gt3A_249 : f32 to vector<1x128xf32>
    %gt3A_251 = arith.cmpf ogt, %slice3A_248, %gt3A_250 : vector<1x128xf32>
    %jit3A_252 = arith.constant 0.000000e+00 : f32
    %broadcast_in_dim3A_253 = vector.broadcast %jit3A_252 : f32 to vector<1x128xf32>
    %select_n3A_254 = arith.select %gt3A_251, %broadcast_in_dim3A_253, %slice3A_99 : vector<1x128xi1>, vector<1x128xf32>
    %slice3A_255 = vector.extract_strided_slice %broadcast_in_dim3A_247 {offsets = [0, 256], sizes = [1, 128], strides = [1, 1]} : vector<1x2048xf32> to vector<1x128xf32>
    %gt3A_256 = arith.constant 0.000000e+00 : f32
    %gt3A_257 = vector.broadcast %gt3A_256 : f32 to vector<1x128xf32>
    %gt3A_258 = arith.cmpf ogt, %slice3A_255, %gt3A_257 : vector<1x128xf32>
    %jit3A_259 = arith.constant 0.000000e+00 : f32
    %broadcast_in_dim3A_260 = vector.broadcast %jit3A_259 : f32 to vector<1x128xf32>
    %select_n3A_261 = arith.select %gt3A_258, %broadcast_in_dim3A_260, %slice3A_100 : vector<1x128xi1>, vector<1x128xf32>
    %slice3A_262 = vector.extract_strided_slice %broadcast_in_dim3A_247 {offsets = [0, 384], sizes = [1, 128], strides = [1, 1]} : vector<1x2048xf32> to vector<1x128xf32>
    %gt3A_263 = arith.constant 0.000000e+00 : f32
    %gt3A_264 = vector.broadcast %gt3A_263 : f32 to vector<1x128xf32>
    %gt3A_265 = arith.cmpf ogt, %slice3A_262, %gt3A_264 : vector<1x128xf32>
    %jit3A_266 = arith.constant 0.000000e+00 : f32
    %broadcast_in_dim3A_267 = vector.broadcast %jit3A_266 : f32 to vector<1x128xf32>
    %select_n3A_268 = arith.select %gt3A_265, %broadcast_in_dim3A_267, %slice3A_101 : vector<1x128xi1>, vector<1x128xf32>
    %slice3A_269 = vector.extract_strided_slice %broadcast_in_dim3A_247 {offsets = [0, 512], sizes = [1, 128], strides = [1, 1]} : vector<1x2048xf32> to vector<1x128xf32>
    %gt3A_270 = arith.constant 0.000000e+00 : f32
    %gt3A_271 = vector.broadcast %gt3A_270 : f32 to vector<1x128xf32>
    %gt3A_272 = arith.cmpf ogt, %slice3A_269, %gt3A_271 : vector<1x128xf32>
    %jit3A_273 = arith.constant 0.000000e+00 : f32
    %broadcast_in_dim3A_274 = vector.broadcast %jit3A_273 : f32 to vector<1x128xf32>
    %select_n3A_275 = arith.select %gt3A_272, %broadcast_in_dim3A_274, %slice3A_102 : vector<1x128xi1>, vector<1x128xf32>
    %slice3A_276 = vector.extract_strided_slice %broadcast_in_dim3A_247 {offsets = [0, 640], sizes = [1, 128], strides = [1, 1]} : vector<1x2048xf32> to vector<1x128xf32>
    %gt3A_277 = arith.constant 0.000000e+00 : f32
    %gt3A_278 = vector.broadcast %gt3A_277 : f32 to vector<1x128xf32>
    %gt3A_279 = arith.cmpf ogt, %slice3A_276, %gt3A_278 : vector<1x128xf32>
    %jit3A_280 = arith.constant 0.000000e+00 : f32
    %broadcast_in_dim3A_281 = vector.broadcast %jit3A_280 : f32 to vector<1x128xf32>
    %select_n3A_282 = arith.select %gt3A_279, %broadcast_in_dim3A_281, %slice3A_103 : vector<1x128xi1>, vector<1x128xf32>
    %slice3A_283 = vector.extract_strided_slice %broadcast_in_dim3A_247 {offsets = [0, 768], sizes = [1, 128], strides = [1, 1]} : vector<1x2048xf32> to vector<1x128xf32>
    %gt3A_284 = arith.constant 0.000000e+00 : f32
    %gt3A_285 = vector.broadcast %gt3A_284 : f32 to vector<1x128xf32>
    %gt3A_286 = arith.cmpf ogt, %slice3A_283, %gt3A_285 : vector<1x128xf32>
    %jit3A_287 = arith.constant 0.000000e+00 : f32
    %broadcast_in_dim3A_288 = vector.broadcast %jit3A_287 : f32 to vector<1x128xf32>
    %select_n3A_289 = arith.select %gt3A_286, %broadcast_in_dim3A_288, %slice3A_104 : vector<1x128xi1>, vector<1x128xf32>
    %slice3A_290 = vector.extract_strided_slice %broadcast_in_dim3A_247 {offsets = [0, 896], sizes = [1, 128], strides = [1, 1]} : vector<1x2048xf32> to vector<1x128xf32>
    %gt3A_291 = arith.constant 0.000000e+00 : f32
    %gt3A_292 = vector.broadcast %gt3A_291 : f32 to vector<1x128xf32>
    %gt3A_293 = arith.cmpf ogt, %slice3A_290, %gt3A_292 : vector<1x128xf32>
    %jit3A_294 = arith.constant 0.000000e+00 : f32
    %broadcast_in_dim3A_295 = vector.broadcast %jit3A_294 : f32 to vector<1x128xf32>
    %select_n3A_296 = arith.select %gt3A_293, %broadcast_in_dim3A_295, %slice3A_105 : vector<1x128xi1>, vector<1x128xf32>
    %slice3A_297 = vector.extract_strided_slice %broadcast_in_dim3A_247 {offsets = [0, 1024], sizes = [1, 128], strides = [1, 1]} : vector<1x2048xf32> to vector<1x128xf32>
    %gt3A_298 = arith.constant 0.000000e+00 : f32
    %gt3A_299 = vector.broadcast %gt3A_298 : f32 to vector<1x128xf32>
    %gt3A_300 = arith.cmpf ogt, %slice3A_297, %gt3A_299 : vector<1x128xf32>
    %jit3A_301 = arith.constant 0.000000e+00 : f32
    %broadcast_in_dim3A_302 = vector.broadcast %jit3A_301 : f32 to vector<1x128xf32>
    %select_n3A_303 = arith.select %gt3A_300, %broadcast_in_dim3A_302, %slice3A_106 : vector<1x128xi1>, vector<1x128xf32>
    %slice3A_304 = vector.extract_strided_slice %broadcast_in_dim3A_247 {offsets = [0, 1152], sizes = [1, 128], strides = [1, 1]} : vector<1x2048xf32> to vector<1x128xf32>
    %gt3A_305 = arith.constant 0.000000e+00 : f32
    %gt3A_306 = vector.broadcast %gt3A_305 : f32 to vector<1x128xf32>
    %gt3A_307 = arith.cmpf ogt, %slice3A_304, %gt3A_306 : vector<1x128xf32>
    %jit3A_308 = arith.constant 0.000000e+00 : f32
    %broadcast_in_dim3A_309 = vector.broadcast %jit3A_308 : f32 to vector<1x128xf32>
    %select_n3A_310 = arith.select %gt3A_307, %broadcast_in_dim3A_309, %slice3A_107 : vector<1x128xi1>, vector<1x128xf32>
    %slice3A_311 = vector.extract_strided_slice %broadcast_in_dim3A_247 {offsets = [0, 1280], sizes = [1, 128], strides = [1, 1]} : vector<1x2048xf32> to vector<1x128xf32>
    %gt3A_312 = arith.constant 0.000000e+00 : f32
    %gt3A_313 = vector.broadcast %gt3A_312 : f32 to vector<1x128xf32>
    %gt3A_314 = arith.cmpf ogt, %slice3A_311, %gt3A_313 : vector<1x128xf32>
    %jit3A_315 = arith.constant 0.000000e+00 : f32
    %broadcast_in_dim3A_316 = vector.broadcast %jit3A_315 : f32 to vector<1x128xf32>
    %select_n3A_317 = arith.select %gt3A_314, %broadcast_in_dim3A_316, %slice3A_108 : vector<1x128xi1>, vector<1x128xf32>
    %slice3A_318 = vector.extract_strided_slice %broadcast_in_dim3A_247 {offsets = [0, 1408], sizes = [1, 128], strides = [1, 1]} : vector<1x2048xf32> to vector<1x128xf32>
    %gt3A_319 = arith.constant 0.000000e+00 : f32
    %gt3A_320 = vector.broadcast %gt3A_319 : f32 to vector<1x128xf32>
    %gt3A_321 = arith.cmpf ogt, %slice3A_318, %gt3A_320 : vector<1x128xf32>
    %jit3A_322 = arith.constant 0.000000e+00 : f32
    %broadcast_in_dim3A_323 = vector.broadcast %jit3A_322 : f32 to vector<1x128xf32>
    %select_n3A_324 = arith.select %gt3A_321, %broadcast_in_dim3A_323, %slice3A_109 : vector<1x128xi1>, vector<1x128xf32>
    %slice3A_325 = vector.extract_strided_slice %broadcast_in_dim3A_247 {offsets = [0, 1536], sizes = [1, 128], strides = [1, 1]} : vector<1x2048xf32> to vector<1x128xf32>
    %gt3A_326 = arith.constant 0.000000e+00 : f32
    %gt3A_327 = vector.broadcast %gt3A_326 : f32 to vector<1x128xf32>
    %gt3A_328 = arith.cmpf ogt, %slice3A_325, %gt3A_327 : vector<1x128xf32>
    %jit3A_329 = arith.constant 0.000000e+00 : f32
    %broadcast_in_dim3A_330 = vector.broadcast %jit3A_329 : f32 to vector<1x128xf32>
    %select_n3A_331 = arith.select %gt3A_328, %broadcast_in_dim3A_330, %slice3A_110 : vector<1x128xi1>, vector<1x128xf32>
    %slice3A_332 = vector.extract_strided_slice %broadcast_in_dim3A_247 {offsets = [0, 1664], sizes = [1, 128], strides = [1, 1]} : vector<1x2048xf32> to vector<1x128xf32>
    %gt3A_333 = arith.constant 0.000000e+00 : f32
    %gt3A_334 = vector.broadcast %gt3A_333 : f32 to vector<1x128xf32>
    %gt3A_335 = arith.cmpf ogt, %slice3A_332, %gt3A_334 : vector<1x128xf32>
    %jit3A_336 = arith.constant 0.000000e+00 : f32
    %broadcast_in_dim3A_337 = vector.broadcast %jit3A_336 : f32 to vector<1x128xf32>
    %select_n3A_338 = arith.select %gt3A_335, %broadcast_in_dim3A_337, %slice3A_111 : vector<1x128xi1>, vector<1x128xf32>
    %slice3A_339 = vector.extract_strided_slice %broadcast_in_dim3A_247 {offsets = [0, 1792], sizes = [1, 128], strides = [1, 1]} : vector<1x2048xf32> to vector<1x128xf32>
    %gt3A_340 = arith.constant 0.000000e+00 : f32
    %gt3A_341 = vector.broadcast %gt3A_340 : f32 to vector<1x128xf32>
    %gt3A_342 = arith.cmpf ogt, %slice3A_339, %gt3A_341 : vector<1x128xf32>
    %jit3A_343 = arith.constant 0.000000e+00 : f32
    %broadcast_in_dim3A_344 = vector.broadcast %jit3A_343 : f32 to vector<1x128xf32>
    %select_n3A_345 = arith.select %gt3A_342, %broadcast_in_dim3A_344, %slice3A_112 : vector<1x128xi1>, vector<1x128xf32>
    %slice3A_346 = vector.extract_strided_slice %broadcast_in_dim3A_247 {offsets = [0, 1920], sizes = [1, 128], strides = [1, 1]} : vector<1x2048xf32> to vector<1x128xf32>
    %gt3A_347 = arith.constant 0.000000e+00 : f32
    %gt3A_348 = vector.broadcast %gt3A_347 : f32 to vector<1x128xf32>
    %gt3A_349 = arith.cmpf ogt, %slice3A_346, %gt3A_348 : vector<1x128xf32>
    %jit3A_350 = arith.constant 0.000000e+00 : f32
    %broadcast_in_dim3A_351 = vector.broadcast %jit3A_350 : f32 to vector<1x128xf32>
    %select_n3A_352 = arith.select %gt3A_349, %broadcast_in_dim3A_351, %slice3A_113 : vector<1x128xi1>, vector<1x128xf32>
    %slice3A_353 = vector.extract_strided_slice %reshape3A {offsets = [1, 0], sizes = [1, 128], strides = [1, 1]} : vector<16x128xf32> to vector<1x128xf32>
    %squeeze3A_354 = vector.shape_cast %slice3A_353 : vector<1x128xf32> to vector<128xf32>
    %broadcast_in_dim3A_355 = vector.shape_cast %squeeze3A_354 : vector<128xf32> to vector<128x1xf32>
    %slice3A_356 = vector.extract_strided_slice %reshape3A_114 {offsets = [1, 0], sizes = [1, 128], strides = [1, 1]} : vector<16x128xf32> to vector<1x128xf32>
    %squeeze3A_357 = vector.shape_cast %slice3A_356 : vector<1x128xf32> to vector<128xf32>
    %broadcast_in_dim3A_358 = vector.shape_cast %squeeze3A_357 : vector<128xf32> to vector<128x1xf32>
    %slice3A_359 = vector.extract_strided_slice %reshape3A_115 {offsets = [1, 0], sizes = [1, 128], strides = [1, 1]} : vector<16x128xf32> to vector<1x128xf32>
    %squeeze3A_360 = vector.shape_cast %slice3A_359 : vector<1x128xf32> to vector<128xf32>
    %broadcast_in_dim3A_361 = vector.shape_cast %squeeze3A_360 : vector<128xf32> to vector<128x1xf32>
    %slice3A_362 = vector.extract_strided_slice %reshape3A_116 {offsets = [1, 0], sizes = [1, 128], strides = [1, 1]} : vector<16x128xf32> to vector<1x128xf32>
    %squeeze3A_363 = vector.shape_cast %slice3A_362 : vector<1x128xf32> to vector<128xf32>
    %broadcast_in_dim3A_364 = vector.shape_cast %squeeze3A_363 : vector<128xf32> to vector<128x1xf32>
    %slice3A_365 = vector.extract_strided_slice %reshape3A_117 {offsets = [1, 0], sizes = [1, 128], strides = [1, 1]} : vector<16x128xf32> to vector<1x128xf32>
    %squeeze3A_366 = vector.shape_cast %slice3A_365 : vector<1x128xf32> to vector<128xf32>
    %broadcast_in_dim3A_367 = vector.shape_cast %squeeze3A_366 : vector<128xf32> to vector<128x1xf32>
    %slice3A_368 = vector.extract_strided_slice %reshape3A {offsets = [1, 0], sizes = [1, 128], strides = [1, 1]} : vector<16x128xf32> to vector<1x128xf32>
    %squeeze3A_369 = vector.shape_cast %slice3A_368 : vector<1x128xf32> to vector<128xf32>
    %broadcast_in_dim3A_370 = vector.shape_cast %squeeze3A_369 : vector<128xf32> to vector<1x128xf32>
    %max3A_371 = vector.broadcast %broadcast_in_dim3A_355 : vector<128x1xf32> to vector<128x128xf32>
    %max3A_372 = vector.broadcast %broadcast_in_dim3A_370 : vector<1x128xf32> to vector<128x128xf32>
    %max3A_373 = arith.maximumf %max3A_371, %max3A_372 : vector<128x128xf32>
    %slice3A_374 = vector.extract_strided_slice %reshape3A_114 {offsets = [1, 0], sizes = [1, 128], strides = [1, 1]} : vector<16x128xf32> to vector<1x128xf32>
    %squeeze3A_375 = vector.shape_cast %slice3A_374 : vector<1x128xf32> to vector<128xf32>
    %broadcast_in_dim3A_376 = vector.shape_cast %squeeze3A_375 : vector<128xf32> to vector<1x128xf32>
    %max3A_377 = vector.broadcast %broadcast_in_dim3A_358 : vector<128x1xf32> to vector<128x128xf32>
    %max3A_378 = vector.broadcast %broadcast_in_dim3A_376 : vector<1x128xf32> to vector<128x128xf32>
    %max3A_379 = arith.maximumf %max3A_377, %max3A_378 : vector<128x128xf32>
    %slice3A_380 = vector.extract_strided_slice %reshape3A_115 {offsets = [1, 0], sizes = [1, 128], strides = [1, 1]} : vector<16x128xf32> to vector<1x128xf32>
    %squeeze3A_381 = vector.shape_cast %slice3A_380 : vector<1x128xf32> to vector<128xf32>
    %broadcast_in_dim3A_382 = vector.shape_cast %squeeze3A_381 : vector<128xf32> to vector<1x128xf32>
    %min3A_383 = vector.broadcast %broadcast_in_dim3A_361 : vector<128x1xf32> to vector<128x128xf32>
    %min3A_384 = vector.broadcast %broadcast_in_dim3A_382 : vector<1x128xf32> to vector<128x128xf32>
    %min3A_385 = arith.minimumf %min3A_383, %min3A_384 : vector<128x128xf32>
    %slice3A_386 = vector.extract_strided_slice %reshape3A_116 {offsets = [1, 0], sizes = [1, 128], strides = [1, 1]} : vector<16x128xf32> to vector<1x128xf32>
    %squeeze3A_387 = vector.shape_cast %slice3A_386 : vector<1x128xf32> to vector<128xf32>
    %broadcast_in_dim3A_388 = vector.shape_cast %squeeze3A_387 : vector<128xf32> to vector<1x128xf32>
    %min3A_389 = vector.broadcast %broadcast_in_dim3A_364 : vector<128x1xf32> to vector<128x128xf32>
    %min3A_390 = vector.broadcast %broadcast_in_dim3A_388 : vector<1x128xf32> to vector<128x128xf32>
    %min3A_391 = arith.minimumf %min3A_389, %min3A_390 : vector<128x128xf32>
    %sub3A_392 = arith.subf %min3A_385, %max3A_373 : vector<128x128xf32>
    %max3A_393 = arith.constant 0.000000e+00 : f32
    %max3A_394 = vector.broadcast %max3A_393 : f32 to vector<128x128xf32>
    %max3A_395 = arith.maximumf %sub3A_392, %max3A_394 : vector<128x128xf32>
    %sub3A_396 = arith.subf %min3A_391, %max3A_379 : vector<128x128xf32>
    %max3A_397 = arith.constant 0.000000e+00 : f32
    %max3A_398 = vector.broadcast %max3A_397 : f32 to vector<128x128xf32>
    %max3A_399 = arith.maximumf %sub3A_396, %max3A_398 : vector<128x128xf32>
    %mul3A_400 = arith.mulf %max3A_395, %max3A_399 : vector<128x128xf32>
    %slice3A_401 = vector.extract_strided_slice %reshape3A_117 {offsets = [1, 0], sizes = [1, 128], strides = [1, 1]} : vector<16x128xf32> to vector<1x128xf32>
    %squeeze3A_402 = vector.shape_cast %slice3A_401 : vector<1x128xf32> to vector<128xf32>
    %broadcast_in_dim3A_403 = vector.shape_cast %squeeze3A_402 : vector<128xf32> to vector<1x128xf32>
    %add3A_404 = vector.broadcast %broadcast_in_dim3A_367 : vector<128x1xf32> to vector<128x128xf32>
    %add3A_405 = vector.broadcast %broadcast_in_dim3A_403 : vector<1x128xf32> to vector<128x128xf32>
    %add3A_406 = arith.addf %add3A_404, %add3A_405 : vector<128x128xf32>
    %sub3A_407 = arith.subf %add3A_406, %mul3A_400 : vector<128x128xf32>
    %add3A_408 = arith.constant 9.99999997E-7 : f32
    %add3A_409 = vector.broadcast %add3A_408 : f32 to vector<128x128xf32>
    %add3A_410 = arith.addf %sub3A_407, %add3A_409 : vector<128x128xf32>
    %mul3A_411 = arith.constant 0.699999988 : f32
    %mul3A_412 = vector.broadcast %mul3A_411 : f32 to vector<128x128xf32>
    %mul3A_413 = arith.mulf %mul3A_412, %add3A_410 : vector<128x128xf32>
    %gt3A_414 = arith.cmpf ogt, %mul3A_400, %mul3A_413 : vector<128x128xf32>
    %lt3A_415 = arith.cmpi slt, %iota3A_119, %iota3A_120 : vector<128x128xi32>
    %and3A_416 = arith.andi %gt3A_414, %lt3A_415 : vector<128x128xi1>
    %jit3A_417 = arith.constant 1.000000e+00 : f32
    %jit3A_418 = arith.constant 0.000000e+00 : f32
    %broadcast_in_dim3A_419 = vector.broadcast %jit3A_417 : f32 to vector<128x128xf32>
    %broadcast_in_dim3A_420 = vector.broadcast %jit3A_418 : f32 to vector<128x128xf32>
    %select_n3A_421 = arith.select %and3A_416, %broadcast_in_dim3A_419, %broadcast_in_dim3A_420 : vector<128x128xi1>, vector<128x128xf32>
    %swap3A_422 = arith.constant 0 : index
    %swap3A_423 = arith.constant 0 : index
    %swap3A_424 = vector.load %arg6[%swap3A_422, %swap3A_423] : memref<128x128xf32, #tpu.memory_space<vmem>>, vector<128x128xf32>
    tpu.vector_store %arg6[%swap3A_422, %swap3A_423], %select_n3A_421 {strides = array<i32>} : memref<128x128xf32, #tpu.memory_space<vmem>>, vector<128x128xf32>,
    %while3A_425 = arith.constant 1.000000e+00 : f32
    %while3A_426 = arith.constant 0 : i32
    %while3A_427:3 = scf.while (%while3A_3026 = %select_n3A_254, %while3A_3027 = %while3A_425, %while3A_3028 = %while3A_426) : (vector<1x128xf32>, f32, i32) -> (vector<1x128xf32>, f32, i32) {
      %gt3A_3029 = arith.constant 0.000000e+00 : f32
      %gt3A_3030 = arith.cmpf ogt, %while3A_3027, %gt3A_3029 : f32
      scf.condition(%gt3A_3030) %while3A_3026, %while3A_3027, %while3A_3028 : vector<1x128xf32>, f32, i32
    } do {
    ^bb0(%while3A_3026: vector<1x128xf32>, %while3A_3027: f32, %while3A_3028: i32):
      %get3A_3029 = arith.constant 0 : index
      %get3A_3030 = arith.constant 0 : index
      %get3A_3031 = vector.load %arg6[%get3A_3029, %get3A_3030] : memref<128x128xf32, #tpu.memory_space<vmem>>, vector<128x128xf32>
      %dot_general3A_3032 = arith.constant dense<0.000000e+00> : vector<1x128xf32>
      %dot_general3A_3033 = tpu.matmul %while3A_3026, %get3A_3031, %dot_general3A_3032 {dimension_numbers = #tpu.dot_dimension_numbers<[1], [0], [0], [1], [0, 0, 1, 1], [], []>, transpose_lhs_hint = false} : vector<1x128xf32>, vector<128x128xf32>, vector<1x128xf32> -> vector<1x128xf32>
      %lt3A_3034 = arith.constant 5.000000e-01 : f32
      %lt3A_3035 = vector.broadcast %lt3A_3034 : f32 to vector<1x128xf32>
      %lt3A_3036 = arith.cmpf olt, %dot_general3A_3033, %lt3A_3035 : vector<1x128xf32>
      %jit3A_3037 = arith.constant 0.000000e+00 : f32
      %broadcast_in_dim3A_3038 = vector.broadcast %jit3A_3037 : f32 to vector<1x128xf32>
      %select_n3A_3039 = arith.select %lt3A_3036, %select_n3A_254, %broadcast_in_dim3A_3038 : vector<1x128xi1>, vector<1x128xf32>
      %sub3A_3040 = arith.subf %select_n3A_3039, %while3A_3026 : vector<1x128xf32>
      %abs3A = math.absf %sub3A_3040 : vector<1x128xf32>
      %reduce_sum3A_3041 = vector.shape_cast %abs3A : vector<1x128xf32> to vector<1x1x128xf32>
      %reduce_sum3A_3042 = arith.constant dense<0.000000e+00> : vector<1xf32>
      %reduce_sum3A_3043 = vector.multi_reduction <add>, %reduce_sum3A_3041, %reduce_sum3A_3042 [1, 2] : vector<1x1x128xf32> to vector<1xf32>
      %reduce_sum3A_3044 = vector.shape_cast %reduce_sum3A_3043 : vector<1xf32> to vector<1x1x1xf32>
      %reduce_sum3A_3045 = vector.extract %reduce_sum3A_3044[0, 0, 0] : f32 from vector<1x1x1xf32>
      %lt3A_3046 = arith.constant 128 : i32
      %lt3A_3047 = arith.cmpi slt, %while3A_3028, %lt3A_3046 : i32
      %jit3A_3048 = arith.constant 0.000000e+00 : f32
      %select_n3A_3049 = arith.select %lt3A_3047, %reduce_sum3A_3045, %jit3A_3048 : f32
      %add3A_3050 = arith.constant 1 : i32
      %add3A_3051 = arith.addi %while3A_3028, %add3A_3050 : i32
      scf.yield %select_n3A_3039, %select_n3A_3049, %add3A_3051 : vector<1x128xf32>, f32, i32
    }
    %dot_general3A_428 = arith.constant dense<0.000000e+00> : vector<128x1xf32>
    %dot_general3A_429 = tpu.matmul %select_n3A_125, %while3A_427#0, %dot_general3A_428 {dimension_numbers = #tpu.dot_dimension_numbers<[1], [1], [0], [0], [0, 0, 1, 0], [], []>, transpose_lhs_hint = false} : vector<128x128xf32>, vector<1x128xf32>, vector<128x1xf32> -> vector<128x1xf32>
    %add3A_430 = arith.constant 128 : i32
    %add3A_431 = vector.broadcast %add3A_430 : i32 to vector<128x1xi32>
    %add3A_432 = arith.addi %add3A_431, %iota3A_118 : vector<128x1xi32>
    %max3A_433 = vector.broadcast %broadcast_in_dim3A_355 : vector<128x1xf32> to vector<128x2048xf32>
    %max3A_434 = vector.broadcast %min3A_47 : vector<1x2048xf32> to vector<128x2048xf32>
    %max3A_435 = arith.maximumf %max3A_433, %max3A_434 : vector<128x2048xf32>
    %max3A_436 = vector.broadcast %broadcast_in_dim3A_358 : vector<128x1xf32> to vector<128x2048xf32>
    %max3A_437 = vector.broadcast %min3A_57 : vector<1x2048xf32> to vector<128x2048xf32>
    %max3A_438 = arith.maximumf %max3A_436, %max3A_437 : vector<128x2048xf32>
    %min3A_439 = vector.broadcast %broadcast_in_dim3A_361 : vector<128x1xf32> to vector<128x2048xf32>
    %min3A_440 = vector.broadcast %min3A_67 : vector<1x2048xf32> to vector<128x2048xf32>
    %min3A_441 = arith.minimumf %min3A_439, %min3A_440 : vector<128x2048xf32>
    %min3A_442 = vector.broadcast %broadcast_in_dim3A_364 : vector<128x1xf32> to vector<128x2048xf32>
    %min3A_443 = vector.broadcast %min3A_77 : vector<1x2048xf32> to vector<128x2048xf32>
    %min3A_444 = arith.minimumf %min3A_442, %min3A_443 : vector<128x2048xf32>
    %sub3A_445 = arith.subf %min3A_441, %max3A_435 : vector<128x2048xf32>
    %max3A_446 = arith.constant 0.000000e+00 : f32
    %max3A_447 = vector.broadcast %max3A_446 : f32 to vector<128x2048xf32>
    %max3A_448 = arith.maximumf %sub3A_445, %max3A_447 : vector<128x2048xf32>
    %sub3A_449 = arith.subf %min3A_444, %max3A_438 : vector<128x2048xf32>
    %max3A_450 = arith.constant 0.000000e+00 : f32
    %max3A_451 = vector.broadcast %max3A_450 : f32 to vector<128x2048xf32>
    %max3A_452 = arith.maximumf %sub3A_449, %max3A_451 : vector<128x2048xf32>
    %mul3A_453 = arith.mulf %max3A_448, %max3A_452 : vector<128x2048xf32>
    %add3A_454 = vector.broadcast %broadcast_in_dim3A_367 : vector<128x1xf32> to vector<128x2048xf32>
    %add3A_455 = vector.broadcast %mul3A_80 : vector<1x2048xf32> to vector<128x2048xf32>
    %add3A_456 = arith.addf %add3A_454, %add3A_455 : vector<128x2048xf32>
    %sub3A_457 = arith.subf %add3A_456, %mul3A_453 : vector<128x2048xf32>
    %add3A_458 = arith.constant 9.99999997E-7 : f32
    %add3A_459 = vector.broadcast %add3A_458 : f32 to vector<128x2048xf32>
    %add3A_460 = arith.addf %sub3A_457, %add3A_459 : vector<128x2048xf32>
    %mul3A_461 = arith.constant 0.699999988 : f32
    %mul3A_462 = vector.broadcast %mul3A_461 : f32 to vector<128x2048xf32>
    %mul3A_463 = arith.mulf %mul3A_462, %add3A_460 : vector<128x2048xf32>
    %gt3A_464 = arith.cmpf ogt, %mul3A_453, %mul3A_463 : vector<128x2048xf32>
    %gt3A_465 = arith.constant 0.000000e+00 : f32
    %gt3A_466 = vector.broadcast %gt3A_465 : f32 to vector<128x1xf32>
    %gt3A_467 = arith.cmpf ogt, %dot_general3A_429, %gt3A_466 : vector<128x1xf32>
    %and3A_468 = vector.broadcast %gt3A_467 : vector<128x1xi1> to vector<128x2048xi1>
    %and3A_469 = arith.andi %gt3A_464, %and3A_468 : vector<128x2048xi1>
    %gt3A_470 = vector.broadcast %iota3A : vector<1x2048xi32> to vector<128x2048xi32>
    %gt3A_471 = vector.broadcast %add3A_432 : vector<128x1xi32> to vector<128x2048xi32>
    %gt3A_472 = arith.cmpi sgt, %gt3A_470, %gt3A_471 : vector<128x2048xi32>
    %and3A_473 = arith.andi %and3A_469, %gt3A_472 : vector<128x2048xi1>
    %jit3A_474 = arith.constant 1.000000e+00 : f32
    %jit3A_475 = arith.constant 0.000000e+00 : f32
    %broadcast_in_dim3A_476 = vector.broadcast %jit3A_474 : f32 to vector<128x2048xf32>
    %broadcast_in_dim3A_477 = vector.broadcast %jit3A_475 : f32 to vector<128x2048xf32>
    %select_n3A_478 = arith.select %and3A_473, %broadcast_in_dim3A_476, %broadcast_in_dim3A_477 : vector<128x2048xi1>, vector<128x2048xf32>
    %reduce_max3A_479 = arith.constant dense<0xFF800000> : vector<2048xf32>
    %reduce_max3A_480 = vector.multi_reduction <maximumf>, %select_n3A_478, %reduce_max3A_479 [0] : vector<128x2048xf32> to vector<2048xf32>
    %broadcast_in_dim3A_481 = vector.shape_cast %reduce_max3A_480 : vector<2048xf32> to vector<1x2048xf32>
    %slice3A_482 = vector.extract_strided_slice %broadcast_in_dim3A_481 {offsets = [0, 256], sizes = [1, 128], strides = [1, 1]} : vector<1x2048xf32> to vector<1x128xf32>
    %gt3A_483 = arith.constant 0.000000e+00 : f32
    %gt3A_484 = vector.broadcast %gt3A_483 : f32 to vector<1x128xf32>
    %gt3A_485 = arith.cmpf ogt, %slice3A_482, %gt3A_484 : vector<1x128xf32>
    %jit3A_486 = arith.constant 0.000000e+00 : f32
    %broadcast_in_dim3A_487 = vector.broadcast %jit3A_486 : f32 to vector<1x128xf32>
    %select_n3A_488 = arith.select %gt3A_485, %broadcast_in_dim3A_487, %select_n3A_261 : vector<1x128xi1>, vector<1x128xf32>
    %slice3A_489 = vector.extract_strided_slice %broadcast_in_dim3A_481 {offsets = [0, 384], sizes = [1, 128], strides = [1, 1]} : vector<1x2048xf32> to vector<1x128xf32>
    %gt3A_490 = arith.constant 0.000000e+00 : f32
    %gt3A_491 = vector.broadcast %gt3A_490 : f32 to vector<1x128xf32>
    %gt3A_492 = arith.cmpf ogt, %slice3A_489, %gt3A_491 : vector<1x128xf32>
    %jit3A_493 = arith.constant 0.000000e+00 : f32
    %broadcast_in_dim3A_494 = vector.broadcast %jit3A_493 : f32 to vector<1x128xf32>
    %select_n3A_495 = arith.select %gt3A_492, %broadcast_in_dim3A_494, %select_n3A_268 : vector<1x128xi1>, vector<1x128xf32>
    %slice3A_496 = vector.extract_strided_slice %broadcast_in_dim3A_481 {offsets = [0, 512], sizes = [1, 128], strides = [1, 1]} : vector<1x2048xf32> to vector<1x128xf32>
    %gt3A_497 = arith.constant 0.000000e+00 : f32
    %gt3A_498 = vector.broadcast %gt3A_497 : f32 to vector<1x128xf32>
    %gt3A_499 = arith.cmpf ogt, %slice3A_496, %gt3A_498 : vector<1x128xf32>
    %jit3A_500 = arith.constant 0.000000e+00 : f32
    %broadcast_in_dim3A_501 = vector.broadcast %jit3A_500 : f32 to vector<1x128xf32>
    %select_n3A_502 = arith.select %gt3A_499, %broadcast_in_dim3A_501, %select_n3A_275 : vector<1x128xi1>, vector<1x128xf32>
    %slice3A_503 = vector.extract_strided_slice %broadcast_in_dim3A_481 {offsets = [0, 640], sizes = [1, 128], strides = [1, 1]} : vector<1x2048xf32> to vector<1x128xf32>
    %gt3A_504 = arith.constant 0.000000e+00 : f32
    %gt3A_505 = vector.broadcast %gt3A_504 : f32 to vector<1x128xf32>
    %gt3A_506 = arith.cmpf ogt, %slice3A_503, %gt3A_505 : vector<1x128xf32>
    %jit3A_507 = arith.constant 0.000000e+00 : f32
    %broadcast_in_dim3A_508 = vector.broadcast %jit3A_507 : f32 to vector<1x128xf32>
    %select_n3A_509 = arith.select %gt3A_506, %broadcast_in_dim3A_508, %select_n3A_282 : vector<1x128xi1>, vector<1x128xf32>
    %slice3A_510 = vector.extract_strided_slice %broadcast_in_dim3A_481 {offsets = [0, 768], sizes = [1, 128], strides = [1, 1]} : vector<1x2048xf32> to vector<1x128xf32>
    %gt3A_511 = arith.constant 0.000000e+00 : f32
    %gt3A_512 = vector.broadcast %gt3A_511 : f32 to vector<1x128xf32>
    %gt3A_513 = arith.cmpf ogt, %slice3A_510, %gt3A_512 : vector<1x128xf32>
    %jit3A_514 = arith.constant 0.000000e+00 : f32
    %broadcast_in_dim3A_515 = vector.broadcast %jit3A_514 : f32 to vector<1x128xf32>
    %select_n3A_516 = arith.select %gt3A_513, %broadcast_in_dim3A_515, %select_n3A_289 : vector<1x128xi1>, vector<1x128xf32>
    %slice3A_517 = vector.extract_strided_slice %broadcast_in_dim3A_481 {offsets = [0, 896], sizes = [1, 128], strides = [1, 1]} : vector<1x2048xf32> to vector<1x128xf32>
    %gt3A_518 = arith.constant 0.000000e+00 : f32
    %gt3A_519 = vector.broadcast %gt3A_518 : f32 to vector<1x128xf32>
    %gt3A_520 = arith.cmpf ogt, %slice3A_517, %gt3A_519 : vector<1x128xf32>
    %jit3A_521 = arith.constant 0.000000e+00 : f32
    %broadcast_in_dim3A_522 = vector.broadcast %jit3A_521 : f32 to vector<1x128xf32>
    %select_n3A_523 = arith.select %gt3A_520, %broadcast_in_dim3A_522, %select_n3A_296 : vector<1x128xi1>, vector<1x128xf32>
    %slice3A_524 = vector.extract_strided_slice %broadcast_in_dim3A_481 {offsets = [0, 1024], sizes = [1, 128], strides = [1, 1]} : vector<1x2048xf32> to vector<1x128xf32>
    %gt3A_525 = arith.constant 0.000000e+00 : f32
    %gt3A_526 = vector.broadcast %gt3A_525 : f32 to vector<1x128xf32>
    %gt3A_527 = arith.cmpf ogt, %slice3A_524, %gt3A_526 : vector<1x128xf32>
    %jit3A_528 = arith.constant 0.000000e+00 : f32
    %broadcast_in_dim3A_529 = vector.broadcast %jit3A_528 : f32 to vector<1x128xf32>
    %select_n3A_530 = arith.select %gt3A_527, %broadcast_in_dim3A_529, %select_n3A_303 : vector<1x128xi1>, vector<1x128xf32>
    %slice3A_531 = vector.extract_strided_slice %broadcast_in_dim3A_481 {offsets = [0, 1152], sizes = [1, 128], strides = [1, 1]} : vector<1x2048xf32> to vector<1x128xf32>
    %gt3A_532 = arith.constant 0.000000e+00 : f32
    %gt3A_533 = vector.broadcast %gt3A_532 : f32 to vector<1x128xf32>
    %gt3A_534 = arith.cmpf ogt, %slice3A_531, %gt3A_533 : vector<1x128xf32>
    %jit3A_535 = arith.constant 0.000000e+00 : f32
    %broadcast_in_dim3A_536 = vector.broadcast %jit3A_535 : f32 to vector<1x128xf32>
    %select_n3A_537 = arith.select %gt3A_534, %broadcast_in_dim3A_536, %select_n3A_310 : vector<1x128xi1>, vector<1x128xf32>
    %slice3A_538 = vector.extract_strided_slice %broadcast_in_dim3A_481 {offsets = [0, 1280], sizes = [1, 128], strides = [1, 1]} : vector<1x2048xf32> to vector<1x128xf32>
    %gt3A_539 = arith.constant 0.000000e+00 : f32
    %gt3A_540 = vector.broadcast %gt3A_539 : f32 to vector<1x128xf32>
    %gt3A_541 = arith.cmpf ogt, %slice3A_538, %gt3A_540 : vector<1x128xf32>
    %jit3A_542 = arith.constant 0.000000e+00 : f32
    %broadcast_in_dim3A_543 = vector.broadcast %jit3A_542 : f32 to vector<1x128xf32>
    %select_n3A_544 = arith.select %gt3A_541, %broadcast_in_dim3A_543, %select_n3A_317 : vector<1x128xi1>, vector<1x128xf32>
    %slice3A_545 = vector.extract_strided_slice %broadcast_in_dim3A_481 {offsets = [0, 1408], sizes = [1, 128], strides = [1, 1]} : vector<1x2048xf32> to vector<1x128xf32>
    %gt3A_546 = arith.constant 0.000000e+00 : f32
    %gt3A_547 = vector.broadcast %gt3A_546 : f32 to vector<1x128xf32>
    %gt3A_548 = arith.cmpf ogt, %slice3A_545, %gt3A_547 : vector<1x128xf32>
    %jit3A_549 = arith.constant 0.000000e+00 : f32
    %broadcast_in_dim3A_550 = vector.broadcast %jit3A_549 : f32 to vector<1x128xf32>
    %select_n3A_551 = arith.select %gt3A_548, %broadcast_in_dim3A_550, %select_n3A_324 : vector<1x128xi1>, vector<1x128xf32>
    %slice3A_552 = vector.extract_strided_slice %broadcast_in_dim3A_481 {offsets = [0, 1536], sizes = [1, 128], strides = [1, 1]} : vector<1x2048xf32> to vector<1x128xf32>
    %gt3A_553 = arith.constant 0.000000e+00 : f32
    %gt3A_554 = vector.broadcast %gt3A_553 : f32 to vector<1x128xf32>
    %gt3A_555 = arith.cmpf ogt, %slice3A_552, %gt3A_554 : vector<1x128xf32>
    %jit3A_556 = arith.constant 0.000000e+00 : f32
    %broadcast_in_dim3A_557 = vector.broadcast %jit3A_556 : f32 to vector<1x128xf32>
    %select_n3A_558 = arith.select %gt3A_555, %broadcast_in_dim3A_557, %select_n3A_331 : vector<1x128xi1>, vector<1x128xf32>
    %slice3A_559 = vector.extract_strided_slice %broadcast_in_dim3A_481 {offsets = [0, 1664], sizes = [1, 128], strides = [1, 1]} : vector<1x2048xf32> to vector<1x128xf32>
    %gt3A_560 = arith.constant 0.000000e+00 : f32
    %gt3A_561 = vector.broadcast %gt3A_560 : f32 to vector<1x128xf32>
    %gt3A_562 = arith.cmpf ogt, %slice3A_559, %gt3A_561 : vector<1x128xf32>
    %jit3A_563 = arith.constant 0.000000e+00 : f32
    %broadcast_in_dim3A_564 = vector.broadcast %jit3A_563 : f32 to vector<1x128xf32>
    %select_n3A_565 = arith.select %gt3A_562, %broadcast_in_dim3A_564, %select_n3A_338 : vector<1x128xi1>, vector<1x128xf32>
    %slice3A_566 = vector.extract_strided_slice %broadcast_in_dim3A_481 {offsets = [0, 1792], sizes = [1, 128], strides = [1, 1]} : vector<1x2048xf32> to vector<1x128xf32>
    %gt3A_567 = arith.constant 0.000000e+00 : f32
    %gt3A_568 = vector.broadcast %gt3A_567 : f32 to vector<1x128xf32>
    %gt3A_569 = arith.cmpf ogt, %slice3A_566, %gt3A_568 : vector<1x128xf32>
    %jit3A_570 = arith.constant 0.000000e+00 : f32
    %broadcast_in_dim3A_571 = vector.broadcast %jit3A_570 : f32 to vector<1x128xf32>
    %select_n3A_572 = arith.select %gt3A_569, %broadcast_in_dim3A_571, %select_n3A_345 : vector<1x128xi1>, vector<1x128xf32>
    %slice3A_573 = vector.extract_strided_slice %broadcast_in_dim3A_481 {offsets = [0, 1920], sizes = [1, 128], strides = [1, 1]} : vector<1x2048xf32> to vector<1x128xf32>
    %gt3A_574 = arith.constant 0.000000e+00 : f32
    %gt3A_575 = vector.broadcast %gt3A_574 : f32 to vector<1x128xf32>
    %gt3A_576 = arith.cmpf ogt, %slice3A_573, %gt3A_575 : vector<1x128xf32>
    %jit3A_577 = arith.constant 0.000000e+00 : f32
    %broadcast_in_dim3A_578 = vector.broadcast %jit3A_577 : f32 to vector<1x128xf32>
    %select_n3A_579 = arith.select %gt3A_576, %broadcast_in_dim3A_578, %select_n3A_352 : vector<1x128xi1>, vector<1x128xf32>
    %slice3A_580 = vector.extract_strided_slice %reshape3A {offsets = [2, 0], sizes = [1, 128], strides = [1, 1]} : vector<16x128xf32> to vector<1x128xf32>
    %squeeze3A_581 = vector.shape_cast %slice3A_580 : vector<1x128xf32> to vector<128xf32>
    %broadcast_in_dim3A_582 = vector.shape_cast %squeeze3A_581 : vector<128xf32> to vector<128x1xf32>
    %slice3A_583 = vector.extract_strided_slice %reshape3A_114 {offsets = [2, 0], sizes = [1, 128], strides = [1, 1]} : vector<16x128xf32> to vector<1x128xf32>
    %squeeze3A_584 = vector.shape_cast %slice3A_583 : vector<1x128xf32> to vector<128xf32>
    %broadcast_in_dim3A_585 = vector.shape_cast %squeeze3A_584 : vector<128xf32> to vector<128x1xf32>
    %slice3A_586 = vector.extract_strided_slice %reshape3A_115 {offsets = [2, 0], sizes = [1, 128], strides = [1, 1]} : vector<16x128xf32> to vector<1x128xf32>
    %squeeze3A_587 = vector.shape_cast %slice3A_586 : vector<1x128xf32> to vector<128xf32>
    %broadcast_in_dim3A_588 = vector.shape_cast %squeeze3A_587 : vector<128xf32> to vector<128x1xf32>
    %slice3A_589 = vector.extract_strided_slice %reshape3A_116 {offsets = [2, 0], sizes = [1, 128], strides = [1, 1]} : vector<16x128xf32> to vector<1x128xf32>
    %squeeze3A_590 = vector.shape_cast %slice3A_589 : vector<1x128xf32> to vector<128xf32>
    %broadcast_in_dim3A_591 = vector.shape_cast %squeeze3A_590 : vector<128xf32> to vector<128x1xf32>
    %slice3A_592 = vector.extract_strided_slice %reshape3A_117 {offsets = [2, 0], sizes = [1, 128], strides = [1, 1]} : vector<16x128xf32> to vector<1x128xf32>
    %squeeze3A_593 = vector.shape_cast %slice3A_592 : vector<1x128xf32> to vector<128xf32>
    %broadcast_in_dim3A_594 = vector.shape_cast %squeeze3A_593 : vector<128xf32> to vector<128x1xf32>
    %slice3A_595 = vector.extract_strided_slice %reshape3A {offsets = [2, 0], sizes = [1, 128], strides = [1, 1]} : vector<16x128xf32> to vector<1x128xf32>
    %squeeze3A_596 = vector.shape_cast %slice3A_595 : vector<1x128xf32> to vector<128xf32>
    %broadcast_in_dim3A_597 = vector.shape_cast %squeeze3A_596 : vector<128xf32> to vector<1x128xf32>
    %max3A_598 = vector.broadcast %broadcast_in_dim3A_582 : vector<128x1xf32> to vector<128x128xf32>
    %max3A_599 = vector.broadcast %broadcast_in_dim3A_597 : vector<1x128xf32> to vector<128x128xf32>
    %max3A_600 = arith.maximumf %max3A_598, %max3A_599 : vector<128x128xf32>
    %slice3A_601 = vector.extract_strided_slice %reshape3A_114 {offsets = [2, 0], sizes = [1, 128], strides = [1, 1]} : vector<16x128xf32> to vector<1x128xf32>
    %squeeze3A_602 = vector.shape_cast %slice3A_601 : vector<1x128xf32> to vector<128xf32>
    %broadcast_in_dim3A_603 = vector.shape_cast %squeeze3A_602 : vector<128xf32> to vector<1x128xf32>
    %max3A_604 = vector.broadcast %broadcast_in_dim3A_585 : vector<128x1xf32> to vector<128x128xf32>
    %max3A_605 = vector.broadcast %broadcast_in_dim3A_603 : vector<1x128xf32> to vector<128x128xf32>
    %max3A_606 = arith.maximumf %max3A_604, %max3A_605 : vector<128x128xf32>
    %slice3A_607 = vector.extract_strided_slice %reshape3A_115 {offsets = [2, 0], sizes = [1, 128], strides = [1, 1]} : vector<16x128xf32> to vector<1x128xf32>
    %squeeze3A_608 = vector.shape_cast %slice3A_607 : vector<1x128xf32> to vector<128xf32>
    %broadcast_in_dim3A_609 = vector.shape_cast %squeeze3A_608 : vector<128xf32> to vector<1x128xf32>
    %min3A_610 = vector.broadcast %broadcast_in_dim3A_588 : vector<128x1xf32> to vector<128x128xf32>
    %min3A_611 = vector.broadcast %broadcast_in_dim3A_609 : vector<1x128xf32> to vector<128x128xf32>
    %min3A_612 = arith.minimumf %min3A_610, %min3A_611 : vector<128x128xf32>
    %slice3A_613 = vector.extract_strided_slice %reshape3A_116 {offsets = [2, 0], sizes = [1, 128], strides = [1, 1]} : vector<16x128xf32> to vector<1x128xf32>
    %squeeze3A_614 = vector.shape_cast %slice3A_613 : vector<1x128xf32> to vector<128xf32>
    %broadcast_in_dim3A_615 = vector.shape_cast %squeeze3A_614 : vector<128xf32> to vector<1x128xf32>
    %min3A_616 = vector.broadcast %broadcast_in_dim3A_591 : vector<128x1xf32> to vector<128x128xf32>
    %min3A_617 = vector.broadcast %broadcast_in_dim3A_615 : vector<1x128xf32> to vector<128x128xf32>
    %min3A_618 = arith.minimumf %min3A_616, %min3A_617 : vector<128x128xf32>
    %sub3A_619 = arith.subf %min3A_612, %max3A_600 : vector<128x128xf32>
    %max3A_620 = arith.constant 0.000000e+00 : f32
    %max3A_621 = vector.broadcast %max3A_620 : f32 to vector<128x128xf32>
    %max3A_622 = arith.maximumf %sub3A_619, %max3A_621 : vector<128x128xf32>
    %sub3A_623 = arith.subf %min3A_618, %max3A_606 : vector<128x128xf32>
    %max3A_624 = arith.constant 0.000000e+00 : f32
    %max3A_625 = vector.broadcast %max3A_624 : f32 to vector<128x128xf32>
    %max3A_626 = arith.maximumf %sub3A_623, %max3A_625 : vector<128x128xf32>
    %mul3A_627 = arith.mulf %max3A_622, %max3A_626 : vector<128x128xf32>
    %slice3A_628 = vector.extract_strided_slice %reshape3A_117 {offsets = [2, 0], sizes = [1, 128], strides = [1, 1]} : vector<16x128xf32> to vector<1x128xf32>
    %squeeze3A_629 = vector.shape_cast %slice3A_628 : vector<1x128xf32> to vector<128xf32>
    %broadcast_in_dim3A_630 = vector.shape_cast %squeeze3A_629 : vector<128xf32> to vector<1x128xf32>
    %add3A_631 = vector.broadcast %broadcast_in_dim3A_594 : vector<128x1xf32> to vector<128x128xf32>
    %add3A_632 = vector.broadcast %broadcast_in_dim3A_630 : vector<1x128xf32> to vector<128x128xf32>
    %add3A_633 = arith.addf %add3A_631, %add3A_632 : vector<128x128xf32>
    %sub3A_634 = arith.subf %add3A_633, %mul3A_627 : vector<128x128xf32>
    %add3A_635 = arith.constant 9.99999997E-7 : f32
    %add3A_636 = vector.broadcast %add3A_635 : f32 to vector<128x128xf32>
    %add3A_637 = arith.addf %sub3A_634, %add3A_636 : vector<128x128xf32>
    %mul3A_638 = arith.constant 0.699999988 : f32
    %mul3A_639 = vector.broadcast %mul3A_638 : f32 to vector<128x128xf32>
    %mul3A_640 = arith.mulf %mul3A_639, %add3A_637 : vector<128x128xf32>
    %gt3A_641 = arith.cmpf ogt, %mul3A_627, %mul3A_640 : vector<128x128xf32>
    %lt3A_642 = arith.cmpi slt, %iota3A_119, %iota3A_120 : vector<128x128xi32>
    %and3A_643 = arith.andi %gt3A_641, %lt3A_642 : vector<128x128xi1>
    %jit3A_644 = arith.constant 1.000000e+00 : f32
    %jit3A_645 = arith.constant 0.000000e+00 : f32
    %broadcast_in_dim3A_646 = vector.broadcast %jit3A_644 : f32 to vector<128x128xf32>
    %broadcast_in_dim3A_647 = vector.broadcast %jit3A_645 : f32 to vector<128x128xf32>
    %select_n3A_648 = arith.select %and3A_643, %broadcast_in_dim3A_646, %broadcast_in_dim3A_647 : vector<128x128xi1>, vector<128x128xf32>
    %swap3A_649 = arith.constant 0 : index
    %swap3A_650 = arith.constant 0 : index
    %swap3A_651 = vector.load %arg6[%swap3A_649, %swap3A_650] : memref<128x128xf32, #tpu.memory_space<vmem>>, vector<128x128xf32>
    tpu.vector_store %arg6[%swap3A_649, %swap3A_650], %select_n3A_648 {strides = array<i32>} : memref<128x128xf32, #tpu.memory_space<vmem>>, vector<128x128xf32>,
    %while3A_652 = arith.constant 1.000000e+00 : f32
    %while3A_653 = arith.constant 0 : i32
    %while3A_654:3 = scf.while (%while3A_3026 = %select_n3A_488, %while3A_3027 = %while3A_652, %while3A_3028 = %while3A_653) : (vector<1x128xf32>, f32, i32) -> (vector<1x128xf32>, f32, i32) {
      %gt3A_3029 = arith.constant 0.000000e+00 : f32
      %gt3A_3030 = arith.cmpf ogt, %while3A_3027, %gt3A_3029 : f32
      scf.condition(%gt3A_3030) %while3A_3026, %while3A_3027, %while3A_3028 : vector<1x128xf32>, f32, i32
    } do {
    ^bb0(%while3A_3026: vector<1x128xf32>, %while3A_3027: f32, %while3A_3028: i32):
      %get3A_3029 = arith.constant 0 : index
      %get3A_3030 = arith.constant 0 : index
      %get3A_3031 = vector.load %arg6[%get3A_3029, %get3A_3030] : memref<128x128xf32, #tpu.memory_space<vmem>>, vector<128x128xf32>
      %dot_general3A_3032 = arith.constant dense<0.000000e+00> : vector<1x128xf32>
      %dot_general3A_3033 = tpu.matmul %while3A_3026, %get3A_3031, %dot_general3A_3032 {dimension_numbers = #tpu.dot_dimension_numbers<[1], [0], [0], [1], [0, 0, 1, 1], [], []>, transpose_lhs_hint = false} : vector<1x128xf32>, vector<128x128xf32>, vector<1x128xf32> -> vector<1x128xf32>
      %lt3A_3034 = arith.constant 5.000000e-01 : f32
      %lt3A_3035 = vector.broadcast %lt3A_3034 : f32 to vector<1x128xf32>
      %lt3A_3036 = arith.cmpf olt, %dot_general3A_3033, %lt3A_3035 : vector<1x128xf32>
      %jit3A_3037 = arith.constant 0.000000e+00 : f32
      %broadcast_in_dim3A_3038 = vector.broadcast %jit3A_3037 : f32 to vector<1x128xf32>
      %select_n3A_3039 = arith.select %lt3A_3036, %select_n3A_488, %broadcast_in_dim3A_3038 : vector<1x128xi1>, vector<1x128xf32>
      %sub3A_3040 = arith.subf %select_n3A_3039, %while3A_3026 : vector<1x128xf32>
      %abs3A = math.absf %sub3A_3040 : vector<1x128xf32>
      %reduce_sum3A_3041 = vector.shape_cast %abs3A : vector<1x128xf32> to vector<1x1x128xf32>
      %reduce_sum3A_3042 = arith.constant dense<0.000000e+00> : vector<1xf32>
      %reduce_sum3A_3043 = vector.multi_reduction <add>, %reduce_sum3A_3041, %reduce_sum3A_3042 [1, 2] : vector<1x1x128xf32> to vector<1xf32>
      %reduce_sum3A_3044 = vector.shape_cast %reduce_sum3A_3043 : vector<1xf32> to vector<1x1x1xf32>
      %reduce_sum3A_3045 = vector.extract %reduce_sum3A_3044[0, 0, 0] : f32 from vector<1x1x1xf32>
      %lt3A_3046 = arith.constant 128 : i32
      %lt3A_3047 = arith.cmpi slt, %while3A_3028, %lt3A_3046 : i32
      %jit3A_3048 = arith.constant 0.000000e+00 : f32
      %select_n3A_3049 = arith.select %lt3A_3047, %reduce_sum3A_3045, %jit3A_3048 : f32
      %add3A_3050 = arith.constant 1 : i32
      %add3A_3051 = arith.addi %while3A_3028, %add3A_3050 : i32
      scf.yield %select_n3A_3039, %select_n3A_3049, %add3A_3051 : vector<1x128xf32>, f32, i32
    }
    %dot_general3A_655 = arith.constant dense<0.000000e+00> : vector<128x1xf32>
    %dot_general3A_656 = tpu.matmul %select_n3A_125, %while3A_654#0, %dot_general3A_655 {dimension_numbers = #tpu.dot_dimension_numbers<[1], [1], [0], [0], [0, 0, 1, 0], [], []>, transpose_lhs_hint = false} : vector<128x128xf32>, vector<1x128xf32>, vector<128x1xf32> -> vector<128x1xf32>
    %add3A_657 = arith.constant 256 : i32
    %add3A_658 = vector.broadcast %add3A_657 : i32 to vector<128x1xi32>
    %add3A_659 = arith.addi %add3A_658, %iota3A_118 : vector<128x1xi32>
    %max3A_660 = vector.broadcast %broadcast_in_dim3A_582 : vector<128x1xf32> to vector<128x2048xf32>
    %max3A_661 = vector.broadcast %min3A_47 : vector<1x2048xf32> to vector<128x2048xf32>
    %max3A_662 = arith.maximumf %max3A_660, %max3A_661 : vector<128x2048xf32>
    %max3A_663 = vector.broadcast %broadcast_in_dim3A_585 : vector<128x1xf32> to vector<128x2048xf32>
    %max3A_664 = vector.broadcast %min3A_57 : vector<1x2048xf32> to vector<128x2048xf32>
    %max3A_665 = arith.maximumf %max3A_663, %max3A_664 : vector<128x2048xf32>
    %min3A_666 = vector.broadcast %broadcast_in_dim3A_588 : vector<128x1xf32> to vector<128x2048xf32>
    %min3A_667 = vector.broadcast %min3A_67 : vector<1x2048xf32> to vector<128x2048xf32>
    %min3A_668 = arith.minimumf %min3A_666, %min3A_667 : vector<128x2048xf32>
    %min3A_669 = vector.broadcast %broadcast_in_dim3A_591 : vector<128x1xf32> to vector<128x2048xf32>
    %min3A_670 = vector.broadcast %min3A_77 : vector<1x2048xf32> to vector<128x2048xf32>
    %min3A_671 = arith.minimumf %min3A_669, %min3A_670 : vector<128x2048xf32>
    %sub3A_672 = arith.subf %min3A_668, %max3A_662 : vector<128x2048xf32>
    %max3A_673 = arith.constant 0.000000e+00 : f32
    %max3A_674 = vector.broadcast %max3A_673 : f32 to vector<128x2048xf32>
    %max3A_675 = arith.maximumf %sub3A_672, %max3A_674 : vector<128x2048xf32>
    %sub3A_676 = arith.subf %min3A_671, %max3A_665 : vector<128x2048xf32>
    %max3A_677 = arith.constant 0.000000e+00 : f32
    %max3A_678 = vector.broadcast %max3A_677 : f32 to vector<128x2048xf32>
    %max3A_679 = arith.maximumf %sub3A_676, %max3A_678 : vector<128x2048xf32>
    %mul3A_680 = arith.mulf %max3A_675, %max3A_679 : vector<128x2048xf32>
    %add3A_681 = vector.broadcast %broadcast_in_dim3A_594 : vector<128x1xf32> to vector<128x2048xf32>
    %add3A_682 = vector.broadcast %mul3A_80 : vector<1x2048xf32> to vector<128x2048xf32>
    %add3A_683 = arith.addf %add3A_681, %add3A_682 : vector<128x2048xf32>
    %sub3A_684 = arith.subf %add3A_683, %mul3A_680 : vector<128x2048xf32>
    %add3A_685 = arith.constant 9.99999997E-7 : f32
    %add3A_686 = vector.broadcast %add3A_685 : f32 to vector<128x2048xf32>
    %add3A_687 = arith.addf %sub3A_684, %add3A_686 : vector<128x2048xf32>
    %mul3A_688 = arith.constant 0.699999988 : f32
    %mul3A_689 = vector.broadcast %mul3A_688 : f32 to vector<128x2048xf32>
    %mul3A_690 = arith.mulf %mul3A_689, %add3A_687 : vector<128x2048xf32>
    %gt3A_691 = arith.cmpf ogt, %mul3A_680, %mul3A_690 : vector<128x2048xf32>
    %gt3A_692 = arith.constant 0.000000e+00 : f32
    %gt3A_693 = vector.broadcast %gt3A_692 : f32 to vector<128x1xf32>
    %gt3A_694 = arith.cmpf ogt, %dot_general3A_656, %gt3A_693 : vector<128x1xf32>
    %and3A_695 = vector.broadcast %gt3A_694 : vector<128x1xi1> to vector<128x2048xi1>
    %and3A_696 = arith.andi %gt3A_691, %and3A_695 : vector<128x2048xi1>
    %gt3A_697 = vector.broadcast %iota3A : vector<1x2048xi32> to vector<128x2048xi32>
    %gt3A_698 = vector.broadcast %add3A_659 : vector<128x1xi32> to vector<128x2048xi32>
    %gt3A_699 = arith.cmpi sgt, %gt3A_697, %gt3A_698 : vector<128x2048xi32>
    %and3A_700 = arith.andi %and3A_696, %gt3A_699 : vector<128x2048xi1>
    %jit3A_701 = arith.constant 1.000000e+00 : f32
    %jit3A_702 = arith.constant 0.000000e+00 : f32
    %broadcast_in_dim3A_703 = vector.broadcast %jit3A_701 : f32 to vector<128x2048xf32>
    %broadcast_in_dim3A_704 = vector.broadcast %jit3A_702 : f32 to vector<128x2048xf32>
    %select_n3A_705 = arith.select %and3A_700, %broadcast_in_dim3A_703, %broadcast_in_dim3A_704 : vector<128x2048xi1>, vector<128x2048xf32>
    %reduce_max3A_706 = arith.constant dense<0xFF800000> : vector<2048xf32>
    %reduce_max3A_707 = vector.multi_reduction <maximumf>, %select_n3A_705, %reduce_max3A_706 [0] : vector<128x2048xf32> to vector<2048xf32>
    %broadcast_in_dim3A_708 = vector.shape_cast %reduce_max3A_707 : vector<2048xf32> to vector<1x2048xf32>
    %slice3A_709 = vector.extract_strided_slice %broadcast_in_dim3A_708 {offsets = [0, 384], sizes = [1, 128], strides = [1, 1]} : vector<1x2048xf32> to vector<1x128xf32>
    %gt3A_710 = arith.constant 0.000000e+00 : f32
    %gt3A_711 = vector.broadcast %gt3A_710 : f32 to vector<1x128xf32>
    %gt3A_712 = arith.cmpf ogt, %slice3A_709, %gt3A_711 : vector<1x128xf32>
    %jit3A_713 = arith.constant 0.000000e+00 : f32
    %broadcast_in_dim3A_714 = vector.broadcast %jit3A_713 : f32 to vector<1x128xf32>
    %select_n3A_715 = arith.select %gt3A_712, %broadcast_in_dim3A_714, %select_n3A_495 : vector<1x128xi1>, vector<1x128xf32>
    %slice3A_716 = vector.extract_strided_slice %broadcast_in_dim3A_708 {offsets = [0, 512], sizes = [1, 128], strides = [1, 1]} : vector<1x2048xf32> to vector<1x128xf32>
    %gt3A_717 = arith.constant 0.000000e+00 : f32
    %gt3A_718 = vector.broadcast %gt3A_717 : f32 to vector<1x128xf32>
    %gt3A_719 = arith.cmpf ogt, %slice3A_716, %gt3A_718 : vector<1x128xf32>
    %jit3A_720 = arith.constant 0.000000e+00 : f32
    %broadcast_in_dim3A_721 = vector.broadcast %jit3A_720 : f32 to vector<1x128xf32>
    %select_n3A_722 = arith.select %gt3A_719, %broadcast_in_dim3A_721, %select_n3A_502 : vector<1x128xi1>, vector<1x128xf32>
    %slice3A_723 = vector.extract_strided_slice %broadcast_in_dim3A_708 {offsets = [0, 640], sizes = [1, 128], strides = [1, 1]} : vector<1x2048xf32> to vector<1x128xf32>
    %gt3A_724 = arith.constant 0.000000e+00 : f32
    %gt3A_725 = vector.broadcast %gt3A_724 : f32 to vector<1x128xf32>
    %gt3A_726 = arith.cmpf ogt, %slice3A_723, %gt3A_725 : vector<1x128xf32>
    %jit3A_727 = arith.constant 0.000000e+00 : f32
    %broadcast_in_dim3A_728 = vector.broadcast %jit3A_727 : f32 to vector<1x128xf32>
    %select_n3A_729 = arith.select %gt3A_726, %broadcast_in_dim3A_728, %select_n3A_509 : vector<1x128xi1>, vector<1x128xf32>
    %slice3A_730 = vector.extract_strided_slice %broadcast_in_dim3A_708 {offsets = [0, 768], sizes = [1, 128], strides = [1, 1]} : vector<1x2048xf32> to vector<1x128xf32>
    %gt3A_731 = arith.constant 0.000000e+00 : f32
    %gt3A_732 = vector.broadcast %gt3A_731 : f32 to vector<1x128xf32>
    %gt3A_733 = arith.cmpf ogt, %slice3A_730, %gt3A_732 : vector<1x128xf32>
    %jit3A_734 = arith.constant 0.000000e+00 : f32
    %broadcast_in_dim3A_735 = vector.broadcast %jit3A_734 : f32 to vector<1x128xf32>
    %select_n3A_736 = arith.select %gt3A_733, %broadcast_in_dim3A_735, %select_n3A_516 : vector<1x128xi1>, vector<1x128xf32>
    %slice3A_737 = vector.extract_strided_slice %broadcast_in_dim3A_708 {offsets = [0, 896], sizes = [1, 128], strides = [1, 1]} : vector<1x2048xf32> to vector<1x128xf32>
    %gt3A_738 = arith.constant 0.000000e+00 : f32
    %gt3A_739 = vector.broadcast %gt3A_738 : f32 to vector<1x128xf32>
    %gt3A_740 = arith.cmpf ogt, %slice3A_737, %gt3A_739 : vector<1x128xf32>
    %jit3A_741 = arith.constant 0.000000e+00 : f32
    %broadcast_in_dim3A_742 = vector.broadcast %jit3A_741 : f32 to vector<1x128xf32>
    %select_n3A_743 = arith.select %gt3A_740, %broadcast_in_dim3A_742, %select_n3A_523 : vector<1x128xi1>, vector<1x128xf32>
    %slice3A_744 = vector.extract_strided_slice %broadcast_in_dim3A_708 {offsets = [0, 1024], sizes = [1, 128], strides = [1, 1]} : vector<1x2048xf32> to vector<1x128xf32>
    %gt3A_745 = arith.constant 0.000000e+00 : f32
    %gt3A_746 = vector.broadcast %gt3A_745 : f32 to vector<1x128xf32>
    %gt3A_747 = arith.cmpf ogt, %slice3A_744, %gt3A_746 : vector<1x128xf32>
    %jit3A_748 = arith.constant 0.000000e+00 : f32
    %broadcast_in_dim3A_749 = vector.broadcast %jit3A_748 : f32 to vector<1x128xf32>
    %select_n3A_750 = arith.select %gt3A_747, %broadcast_in_dim3A_749, %select_n3A_530 : vector<1x128xi1>, vector<1x128xf32>
    %slice3A_751 = vector.extract_strided_slice %broadcast_in_dim3A_708 {offsets = [0, 1152], sizes = [1, 128], strides = [1, 1]} : vector<1x2048xf32> to vector<1x128xf32>
    %gt3A_752 = arith.constant 0.000000e+00 : f32
    %gt3A_753 = vector.broadcast %gt3A_752 : f32 to vector<1x128xf32>
    %gt3A_754 = arith.cmpf ogt, %slice3A_751, %gt3A_753 : vector<1x128xf32>
    %jit3A_755 = arith.constant 0.000000e+00 : f32
    %broadcast_in_dim3A_756 = vector.broadcast %jit3A_755 : f32 to vector<1x128xf32>
    %select_n3A_757 = arith.select %gt3A_754, %broadcast_in_dim3A_756, %select_n3A_537 : vector<1x128xi1>, vector<1x128xf32>
    %slice3A_758 = vector.extract_strided_slice %broadcast_in_dim3A_708 {offsets = [0, 1280], sizes = [1, 128], strides = [1, 1]} : vector<1x2048xf32> to vector<1x128xf32>
    %gt3A_759 = arith.constant 0.000000e+00 : f32
    %gt3A_760 = vector.broadcast %gt3A_759 : f32 to vector<1x128xf32>
    %gt3A_761 = arith.cmpf ogt, %slice3A_758, %gt3A_760 : vector<1x128xf32>
    %jit3A_762 = arith.constant 0.000000e+00 : f32
    %broadcast_in_dim3A_763 = vector.broadcast %jit3A_762 : f32 to vector<1x128xf32>
    %select_n3A_764 = arith.select %gt3A_761, %broadcast_in_dim3A_763, %select_n3A_544 : vector<1x128xi1>, vector<1x128xf32>
    %slice3A_765 = vector.extract_strided_slice %broadcast_in_dim3A_708 {offsets = [0, 1408], sizes = [1, 128], strides = [1, 1]} : vector<1x2048xf32> to vector<1x128xf32>
    %gt3A_766 = arith.constant 0.000000e+00 : f32
    %gt3A_767 = vector.broadcast %gt3A_766 : f32 to vector<1x128xf32>
    %gt3A_768 = arith.cmpf ogt, %slice3A_765, %gt3A_767 : vector<1x128xf32>
    %jit3A_769 = arith.constant 0.000000e+00 : f32
    %broadcast_in_dim3A_770 = vector.broadcast %jit3A_769 : f32 to vector<1x128xf32>
    %select_n3A_771 = arith.select %gt3A_768, %broadcast_in_dim3A_770, %select_n3A_551 : vector<1x128xi1>, vector<1x128xf32>
    %slice3A_772 = vector.extract_strided_slice %broadcast_in_dim3A_708 {offsets = [0, 1536], sizes = [1, 128], strides = [1, 1]} : vector<1x2048xf32> to vector<1x128xf32>
    %gt3A_773 = arith.constant 0.000000e+00 : f32
    %gt3A_774 = vector.broadcast %gt3A_773 : f32 to vector<1x128xf32>
    %gt3A_775 = arith.cmpf ogt, %slice3A_772, %gt3A_774 : vector<1x128xf32>
    %jit3A_776 = arith.constant 0.000000e+00 : f32
    %broadcast_in_dim3A_777 = vector.broadcast %jit3A_776 : f32 to vector<1x128xf32>
    %select_n3A_778 = arith.select %gt3A_775, %broadcast_in_dim3A_777, %select_n3A_558 : vector<1x128xi1>, vector<1x128xf32>
    %slice3A_779 = vector.extract_strided_slice %broadcast_in_dim3A_708 {offsets = [0, 1664], sizes = [1, 128], strides = [1, 1]} : vector<1x2048xf32> to vector<1x128xf32>
    %gt3A_780 = arith.constant 0.000000e+00 : f32
    %gt3A_781 = vector.broadcast %gt3A_780 : f32 to vector<1x128xf32>
    %gt3A_782 = arith.cmpf ogt, %slice3A_779, %gt3A_781 : vector<1x128xf32>
    %jit3A_783 = arith.constant 0.000000e+00 : f32
    %broadcast_in_dim3A_784 = vector.broadcast %jit3A_783 : f32 to vector<1x128xf32>
    %select_n3A_785 = arith.select %gt3A_782, %broadcast_in_dim3A_784, %select_n3A_565 : vector<1x128xi1>, vector<1x128xf32>
    %slice3A_786 = vector.extract_strided_slice %broadcast_in_dim3A_708 {offsets = [0, 1792], sizes = [1, 128], strides = [1, 1]} : vector<1x2048xf32> to vector<1x128xf32>
    %gt3A_787 = arith.constant 0.000000e+00 : f32
    %gt3A_788 = vector.broadcast %gt3A_787 : f32 to vector<1x128xf32>
    %gt3A_789 = arith.cmpf ogt, %slice3A_786, %gt3A_788 : vector<1x128xf32>
    %jit3A_790 = arith.constant 0.000000e+00 : f32
    %broadcast_in_dim3A_791 = vector.broadcast %jit3A_790 : f32 to vector<1x128xf32>
    %select_n3A_792 = arith.select %gt3A_789, %broadcast_in_dim3A_791, %select_n3A_572 : vector<1x128xi1>, vector<1x128xf32>
    %slice3A_793 = vector.extract_strided_slice %broadcast_in_dim3A_708 {offsets = [0, 1920], sizes = [1, 128], strides = [1, 1]} : vector<1x2048xf32> to vector<1x128xf32>
    %gt3A_794 = arith.constant 0.000000e+00 : f32
    %gt3A_795 = vector.broadcast %gt3A_794 : f32 to vector<1x128xf32>
    %gt3A_796 = arith.cmpf ogt, %slice3A_793, %gt3A_795 : vector<1x128xf32>
    %jit3A_797 = arith.constant 0.000000e+00 : f32
    %broadcast_in_dim3A_798 = vector.broadcast %jit3A_797 : f32 to vector<1x128xf32>
    %select_n3A_799 = arith.select %gt3A_796, %broadcast_in_dim3A_798, %select_n3A_579 : vector<1x128xi1>, vector<1x128xf32>
    %slice3A_800 = vector.extract_strided_slice %reshape3A {offsets = [3, 0], sizes = [1, 128], strides = [1, 1]} : vector<16x128xf32> to vector<1x128xf32>
    %squeeze3A_801 = vector.shape_cast %slice3A_800 : vector<1x128xf32> to vector<128xf32>
    %broadcast_in_dim3A_802 = vector.shape_cast %squeeze3A_801 : vector<128xf32> to vector<128x1xf32>
    %slice3A_803 = vector.extract_strided_slice %reshape3A_114 {offsets = [3, 0], sizes = [1, 128], strides = [1, 1]} : vector<16x128xf32> to vector<1x128xf32>
    %squeeze3A_804 = vector.shape_cast %slice3A_803 : vector<1x128xf32> to vector<128xf32>
    %broadcast_in_dim3A_805 = vector.shape_cast %squeeze3A_804 : vector<128xf32> to vector<128x1xf32>
    %slice3A_806 = vector.extract_strided_slice %reshape3A_115 {offsets = [3, 0], sizes = [1, 128], strides = [1, 1]} : vector<16x128xf32> to vector<1x128xf32>
    %squeeze3A_807 = vector.shape_cast %slice3A_806 : vector<1x128xf32> to vector<128xf32>
    %broadcast_in_dim3A_808 = vector.shape_cast %squeeze3A_807 : vector<128xf32> to vector<128x1xf32>
    %slice3A_809 = vector.extract_strided_slice %reshape3A_116 {offsets = [3, 0], sizes = [1, 128], strides = [1, 1]} : vector<16x128xf32> to vector<1x128xf32>
    %squeeze3A_810 = vector.shape_cast %slice3A_809 : vector<1x128xf32> to vector<128xf32>
    %broadcast_in_dim3A_811 = vector.shape_cast %squeeze3A_810 : vector<128xf32> to vector<128x1xf32>
    %slice3A_812 = vector.extract_strided_slice %reshape3A_117 {offsets = [3, 0], sizes = [1, 128], strides = [1, 1]} : vector<16x128xf32> to vector<1x128xf32>
    %squeeze3A_813 = vector.shape_cast %slice3A_812 : vector<1x128xf32> to vector<128xf32>
    %broadcast_in_dim3A_814 = vector.shape_cast %squeeze3A_813 : vector<128xf32> to vector<128x1xf32>
    %slice3A_815 = vector.extract_strided_slice %reshape3A {offsets = [3, 0], sizes = [1, 128], strides = [1, 1]} : vector<16x128xf32> to vector<1x128xf32>
    %squeeze3A_816 = vector.shape_cast %slice3A_815 : vector<1x128xf32> to vector<128xf32>
    %broadcast_in_dim3A_817 = vector.shape_cast %squeeze3A_816 : vector<128xf32> to vector<1x128xf32>
    %max3A_818 = vector.broadcast %broadcast_in_dim3A_802 : vector<128x1xf32> to vector<128x128xf32>
    %max3A_819 = vector.broadcast %broadcast_in_dim3A_817 : vector<1x128xf32> to vector<128x128xf32>
    %max3A_820 = arith.maximumf %max3A_818, %max3A_819 : vector<128x128xf32>
    %slice3A_821 = vector.extract_strided_slice %reshape3A_114 {offsets = [3, 0], sizes = [1, 128], strides = [1, 1]} : vector<16x128xf32> to vector<1x128xf32>
    %squeeze3A_822 = vector.shape_cast %slice3A_821 : vector<1x128xf32> to vector<128xf32>
    %broadcast_in_dim3A_823 = vector.shape_cast %squeeze3A_822 : vector<128xf32> to vector<1x128xf32>
    %max3A_824 = vector.broadcast %broadcast_in_dim3A_805 : vector<128x1xf32> to vector<128x128xf32>
    %max3A_825 = vector.broadcast %broadcast_in_dim3A_823 : vector<1x128xf32> to vector<128x128xf32>
    %max3A_826 = arith.maximumf %max3A_824, %max3A_825 : vector<128x128xf32>
    %slice3A_827 = vector.extract_strided_slice %reshape3A_115 {offsets = [3, 0], sizes = [1, 128], strides = [1, 1]} : vector<16x128xf32> to vector<1x128xf32>
    %squeeze3A_828 = vector.shape_cast %slice3A_827 : vector<1x128xf32> to vector<128xf32>
    %broadcast_in_dim3A_829 = vector.shape_cast %squeeze3A_828 : vector<128xf32> to vector<1x128xf32>
    %min3A_830 = vector.broadcast %broadcast_in_dim3A_808 : vector<128x1xf32> to vector<128x128xf32>
    %min3A_831 = vector.broadcast %broadcast_in_dim3A_829 : vector<1x128xf32> to vector<128x128xf32>
    %min3A_832 = arith.minimumf %min3A_830, %min3A_831 : vector<128x128xf32>
    %slice3A_833 = vector.extract_strided_slice %reshape3A_116 {offsets = [3, 0], sizes = [1, 128], strides = [1, 1]} : vector<16x128xf32> to vector<1x128xf32>
    %squeeze3A_834 = vector.shape_cast %slice3A_833 : vector<1x128xf32> to vector<128xf32>
    %broadcast_in_dim3A_835 = vector.shape_cast %squeeze3A_834 : vector<128xf32> to vector<1x128xf32>
    %min3A_836 = vector.broadcast %broadcast_in_dim3A_811 : vector<128x1xf32> to vector<128x128xf32>
    %min3A_837 = vector.broadcast %broadcast_in_dim3A_835 : vector<1x128xf32> to vector<128x128xf32>
    %min3A_838 = arith.minimumf %min3A_836, %min3A_837 : vector<128x128xf32>
    %sub3A_839 = arith.subf %min3A_832, %max3A_820 : vector<128x128xf32>
    %max3A_840 = arith.constant 0.000000e+00 : f32
    %max3A_841 = vector.broadcast %max3A_840 : f32 to vector<128x128xf32>
    %max3A_842 = arith.maximumf %sub3A_839, %max3A_841 : vector<128x128xf32>
    %sub3A_843 = arith.subf %min3A_838, %max3A_826 : vector<128x128xf32>
    %max3A_844 = arith.constant 0.000000e+00 : f32
    %max3A_845 = vector.broadcast %max3A_844 : f32 to vector<128x128xf32>
    %max3A_846 = arith.maximumf %sub3A_843, %max3A_845 : vector<128x128xf32>
    %mul3A_847 = arith.mulf %max3A_842, %max3A_846 : vector<128x128xf32>
    %slice3A_848 = vector.extract_strided_slice %reshape3A_117 {offsets = [3, 0], sizes = [1, 128], strides = [1, 1]} : vector<16x128xf32> to vector<1x128xf32>
    %squeeze3A_849 = vector.shape_cast %slice3A_848 : vector<1x128xf32> to vector<128xf32>
    %broadcast_in_dim3A_850 = vector.shape_cast %squeeze3A_849 : vector<128xf32> to vector<1x128xf32>
    %add3A_851 = vector.broadcast %broadcast_in_dim3A_814 : vector<128x1xf32> to vector<128x128xf32>
    %add3A_852 = vector.broadcast %broadcast_in_dim3A_850 : vector<1x128xf32> to vector<128x128xf32>
    %add3A_853 = arith.addf %add3A_851, %add3A_852 : vector<128x128xf32>
    %sub3A_854 = arith.subf %add3A_853, %mul3A_847 : vector<128x128xf32>
    %add3A_855 = arith.constant 9.99999997E-7 : f32
    %add3A_856 = vector.broadcast %add3A_855 : f32 to vector<128x128xf32>
    %add3A_857 = arith.addf %sub3A_854, %add3A_856 : vector<128x128xf32>
    %mul3A_858 = arith.constant 0.699999988 : f32
    %mul3A_859 = vector.broadcast %mul3A_858 : f32 to vector<128x128xf32>
    %mul3A_860 = arith.mulf %mul3A_859, %add3A_857 : vector<128x128xf32>
    %gt3A_861 = arith.cmpf ogt, %mul3A_847, %mul3A_860 : vector<128x128xf32>
    %lt3A_862 = arith.cmpi slt, %iota3A_119, %iota3A_120 : vector<128x128xi32>
    %and3A_863 = arith.andi %gt3A_861, %lt3A_862 : vector<128x128xi1>
    %jit3A_864 = arith.constant 1.000000e+00 : f32
    %jit3A_865 = arith.constant 0.000000e+00 : f32
    %broadcast_in_dim3A_866 = vector.broadcast %jit3A_864 : f32 to vector<128x128xf32>
    %broadcast_in_dim3A_867 = vector.broadcast %jit3A_865 : f32 to vector<128x128xf32>
    %select_n3A_868 = arith.select %and3A_863, %broadcast_in_dim3A_866, %broadcast_in_dim3A_867 : vector<128x128xi1>, vector<128x128xf32>
    %swap3A_869 = arith.constant 0 : index
    %swap3A_870 = arith.constant 0 : index
    %swap3A_871 = vector.load %arg6[%swap3A_869, %swap3A_870] : memref<128x128xf32, #tpu.memory_space<vmem>>, vector<128x128xf32>
    tpu.vector_store %arg6[%swap3A_869, %swap3A_870], %select_n3A_868 {strides = array<i32>} : memref<128x128xf32, #tpu.memory_space<vmem>>, vector<128x128xf32>,
    %while3A_872 = arith.constant 1.000000e+00 : f32
    %while3A_873 = arith.constant 0 : i32
    %while3A_874:3 = scf.while (%while3A_3026 = %select_n3A_715, %while3A_3027 = %while3A_872, %while3A_3028 = %while3A_873) : (vector<1x128xf32>, f32, i32) -> (vector<1x128xf32>, f32, i32) {
      %gt3A_3029 = arith.constant 0.000000e+00 : f32
      %gt3A_3030 = arith.cmpf ogt, %while3A_3027, %gt3A_3029 : f32
      scf.condition(%gt3A_3030) %while3A_3026, %while3A_3027, %while3A_3028 : vector<1x128xf32>, f32, i32
    } do {
    ^bb0(%while3A_3026: vector<1x128xf32>, %while3A_3027: f32, %while3A_3028: i32):
      %get3A_3029 = arith.constant 0 : index
      %get3A_3030 = arith.constant 0 : index
      %get3A_3031 = vector.load %arg6[%get3A_3029, %get3A_3030] : memref<128x128xf32, #tpu.memory_space<vmem>>, vector<128x128xf32>
      %dot_general3A_3032 = arith.constant dense<0.000000e+00> : vector<1x128xf32>
      %dot_general3A_3033 = tpu.matmul %while3A_3026, %get3A_3031, %dot_general3A_3032 {dimension_numbers = #tpu.dot_dimension_numbers<[1], [0], [0], [1], [0, 0, 1, 1], [], []>, transpose_lhs_hint = false} : vector<1x128xf32>, vector<128x128xf32>, vector<1x128xf32> -> vector<1x128xf32>
      %lt3A_3034 = arith.constant 5.000000e-01 : f32
      %lt3A_3035 = vector.broadcast %lt3A_3034 : f32 to vector<1x128xf32>
      %lt3A_3036 = arith.cmpf olt, %dot_general3A_3033, %lt3A_3035 : vector<1x128xf32>
      %jit3A_3037 = arith.constant 0.000000e+00 : f32
      %broadcast_in_dim3A_3038 = vector.broadcast %jit3A_3037 : f32 to vector<1x128xf32>
      %select_n3A_3039 = arith.select %lt3A_3036, %select_n3A_715, %broadcast_in_dim3A_3038 : vector<1x128xi1>, vector<1x128xf32>
      %sub3A_3040 = arith.subf %select_n3A_3039, %while3A_3026 : vector<1x128xf32>
      %abs3A = math.absf %sub3A_3040 : vector<1x128xf32>
      %reduce_sum3A_3041 = vector.shape_cast %abs3A : vector<1x128xf32> to vector<1x1x128xf32>
      %reduce_sum3A_3042 = arith.constant dense<0.000000e+00> : vector<1xf32>
      %reduce_sum3A_3043 = vector.multi_reduction <add>, %reduce_sum3A_3041, %reduce_sum3A_3042 [1, 2] : vector<1x1x128xf32> to vector<1xf32>
      %reduce_sum3A_3044 = vector.shape_cast %reduce_sum3A_3043 : vector<1xf32> to vector<1x1x1xf32>
      %reduce_sum3A_3045 = vector.extract %reduce_sum3A_3044[0, 0, 0] : f32 from vector<1x1x1xf32>
      %lt3A_3046 = arith.constant 128 : i32
      %lt3A_3047 = arith.cmpi slt, %while3A_3028, %lt3A_3046 : i32
      %jit3A_3048 = arith.constant 0.000000e+00 : f32
      %select_n3A_3049 = arith.select %lt3A_3047, %reduce_sum3A_3045, %jit3A_3048 : f32
      %add3A_3050 = arith.constant 1 : i32
      %add3A_3051 = arith.addi %while3A_3028, %add3A_3050 : i32
      scf.yield %select_n3A_3039, %select_n3A_3049, %add3A_3051 : vector<1x128xf32>, f32, i32
    }
    %dot_general3A_875 = arith.constant dense<0.000000e+00> : vector<128x1xf32>
    %dot_general3A_876 = tpu.matmul %select_n3A_125, %while3A_874#0, %dot_general3A_875 {dimension_numbers = #tpu.dot_dimension_numbers<[1], [1], [0], [0], [0, 0, 1, 0], [], []>, transpose_lhs_hint = false} : vector<128x128xf32>, vector<1x128xf32>, vector<128x1xf32> -> vector<128x1xf32>
    %add3A_877 = arith.constant 384 : i32
    %add3A_878 = vector.broadcast %add3A_877 : i32 to vector<128x1xi32>
    %add3A_879 = arith.addi %add3A_878, %iota3A_118 : vector<128x1xi32>
    %max3A_880 = vector.broadcast %broadcast_in_dim3A_802 : vector<128x1xf32> to vector<128x2048xf32>
    %max3A_881 = vector.broadcast %min3A_47 : vector<1x2048xf32> to vector<128x2048xf32>
    %max3A_882 = arith.maximumf %max3A_880, %max3A_881 : vector<128x2048xf32>
    %max3A_883 = vector.broadcast %broadcast_in_dim3A_805 : vector<128x1xf32> to vector<128x2048xf32>
    %max3A_884 = vector.broadcast %min3A_57 : vector<1x2048xf32> to vector<128x2048xf32>
    %max3A_885 = arith.maximumf %max3A_883, %max3A_884 : vector<128x2048xf32>
    %min3A_886 = vector.broadcast %broadcast_in_dim3A_808 : vector<128x1xf32> to vector<128x2048xf32>
    %min3A_887 = vector.broadcast %min3A_67 : vector<1x2048xf32> to vector<128x2048xf32>
    %min3A_888 = arith.minimumf %min3A_886, %min3A_887 : vector<128x2048xf32>
    %min3A_889 = vector.broadcast %broadcast_in_dim3A_811 : vector<128x1xf32> to vector<128x2048xf32>
    %min3A_890 = vector.broadcast %min3A_77 : vector<1x2048xf32> to vector<128x2048xf32>
    %min3A_891 = arith.minimumf %min3A_889, %min3A_890 : vector<128x2048xf32>
    %sub3A_892 = arith.subf %min3A_888, %max3A_882 : vector<128x2048xf32>
    %max3A_893 = arith.constant 0.000000e+00 : f32
    %max3A_894 = vector.broadcast %max3A_893 : f32 to vector<128x2048xf32>
    %max3A_895 = arith.maximumf %sub3A_892, %max3A_894 : vector<128x2048xf32>
    %sub3A_896 = arith.subf %min3A_891, %max3A_885 : vector<128x2048xf32>
    %max3A_897 = arith.constant 0.000000e+00 : f32
    %max3A_898 = vector.broadcast %max3A_897 : f32 to vector<128x2048xf32>
    %max3A_899 = arith.maximumf %sub3A_896, %max3A_898 : vector<128x2048xf32>
    %mul3A_900 = arith.mulf %max3A_895, %max3A_899 : vector<128x2048xf32>
    %add3A_901 = vector.broadcast %broadcast_in_dim3A_814 : vector<128x1xf32> to vector<128x2048xf32>
    %add3A_902 = vector.broadcast %mul3A_80 : vector<1x2048xf32> to vector<128x2048xf32>
    %add3A_903 = arith.addf %add3A_901, %add3A_902 : vector<128x2048xf32>
    %sub3A_904 = arith.subf %add3A_903, %mul3A_900 : vector<128x2048xf32>
    %add3A_905 = arith.constant 9.99999997E-7 : f32
    %add3A_906 = vector.broadcast %add3A_905 : f32 to vector<128x2048xf32>
    %add3A_907 = arith.addf %sub3A_904, %add3A_906 : vector<128x2048xf32>
    %mul3A_908 = arith.constant 0.699999988 : f32
    %mul3A_909 = vector.broadcast %mul3A_908 : f32 to vector<128x2048xf32>
    %mul3A_910 = arith.mulf %mul3A_909, %add3A_907 : vector<128x2048xf32>
    %gt3A_911 = arith.cmpf ogt, %mul3A_900, %mul3A_910 : vector<128x2048xf32>
    %gt3A_912 = arith.constant 0.000000e+00 : f32
    %gt3A_913 = vector.broadcast %gt3A_912 : f32 to vector<128x1xf32>
    %gt3A_914 = arith.cmpf ogt, %dot_general3A_876, %gt3A_913 : vector<128x1xf32>
    %and3A_915 = vector.broadcast %gt3A_914 : vector<128x1xi1> to vector<128x2048xi1>
    %and3A_916 = arith.andi %gt3A_911, %and3A_915 : vector<128x2048xi1>
    %gt3A_917 = vector.broadcast %iota3A : vector<1x2048xi32> to vector<128x2048xi32>
    %gt3A_918 = vector.broadcast %add3A_879 : vector<128x1xi32> to vector<128x2048xi32>
    %gt3A_919 = arith.cmpi sgt, %gt3A_917, %gt3A_918 : vector<128x2048xi32>
    %and3A_920 = arith.andi %and3A_916, %gt3A_919 : vector<128x2048xi1>
    %jit3A_921 = arith.constant 1.000000e+00 : f32
    %jit3A_922 = arith.constant 0.000000e+00 : f32
    %broadcast_in_dim3A_923 = vector.broadcast %jit3A_921 : f32 to vector<128x2048xf32>
    %broadcast_in_dim3A_924 = vector.broadcast %jit3A_922 : f32 to vector<128x2048xf32>
    %select_n3A_925 = arith.select %and3A_920, %broadcast_in_dim3A_923, %broadcast_in_dim3A_924 : vector<128x2048xi1>, vector<128x2048xf32>
    %reduce_max3A_926 = arith.constant dense<0xFF800000> : vector<2048xf32>
    %reduce_max3A_927 = vector.multi_reduction <maximumf>, %select_n3A_925, %reduce_max3A_926 [0] : vector<128x2048xf32> to vector<2048xf32>
    %broadcast_in_dim3A_928 = vector.shape_cast %reduce_max3A_927 : vector<2048xf32> to vector<1x2048xf32>
    %slice3A_929 = vector.extract_strided_slice %broadcast_in_dim3A_928 {offsets = [0, 512], sizes = [1, 128], strides = [1, 1]} : vector<1x2048xf32> to vector<1x128xf32>
    %gt3A_930 = arith.constant 0.000000e+00 : f32
    %gt3A_931 = vector.broadcast %gt3A_930 : f32 to vector<1x128xf32>
    %gt3A_932 = arith.cmpf ogt, %slice3A_929, %gt3A_931 : vector<1x128xf32>
    %jit3A_933 = arith.constant 0.000000e+00 : f32
    %broadcast_in_dim3A_934 = vector.broadcast %jit3A_933 : f32 to vector<1x128xf32>
    %select_n3A_935 = arith.select %gt3A_932, %broadcast_in_dim3A_934, %select_n3A_722 : vector<1x128xi1>, vector<1x128xf32>
    %slice3A_936 = vector.extract_strided_slice %broadcast_in_dim3A_928 {offsets = [0, 640], sizes = [1, 128], strides = [1, 1]} : vector<1x2048xf32> to vector<1x128xf32>
    %gt3A_937 = arith.constant 0.000000e+00 : f32
    %gt3A_938 = vector.broadcast %gt3A_937 : f32 to vector<1x128xf32>
    %gt3A_939 = arith.cmpf ogt, %slice3A_936, %gt3A_938 : vector<1x128xf32>
    %jit3A_940 = arith.constant 0.000000e+00 : f32
    %broadcast_in_dim3A_941 = vector.broadcast %jit3A_940 : f32 to vector<1x128xf32>
    %select_n3A_942 = arith.select %gt3A_939, %broadcast_in_dim3A_941, %select_n3A_729 : vector<1x128xi1>, vector<1x128xf32>
    %slice3A_943 = vector.extract_strided_slice %broadcast_in_dim3A_928 {offsets = [0, 768], sizes = [1, 128], strides = [1, 1]} : vector<1x2048xf32> to vector<1x128xf32>
    %gt3A_944 = arith.constant 0.000000e+00 : f32
    %gt3A_945 = vector.broadcast %gt3A_944 : f32 to vector<1x128xf32>
    %gt3A_946 = arith.cmpf ogt, %slice3A_943, %gt3A_945 : vector<1x128xf32>
    %jit3A_947 = arith.constant 0.000000e+00 : f32
    %broadcast_in_dim3A_948 = vector.broadcast %jit3A_947 : f32 to vector<1x128xf32>
    %select_n3A_949 = arith.select %gt3A_946, %broadcast_in_dim3A_948, %select_n3A_736 : vector<1x128xi1>, vector<1x128xf32>
    %slice3A_950 = vector.extract_strided_slice %broadcast_in_dim3A_928 {offsets = [0, 896], sizes = [1, 128], strides = [1, 1]} : vector<1x2048xf32> to vector<1x128xf32>
    %gt3A_951 = arith.constant 0.000000e+00 : f32
    %gt3A_952 = vector.broadcast %gt3A_951 : f32 to vector<1x128xf32>
    %gt3A_953 = arith.cmpf ogt, %slice3A_950, %gt3A_952 : vector<1x128xf32>
    %jit3A_954 = arith.constant 0.000000e+00 : f32
    %broadcast_in_dim3A_955 = vector.broadcast %jit3A_954 : f32 to vector<1x128xf32>
    %select_n3A_956 = arith.select %gt3A_953, %broadcast_in_dim3A_955, %select_n3A_743 : vector<1x128xi1>, vector<1x128xf32>
    %slice3A_957 = vector.extract_strided_slice %broadcast_in_dim3A_928 {offsets = [0, 1024], sizes = [1, 128], strides = [1, 1]} : vector<1x2048xf32> to vector<1x128xf32>
    %gt3A_958 = arith.constant 0.000000e+00 : f32
    %gt3A_959 = vector.broadcast %gt3A_958 : f32 to vector<1x128xf32>
    %gt3A_960 = arith.cmpf ogt, %slice3A_957, %gt3A_959 : vector<1x128xf32>
    %jit3A_961 = arith.constant 0.000000e+00 : f32
    %broadcast_in_dim3A_962 = vector.broadcast %jit3A_961 : f32 to vector<1x128xf32>
    %select_n3A_963 = arith.select %gt3A_960, %broadcast_in_dim3A_962, %select_n3A_750 : vector<1x128xi1>, vector<1x128xf32>
    %slice3A_964 = vector.extract_strided_slice %broadcast_in_dim3A_928 {offsets = [0, 1152], sizes = [1, 128], strides = [1, 1]} : vector<1x2048xf32> to vector<1x128xf32>
    %gt3A_965 = arith.constant 0.000000e+00 : f32
    %gt3A_966 = vector.broadcast %gt3A_965 : f32 to vector<1x128xf32>
    %gt3A_967 = arith.cmpf ogt, %slice3A_964, %gt3A_966 : vector<1x128xf32>
    %jit3A_968 = arith.constant 0.000000e+00 : f32
    %broadcast_in_dim3A_969 = vector.broadcast %jit3A_968 : f32 to vector<1x128xf32>
    %select_n3A_970 = arith.select %gt3A_967, %broadcast_in_dim3A_969, %select_n3A_757 : vector<1x128xi1>, vector<1x128xf32>
    %slice3A_971 = vector.extract_strided_slice %broadcast_in_dim3A_928 {offsets = [0, 1280], sizes = [1, 128], strides = [1, 1]} : vector<1x2048xf32> to vector<1x128xf32>
    %gt3A_972 = arith.constant 0.000000e+00 : f32
    %gt3A_973 = vector.broadcast %gt3A_972 : f32 to vector<1x128xf32>
    %gt3A_974 = arith.cmpf ogt, %slice3A_971, %gt3A_973 : vector<1x128xf32>
    %jit3A_975 = arith.constant 0.000000e+00 : f32
    %broadcast_in_dim3A_976 = vector.broadcast %jit3A_975 : f32 to vector<1x128xf32>
    %select_n3A_977 = arith.select %gt3A_974, %broadcast_in_dim3A_976, %select_n3A_764 : vector<1x128xi1>, vector<1x128xf32>
    %slice3A_978 = vector.extract_strided_slice %broadcast_in_dim3A_928 {offsets = [0, 1408], sizes = [1, 128], strides = [1, 1]} : vector<1x2048xf32> to vector<1x128xf32>
    %gt3A_979 = arith.constant 0.000000e+00 : f32
    %gt3A_980 = vector.broadcast %gt3A_979 : f32 to vector<1x128xf32>
    %gt3A_981 = arith.cmpf ogt, %slice3A_978, %gt3A_980 : vector<1x128xf32>
    %jit3A_982 = arith.constant 0.000000e+00 : f32
    %broadcast_in_dim3A_983 = vector.broadcast %jit3A_982 : f32 to vector<1x128xf32>
    %select_n3A_984 = arith.select %gt3A_981, %broadcast_in_dim3A_983, %select_n3A_771 : vector<1x128xi1>, vector<1x128xf32>
    %slice3A_985 = vector.extract_strided_slice %broadcast_in_dim3A_928 {offsets = [0, 1536], sizes = [1, 128], strides = [1, 1]} : vector<1x2048xf32> to vector<1x128xf32>
    %gt3A_986 = arith.constant 0.000000e+00 : f32
    %gt3A_987 = vector.broadcast %gt3A_986 : f32 to vector<1x128xf32>
    %gt3A_988 = arith.cmpf ogt, %slice3A_985, %gt3A_987 : vector<1x128xf32>
    %jit3A_989 = arith.constant 0.000000e+00 : f32
    %broadcast_in_dim3A_990 = vector.broadcast %jit3A_989 : f32 to vector<1x128xf32>
    %select_n3A_991 = arith.select %gt3A_988, %broadcast_in_dim3A_990, %select_n3A_778 : vector<1x128xi1>, vector<1x128xf32>
    %slice3A_992 = vector.extract_strided_slice %broadcast_in_dim3A_928 {offsets = [0, 1664], sizes = [1, 128], strides = [1, 1]} : vector<1x2048xf32> to vector<1x128xf32>
    %gt3A_993 = arith.constant 0.000000e+00 : f32
    %gt3A_994 = vector.broadcast %gt3A_993 : f32 to vector<1x128xf32>
    %gt3A_995 = arith.cmpf ogt, %slice3A_992, %gt3A_994 : vector<1x128xf32>
    %jit3A_996 = arith.constant 0.000000e+00 : f32
    %broadcast_in_dim3A_997 = vector.broadcast %jit3A_996 : f32 to vector<1x128xf32>
    %select_n3A_998 = arith.select %gt3A_995, %broadcast_in_dim3A_997, %select_n3A_785 : vector<1x128xi1>, vector<1x128xf32>
    %slice3A_999 = vector.extract_strided_slice %broadcast_in_dim3A_928 {offsets = [0, 1792], sizes = [1, 128], strides = [1, 1]} : vector<1x2048xf32> to vector<1x128xf32>
    %gt3A_1000 = arith.constant 0.000000e+00 : f32
    %gt3A_1001 = vector.broadcast %gt3A_1000 : f32 to vector<1x128xf32>
    %gt3A_1002 = arith.cmpf ogt, %slice3A_999, %gt3A_1001 : vector<1x128xf32>
    %jit3A_1003 = arith.constant 0.000000e+00 : f32
    %broadcast_in_dim3A_1004 = vector.broadcast %jit3A_1003 : f32 to vector<1x128xf32>
    %select_n3A_1005 = arith.select %gt3A_1002, %broadcast_in_dim3A_1004, %select_n3A_792 : vector<1x128xi1>, vector<1x128xf32>
    %slice3A_1006 = vector.extract_strided_slice %broadcast_in_dim3A_928 {offsets = [0, 1920], sizes = [1, 128], strides = [1, 1]} : vector<1x2048xf32> to vector<1x128xf32>
    %gt3A_1007 = arith.constant 0.000000e+00 : f32
    %gt3A_1008 = vector.broadcast %gt3A_1007 : f32 to vector<1x128xf32>
    %gt3A_1009 = arith.cmpf ogt, %slice3A_1006, %gt3A_1008 : vector<1x128xf32>
    %jit3A_1010 = arith.constant 0.000000e+00 : f32
    %broadcast_in_dim3A_1011 = vector.broadcast %jit3A_1010 : f32 to vector<1x128xf32>
    %select_n3A_1012 = arith.select %gt3A_1009, %broadcast_in_dim3A_1011, %select_n3A_799 : vector<1x128xi1>, vector<1x128xf32>
    %slice3A_1013 = vector.extract_strided_slice %reshape3A {offsets = [4, 0], sizes = [1, 128], strides = [1, 1]} : vector<16x128xf32> to vector<1x128xf32>
    %squeeze3A_1014 = vector.shape_cast %slice3A_1013 : vector<1x128xf32> to vector<128xf32>
    %broadcast_in_dim3A_1015 = vector.shape_cast %squeeze3A_1014 : vector<128xf32> to vector<128x1xf32>
    %slice3A_1016 = vector.extract_strided_slice %reshape3A_114 {offsets = [4, 0], sizes = [1, 128], strides = [1, 1]} : vector<16x128xf32> to vector<1x128xf32>
    %squeeze3A_1017 = vector.shape_cast %slice3A_1016 : vector<1x128xf32> to vector<128xf32>
    %broadcast_in_dim3A_1018 = vector.shape_cast %squeeze3A_1017 : vector<128xf32> to vector<128x1xf32>
    %slice3A_1019 = vector.extract_strided_slice %reshape3A_115 {offsets = [4, 0], sizes = [1, 128], strides = [1, 1]} : vector<16x128xf32> to vector<1x128xf32>
    %squeeze3A_1020 = vector.shape_cast %slice3A_1019 : vector<1x128xf32> to vector<128xf32>
    %broadcast_in_dim3A_1021 = vector.shape_cast %squeeze3A_1020 : vector<128xf32> to vector<128x1xf32>
    %slice3A_1022 = vector.extract_strided_slice %reshape3A_116 {offsets = [4, 0], sizes = [1, 128], strides = [1, 1]} : vector<16x128xf32> to vector<1x128xf32>
    %squeeze3A_1023 = vector.shape_cast %slice3A_1022 : vector<1x128xf32> to vector<128xf32>
    %broadcast_in_dim3A_1024 = vector.shape_cast %squeeze3A_1023 : vector<128xf32> to vector<128x1xf32>
    %slice3A_1025 = vector.extract_strided_slice %reshape3A_117 {offsets = [4, 0], sizes = [1, 128], strides = [1, 1]} : vector<16x128xf32> to vector<1x128xf32>
    %squeeze3A_1026 = vector.shape_cast %slice3A_1025 : vector<1x128xf32> to vector<128xf32>
    %broadcast_in_dim3A_1027 = vector.shape_cast %squeeze3A_1026 : vector<128xf32> to vector<128x1xf32>
    %slice3A_1028 = vector.extract_strided_slice %reshape3A {offsets = [4, 0], sizes = [1, 128], strides = [1, 1]} : vector<16x128xf32> to vector<1x128xf32>
    %squeeze3A_1029 = vector.shape_cast %slice3A_1028 : vector<1x128xf32> to vector<128xf32>
    %broadcast_in_dim3A_1030 = vector.shape_cast %squeeze3A_1029 : vector<128xf32> to vector<1x128xf32>
    %max3A_1031 = vector.broadcast %broadcast_in_dim3A_1015 : vector<128x1xf32> to vector<128x128xf32>
    %max3A_1032 = vector.broadcast %broadcast_in_dim3A_1030 : vector<1x128xf32> to vector<128x128xf32>
    %max3A_1033 = arith.maximumf %max3A_1031, %max3A_1032 : vector<128x128xf32>
    %slice3A_1034 = vector.extract_strided_slice %reshape3A_114 {offsets = [4, 0], sizes = [1, 128], strides = [1, 1]} : vector<16x128xf32> to vector<1x128xf32>
    %squeeze3A_1035 = vector.shape_cast %slice3A_1034 : vector<1x128xf32> to vector<128xf32>
    %broadcast_in_dim3A_1036 = vector.shape_cast %squeeze3A_1035 : vector<128xf32> to vector<1x128xf32>
    %max3A_1037 = vector.broadcast %broadcast_in_dim3A_1018 : vector<128x1xf32> to vector<128x128xf32>
    %max3A_1038 = vector.broadcast %broadcast_in_dim3A_1036 : vector<1x128xf32> to vector<128x128xf32>
    %max3A_1039 = arith.maximumf %max3A_1037, %max3A_1038 : vector<128x128xf32>
    %slice3A_1040 = vector.extract_strided_slice %reshape3A_115 {offsets = [4, 0], sizes = [1, 128], strides = [1, 1]} : vector<16x128xf32> to vector<1x128xf32>
    %squeeze3A_1041 = vector.shape_cast %slice3A_1040 : vector<1x128xf32> to vector<128xf32>
    %broadcast_in_dim3A_1042 = vector.shape_cast %squeeze3A_1041 : vector<128xf32> to vector<1x128xf32>
    %min3A_1043 = vector.broadcast %broadcast_in_dim3A_1021 : vector<128x1xf32> to vector<128x128xf32>
    %min3A_1044 = vector.broadcast %broadcast_in_dim3A_1042 : vector<1x128xf32> to vector<128x128xf32>
    %min3A_1045 = arith.minimumf %min3A_1043, %min3A_1044 : vector<128x128xf32>
    %slice3A_1046 = vector.extract_strided_slice %reshape3A_116 {offsets = [4, 0], sizes = [1, 128], strides = [1, 1]} : vector<16x128xf32> to vector<1x128xf32>
    %squeeze3A_1047 = vector.shape_cast %slice3A_1046 : vector<1x128xf32> to vector<128xf32>
    %broadcast_in_dim3A_1048 = vector.shape_cast %squeeze3A_1047 : vector<128xf32> to vector<1x128xf32>
    %min3A_1049 = vector.broadcast %broadcast_in_dim3A_1024 : vector<128x1xf32> to vector<128x128xf32>
    %min3A_1050 = vector.broadcast %broadcast_in_dim3A_1048 : vector<1x128xf32> to vector<128x128xf32>
    %min3A_1051 = arith.minimumf %min3A_1049, %min3A_1050 : vector<128x128xf32>
    %sub3A_1052 = arith.subf %min3A_1045, %max3A_1033 : vector<128x128xf32>
    %max3A_1053 = arith.constant 0.000000e+00 : f32
    %max3A_1054 = vector.broadcast %max3A_1053 : f32 to vector<128x128xf32>
    %max3A_1055 = arith.maximumf %sub3A_1052, %max3A_1054 : vector<128x128xf32>
    %sub3A_1056 = arith.subf %min3A_1051, %max3A_1039 : vector<128x128xf32>
    %max3A_1057 = arith.constant 0.000000e+00 : f32
    %max3A_1058 = vector.broadcast %max3A_1057 : f32 to vector<128x128xf32>
    %max3A_1059 = arith.maximumf %sub3A_1056, %max3A_1058 : vector<128x128xf32>
    %mul3A_1060 = arith.mulf %max3A_1055, %max3A_1059 : vector<128x128xf32>
    %slice3A_1061 = vector.extract_strided_slice %reshape3A_117 {offsets = [4, 0], sizes = [1, 128], strides = [1, 1]} : vector<16x128xf32> to vector<1x128xf32>
    %squeeze3A_1062 = vector.shape_cast %slice3A_1061 : vector<1x128xf32> to vector<128xf32>
    %broadcast_in_dim3A_1063 = vector.shape_cast %squeeze3A_1062 : vector<128xf32> to vector<1x128xf32>
    %add3A_1064 = vector.broadcast %broadcast_in_dim3A_1027 : vector<128x1xf32> to vector<128x128xf32>
    %add3A_1065 = vector.broadcast %broadcast_in_dim3A_1063 : vector<1x128xf32> to vector<128x128xf32>
    %add3A_1066 = arith.addf %add3A_1064, %add3A_1065 : vector<128x128xf32>
    %sub3A_1067 = arith.subf %add3A_1066, %mul3A_1060 : vector<128x128xf32>
    %add3A_1068 = arith.constant 9.99999997E-7 : f32
    %add3A_1069 = vector.broadcast %add3A_1068 : f32 to vector<128x128xf32>
    %add3A_1070 = arith.addf %sub3A_1067, %add3A_1069 : vector<128x128xf32>
    %mul3A_1071 = arith.constant 0.699999988 : f32
    %mul3A_1072 = vector.broadcast %mul3A_1071 : f32 to vector<128x128xf32>
    %mul3A_1073 = arith.mulf %mul3A_1072, %add3A_1070 : vector<128x128xf32>
    %gt3A_1074 = arith.cmpf ogt, %mul3A_1060, %mul3A_1073 : vector<128x128xf32>
    %lt3A_1075 = arith.cmpi slt, %iota3A_119, %iota3A_120 : vector<128x128xi32>
    %and3A_1076 = arith.andi %gt3A_1074, %lt3A_1075 : vector<128x128xi1>
    %jit3A_1077 = arith.constant 1.000000e+00 : f32
    %jit3A_1078 = arith.constant 0.000000e+00 : f32
    %broadcast_in_dim3A_1079 = vector.broadcast %jit3A_1077 : f32 to vector<128x128xf32>
    %broadcast_in_dim3A_1080 = vector.broadcast %jit3A_1078 : f32 to vector<128x128xf32>
    %select_n3A_1081 = arith.select %and3A_1076, %broadcast_in_dim3A_1079, %broadcast_in_dim3A_1080 : vector<128x128xi1>, vector<128x128xf32>
    %swap3A_1082 = arith.constant 0 : index
    %swap3A_1083 = arith.constant 0 : index
    %swap3A_1084 = vector.load %arg6[%swap3A_1082, %swap3A_1083] : memref<128x128xf32, #tpu.memory_space<vmem>>, vector<128x128xf32>
    tpu.vector_store %arg6[%swap3A_1082, %swap3A_1083], %select_n3A_1081 {strides = array<i32>} : memref<128x128xf32, #tpu.memory_space<vmem>>, vector<128x128xf32>,
    %while3A_1085 = arith.constant 1.000000e+00 : f32
    %while3A_1086 = arith.constant 0 : i32
    %while3A_1087:3 = scf.while (%while3A_3026 = %select_n3A_935, %while3A_3027 = %while3A_1085, %while3A_3028 = %while3A_1086) : (vector<1x128xf32>, f32, i32) -> (vector<1x128xf32>, f32, i32) {
      %gt3A_3029 = arith.constant 0.000000e+00 : f32
      %gt3A_3030 = arith.cmpf ogt, %while3A_3027, %gt3A_3029 : f32
      scf.condition(%gt3A_3030) %while3A_3026, %while3A_3027, %while3A_3028 : vector<1x128xf32>, f32, i32
    } do {
    ^bb0(%while3A_3026: vector<1x128xf32>, %while3A_3027: f32, %while3A_3028: i32):
      %get3A_3029 = arith.constant 0 : index
      %get3A_3030 = arith.constant 0 : index
      %get3A_3031 = vector.load %arg6[%get3A_3029, %get3A_3030] : memref<128x128xf32, #tpu.memory_space<vmem>>, vector<128x128xf32>
      %dot_general3A_3032 = arith.constant dense<0.000000e+00> : vector<1x128xf32>
      %dot_general3A_3033 = tpu.matmul %while3A_3026, %get3A_3031, %dot_general3A_3032 {dimension_numbers = #tpu.dot_dimension_numbers<[1], [0], [0], [1], [0, 0, 1, 1], [], []>, transpose_lhs_hint = false} : vector<1x128xf32>, vector<128x128xf32>, vector<1x128xf32> -> vector<1x128xf32>
      %lt3A_3034 = arith.constant 5.000000e-01 : f32
      %lt3A_3035 = vector.broadcast %lt3A_3034 : f32 to vector<1x128xf32>
      %lt3A_3036 = arith.cmpf olt, %dot_general3A_3033, %lt3A_3035 : vector<1x128xf32>
      %jit3A_3037 = arith.constant 0.000000e+00 : f32
      %broadcast_in_dim3A_3038 = vector.broadcast %jit3A_3037 : f32 to vector<1x128xf32>
      %select_n3A_3039 = arith.select %lt3A_3036, %select_n3A_935, %broadcast_in_dim3A_3038 : vector<1x128xi1>, vector<1x128xf32>
      %sub3A_3040 = arith.subf %select_n3A_3039, %while3A_3026 : vector<1x128xf32>
      %abs3A = math.absf %sub3A_3040 : vector<1x128xf32>
      %reduce_sum3A_3041 = vector.shape_cast %abs3A : vector<1x128xf32> to vector<1x1x128xf32>
      %reduce_sum3A_3042 = arith.constant dense<0.000000e+00> : vector<1xf32>
      %reduce_sum3A_3043 = vector.multi_reduction <add>, %reduce_sum3A_3041, %reduce_sum3A_3042 [1, 2] : vector<1x1x128xf32> to vector<1xf32>
      %reduce_sum3A_3044 = vector.shape_cast %reduce_sum3A_3043 : vector<1xf32> to vector<1x1x1xf32>
      %reduce_sum3A_3045 = vector.extract %reduce_sum3A_3044[0, 0, 0] : f32 from vector<1x1x1xf32>
      %lt3A_3046 = arith.constant 128 : i32
      %lt3A_3047 = arith.cmpi slt, %while3A_3028, %lt3A_3046 : i32
      %jit3A_3048 = arith.constant 0.000000e+00 : f32
      %select_n3A_3049 = arith.select %lt3A_3047, %reduce_sum3A_3045, %jit3A_3048 : f32
      %add3A_3050 = arith.constant 1 : i32
      %add3A_3051 = arith.addi %while3A_3028, %add3A_3050 : i32
      scf.yield %select_n3A_3039, %select_n3A_3049, %add3A_3051 : vector<1x128xf32>, f32, i32
    }
    %dot_general3A_1088 = arith.constant dense<0.000000e+00> : vector<128x1xf32>
    %dot_general3A_1089 = tpu.matmul %select_n3A_125, %while3A_1087#0, %dot_general3A_1088 {dimension_numbers = #tpu.dot_dimension_numbers<[1], [1], [0], [0], [0, 0, 1, 0], [], []>, transpose_lhs_hint = false} : vector<128x128xf32>, vector<1x128xf32>, vector<128x1xf32> -> vector<128x1xf32>
    %add3A_1090 = arith.constant 512 : i32
    %add3A_1091 = vector.broadcast %add3A_1090 : i32 to vector<128x1xi32>
    %add3A_1092 = arith.addi %add3A_1091, %iota3A_118 : vector<128x1xi32>
    %max3A_1093 = vector.broadcast %broadcast_in_dim3A_1015 : vector<128x1xf32> to vector<128x2048xf32>
    %max3A_1094 = vector.broadcast %min3A_47 : vector<1x2048xf32> to vector<128x2048xf32>
    %max3A_1095 = arith.maximumf %max3A_1093, %max3A_1094 : vector<128x2048xf32>
    %max3A_1096 = vector.broadcast %broadcast_in_dim3A_1018 : vector<128x1xf32> to vector<128x2048xf32>
    %max3A_1097 = vector.broadcast %min3A_57 : vector<1x2048xf32> to vector<128x2048xf32>
    %max3A_1098 = arith.maximumf %max3A_1096, %max3A_1097 : vector<128x2048xf32>
    %min3A_1099 = vector.broadcast %broadcast_in_dim3A_1021 : vector<128x1xf32> to vector<128x2048xf32>
    %min3A_1100 = vector.broadcast %min3A_67 : vector<1x2048xf32> to vector<128x2048xf32>
    %min3A_1101 = arith.minimumf %min3A_1099, %min3A_1100 : vector<128x2048xf32>
    %min3A_1102 = vector.broadcast %broadcast_in_dim3A_1024 : vector<128x1xf32> to vector<128x2048xf32>
    %min3A_1103 = vector.broadcast %min3A_77 : vector<1x2048xf32> to vector<128x2048xf32>
    %min3A_1104 = arith.minimumf %min3A_1102, %min3A_1103 : vector<128x2048xf32>
    %sub3A_1105 = arith.subf %min3A_1101, %max3A_1095 : vector<128x2048xf32>
    %max3A_1106 = arith.constant 0.000000e+00 : f32
    %max3A_1107 = vector.broadcast %max3A_1106 : f32 to vector<128x2048xf32>
    %max3A_1108 = arith.maximumf %sub3A_1105, %max3A_1107 : vector<128x2048xf32>
    %sub3A_1109 = arith.subf %min3A_1104, %max3A_1098 : vector<128x2048xf32>
    %max3A_1110 = arith.constant 0.000000e+00 : f32
    %max3A_1111 = vector.broadcast %max3A_1110 : f32 to vector<128x2048xf32>
    %max3A_1112 = arith.maximumf %sub3A_1109, %max3A_1111 : vector<128x2048xf32>
    %mul3A_1113 = arith.mulf %max3A_1108, %max3A_1112 : vector<128x2048xf32>
    %add3A_1114 = vector.broadcast %broadcast_in_dim3A_1027 : vector<128x1xf32> to vector<128x2048xf32>
    %add3A_1115 = vector.broadcast %mul3A_80 : vector<1x2048xf32> to vector<128x2048xf32>
    %add3A_1116 = arith.addf %add3A_1114, %add3A_1115 : vector<128x2048xf32>
    %sub3A_1117 = arith.subf %add3A_1116, %mul3A_1113 : vector<128x2048xf32>
    %add3A_1118 = arith.constant 9.99999997E-7 : f32
    %add3A_1119 = vector.broadcast %add3A_1118 : f32 to vector<128x2048xf32>
    %add3A_1120 = arith.addf %sub3A_1117, %add3A_1119 : vector<128x2048xf32>
    %mul3A_1121 = arith.constant 0.699999988 : f32
    %mul3A_1122 = vector.broadcast %mul3A_1121 : f32 to vector<128x2048xf32>
    %mul3A_1123 = arith.mulf %mul3A_1122, %add3A_1120 : vector<128x2048xf32>
    %gt3A_1124 = arith.cmpf ogt, %mul3A_1113, %mul3A_1123 : vector<128x2048xf32>
    %gt3A_1125 = arith.constant 0.000000e+00 : f32
    %gt3A_1126 = vector.broadcast %gt3A_1125 : f32 to vector<128x1xf32>
    %gt3A_1127 = arith.cmpf ogt, %dot_general3A_1089, %gt3A_1126 : vector<128x1xf32>
    %and3A_1128 = vector.broadcast %gt3A_1127 : vector<128x1xi1> to vector<128x2048xi1>
    %and3A_1129 = arith.andi %gt3A_1124, %and3A_1128 : vector<128x2048xi1>
    %gt3A_1130 = vector.broadcast %iota3A : vector<1x2048xi32> to vector<128x2048xi32>
    %gt3A_1131 = vector.broadcast %add3A_1092 : vector<128x1xi32> to vector<128x2048xi32>
    %gt3A_1132 = arith.cmpi sgt, %gt3A_1130, %gt3A_1131 : vector<128x2048xi32>
    %and3A_1133 = arith.andi %and3A_1129, %gt3A_1132 : vector<128x2048xi1>
    %jit3A_1134 = arith.constant 1.000000e+00 : f32
    %jit3A_1135 = arith.constant 0.000000e+00 : f32
    %broadcast_in_dim3A_1136 = vector.broadcast %jit3A_1134 : f32 to vector<128x2048xf32>
    %broadcast_in_dim3A_1137 = vector.broadcast %jit3A_1135 : f32 to vector<128x2048xf32>
    %select_n3A_1138 = arith.select %and3A_1133, %broadcast_in_dim3A_1136, %broadcast_in_dim3A_1137 : vector<128x2048xi1>, vector<128x2048xf32>
    %reduce_max3A_1139 = arith.constant dense<0xFF800000> : vector<2048xf32>
    %reduce_max3A_1140 = vector.multi_reduction <maximumf>, %select_n3A_1138, %reduce_max3A_1139 [0] : vector<128x2048xf32> to vector<2048xf32>
    %broadcast_in_dim3A_1141 = vector.shape_cast %reduce_max3A_1140 : vector<2048xf32> to vector<1x2048xf32>
    %slice3A_1142 = vector.extract_strided_slice %broadcast_in_dim3A_1141 {offsets = [0, 640], sizes = [1, 128], strides = [1, 1]} : vector<1x2048xf32> to vector<1x128xf32>
    %gt3A_1143 = arith.constant 0.000000e+00 : f32
    %gt3A_1144 = vector.broadcast %gt3A_1143 : f32 to vector<1x128xf32>
    %gt3A_1145 = arith.cmpf ogt, %slice3A_1142, %gt3A_1144 : vector<1x128xf32>
    %jit3A_1146 = arith.constant 0.000000e+00 : f32
    %broadcast_in_dim3A_1147 = vector.broadcast %jit3A_1146 : f32 to vector<1x128xf32>
    %select_n3A_1148 = arith.select %gt3A_1145, %broadcast_in_dim3A_1147, %select_n3A_942 : vector<1x128xi1>, vector<1x128xf32>
    %slice3A_1149 = vector.extract_strided_slice %broadcast_in_dim3A_1141 {offsets = [0, 768], sizes = [1, 128], strides = [1, 1]} : vector<1x2048xf32> to vector<1x128xf32>
    %gt3A_1150 = arith.constant 0.000000e+00 : f32
    %gt3A_1151 = vector.broadcast %gt3A_1150 : f32 to vector<1x128xf32>
    %gt3A_1152 = arith.cmpf ogt, %slice3A_1149, %gt3A_1151 : vector<1x128xf32>
    %jit3A_1153 = arith.constant 0.000000e+00 : f32
    %broadcast_in_dim3A_1154 = vector.broadcast %jit3A_1153 : f32 to vector<1x128xf32>
    %select_n3A_1155 = arith.select %gt3A_1152, %broadcast_in_dim3A_1154, %select_n3A_949 : vector<1x128xi1>, vector<1x128xf32>
    %slice3A_1156 = vector.extract_strided_slice %broadcast_in_dim3A_1141 {offsets = [0, 896], sizes = [1, 128], strides = [1, 1]} : vector<1x2048xf32> to vector<1x128xf32>
    %gt3A_1157 = arith.constant 0.000000e+00 : f32
    %gt3A_1158 = vector.broadcast %gt3A_1157 : f32 to vector<1x128xf32>
    %gt3A_1159 = arith.cmpf ogt, %slice3A_1156, %gt3A_1158 : vector<1x128xf32>
    %jit3A_1160 = arith.constant 0.000000e+00 : f32
    %broadcast_in_dim3A_1161 = vector.broadcast %jit3A_1160 : f32 to vector<1x128xf32>
    %select_n3A_1162 = arith.select %gt3A_1159, %broadcast_in_dim3A_1161, %select_n3A_956 : vector<1x128xi1>, vector<1x128xf32>
    %slice3A_1163 = vector.extract_strided_slice %broadcast_in_dim3A_1141 {offsets = [0, 1024], sizes = [1, 128], strides = [1, 1]} : vector<1x2048xf32> to vector<1x128xf32>
    %gt3A_1164 = arith.constant 0.000000e+00 : f32
    %gt3A_1165 = vector.broadcast %gt3A_1164 : f32 to vector<1x128xf32>
    %gt3A_1166 = arith.cmpf ogt, %slice3A_1163, %gt3A_1165 : vector<1x128xf32>
    %jit3A_1167 = arith.constant 0.000000e+00 : f32
    %broadcast_in_dim3A_1168 = vector.broadcast %jit3A_1167 : f32 to vector<1x128xf32>
    %select_n3A_1169 = arith.select %gt3A_1166, %broadcast_in_dim3A_1168, %select_n3A_963 : vector<1x128xi1>, vector<1x128xf32>
    %slice3A_1170 = vector.extract_strided_slice %broadcast_in_dim3A_1141 {offsets = [0, 1152], sizes = [1, 128], strides = [1, 1]} : vector<1x2048xf32> to vector<1x128xf32>
    %gt3A_1171 = arith.constant 0.000000e+00 : f32
    %gt3A_1172 = vector.broadcast %gt3A_1171 : f32 to vector<1x128xf32>
    %gt3A_1173 = arith.cmpf ogt, %slice3A_1170, %gt3A_1172 : vector<1x128xf32>
    %jit3A_1174 = arith.constant 0.000000e+00 : f32
    %broadcast_in_dim3A_1175 = vector.broadcast %jit3A_1174 : f32 to vector<1x128xf32>
    %select_n3A_1176 = arith.select %gt3A_1173, %broadcast_in_dim3A_1175, %select_n3A_970 : vector<1x128xi1>, vector<1x128xf32>
    %slice3A_1177 = vector.extract_strided_slice %broadcast_in_dim3A_1141 {offsets = [0, 1280], sizes = [1, 128], strides = [1, 1]} : vector<1x2048xf32> to vector<1x128xf32>
    %gt3A_1178 = arith.constant 0.000000e+00 : f32
    %gt3A_1179 = vector.broadcast %gt3A_1178 : f32 to vector<1x128xf32>
    %gt3A_1180 = arith.cmpf ogt, %slice3A_1177, %gt3A_1179 : vector<1x128xf32>
    %jit3A_1181 = arith.constant 0.000000e+00 : f32
    %broadcast_in_dim3A_1182 = vector.broadcast %jit3A_1181 : f32 to vector<1x128xf32>
    %select_n3A_1183 = arith.select %gt3A_1180, %broadcast_in_dim3A_1182, %select_n3A_977 : vector<1x128xi1>, vector<1x128xf32>
    %slice3A_1184 = vector.extract_strided_slice %broadcast_in_dim3A_1141 {offsets = [0, 1408], sizes = [1, 128], strides = [1, 1]} : vector<1x2048xf32> to vector<1x128xf32>
    %gt3A_1185 = arith.constant 0.000000e+00 : f32
    %gt3A_1186 = vector.broadcast %gt3A_1185 : f32 to vector<1x128xf32>
    %gt3A_1187 = arith.cmpf ogt, %slice3A_1184, %gt3A_1186 : vector<1x128xf32>
    %jit3A_1188 = arith.constant 0.000000e+00 : f32
    %broadcast_in_dim3A_1189 = vector.broadcast %jit3A_1188 : f32 to vector<1x128xf32>
    %select_n3A_1190 = arith.select %gt3A_1187, %broadcast_in_dim3A_1189, %select_n3A_984 : vector<1x128xi1>, vector<1x128xf32>
    %slice3A_1191 = vector.extract_strided_slice %broadcast_in_dim3A_1141 {offsets = [0, 1536], sizes = [1, 128], strides = [1, 1]} : vector<1x2048xf32> to vector<1x128xf32>
    %gt3A_1192 = arith.constant 0.000000e+00 : f32
    %gt3A_1193 = vector.broadcast %gt3A_1192 : f32 to vector<1x128xf32>
    %gt3A_1194 = arith.cmpf ogt, %slice3A_1191, %gt3A_1193 : vector<1x128xf32>
    %jit3A_1195 = arith.constant 0.000000e+00 : f32
    %broadcast_in_dim3A_1196 = vector.broadcast %jit3A_1195 : f32 to vector<1x128xf32>
    %select_n3A_1197 = arith.select %gt3A_1194, %broadcast_in_dim3A_1196, %select_n3A_991 : vector<1x128xi1>, vector<1x128xf32>
    %slice3A_1198 = vector.extract_strided_slice %broadcast_in_dim3A_1141 {offsets = [0, 1664], sizes = [1, 128], strides = [1, 1]} : vector<1x2048xf32> to vector<1x128xf32>
    %gt3A_1199 = arith.constant 0.000000e+00 : f32
    %gt3A_1200 = vector.broadcast %gt3A_1199 : f32 to vector<1x128xf32>
    %gt3A_1201 = arith.cmpf ogt, %slice3A_1198, %gt3A_1200 : vector<1x128xf32>
    %jit3A_1202 = arith.constant 0.000000e+00 : f32
    %broadcast_in_dim3A_1203 = vector.broadcast %jit3A_1202 : f32 to vector<1x128xf32>
    %select_n3A_1204 = arith.select %gt3A_1201, %broadcast_in_dim3A_1203, %select_n3A_998 : vector<1x128xi1>, vector<1x128xf32>
    %slice3A_1205 = vector.extract_strided_slice %broadcast_in_dim3A_1141 {offsets = [0, 1792], sizes = [1, 128], strides = [1, 1]} : vector<1x2048xf32> to vector<1x128xf32>
    %gt3A_1206 = arith.constant 0.000000e+00 : f32
    %gt3A_1207 = vector.broadcast %gt3A_1206 : f32 to vector<1x128xf32>
    %gt3A_1208 = arith.cmpf ogt, %slice3A_1205, %gt3A_1207 : vector<1x128xf32>
    %jit3A_1209 = arith.constant 0.000000e+00 : f32
    %broadcast_in_dim3A_1210 = vector.broadcast %jit3A_1209 : f32 to vector<1x128xf32>
    %select_n3A_1211 = arith.select %gt3A_1208, %broadcast_in_dim3A_1210, %select_n3A_1005 : vector<1x128xi1>, vector<1x128xf32>
    %slice3A_1212 = vector.extract_strided_slice %broadcast_in_dim3A_1141 {offsets = [0, 1920], sizes = [1, 128], strides = [1, 1]} : vector<1x2048xf32> to vector<1x128xf32>
    %gt3A_1213 = arith.constant 0.000000e+00 : f32
    %gt3A_1214 = vector.broadcast %gt3A_1213 : f32 to vector<1x128xf32>
    %gt3A_1215 = arith.cmpf ogt, %slice3A_1212, %gt3A_1214 : vector<1x128xf32>
    %jit3A_1216 = arith.constant 0.000000e+00 : f32
    %broadcast_in_dim3A_1217 = vector.broadcast %jit3A_1216 : f32 to vector<1x128xf32>
    %select_n3A_1218 = arith.select %gt3A_1215, %broadcast_in_dim3A_1217, %select_n3A_1012 : vector<1x128xi1>, vector<1x128xf32>
    %slice3A_1219 = vector.extract_strided_slice %reshape3A {offsets = [5, 0], sizes = [1, 128], strides = [1, 1]} : vector<16x128xf32> to vector<1x128xf32>
    %squeeze3A_1220 = vector.shape_cast %slice3A_1219 : vector<1x128xf32> to vector<128xf32>
    %broadcast_in_dim3A_1221 = vector.shape_cast %squeeze3A_1220 : vector<128xf32> to vector<128x1xf32>
    %slice3A_1222 = vector.extract_strided_slice %reshape3A_114 {offsets = [5, 0], sizes = [1, 128], strides = [1, 1]} : vector<16x128xf32> to vector<1x128xf32>
    %squeeze3A_1223 = vector.shape_cast %slice3A_1222 : vector<1x128xf32> to vector<128xf32>
    %broadcast_in_dim3A_1224 = vector.shape_cast %squeeze3A_1223 : vector<128xf32> to vector<128x1xf32>
    %slice3A_1225 = vector.extract_strided_slice %reshape3A_115 {offsets = [5, 0], sizes = [1, 128], strides = [1, 1]} : vector<16x128xf32> to vector<1x128xf32>
    %squeeze3A_1226 = vector.shape_cast %slice3A_1225 : vector<1x128xf32> to vector<128xf32>
    %broadcast_in_dim3A_1227 = vector.shape_cast %squeeze3A_1226 : vector<128xf32> to vector<128x1xf32>
    %slice3A_1228 = vector.extract_strided_slice %reshape3A_116 {offsets = [5, 0], sizes = [1, 128], strides = [1, 1]} : vector<16x128xf32> to vector<1x128xf32>
    %squeeze3A_1229 = vector.shape_cast %slice3A_1228 : vector<1x128xf32> to vector<128xf32>
    %broadcast_in_dim3A_1230 = vector.shape_cast %squeeze3A_1229 : vector<128xf32> to vector<128x1xf32>
    %slice3A_1231 = vector.extract_strided_slice %reshape3A_117 {offsets = [5, 0], sizes = [1, 128], strides = [1, 1]} : vector<16x128xf32> to vector<1x128xf32>
    %squeeze3A_1232 = vector.shape_cast %slice3A_1231 : vector<1x128xf32> to vector<128xf32>
    %broadcast_in_dim3A_1233 = vector.shape_cast %squeeze3A_1232 : vector<128xf32> to vector<128x1xf32>
    %slice3A_1234 = vector.extract_strided_slice %reshape3A {offsets = [5, 0], sizes = [1, 128], strides = [1, 1]} : vector<16x128xf32> to vector<1x128xf32>
    %squeeze3A_1235 = vector.shape_cast %slice3A_1234 : vector<1x128xf32> to vector<128xf32>
    %broadcast_in_dim3A_1236 = vector.shape_cast %squeeze3A_1235 : vector<128xf32> to vector<1x128xf32>
    %max3A_1237 = vector.broadcast %broadcast_in_dim3A_1221 : vector<128x1xf32> to vector<128x128xf32>
    %max3A_1238 = vector.broadcast %broadcast_in_dim3A_1236 : vector<1x128xf32> to vector<128x128xf32>
    %max3A_1239 = arith.maximumf %max3A_1237, %max3A_1238 : vector<128x128xf32>
    %slice3A_1240 = vector.extract_strided_slice %reshape3A_114 {offsets = [5, 0], sizes = [1, 128], strides = [1, 1]} : vector<16x128xf32> to vector<1x128xf32>
    %squeeze3A_1241 = vector.shape_cast %slice3A_1240 : vector<1x128xf32> to vector<128xf32>
    %broadcast_in_dim3A_1242 = vector.shape_cast %squeeze3A_1241 : vector<128xf32> to vector<1x128xf32>
    %max3A_1243 = vector.broadcast %broadcast_in_dim3A_1224 : vector<128x1xf32> to vector<128x128xf32>
    %max3A_1244 = vector.broadcast %broadcast_in_dim3A_1242 : vector<1x128xf32> to vector<128x128xf32>
    %max3A_1245 = arith.maximumf %max3A_1243, %max3A_1244 : vector<128x128xf32>
    %slice3A_1246 = vector.extract_strided_slice %reshape3A_115 {offsets = [5, 0], sizes = [1, 128], strides = [1, 1]} : vector<16x128xf32> to vector<1x128xf32>
    %squeeze3A_1247 = vector.shape_cast %slice3A_1246 : vector<1x128xf32> to vector<128xf32>
    %broadcast_in_dim3A_1248 = vector.shape_cast %squeeze3A_1247 : vector<128xf32> to vector<1x128xf32>
    %min3A_1249 = vector.broadcast %broadcast_in_dim3A_1227 : vector<128x1xf32> to vector<128x128xf32>
    %min3A_1250 = vector.broadcast %broadcast_in_dim3A_1248 : vector<1x128xf32> to vector<128x128xf32>
    %min3A_1251 = arith.minimumf %min3A_1249, %min3A_1250 : vector<128x128xf32>
    %slice3A_1252 = vector.extract_strided_slice %reshape3A_116 {offsets = [5, 0], sizes = [1, 128], strides = [1, 1]} : vector<16x128xf32> to vector<1x128xf32>
    %squeeze3A_1253 = vector.shape_cast %slice3A_1252 : vector<1x128xf32> to vector<128xf32>
    %broadcast_in_dim3A_1254 = vector.shape_cast %squeeze3A_1253 : vector<128xf32> to vector<1x128xf32>
    %min3A_1255 = vector.broadcast %broadcast_in_dim3A_1230 : vector<128x1xf32> to vector<128x128xf32>
    %min3A_1256 = vector.broadcast %broadcast_in_dim3A_1254 : vector<1x128xf32> to vector<128x128xf32>
    %min3A_1257 = arith.minimumf %min3A_1255, %min3A_1256 : vector<128x128xf32>
    %sub3A_1258 = arith.subf %min3A_1251, %max3A_1239 : vector<128x128xf32>
    %max3A_1259 = arith.constant 0.000000e+00 : f32
    %max3A_1260 = vector.broadcast %max3A_1259 : f32 to vector<128x128xf32>
    %max3A_1261 = arith.maximumf %sub3A_1258, %max3A_1260 : vector<128x128xf32>
    %sub3A_1262 = arith.subf %min3A_1257, %max3A_1245 : vector<128x128xf32>
    %max3A_1263 = arith.constant 0.000000e+00 : f32
    %max3A_1264 = vector.broadcast %max3A_1263 : f32 to vector<128x128xf32>
    %max3A_1265 = arith.maximumf %sub3A_1262, %max3A_1264 : vector<128x128xf32>
    %mul3A_1266 = arith.mulf %max3A_1261, %max3A_1265 : vector<128x128xf32>
    %slice3A_1267 = vector.extract_strided_slice %reshape3A_117 {offsets = [5, 0], sizes = [1, 128], strides = [1, 1]} : vector<16x128xf32> to vector<1x128xf32>
    %squeeze3A_1268 = vector.shape_cast %slice3A_1267 : vector<1x128xf32> to vector<128xf32>
    %broadcast_in_dim3A_1269 = vector.shape_cast %squeeze3A_1268 : vector<128xf32> to vector<1x128xf32>
    %add3A_1270 = vector.broadcast %broadcast_in_dim3A_1233 : vector<128x1xf32> to vector<128x128xf32>
    %add3A_1271 = vector.broadcast %broadcast_in_dim3A_1269 : vector<1x128xf32> to vector<128x128xf32>
    %add3A_1272 = arith.addf %add3A_1270, %add3A_1271 : vector<128x128xf32>
    %sub3A_1273 = arith.subf %add3A_1272, %mul3A_1266 : vector<128x128xf32>
    %add3A_1274 = arith.constant 9.99999997E-7 : f32
    %add3A_1275 = vector.broadcast %add3A_1274 : f32 to vector<128x128xf32>
    %add3A_1276 = arith.addf %sub3A_1273, %add3A_1275 : vector<128x128xf32>
    %mul3A_1277 = arith.constant 0.699999988 : f32
    %mul3A_1278 = vector.broadcast %mul3A_1277 : f32 to vector<128x128xf32>
    %mul3A_1279 = arith.mulf %mul3A_1278, %add3A_1276 : vector<128x128xf32>
    %gt3A_1280 = arith.cmpf ogt, %mul3A_1266, %mul3A_1279 : vector<128x128xf32>
    %lt3A_1281 = arith.cmpi slt, %iota3A_119, %iota3A_120 : vector<128x128xi32>
    %and3A_1282 = arith.andi %gt3A_1280, %lt3A_1281 : vector<128x128xi1>
    %jit3A_1283 = arith.constant 1.000000e+00 : f32
    %jit3A_1284 = arith.constant 0.000000e+00 : f32
    %broadcast_in_dim3A_1285 = vector.broadcast %jit3A_1283 : f32 to vector<128x128xf32>
    %broadcast_in_dim3A_1286 = vector.broadcast %jit3A_1284 : f32 to vector<128x128xf32>
    %select_n3A_1287 = arith.select %and3A_1282, %broadcast_in_dim3A_1285, %broadcast_in_dim3A_1286 : vector<128x128xi1>, vector<128x128xf32>
    %swap3A_1288 = arith.constant 0 : index
    %swap3A_1289 = arith.constant 0 : index
    %swap3A_1290 = vector.load %arg6[%swap3A_1288, %swap3A_1289] : memref<128x128xf32, #tpu.memory_space<vmem>>, vector<128x128xf32>
    tpu.vector_store %arg6[%swap3A_1288, %swap3A_1289], %select_n3A_1287 {strides = array<i32>} : memref<128x128xf32, #tpu.memory_space<vmem>>, vector<128x128xf32>,
    %while3A_1291 = arith.constant 1.000000e+00 : f32
    %while3A_1292 = arith.constant 0 : i32
    %while3A_1293:3 = scf.while (%while3A_3026 = %select_n3A_1148, %while3A_3027 = %while3A_1291, %while3A_3028 = %while3A_1292) : (vector<1x128xf32>, f32, i32) -> (vector<1x128xf32>, f32, i32) {
      %gt3A_3029 = arith.constant 0.000000e+00 : f32
      %gt3A_3030 = arith.cmpf ogt, %while3A_3027, %gt3A_3029 : f32
      scf.condition(%gt3A_3030) %while3A_3026, %while3A_3027, %while3A_3028 : vector<1x128xf32>, f32, i32
    } do {
    ^bb0(%while3A_3026: vector<1x128xf32>, %while3A_3027: f32, %while3A_3028: i32):
      %get3A_3029 = arith.constant 0 : index
      %get3A_3030 = arith.constant 0 : index
      %get3A_3031 = vector.load %arg6[%get3A_3029, %get3A_3030] : memref<128x128xf32, #tpu.memory_space<vmem>>, vector<128x128xf32>
      %dot_general3A_3032 = arith.constant dense<0.000000e+00> : vector<1x128xf32>
      %dot_general3A_3033 = tpu.matmul %while3A_3026, %get3A_3031, %dot_general3A_3032 {dimension_numbers = #tpu.dot_dimension_numbers<[1], [0], [0], [1], [0, 0, 1, 1], [], []>, transpose_lhs_hint = false} : vector<1x128xf32>, vector<128x128xf32>, vector<1x128xf32> -> vector<1x128xf32>
      %lt3A_3034 = arith.constant 5.000000e-01 : f32
      %lt3A_3035 = vector.broadcast %lt3A_3034 : f32 to vector<1x128xf32>
      %lt3A_3036 = arith.cmpf olt, %dot_general3A_3033, %lt3A_3035 : vector<1x128xf32>
      %jit3A_3037 = arith.constant 0.000000e+00 : f32
      %broadcast_in_dim3A_3038 = vector.broadcast %jit3A_3037 : f32 to vector<1x128xf32>
      %select_n3A_3039 = arith.select %lt3A_3036, %select_n3A_1148, %broadcast_in_dim3A_3038 : vector<1x128xi1>, vector<1x128xf32>
      %sub3A_3040 = arith.subf %select_n3A_3039, %while3A_3026 : vector<1x128xf32>
      %abs3A = math.absf %sub3A_3040 : vector<1x128xf32>
      %reduce_sum3A_3041 = vector.shape_cast %abs3A : vector<1x128xf32> to vector<1x1x128xf32>
      %reduce_sum3A_3042 = arith.constant dense<0.000000e+00> : vector<1xf32>
      %reduce_sum3A_3043 = vector.multi_reduction <add>, %reduce_sum3A_3041, %reduce_sum3A_3042 [1, 2] : vector<1x1x128xf32> to vector<1xf32>
      %reduce_sum3A_3044 = vector.shape_cast %reduce_sum3A_3043 : vector<1xf32> to vector<1x1x1xf32>
      %reduce_sum3A_3045 = vector.extract %reduce_sum3A_3044[0, 0, 0] : f32 from vector<1x1x1xf32>
      %lt3A_3046 = arith.constant 128 : i32
      %lt3A_3047 = arith.cmpi slt, %while3A_3028, %lt3A_3046 : i32
      %jit3A_3048 = arith.constant 0.000000e+00 : f32
      %select_n3A_3049 = arith.select %lt3A_3047, %reduce_sum3A_3045, %jit3A_3048 : f32
      %add3A_3050 = arith.constant 1 : i32
      %add3A_3051 = arith.addi %while3A_3028, %add3A_3050 : i32
      scf.yield %select_n3A_3039, %select_n3A_3049, %add3A_3051 : vector<1x128xf32>, f32, i32
    }
    %dot_general3A_1294 = arith.constant dense<0.000000e+00> : vector<128x1xf32>
    %dot_general3A_1295 = tpu.matmul %select_n3A_125, %while3A_1293#0, %dot_general3A_1294 {dimension_numbers = #tpu.dot_dimension_numbers<[1], [1], [0], [0], [0, 0, 1, 0], [], []>, transpose_lhs_hint = false} : vector<128x128xf32>, vector<1x128xf32>, vector<128x1xf32> -> vector<128x1xf32>
    %add3A_1296 = arith.constant 640 : i32
    %add3A_1297 = vector.broadcast %add3A_1296 : i32 to vector<128x1xi32>
    %add3A_1298 = arith.addi %add3A_1297, %iota3A_118 : vector<128x1xi32>
    %max3A_1299 = vector.broadcast %broadcast_in_dim3A_1221 : vector<128x1xf32> to vector<128x2048xf32>
    %max3A_1300 = vector.broadcast %min3A_47 : vector<1x2048xf32> to vector<128x2048xf32>
    %max3A_1301 = arith.maximumf %max3A_1299, %max3A_1300 : vector<128x2048xf32>
    %max3A_1302 = vector.broadcast %broadcast_in_dim3A_1224 : vector<128x1xf32> to vector<128x2048xf32>
    %max3A_1303 = vector.broadcast %min3A_57 : vector<1x2048xf32> to vector<128x2048xf32>
    %max3A_1304 = arith.maximumf %max3A_1302, %max3A_1303 : vector<128x2048xf32>
    %min3A_1305 = vector.broadcast %broadcast_in_dim3A_1227 : vector<128x1xf32> to vector<128x2048xf32>
    %min3A_1306 = vector.broadcast %min3A_67 : vector<1x2048xf32> to vector<128x2048xf32>
    %min3A_1307 = arith.minimumf %min3A_1305, %min3A_1306 : vector<128x2048xf32>
    %min3A_1308 = vector.broadcast %broadcast_in_dim3A_1230 : vector<128x1xf32> to vector<128x2048xf32>
    %min3A_1309 = vector.broadcast %min3A_77 : vector<1x2048xf32> to vector<128x2048xf32>
    %min3A_1310 = arith.minimumf %min3A_1308, %min3A_1309 : vector<128x2048xf32>
    %sub3A_1311 = arith.subf %min3A_1307, %max3A_1301 : vector<128x2048xf32>
    %max3A_1312 = arith.constant 0.000000e+00 : f32
    %max3A_1313 = vector.broadcast %max3A_1312 : f32 to vector<128x2048xf32>
    %max3A_1314 = arith.maximumf %sub3A_1311, %max3A_1313 : vector<128x2048xf32>
    %sub3A_1315 = arith.subf %min3A_1310, %max3A_1304 : vector<128x2048xf32>
    %max3A_1316 = arith.constant 0.000000e+00 : f32
    %max3A_1317 = vector.broadcast %max3A_1316 : f32 to vector<128x2048xf32>
    %max3A_1318 = arith.maximumf %sub3A_1315, %max3A_1317 : vector<128x2048xf32>
    %mul3A_1319 = arith.mulf %max3A_1314, %max3A_1318 : vector<128x2048xf32>
    %add3A_1320 = vector.broadcast %broadcast_in_dim3A_1233 : vector<128x1xf32> to vector<128x2048xf32>
    %add3A_1321 = vector.broadcast %mul3A_80 : vector<1x2048xf32> to vector<128x2048xf32>
    %add3A_1322 = arith.addf %add3A_1320, %add3A_1321 : vector<128x2048xf32>
    %sub3A_1323 = arith.subf %add3A_1322, %mul3A_1319 : vector<128x2048xf32>
    %add3A_1324 = arith.constant 9.99999997E-7 : f32
    %add3A_1325 = vector.broadcast %add3A_1324 : f32 to vector<128x2048xf32>
    %add3A_1326 = arith.addf %sub3A_1323, %add3A_1325 : vector<128x2048xf32>
    %mul3A_1327 = arith.constant 0.699999988 : f32
    %mul3A_1328 = vector.broadcast %mul3A_1327 : f32 to vector<128x2048xf32>
    %mul3A_1329 = arith.mulf %mul3A_1328, %add3A_1326 : vector<128x2048xf32>
    %gt3A_1330 = arith.cmpf ogt, %mul3A_1319, %mul3A_1329 : vector<128x2048xf32>
    %gt3A_1331 = arith.constant 0.000000e+00 : f32
    %gt3A_1332 = vector.broadcast %gt3A_1331 : f32 to vector<128x1xf32>
    %gt3A_1333 = arith.cmpf ogt, %dot_general3A_1295, %gt3A_1332 : vector<128x1xf32>
    %and3A_1334 = vector.broadcast %gt3A_1333 : vector<128x1xi1> to vector<128x2048xi1>
    %and3A_1335 = arith.andi %gt3A_1330, %and3A_1334 : vector<128x2048xi1>
    %gt3A_1336 = vector.broadcast %iota3A : vector<1x2048xi32> to vector<128x2048xi32>
    %gt3A_1337 = vector.broadcast %add3A_1298 : vector<128x1xi32> to vector<128x2048xi32>
    %gt3A_1338 = arith.cmpi sgt, %gt3A_1336, %gt3A_1337 : vector<128x2048xi32>
    %and3A_1339 = arith.andi %and3A_1335, %gt3A_1338 : vector<128x2048xi1>
    %jit3A_1340 = arith.constant 1.000000e+00 : f32
    %jit3A_1341 = arith.constant 0.000000e+00 : f32
    %broadcast_in_dim3A_1342 = vector.broadcast %jit3A_1340 : f32 to vector<128x2048xf32>
    %broadcast_in_dim3A_1343 = vector.broadcast %jit3A_1341 : f32 to vector<128x2048xf32>
    %select_n3A_1344 = arith.select %and3A_1339, %broadcast_in_dim3A_1342, %broadcast_in_dim3A_1343 : vector<128x2048xi1>, vector<128x2048xf32>
    %reduce_max3A_1345 = arith.constant dense<0xFF800000> : vector<2048xf32>
    %reduce_max3A_1346 = vector.multi_reduction <maximumf>, %select_n3A_1344, %reduce_max3A_1345 [0] : vector<128x2048xf32> to vector<2048xf32>
    %broadcast_in_dim3A_1347 = vector.shape_cast %reduce_max3A_1346 : vector<2048xf32> to vector<1x2048xf32>
    %slice3A_1348 = vector.extract_strided_slice %broadcast_in_dim3A_1347 {offsets = [0, 768], sizes = [1, 128], strides = [1, 1]} : vector<1x2048xf32> to vector<1x128xf32>
    %gt3A_1349 = arith.constant 0.000000e+00 : f32
    %gt3A_1350 = vector.broadcast %gt3A_1349 : f32 to vector<1x128xf32>
    %gt3A_1351 = arith.cmpf ogt, %slice3A_1348, %gt3A_1350 : vector<1x128xf32>
    %jit3A_1352 = arith.constant 0.000000e+00 : f32
    %broadcast_in_dim3A_1353 = vector.broadcast %jit3A_1352 : f32 to vector<1x128xf32>
    %select_n3A_1354 = arith.select %gt3A_1351, %broadcast_in_dim3A_1353, %select_n3A_1155 : vector<1x128xi1>, vector<1x128xf32>
    %slice3A_1355 = vector.extract_strided_slice %broadcast_in_dim3A_1347 {offsets = [0, 896], sizes = [1, 128], strides = [1, 1]} : vector<1x2048xf32> to vector<1x128xf32>
    %gt3A_1356 = arith.constant 0.000000e+00 : f32
    %gt3A_1357 = vector.broadcast %gt3A_1356 : f32 to vector<1x128xf32>
    %gt3A_1358 = arith.cmpf ogt, %slice3A_1355, %gt3A_1357 : vector<1x128xf32>
    %jit3A_1359 = arith.constant 0.000000e+00 : f32
    %broadcast_in_dim3A_1360 = vector.broadcast %jit3A_1359 : f32 to vector<1x128xf32>
    %select_n3A_1361 = arith.select %gt3A_1358, %broadcast_in_dim3A_1360, %select_n3A_1162 : vector<1x128xi1>, vector<1x128xf32>
    %slice3A_1362 = vector.extract_strided_slice %broadcast_in_dim3A_1347 {offsets = [0, 1024], sizes = [1, 128], strides = [1, 1]} : vector<1x2048xf32> to vector<1x128xf32>
    %gt3A_1363 = arith.constant 0.000000e+00 : f32
    %gt3A_1364 = vector.broadcast %gt3A_1363 : f32 to vector<1x128xf32>
    %gt3A_1365 = arith.cmpf ogt, %slice3A_1362, %gt3A_1364 : vector<1x128xf32>
    %jit3A_1366 = arith.constant 0.000000e+00 : f32
    %broadcast_in_dim3A_1367 = vector.broadcast %jit3A_1366 : f32 to vector<1x128xf32>
    %select_n3A_1368 = arith.select %gt3A_1365, %broadcast_in_dim3A_1367, %select_n3A_1169 : vector<1x128xi1>, vector<1x128xf32>
    %slice3A_1369 = vector.extract_strided_slice %broadcast_in_dim3A_1347 {offsets = [0, 1152], sizes = [1, 128], strides = [1, 1]} : vector<1x2048xf32> to vector<1x128xf32>
    %gt3A_1370 = arith.constant 0.000000e+00 : f32
    %gt3A_1371 = vector.broadcast %gt3A_1370 : f32 to vector<1x128xf32>
    %gt3A_1372 = arith.cmpf ogt, %slice3A_1369, %gt3A_1371 : vector<1x128xf32>
    %jit3A_1373 = arith.constant 0.000000e+00 : f32
    %broadcast_in_dim3A_1374 = vector.broadcast %jit3A_1373 : f32 to vector<1x128xf32>
    %select_n3A_1375 = arith.select %gt3A_1372, %broadcast_in_dim3A_1374, %select_n3A_1176 : vector<1x128xi1>, vector<1x128xf32>
    %slice3A_1376 = vector.extract_strided_slice %broadcast_in_dim3A_1347 {offsets = [0, 1280], sizes = [1, 128], strides = [1, 1]} : vector<1x2048xf32> to vector<1x128xf32>
    %gt3A_1377 = arith.constant 0.000000e+00 : f32
    %gt3A_1378 = vector.broadcast %gt3A_1377 : f32 to vector<1x128xf32>
    %gt3A_1379 = arith.cmpf ogt, %slice3A_1376, %gt3A_1378 : vector<1x128xf32>
    %jit3A_1380 = arith.constant 0.000000e+00 : f32
    %broadcast_in_dim3A_1381 = vector.broadcast %jit3A_1380 : f32 to vector<1x128xf32>
    %select_n3A_1382 = arith.select %gt3A_1379, %broadcast_in_dim3A_1381, %select_n3A_1183 : vector<1x128xi1>, vector<1x128xf32>
    %slice3A_1383 = vector.extract_strided_slice %broadcast_in_dim3A_1347 {offsets = [0, 1408], sizes = [1, 128], strides = [1, 1]} : vector<1x2048xf32> to vector<1x128xf32>
    %gt3A_1384 = arith.constant 0.000000e+00 : f32
    %gt3A_1385 = vector.broadcast %gt3A_1384 : f32 to vector<1x128xf32>
    %gt3A_1386 = arith.cmpf ogt, %slice3A_1383, %gt3A_1385 : vector<1x128xf32>
    %jit3A_1387 = arith.constant 0.000000e+00 : f32
    %broadcast_in_dim3A_1388 = vector.broadcast %jit3A_1387 : f32 to vector<1x128xf32>
    %select_n3A_1389 = arith.select %gt3A_1386, %broadcast_in_dim3A_1388, %select_n3A_1190 : vector<1x128xi1>, vector<1x128xf32>
    %slice3A_1390 = vector.extract_strided_slice %broadcast_in_dim3A_1347 {offsets = [0, 1536], sizes = [1, 128], strides = [1, 1]} : vector<1x2048xf32> to vector<1x128xf32>
    %gt3A_1391 = arith.constant 0.000000e+00 : f32
    %gt3A_1392 = vector.broadcast %gt3A_1391 : f32 to vector<1x128xf32>
    %gt3A_1393 = arith.cmpf ogt, %slice3A_1390, %gt3A_1392 : vector<1x128xf32>
    %jit3A_1394 = arith.constant 0.000000e+00 : f32
    %broadcast_in_dim3A_1395 = vector.broadcast %jit3A_1394 : f32 to vector<1x128xf32>
    %select_n3A_1396 = arith.select %gt3A_1393, %broadcast_in_dim3A_1395, %select_n3A_1197 : vector<1x128xi1>, vector<1x128xf32>
    %slice3A_1397 = vector.extract_strided_slice %broadcast_in_dim3A_1347 {offsets = [0, 1664], sizes = [1, 128], strides = [1, 1]} : vector<1x2048xf32> to vector<1x128xf32>
    %gt3A_1398 = arith.constant 0.000000e+00 : f32
    %gt3A_1399 = vector.broadcast %gt3A_1398 : f32 to vector<1x128xf32>
    %gt3A_1400 = arith.cmpf ogt, %slice3A_1397, %gt3A_1399 : vector<1x128xf32>
    %jit3A_1401 = arith.constant 0.000000e+00 : f32
    %broadcast_in_dim3A_1402 = vector.broadcast %jit3A_1401 : f32 to vector<1x128xf32>
    %select_n3A_1403 = arith.select %gt3A_1400, %broadcast_in_dim3A_1402, %select_n3A_1204 : vector<1x128xi1>, vector<1x128xf32>
    %slice3A_1404 = vector.extract_strided_slice %broadcast_in_dim3A_1347 {offsets = [0, 1792], sizes = [1, 128], strides = [1, 1]} : vector<1x2048xf32> to vector<1x128xf32>
    %gt3A_1405 = arith.constant 0.000000e+00 : f32
    %gt3A_1406 = vector.broadcast %gt3A_1405 : f32 to vector<1x128xf32>
    %gt3A_1407 = arith.cmpf ogt, %slice3A_1404, %gt3A_1406 : vector<1x128xf32>
    %jit3A_1408 = arith.constant 0.000000e+00 : f32
    %broadcast_in_dim3A_1409 = vector.broadcast %jit3A_1408 : f32 to vector<1x128xf32>
    %select_n3A_1410 = arith.select %gt3A_1407, %broadcast_in_dim3A_1409, %select_n3A_1211 : vector<1x128xi1>, vector<1x128xf32>
    %slice3A_1411 = vector.extract_strided_slice %broadcast_in_dim3A_1347 {offsets = [0, 1920], sizes = [1, 128], strides = [1, 1]} : vector<1x2048xf32> to vector<1x128xf32>
    %gt3A_1412 = arith.constant 0.000000e+00 : f32
    %gt3A_1413 = vector.broadcast %gt3A_1412 : f32 to vector<1x128xf32>
    %gt3A_1414 = arith.cmpf ogt, %slice3A_1411, %gt3A_1413 : vector<1x128xf32>
    %jit3A_1415 = arith.constant 0.000000e+00 : f32
    %broadcast_in_dim3A_1416 = vector.broadcast %jit3A_1415 : f32 to vector<1x128xf32>
    %select_n3A_1417 = arith.select %gt3A_1414, %broadcast_in_dim3A_1416, %select_n3A_1218 : vector<1x128xi1>, vector<1x128xf32>
    %slice3A_1418 = vector.extract_strided_slice %reshape3A {offsets = [6, 0], sizes = [1, 128], strides = [1, 1]} : vector<16x128xf32> to vector<1x128xf32>
    %squeeze3A_1419 = vector.shape_cast %slice3A_1418 : vector<1x128xf32> to vector<128xf32>
    %broadcast_in_dim3A_1420 = vector.shape_cast %squeeze3A_1419 : vector<128xf32> to vector<128x1xf32>
    %slice3A_1421 = vector.extract_strided_slice %reshape3A_114 {offsets = [6, 0], sizes = [1, 128], strides = [1, 1]} : vector<16x128xf32> to vector<1x128xf32>
    %squeeze3A_1422 = vector.shape_cast %slice3A_1421 : vector<1x128xf32> to vector<128xf32>
    %broadcast_in_dim3A_1423 = vector.shape_cast %squeeze3A_1422 : vector<128xf32> to vector<128x1xf32>
    %slice3A_1424 = vector.extract_strided_slice %reshape3A_115 {offsets = [6, 0], sizes = [1, 128], strides = [1, 1]} : vector<16x128xf32> to vector<1x128xf32>
    %squeeze3A_1425 = vector.shape_cast %slice3A_1424 : vector<1x128xf32> to vector<128xf32>
    %broadcast_in_dim3A_1426 = vector.shape_cast %squeeze3A_1425 : vector<128xf32> to vector<128x1xf32>
    %slice3A_1427 = vector.extract_strided_slice %reshape3A_116 {offsets = [6, 0], sizes = [1, 128], strides = [1, 1]} : vector<16x128xf32> to vector<1x128xf32>
    %squeeze3A_1428 = vector.shape_cast %slice3A_1427 : vector<1x128xf32> to vector<128xf32>
    %broadcast_in_dim3A_1429 = vector.shape_cast %squeeze3A_1428 : vector<128xf32> to vector<128x1xf32>
    %slice3A_1430 = vector.extract_strided_slice %reshape3A_117 {offsets = [6, 0], sizes = [1, 128], strides = [1, 1]} : vector<16x128xf32> to vector<1x128xf32>
    %squeeze3A_1431 = vector.shape_cast %slice3A_1430 : vector<1x128xf32> to vector<128xf32>
    %broadcast_in_dim3A_1432 = vector.shape_cast %squeeze3A_1431 : vector<128xf32> to vector<128x1xf32>
    %slice3A_1433 = vector.extract_strided_slice %reshape3A {offsets = [6, 0], sizes = [1, 128], strides = [1, 1]} : vector<16x128xf32> to vector<1x128xf32>
    %squeeze3A_1434 = vector.shape_cast %slice3A_1433 : vector<1x128xf32> to vector<128xf32>
    %broadcast_in_dim3A_1435 = vector.shape_cast %squeeze3A_1434 : vector<128xf32> to vector<1x128xf32>
    %max3A_1436 = vector.broadcast %broadcast_in_dim3A_1420 : vector<128x1xf32> to vector<128x128xf32>
    %max3A_1437 = vector.broadcast %broadcast_in_dim3A_1435 : vector<1x128xf32> to vector<128x128xf32>
    %max3A_1438 = arith.maximumf %max3A_1436, %max3A_1437 : vector<128x128xf32>
    %slice3A_1439 = vector.extract_strided_slice %reshape3A_114 {offsets = [6, 0], sizes = [1, 128], strides = [1, 1]} : vector<16x128xf32> to vector<1x128xf32>
    %squeeze3A_1440 = vector.shape_cast %slice3A_1439 : vector<1x128xf32> to vector<128xf32>
    %broadcast_in_dim3A_1441 = vector.shape_cast %squeeze3A_1440 : vector<128xf32> to vector<1x128xf32>
    %max3A_1442 = vector.broadcast %broadcast_in_dim3A_1423 : vector<128x1xf32> to vector<128x128xf32>
    %max3A_1443 = vector.broadcast %broadcast_in_dim3A_1441 : vector<1x128xf32> to vector<128x128xf32>
    %max3A_1444 = arith.maximumf %max3A_1442, %max3A_1443 : vector<128x128xf32>
    %slice3A_1445 = vector.extract_strided_slice %reshape3A_115 {offsets = [6, 0], sizes = [1, 128], strides = [1, 1]} : vector<16x128xf32> to vector<1x128xf32>
    %squeeze3A_1446 = vector.shape_cast %slice3A_1445 : vector<1x128xf32> to vector<128xf32>
    %broadcast_in_dim3A_1447 = vector.shape_cast %squeeze3A_1446 : vector<128xf32> to vector<1x128xf32>
    %min3A_1448 = vector.broadcast %broadcast_in_dim3A_1426 : vector<128x1xf32> to vector<128x128xf32>
    %min3A_1449 = vector.broadcast %broadcast_in_dim3A_1447 : vector<1x128xf32> to vector<128x128xf32>
    %min3A_1450 = arith.minimumf %min3A_1448, %min3A_1449 : vector<128x128xf32>
    %slice3A_1451 = vector.extract_strided_slice %reshape3A_116 {offsets = [6, 0], sizes = [1, 128], strides = [1, 1]} : vector<16x128xf32> to vector<1x128xf32>
    %squeeze3A_1452 = vector.shape_cast %slice3A_1451 : vector<1x128xf32> to vector<128xf32>
    %broadcast_in_dim3A_1453 = vector.shape_cast %squeeze3A_1452 : vector<128xf32> to vector<1x128xf32>
    %min3A_1454 = vector.broadcast %broadcast_in_dim3A_1429 : vector<128x1xf32> to vector<128x128xf32>
    %min3A_1455 = vector.broadcast %broadcast_in_dim3A_1453 : vector<1x128xf32> to vector<128x128xf32>
    %min3A_1456 = arith.minimumf %min3A_1454, %min3A_1455 : vector<128x128xf32>
    %sub3A_1457 = arith.subf %min3A_1450, %max3A_1438 : vector<128x128xf32>
    %max3A_1458 = arith.constant 0.000000e+00 : f32
    %max3A_1459 = vector.broadcast %max3A_1458 : f32 to vector<128x128xf32>
    %max3A_1460 = arith.maximumf %sub3A_1457, %max3A_1459 : vector<128x128xf32>
    %sub3A_1461 = arith.subf %min3A_1456, %max3A_1444 : vector<128x128xf32>
    %max3A_1462 = arith.constant 0.000000e+00 : f32
    %max3A_1463 = vector.broadcast %max3A_1462 : f32 to vector<128x128xf32>
    %max3A_1464 = arith.maximumf %sub3A_1461, %max3A_1463 : vector<128x128xf32>
    %mul3A_1465 = arith.mulf %max3A_1460, %max3A_1464 : vector<128x128xf32>
    %slice3A_1466 = vector.extract_strided_slice %reshape3A_117 {offsets = [6, 0], sizes = [1, 128], strides = [1, 1]} : vector<16x128xf32> to vector<1x128xf32>
    %squeeze3A_1467 = vector.shape_cast %slice3A_1466 : vector<1x128xf32> to vector<128xf32>
    %broadcast_in_dim3A_1468 = vector.shape_cast %squeeze3A_1467 : vector<128xf32> to vector<1x128xf32>
    %add3A_1469 = vector.broadcast %broadcast_in_dim3A_1432 : vector<128x1xf32> to vector<128x128xf32>
    %add3A_1470 = vector.broadcast %broadcast_in_dim3A_1468 : vector<1x128xf32> to vector<128x128xf32>
    %add3A_1471 = arith.addf %add3A_1469, %add3A_1470 : vector<128x128xf32>
    %sub3A_1472 = arith.subf %add3A_1471, %mul3A_1465 : vector<128x128xf32>
    %add3A_1473 = arith.constant 9.99999997E-7 : f32
    %add3A_1474 = vector.broadcast %add3A_1473 : f32 to vector<128x128xf32>
    %add3A_1475 = arith.addf %sub3A_1472, %add3A_1474 : vector<128x128xf32>
    %mul3A_1476 = arith.constant 0.699999988 : f32
    %mul3A_1477 = vector.broadcast %mul3A_1476 : f32 to vector<128x128xf32>
    %mul3A_1478 = arith.mulf %mul3A_1477, %add3A_1475 : vector<128x128xf32>
    %gt3A_1479 = arith.cmpf ogt, %mul3A_1465, %mul3A_1478 : vector<128x128xf32>
    %lt3A_1480 = arith.cmpi slt, %iota3A_119, %iota3A_120 : vector<128x128xi32>
    %and3A_1481 = arith.andi %gt3A_1479, %lt3A_1480 : vector<128x128xi1>
    %jit3A_1482 = arith.constant 1.000000e+00 : f32
    %jit3A_1483 = arith.constant 0.000000e+00 : f32
    %broadcast_in_dim3A_1484 = vector.broadcast %jit3A_1482 : f32 to vector<128x128xf32>
    %broadcast_in_dim3A_1485 = vector.broadcast %jit3A_1483 : f32 to vector<128x128xf32>
    %select_n3A_1486 = arith.select %and3A_1481, %broadcast_in_dim3A_1484, %broadcast_in_dim3A_1485 : vector<128x128xi1>, vector<128x128xf32>
    %swap3A_1487 = arith.constant 0 : index
    %swap3A_1488 = arith.constant 0 : index
    %swap3A_1489 = vector.load %arg6[%swap3A_1487, %swap3A_1488] : memref<128x128xf32, #tpu.memory_space<vmem>>, vector<128x128xf32>
    tpu.vector_store %arg6[%swap3A_1487, %swap3A_1488], %select_n3A_1486 {strides = array<i32>} : memref<128x128xf32, #tpu.memory_space<vmem>>, vector<128x128xf32>,
    %while3A_1490 = arith.constant 1.000000e+00 : f32
    %while3A_1491 = arith.constant 0 : i32
    %while3A_1492:3 = scf.while (%while3A_3026 = %select_n3A_1354, %while3A_3027 = %while3A_1490, %while3A_3028 = %while3A_1491) : (vector<1x128xf32>, f32, i32) -> (vector<1x128xf32>, f32, i32) {
      %gt3A_3029 = arith.constant 0.000000e+00 : f32
      %gt3A_3030 = arith.cmpf ogt, %while3A_3027, %gt3A_3029 : f32
      scf.condition(%gt3A_3030) %while3A_3026, %while3A_3027, %while3A_3028 : vector<1x128xf32>, f32, i32
    } do {
    ^bb0(%while3A_3026: vector<1x128xf32>, %while3A_3027: f32, %while3A_3028: i32):
      %get3A_3029 = arith.constant 0 : index
      %get3A_3030 = arith.constant 0 : index
      %get3A_3031 = vector.load %arg6[%get3A_3029, %get3A_3030] : memref<128x128xf32, #tpu.memory_space<vmem>>, vector<128x128xf32>
      %dot_general3A_3032 = arith.constant dense<0.000000e+00> : vector<1x128xf32>
      %dot_general3A_3033 = tpu.matmul %while3A_3026, %get3A_3031, %dot_general3A_3032 {dimension_numbers = #tpu.dot_dimension_numbers<[1], [0], [0], [1], [0, 0, 1, 1], [], []>, transpose_lhs_hint = false} : vector<1x128xf32>, vector<128x128xf32>, vector<1x128xf32> -> vector<1x128xf32>
      %lt3A_3034 = arith.constant 5.000000e-01 : f32
      %lt3A_3035 = vector.broadcast %lt3A_3034 : f32 to vector<1x128xf32>
      %lt3A_3036 = arith.cmpf olt, %dot_general3A_3033, %lt3A_3035 : vector<1x128xf32>
      %jit3A_3037 = arith.constant 0.000000e+00 : f32
      %broadcast_in_dim3A_3038 = vector.broadcast %jit3A_3037 : f32 to vector<1x128xf32>
      %select_n3A_3039 = arith.select %lt3A_3036, %select_n3A_1354, %broadcast_in_dim3A_3038 : vector<1x128xi1>, vector<1x128xf32>
      %sub3A_3040 = arith.subf %select_n3A_3039, %while3A_3026 : vector<1x128xf32>
      %abs3A = math.absf %sub3A_3040 : vector<1x128xf32>
      %reduce_sum3A_3041 = vector.shape_cast %abs3A : vector<1x128xf32> to vector<1x1x128xf32>
      %reduce_sum3A_3042 = arith.constant dense<0.000000e+00> : vector<1xf32>
      %reduce_sum3A_3043 = vector.multi_reduction <add>, %reduce_sum3A_3041, %reduce_sum3A_3042 [1, 2] : vector<1x1x128xf32> to vector<1xf32>
      %reduce_sum3A_3044 = vector.shape_cast %reduce_sum3A_3043 : vector<1xf32> to vector<1x1x1xf32>
      %reduce_sum3A_3045 = vector.extract %reduce_sum3A_3044[0, 0, 0] : f32 from vector<1x1x1xf32>
      %lt3A_3046 = arith.constant 128 : i32
      %lt3A_3047 = arith.cmpi slt, %while3A_3028, %lt3A_3046 : i32
      %jit3A_3048 = arith.constant 0.000000e+00 : f32
      %select_n3A_3049 = arith.select %lt3A_3047, %reduce_sum3A_3045, %jit3A_3048 : f32
      %add3A_3050 = arith.constant 1 : i32
      %add3A_3051 = arith.addi %while3A_3028, %add3A_3050 : i32
      scf.yield %select_n3A_3039, %select_n3A_3049, %add3A_3051 : vector<1x128xf32>, f32, i32
    }
    %dot_general3A_1493 = arith.constant dense<0.000000e+00> : vector<128x1xf32>
    %dot_general3A_1494 = tpu.matmul %select_n3A_125, %while3A_1492#0, %dot_general3A_1493 {dimension_numbers = #tpu.dot_dimension_numbers<[1], [1], [0], [0], [0, 0, 1, 0], [], []>, transpose_lhs_hint = false} : vector<128x128xf32>, vector<1x128xf32>, vector<128x1xf32> -> vector<128x1xf32>
    %add3A_1495 = arith.constant 768 : i32
    %add3A_1496 = vector.broadcast %add3A_1495 : i32 to vector<128x1xi32>
    %add3A_1497 = arith.addi %add3A_1496, %iota3A_118 : vector<128x1xi32>
    %max3A_1498 = vector.broadcast %broadcast_in_dim3A_1420 : vector<128x1xf32> to vector<128x2048xf32>
    %max3A_1499 = vector.broadcast %min3A_47 : vector<1x2048xf32> to vector<128x2048xf32>
    %max3A_1500 = arith.maximumf %max3A_1498, %max3A_1499 : vector<128x2048xf32>
    %max3A_1501 = vector.broadcast %broadcast_in_dim3A_1423 : vector<128x1xf32> to vector<128x2048xf32>
    %max3A_1502 = vector.broadcast %min3A_57 : vector<1x2048xf32> to vector<128x2048xf32>
    %max3A_1503 = arith.maximumf %max3A_1501, %max3A_1502 : vector<128x2048xf32>
    %min3A_1504 = vector.broadcast %broadcast_in_dim3A_1426 : vector<128x1xf32> to vector<128x2048xf32>
    %min3A_1505 = vector.broadcast %min3A_67 : vector<1x2048xf32> to vector<128x2048xf32>
    %min3A_1506 = arith.minimumf %min3A_1504, %min3A_1505 : vector<128x2048xf32>
    %min3A_1507 = vector.broadcast %broadcast_in_dim3A_1429 : vector<128x1xf32> to vector<128x2048xf32>
    %min3A_1508 = vector.broadcast %min3A_77 : vector<1x2048xf32> to vector<128x2048xf32>
    %min3A_1509 = arith.minimumf %min3A_1507, %min3A_1508 : vector<128x2048xf32>
    %sub3A_1510 = arith.subf %min3A_1506, %max3A_1500 : vector<128x2048xf32>
    %max3A_1511 = arith.constant 0.000000e+00 : f32
    %max3A_1512 = vector.broadcast %max3A_1511 : f32 to vector<128x2048xf32>
    %max3A_1513 = arith.maximumf %sub3A_1510, %max3A_1512 : vector<128x2048xf32>
    %sub3A_1514 = arith.subf %min3A_1509, %max3A_1503 : vector<128x2048xf32>
    %max3A_1515 = arith.constant 0.000000e+00 : f32
    %max3A_1516 = vector.broadcast %max3A_1515 : f32 to vector<128x2048xf32>
    %max3A_1517 = arith.maximumf %sub3A_1514, %max3A_1516 : vector<128x2048xf32>
    %mul3A_1518 = arith.mulf %max3A_1513, %max3A_1517 : vector<128x2048xf32>
    %add3A_1519 = vector.broadcast %broadcast_in_dim3A_1432 : vector<128x1xf32> to vector<128x2048xf32>
    %add3A_1520 = vector.broadcast %mul3A_80 : vector<1x2048xf32> to vector<128x2048xf32>
    %add3A_1521 = arith.addf %add3A_1519, %add3A_1520 : vector<128x2048xf32>
    %sub3A_1522 = arith.subf %add3A_1521, %mul3A_1518 : vector<128x2048xf32>
    %add3A_1523 = arith.constant 9.99999997E-7 : f32
    %add3A_1524 = vector.broadcast %add3A_1523 : f32 to vector<128x2048xf32>
    %add3A_1525 = arith.addf %sub3A_1522, %add3A_1524 : vector<128x2048xf32>
    %mul3A_1526 = arith.constant 0.699999988 : f32
    %mul3A_1527 = vector.broadcast %mul3A_1526 : f32 to vector<128x2048xf32>
    %mul3A_1528 = arith.mulf %mul3A_1527, %add3A_1525 : vector<128x2048xf32>
    %gt3A_1529 = arith.cmpf ogt, %mul3A_1518, %mul3A_1528 : vector<128x2048xf32>
    %gt3A_1530 = arith.constant 0.000000e+00 : f32
    %gt3A_1531 = vector.broadcast %gt3A_1530 : f32 to vector<128x1xf32>
    %gt3A_1532 = arith.cmpf ogt, %dot_general3A_1494, %gt3A_1531 : vector<128x1xf32>
    %and3A_1533 = vector.broadcast %gt3A_1532 : vector<128x1xi1> to vector<128x2048xi1>
    %and3A_1534 = arith.andi %gt3A_1529, %and3A_1533 : vector<128x2048xi1>
    %gt3A_1535 = vector.broadcast %iota3A : vector<1x2048xi32> to vector<128x2048xi32>
    %gt3A_1536 = vector.broadcast %add3A_1497 : vector<128x1xi32> to vector<128x2048xi32>
    %gt3A_1537 = arith.cmpi sgt, %gt3A_1535, %gt3A_1536 : vector<128x2048xi32>
    %and3A_1538 = arith.andi %and3A_1534, %gt3A_1537 : vector<128x2048xi1>
    %jit3A_1539 = arith.constant 1.000000e+00 : f32
    %jit3A_1540 = arith.constant 0.000000e+00 : f32
    %broadcast_in_dim3A_1541 = vector.broadcast %jit3A_1539 : f32 to vector<128x2048xf32>
    %broadcast_in_dim3A_1542 = vector.broadcast %jit3A_1540 : f32 to vector<128x2048xf32>
    %select_n3A_1543 = arith.select %and3A_1538, %broadcast_in_dim3A_1541, %broadcast_in_dim3A_1542 : vector<128x2048xi1>, vector<128x2048xf32>
    %reduce_max3A_1544 = arith.constant dense<0xFF800000> : vector<2048xf32>
    %reduce_max3A_1545 = vector.multi_reduction <maximumf>, %select_n3A_1543, %reduce_max3A_1544 [0] : vector<128x2048xf32> to vector<2048xf32>
    %broadcast_in_dim3A_1546 = vector.shape_cast %reduce_max3A_1545 : vector<2048xf32> to vector<1x2048xf32>
    %slice3A_1547 = vector.extract_strided_slice %broadcast_in_dim3A_1546 {offsets = [0, 896], sizes = [1, 128], strides = [1, 1]} : vector<1x2048xf32> to vector<1x128xf32>
    %gt3A_1548 = arith.constant 0.000000e+00 : f32
    %gt3A_1549 = vector.broadcast %gt3A_1548 : f32 to vector<1x128xf32>
    %gt3A_1550 = arith.cmpf ogt, %slice3A_1547, %gt3A_1549 : vector<1x128xf32>
    %jit3A_1551 = arith.constant 0.000000e+00 : f32
    %broadcast_in_dim3A_1552 = vector.broadcast %jit3A_1551 : f32 to vector<1x128xf32>
    %select_n3A_1553 = arith.select %gt3A_1550, %broadcast_in_dim3A_1552, %select_n3A_1361 : vector<1x128xi1>, vector<1x128xf32>
    %slice3A_1554 = vector.extract_strided_slice %broadcast_in_dim3A_1546 {offsets = [0, 1024], sizes = [1, 128], strides = [1, 1]} : vector<1x2048xf32> to vector<1x128xf32>
    %gt3A_1555 = arith.constant 0.000000e+00 : f32
    %gt3A_1556 = vector.broadcast %gt3A_1555 : f32 to vector<1x128xf32>
    %gt3A_1557 = arith.cmpf ogt, %slice3A_1554, %gt3A_1556 : vector<1x128xf32>
    %jit3A_1558 = arith.constant 0.000000e+00 : f32
    %broadcast_in_dim3A_1559 = vector.broadcast %jit3A_1558 : f32 to vector<1x128xf32>
    %select_n3A_1560 = arith.select %gt3A_1557, %broadcast_in_dim3A_1559, %select_n3A_1368 : vector<1x128xi1>, vector<1x128xf32>
    %slice3A_1561 = vector.extract_strided_slice %broadcast_in_dim3A_1546 {offsets = [0, 1152], sizes = [1, 128], strides = [1, 1]} : vector<1x2048xf32> to vector<1x128xf32>
    %gt3A_1562 = arith.constant 0.000000e+00 : f32
    %gt3A_1563 = vector.broadcast %gt3A_1562 : f32 to vector<1x128xf32>
    %gt3A_1564 = arith.cmpf ogt, %slice3A_1561, %gt3A_1563 : vector<1x128xf32>
    %jit3A_1565 = arith.constant 0.000000e+00 : f32
    %broadcast_in_dim3A_1566 = vector.broadcast %jit3A_1565 : f32 to vector<1x128xf32>
    %select_n3A_1567 = arith.select %gt3A_1564, %broadcast_in_dim3A_1566, %select_n3A_1375 : vector<1x128xi1>, vector<1x128xf32>
    %slice3A_1568 = vector.extract_strided_slice %broadcast_in_dim3A_1546 {offsets = [0, 1280], sizes = [1, 128], strides = [1, 1]} : vector<1x2048xf32> to vector<1x128xf32>
    %gt3A_1569 = arith.constant 0.000000e+00 : f32
    %gt3A_1570 = vector.broadcast %gt3A_1569 : f32 to vector<1x128xf32>
    %gt3A_1571 = arith.cmpf ogt, %slice3A_1568, %gt3A_1570 : vector<1x128xf32>
    %jit3A_1572 = arith.constant 0.000000e+00 : f32
    %broadcast_in_dim3A_1573 = vector.broadcast %jit3A_1572 : f32 to vector<1x128xf32>
    %select_n3A_1574 = arith.select %gt3A_1571, %broadcast_in_dim3A_1573, %select_n3A_1382 : vector<1x128xi1>, vector<1x128xf32>
    %slice3A_1575 = vector.extract_strided_slice %broadcast_in_dim3A_1546 {offsets = [0, 1408], sizes = [1, 128], strides = [1, 1]} : vector<1x2048xf32> to vector<1x128xf32>
    %gt3A_1576 = arith.constant 0.000000e+00 : f32
    %gt3A_1577 = vector.broadcast %gt3A_1576 : f32 to vector<1x128xf32>
    %gt3A_1578 = arith.cmpf ogt, %slice3A_1575, %gt3A_1577 : vector<1x128xf32>
    %jit3A_1579 = arith.constant 0.000000e+00 : f32
    %broadcast_in_dim3A_1580 = vector.broadcast %jit3A_1579 : f32 to vector<1x128xf32>
    %select_n3A_1581 = arith.select %gt3A_1578, %broadcast_in_dim3A_1580, %select_n3A_1389 : vector<1x128xi1>, vector<1x128xf32>
    %slice3A_1582 = vector.extract_strided_slice %broadcast_in_dim3A_1546 {offsets = [0, 1536], sizes = [1, 128], strides = [1, 1]} : vector<1x2048xf32> to vector<1x128xf32>
    %gt3A_1583 = arith.constant 0.000000e+00 : f32
    %gt3A_1584 = vector.broadcast %gt3A_1583 : f32 to vector<1x128xf32>
    %gt3A_1585 = arith.cmpf ogt, %slice3A_1582, %gt3A_1584 : vector<1x128xf32>
    %jit3A_1586 = arith.constant 0.000000e+00 : f32
    %broadcast_in_dim3A_1587 = vector.broadcast %jit3A_1586 : f32 to vector<1x128xf32>
    %select_n3A_1588 = arith.select %gt3A_1585, %broadcast_in_dim3A_1587, %select_n3A_1396 : vector<1x128xi1>, vector<1x128xf32>
    %slice3A_1589 = vector.extract_strided_slice %broadcast_in_dim3A_1546 {offsets = [0, 1664], sizes = [1, 128], strides = [1, 1]} : vector<1x2048xf32> to vector<1x128xf32>
    %gt3A_1590 = arith.constant 0.000000e+00 : f32
    %gt3A_1591 = vector.broadcast %gt3A_1590 : f32 to vector<1x128xf32>
    %gt3A_1592 = arith.cmpf ogt, %slice3A_1589, %gt3A_1591 : vector<1x128xf32>
    %jit3A_1593 = arith.constant 0.000000e+00 : f32
    %broadcast_in_dim3A_1594 = vector.broadcast %jit3A_1593 : f32 to vector<1x128xf32>
    %select_n3A_1595 = arith.select %gt3A_1592, %broadcast_in_dim3A_1594, %select_n3A_1403 : vector<1x128xi1>, vector<1x128xf32>
    %slice3A_1596 = vector.extract_strided_slice %broadcast_in_dim3A_1546 {offsets = [0, 1792], sizes = [1, 128], strides = [1, 1]} : vector<1x2048xf32> to vector<1x128xf32>
    %gt3A_1597 = arith.constant 0.000000e+00 : f32
    %gt3A_1598 = vector.broadcast %gt3A_1597 : f32 to vector<1x128xf32>
    %gt3A_1599 = arith.cmpf ogt, %slice3A_1596, %gt3A_1598 : vector<1x128xf32>
    %jit3A_1600 = arith.constant 0.000000e+00 : f32
    %broadcast_in_dim3A_1601 = vector.broadcast %jit3A_1600 : f32 to vector<1x128xf32>
    %select_n3A_1602 = arith.select %gt3A_1599, %broadcast_in_dim3A_1601, %select_n3A_1410 : vector<1x128xi1>, vector<1x128xf32>
    %slice3A_1603 = vector.extract_strided_slice %broadcast_in_dim3A_1546 {offsets = [0, 1920], sizes = [1, 128], strides = [1, 1]} : vector<1x2048xf32> to vector<1x128xf32>
    %gt3A_1604 = arith.constant 0.000000e+00 : f32
    %gt3A_1605 = vector.broadcast %gt3A_1604 : f32 to vector<1x128xf32>
    %gt3A_1606 = arith.cmpf ogt, %slice3A_1603, %gt3A_1605 : vector<1x128xf32>
    %jit3A_1607 = arith.constant 0.000000e+00 : f32
    %broadcast_in_dim3A_1608 = vector.broadcast %jit3A_1607 : f32 to vector<1x128xf32>
    %select_n3A_1609 = arith.select %gt3A_1606, %broadcast_in_dim3A_1608, %select_n3A_1417 : vector<1x128xi1>, vector<1x128xf32>
    %slice3A_1610 = vector.extract_strided_slice %reshape3A {offsets = [7, 0], sizes = [1, 128], strides = [1, 1]} : vector<16x128xf32> to vector<1x128xf32>
    %squeeze3A_1611 = vector.shape_cast %slice3A_1610 : vector<1x128xf32> to vector<128xf32>
    %broadcast_in_dim3A_1612 = vector.shape_cast %squeeze3A_1611 : vector<128xf32> to vector<128x1xf32>
    %slice3A_1613 = vector.extract_strided_slice %reshape3A_114 {offsets = [7, 0], sizes = [1, 128], strides = [1, 1]} : vector<16x128xf32> to vector<1x128xf32>
    %squeeze3A_1614 = vector.shape_cast %slice3A_1613 : vector<1x128xf32> to vector<128xf32>
    %broadcast_in_dim3A_1615 = vector.shape_cast %squeeze3A_1614 : vector<128xf32> to vector<128x1xf32>
    %slice3A_1616 = vector.extract_strided_slice %reshape3A_115 {offsets = [7, 0], sizes = [1, 128], strides = [1, 1]} : vector<16x128xf32> to vector<1x128xf32>
    %squeeze3A_1617 = vector.shape_cast %slice3A_1616 : vector<1x128xf32> to vector<128xf32>
    %broadcast_in_dim3A_1618 = vector.shape_cast %squeeze3A_1617 : vector<128xf32> to vector<128x1xf32>
    %slice3A_1619 = vector.extract_strided_slice %reshape3A_116 {offsets = [7, 0], sizes = [1, 128], strides = [1, 1]} : vector<16x128xf32> to vector<1x128xf32>
    %squeeze3A_1620 = vector.shape_cast %slice3A_1619 : vector<1x128xf32> to vector<128xf32>
    %broadcast_in_dim3A_1621 = vector.shape_cast %squeeze3A_1620 : vector<128xf32> to vector<128x1xf32>
    %slice3A_1622 = vector.extract_strided_slice %reshape3A_117 {offsets = [7, 0], sizes = [1, 128], strides = [1, 1]} : vector<16x128xf32> to vector<1x128xf32>
    %squeeze3A_1623 = vector.shape_cast %slice3A_1622 : vector<1x128xf32> to vector<128xf32>
    %broadcast_in_dim3A_1624 = vector.shape_cast %squeeze3A_1623 : vector<128xf32> to vector<128x1xf32>
    %slice3A_1625 = vector.extract_strided_slice %reshape3A {offsets = [7, 0], sizes = [1, 128], strides = [1, 1]} : vector<16x128xf32> to vector<1x128xf32>
    %squeeze3A_1626 = vector.shape_cast %slice3A_1625 : vector<1x128xf32> to vector<128xf32>
    %broadcast_in_dim3A_1627 = vector.shape_cast %squeeze3A_1626 : vector<128xf32> to vector<1x128xf32>
    %max3A_1628 = vector.broadcast %broadcast_in_dim3A_1612 : vector<128x1xf32> to vector<128x128xf32>
    %max3A_1629 = vector.broadcast %broadcast_in_dim3A_1627 : vector<1x128xf32> to vector<128x128xf32>
    %max3A_1630 = arith.maximumf %max3A_1628, %max3A_1629 : vector<128x128xf32>
    %slice3A_1631 = vector.extract_strided_slice %reshape3A_114 {offsets = [7, 0], sizes = [1, 128], strides = [1, 1]} : vector<16x128xf32> to vector<1x128xf32>
    %squeeze3A_1632 = vector.shape_cast %slice3A_1631 : vector<1x128xf32> to vector<128xf32>
    %broadcast_in_dim3A_1633 = vector.shape_cast %squeeze3A_1632 : vector<128xf32> to vector<1x128xf32>
    %max3A_1634 = vector.broadcast %broadcast_in_dim3A_1615 : vector<128x1xf32> to vector<128x128xf32>
    %max3A_1635 = vector.broadcast %broadcast_in_dim3A_1633 : vector<1x128xf32> to vector<128x128xf32>
    %max3A_1636 = arith.maximumf %max3A_1634, %max3A_1635 : vector<128x128xf32>
    %slice3A_1637 = vector.extract_strided_slice %reshape3A_115 {offsets = [7, 0], sizes = [1, 128], strides = [1, 1]} : vector<16x128xf32> to vector<1x128xf32>
    %squeeze3A_1638 = vector.shape_cast %slice3A_1637 : vector<1x128xf32> to vector<128xf32>
    %broadcast_in_dim3A_1639 = vector.shape_cast %squeeze3A_1638 : vector<128xf32> to vector<1x128xf32>
    %min3A_1640 = vector.broadcast %broadcast_in_dim3A_1618 : vector<128x1xf32> to vector<128x128xf32>
    %min3A_1641 = vector.broadcast %broadcast_in_dim3A_1639 : vector<1x128xf32> to vector<128x128xf32>
    %min3A_1642 = arith.minimumf %min3A_1640, %min3A_1641 : vector<128x128xf32>
    %slice3A_1643 = vector.extract_strided_slice %reshape3A_116 {offsets = [7, 0], sizes = [1, 128], strides = [1, 1]} : vector<16x128xf32> to vector<1x128xf32>
    %squeeze3A_1644 = vector.shape_cast %slice3A_1643 : vector<1x128xf32> to vector<128xf32>
    %broadcast_in_dim3A_1645 = vector.shape_cast %squeeze3A_1644 : vector<128xf32> to vector<1x128xf32>
    %min3A_1646 = vector.broadcast %broadcast_in_dim3A_1621 : vector<128x1xf32> to vector<128x128xf32>
    %min3A_1647 = vector.broadcast %broadcast_in_dim3A_1645 : vector<1x128xf32> to vector<128x128xf32>
    %min3A_1648 = arith.minimumf %min3A_1646, %min3A_1647 : vector<128x128xf32>
    %sub3A_1649 = arith.subf %min3A_1642, %max3A_1630 : vector<128x128xf32>
    %max3A_1650 = arith.constant 0.000000e+00 : f32
    %max3A_1651 = vector.broadcast %max3A_1650 : f32 to vector<128x128xf32>
    %max3A_1652 = arith.maximumf %sub3A_1649, %max3A_1651 : vector<128x128xf32>
    %sub3A_1653 = arith.subf %min3A_1648, %max3A_1636 : vector<128x128xf32>
    %max3A_1654 = arith.constant 0.000000e+00 : f32
    %max3A_1655 = vector.broadcast %max3A_1654 : f32 to vector<128x128xf32>
    %max3A_1656 = arith.maximumf %sub3A_1653, %max3A_1655 : vector<128x128xf32>
    %mul3A_1657 = arith.mulf %max3A_1652, %max3A_1656 : vector<128x128xf32>
    %slice3A_1658 = vector.extract_strided_slice %reshape3A_117 {offsets = [7, 0], sizes = [1, 128], strides = [1, 1]} : vector<16x128xf32> to vector<1x128xf32>
    %squeeze3A_1659 = vector.shape_cast %slice3A_1658 : vector<1x128xf32> to vector<128xf32>
    %broadcast_in_dim3A_1660 = vector.shape_cast %squeeze3A_1659 : vector<128xf32> to vector<1x128xf32>
    %add3A_1661 = vector.broadcast %broadcast_in_dim3A_1624 : vector<128x1xf32> to vector<128x128xf32>
    %add3A_1662 = vector.broadcast %broadcast_in_dim3A_1660 : vector<1x128xf32> to vector<128x128xf32>
    %add3A_1663 = arith.addf %add3A_1661, %add3A_1662 : vector<128x128xf32>
    %sub3A_1664 = arith.subf %add3A_1663, %mul3A_1657 : vector<128x128xf32>
    %add3A_1665 = arith.constant 9.99999997E-7 : f32
    %add3A_1666 = vector.broadcast %add3A_1665 : f32 to vector<128x128xf32>
    %add3A_1667 = arith.addf %sub3A_1664, %add3A_1666 : vector<128x128xf32>
    %mul3A_1668 = arith.constant 0.699999988 : f32
    %mul3A_1669 = vector.broadcast %mul3A_1668 : f32 to vector<128x128xf32>
    %mul3A_1670 = arith.mulf %mul3A_1669, %add3A_1667 : vector<128x128xf32>
    %gt3A_1671 = arith.cmpf ogt, %mul3A_1657, %mul3A_1670 : vector<128x128xf32>
    %lt3A_1672 = arith.cmpi slt, %iota3A_119, %iota3A_120 : vector<128x128xi32>
    %and3A_1673 = arith.andi %gt3A_1671, %lt3A_1672 : vector<128x128xi1>
    %jit3A_1674 = arith.constant 1.000000e+00 : f32
    %jit3A_1675 = arith.constant 0.000000e+00 : f32
    %broadcast_in_dim3A_1676 = vector.broadcast %jit3A_1674 : f32 to vector<128x128xf32>
    %broadcast_in_dim3A_1677 = vector.broadcast %jit3A_1675 : f32 to vector<128x128xf32>
    %select_n3A_1678 = arith.select %and3A_1673, %broadcast_in_dim3A_1676, %broadcast_in_dim3A_1677 : vector<128x128xi1>, vector<128x128xf32>
    %swap3A_1679 = arith.constant 0 : index
    %swap3A_1680 = arith.constant 0 : index
    %swap3A_1681 = vector.load %arg6[%swap3A_1679, %swap3A_1680] : memref<128x128xf32, #tpu.memory_space<vmem>>, vector<128x128xf32>
    tpu.vector_store %arg6[%swap3A_1679, %swap3A_1680], %select_n3A_1678 {strides = array<i32>} : memref<128x128xf32, #tpu.memory_space<vmem>>, vector<128x128xf32>,
    %while3A_1682 = arith.constant 1.000000e+00 : f32
    %while3A_1683 = arith.constant 0 : i32
    %while3A_1684:3 = scf.while (%while3A_3026 = %select_n3A_1553, %while3A_3027 = %while3A_1682, %while3A_3028 = %while3A_1683) : (vector<1x128xf32>, f32, i32) -> (vector<1x128xf32>, f32, i32) {
      %gt3A_3029 = arith.constant 0.000000e+00 : f32
      %gt3A_3030 = arith.cmpf ogt, %while3A_3027, %gt3A_3029 : f32
      scf.condition(%gt3A_3030) %while3A_3026, %while3A_3027, %while3A_3028 : vector<1x128xf32>, f32, i32
    } do {
    ^bb0(%while3A_3026: vector<1x128xf32>, %while3A_3027: f32, %while3A_3028: i32):
      %get3A_3029 = arith.constant 0 : index
      %get3A_3030 = arith.constant 0 : index
      %get3A_3031 = vector.load %arg6[%get3A_3029, %get3A_3030] : memref<128x128xf32, #tpu.memory_space<vmem>>, vector<128x128xf32>
      %dot_general3A_3032 = arith.constant dense<0.000000e+00> : vector<1x128xf32>
      %dot_general3A_3033 = tpu.matmul %while3A_3026, %get3A_3031, %dot_general3A_3032 {dimension_numbers = #tpu.dot_dimension_numbers<[1], [0], [0], [1], [0, 0, 1, 1], [], []>, transpose_lhs_hint = false} : vector<1x128xf32>, vector<128x128xf32>, vector<1x128xf32> -> vector<1x128xf32>
      %lt3A_3034 = arith.constant 5.000000e-01 : f32
      %lt3A_3035 = vector.broadcast %lt3A_3034 : f32 to vector<1x128xf32>
      %lt3A_3036 = arith.cmpf olt, %dot_general3A_3033, %lt3A_3035 : vector<1x128xf32>
      %jit3A_3037 = arith.constant 0.000000e+00 : f32
      %broadcast_in_dim3A_3038 = vector.broadcast %jit3A_3037 : f32 to vector<1x128xf32>
      %select_n3A_3039 = arith.select %lt3A_3036, %select_n3A_1553, %broadcast_in_dim3A_3038 : vector<1x128xi1>, vector<1x128xf32>
      %sub3A_3040 = arith.subf %select_n3A_3039, %while3A_3026 : vector<1x128xf32>
      %abs3A = math.absf %sub3A_3040 : vector<1x128xf32>
      %reduce_sum3A_3041 = vector.shape_cast %abs3A : vector<1x128xf32> to vector<1x1x128xf32>
      %reduce_sum3A_3042 = arith.constant dense<0.000000e+00> : vector<1xf32>
      %reduce_sum3A_3043 = vector.multi_reduction <add>, %reduce_sum3A_3041, %reduce_sum3A_3042 [1, 2] : vector<1x1x128xf32> to vector<1xf32>
      %reduce_sum3A_3044 = vector.shape_cast %reduce_sum3A_3043 : vector<1xf32> to vector<1x1x1xf32>
      %reduce_sum3A_3045 = vector.extract %reduce_sum3A_3044[0, 0, 0] : f32 from vector<1x1x1xf32>
      %lt3A_3046 = arith.constant 128 : i32
      %lt3A_3047 = arith.cmpi slt, %while3A_3028, %lt3A_3046 : i32
      %jit3A_3048 = arith.constant 0.000000e+00 : f32
      %select_n3A_3049 = arith.select %lt3A_3047, %reduce_sum3A_3045, %jit3A_3048 : f32
      %add3A_3050 = arith.constant 1 : i32
      %add3A_3051 = arith.addi %while3A_3028, %add3A_3050 : i32
      scf.yield %select_n3A_3039, %select_n3A_3049, %add3A_3051 : vector<1x128xf32>, f32, i32
    }
    %dot_general3A_1685 = arith.constant dense<0.000000e+00> : vector<128x1xf32>
    %dot_general3A_1686 = tpu.matmul %select_n3A_125, %while3A_1684#0, %dot_general3A_1685 {dimension_numbers = #tpu.dot_dimension_numbers<[1], [1], [0], [0], [0, 0, 1, 0], [], []>, transpose_lhs_hint = false} : vector<128x128xf32>, vector<1x128xf32>, vector<128x1xf32> -> vector<128x1xf32>
    %add3A_1687 = arith.constant 896 : i32
    %add3A_1688 = vector.broadcast %add3A_1687 : i32 to vector<128x1xi32>
    %add3A_1689 = arith.addi %add3A_1688, %iota3A_118 : vector<128x1xi32>
    %max3A_1690 = vector.broadcast %broadcast_in_dim3A_1612 : vector<128x1xf32> to vector<128x2048xf32>
    %max3A_1691 = vector.broadcast %min3A_47 : vector<1x2048xf32> to vector<128x2048xf32>
    %max3A_1692 = arith.maximumf %max3A_1690, %max3A_1691 : vector<128x2048xf32>
    %max3A_1693 = vector.broadcast %broadcast_in_dim3A_1615 : vector<128x1xf32> to vector<128x2048xf32>
    %max3A_1694 = vector.broadcast %min3A_57 : vector<1x2048xf32> to vector<128x2048xf32>
    %max3A_1695 = arith.maximumf %max3A_1693, %max3A_1694 : vector<128x2048xf32>
    %min3A_1696 = vector.broadcast %broadcast_in_dim3A_1618 : vector<128x1xf32> to vector<128x2048xf32>
    %min3A_1697 = vector.broadcast %min3A_67 : vector<1x2048xf32> to vector<128x2048xf32>
    %min3A_1698 = arith.minimumf %min3A_1696, %min3A_1697 : vector<128x2048xf32>
    %min3A_1699 = vector.broadcast %broadcast_in_dim3A_1621 : vector<128x1xf32> to vector<128x2048xf32>
    %min3A_1700 = vector.broadcast %min3A_77 : vector<1x2048xf32> to vector<128x2048xf32>
    %min3A_1701 = arith.minimumf %min3A_1699, %min3A_1700 : vector<128x2048xf32>
    %sub3A_1702 = arith.subf %min3A_1698, %max3A_1692 : vector<128x2048xf32>
    %max3A_1703 = arith.constant 0.000000e+00 : f32
    %max3A_1704 = vector.broadcast %max3A_1703 : f32 to vector<128x2048xf32>
    %max3A_1705 = arith.maximumf %sub3A_1702, %max3A_1704 : vector<128x2048xf32>
    %sub3A_1706 = arith.subf %min3A_1701, %max3A_1695 : vector<128x2048xf32>
    %max3A_1707 = arith.constant 0.000000e+00 : f32
    %max3A_1708 = vector.broadcast %max3A_1707 : f32 to vector<128x2048xf32>
    %max3A_1709 = arith.maximumf %sub3A_1706, %max3A_1708 : vector<128x2048xf32>
    %mul3A_1710 = arith.mulf %max3A_1705, %max3A_1709 : vector<128x2048xf32>
    %add3A_1711 = vector.broadcast %broadcast_in_dim3A_1624 : vector<128x1xf32> to vector<128x2048xf32>
    %add3A_1712 = vector.broadcast %mul3A_80 : vector<1x2048xf32> to vector<128x2048xf32>
    %add3A_1713 = arith.addf %add3A_1711, %add3A_1712 : vector<128x2048xf32>
    %sub3A_1714 = arith.subf %add3A_1713, %mul3A_1710 : vector<128x2048xf32>
    %add3A_1715 = arith.constant 9.99999997E-7 : f32
    %add3A_1716 = vector.broadcast %add3A_1715 : f32 to vector<128x2048xf32>
    %add3A_1717 = arith.addf %sub3A_1714, %add3A_1716 : vector<128x2048xf32>
    %mul3A_1718 = arith.constant 0.699999988 : f32
    %mul3A_1719 = vector.broadcast %mul3A_1718 : f32 to vector<128x2048xf32>
    %mul3A_1720 = arith.mulf %mul3A_1719, %add3A_1717 : vector<128x2048xf32>
    %gt3A_1721 = arith.cmpf ogt, %mul3A_1710, %mul3A_1720 : vector<128x2048xf32>
    %gt3A_1722 = arith.constant 0.000000e+00 : f32
    %gt3A_1723 = vector.broadcast %gt3A_1722 : f32 to vector<128x1xf32>
    %gt3A_1724 = arith.cmpf ogt, %dot_general3A_1686, %gt3A_1723 : vector<128x1xf32>
    %and3A_1725 = vector.broadcast %gt3A_1724 : vector<128x1xi1> to vector<128x2048xi1>
    %and3A_1726 = arith.andi %gt3A_1721, %and3A_1725 : vector<128x2048xi1>
    %gt3A_1727 = vector.broadcast %iota3A : vector<1x2048xi32> to vector<128x2048xi32>
    %gt3A_1728 = vector.broadcast %add3A_1689 : vector<128x1xi32> to vector<128x2048xi32>
    %gt3A_1729 = arith.cmpi sgt, %gt3A_1727, %gt3A_1728 : vector<128x2048xi32>
    %and3A_1730 = arith.andi %and3A_1726, %gt3A_1729 : vector<128x2048xi1>
    %jit3A_1731 = arith.constant 1.000000e+00 : f32
    %jit3A_1732 = arith.constant 0.000000e+00 : f32
    %broadcast_in_dim3A_1733 = vector.broadcast %jit3A_1731 : f32 to vector<128x2048xf32>
    %broadcast_in_dim3A_1734 = vector.broadcast %jit3A_1732 : f32 to vector<128x2048xf32>
    %select_n3A_1735 = arith.select %and3A_1730, %broadcast_in_dim3A_1733, %broadcast_in_dim3A_1734 : vector<128x2048xi1>, vector<128x2048xf32>
    %reduce_max3A_1736 = arith.constant dense<0xFF800000> : vector<2048xf32>
    %reduce_max3A_1737 = vector.multi_reduction <maximumf>, %select_n3A_1735, %reduce_max3A_1736 [0] : vector<128x2048xf32> to vector<2048xf32>
    %broadcast_in_dim3A_1738 = vector.shape_cast %reduce_max3A_1737 : vector<2048xf32> to vector<1x2048xf32>
    %slice3A_1739 = vector.extract_strided_slice %broadcast_in_dim3A_1738 {offsets = [0, 1024], sizes = [1, 128], strides = [1, 1]} : vector<1x2048xf32> to vector<1x128xf32>
    %gt3A_1740 = arith.constant 0.000000e+00 : f32
    %gt3A_1741 = vector.broadcast %gt3A_1740 : f32 to vector<1x128xf32>
    %gt3A_1742 = arith.cmpf ogt, %slice3A_1739, %gt3A_1741 : vector<1x128xf32>
    %jit3A_1743 = arith.constant 0.000000e+00 : f32
    %broadcast_in_dim3A_1744 = vector.broadcast %jit3A_1743 : f32 to vector<1x128xf32>
    %select_n3A_1745 = arith.select %gt3A_1742, %broadcast_in_dim3A_1744, %select_n3A_1560 : vector<1x128xi1>, vector<1x128xf32>
    %slice3A_1746 = vector.extract_strided_slice %broadcast_in_dim3A_1738 {offsets = [0, 1152], sizes = [1, 128], strides = [1, 1]} : vector<1x2048xf32> to vector<1x128xf32>
    %gt3A_1747 = arith.constant 0.000000e+00 : f32
    %gt3A_1748 = vector.broadcast %gt3A_1747 : f32 to vector<1x128xf32>
    %gt3A_1749 = arith.cmpf ogt, %slice3A_1746, %gt3A_1748 : vector<1x128xf32>
    %jit3A_1750 = arith.constant 0.000000e+00 : f32
    %broadcast_in_dim3A_1751 = vector.broadcast %jit3A_1750 : f32 to vector<1x128xf32>
    %select_n3A_1752 = arith.select %gt3A_1749, %broadcast_in_dim3A_1751, %select_n3A_1567 : vector<1x128xi1>, vector<1x128xf32>
    %slice3A_1753 = vector.extract_strided_slice %broadcast_in_dim3A_1738 {offsets = [0, 1280], sizes = [1, 128], strides = [1, 1]} : vector<1x2048xf32> to vector<1x128xf32>
    %gt3A_1754 = arith.constant 0.000000e+00 : f32
    %gt3A_1755 = vector.broadcast %gt3A_1754 : f32 to vector<1x128xf32>
    %gt3A_1756 = arith.cmpf ogt, %slice3A_1753, %gt3A_1755 : vector<1x128xf32>
    %jit3A_1757 = arith.constant 0.000000e+00 : f32
    %broadcast_in_dim3A_1758 = vector.broadcast %jit3A_1757 : f32 to vector<1x128xf32>
    %select_n3A_1759 = arith.select %gt3A_1756, %broadcast_in_dim3A_1758, %select_n3A_1574 : vector<1x128xi1>, vector<1x128xf32>
    %slice3A_1760 = vector.extract_strided_slice %broadcast_in_dim3A_1738 {offsets = [0, 1408], sizes = [1, 128], strides = [1, 1]} : vector<1x2048xf32> to vector<1x128xf32>
    %gt3A_1761 = arith.constant 0.000000e+00 : f32
    %gt3A_1762 = vector.broadcast %gt3A_1761 : f32 to vector<1x128xf32>
    %gt3A_1763 = arith.cmpf ogt, %slice3A_1760, %gt3A_1762 : vector<1x128xf32>
    %jit3A_1764 = arith.constant 0.000000e+00 : f32
    %broadcast_in_dim3A_1765 = vector.broadcast %jit3A_1764 : f32 to vector<1x128xf32>
    %select_n3A_1766 = arith.select %gt3A_1763, %broadcast_in_dim3A_1765, %select_n3A_1581 : vector<1x128xi1>, vector<1x128xf32>
    %slice3A_1767 = vector.extract_strided_slice %broadcast_in_dim3A_1738 {offsets = [0, 1536], sizes = [1, 128], strides = [1, 1]} : vector<1x2048xf32> to vector<1x128xf32>
    %gt3A_1768 = arith.constant 0.000000e+00 : f32
    %gt3A_1769 = vector.broadcast %gt3A_1768 : f32 to vector<1x128xf32>
    %gt3A_1770 = arith.cmpf ogt, %slice3A_1767, %gt3A_1769 : vector<1x128xf32>
    %jit3A_1771 = arith.constant 0.000000e+00 : f32
    %broadcast_in_dim3A_1772 = vector.broadcast %jit3A_1771 : f32 to vector<1x128xf32>
    %select_n3A_1773 = arith.select %gt3A_1770, %broadcast_in_dim3A_1772, %select_n3A_1588 : vector<1x128xi1>, vector<1x128xf32>
    %slice3A_1774 = vector.extract_strided_slice %broadcast_in_dim3A_1738 {offsets = [0, 1664], sizes = [1, 128], strides = [1, 1]} : vector<1x2048xf32> to vector<1x128xf32>
    %gt3A_1775 = arith.constant 0.000000e+00 : f32
    %gt3A_1776 = vector.broadcast %gt3A_1775 : f32 to vector<1x128xf32>
    %gt3A_1777 = arith.cmpf ogt, %slice3A_1774, %gt3A_1776 : vector<1x128xf32>
    %jit3A_1778 = arith.constant 0.000000e+00 : f32
    %broadcast_in_dim3A_1779 = vector.broadcast %jit3A_1778 : f32 to vector<1x128xf32>
    %select_n3A_1780 = arith.select %gt3A_1777, %broadcast_in_dim3A_1779, %select_n3A_1595 : vector<1x128xi1>, vector<1x128xf32>
    %slice3A_1781 = vector.extract_strided_slice %broadcast_in_dim3A_1738 {offsets = [0, 1792], sizes = [1, 128], strides = [1, 1]} : vector<1x2048xf32> to vector<1x128xf32>
    %gt3A_1782 = arith.constant 0.000000e+00 : f32
    %gt3A_1783 = vector.broadcast %gt3A_1782 : f32 to vector<1x128xf32>
    %gt3A_1784 = arith.cmpf ogt, %slice3A_1781, %gt3A_1783 : vector<1x128xf32>
    %jit3A_1785 = arith.constant 0.000000e+00 : f32
    %broadcast_in_dim3A_1786 = vector.broadcast %jit3A_1785 : f32 to vector<1x128xf32>
    %select_n3A_1787 = arith.select %gt3A_1784, %broadcast_in_dim3A_1786, %select_n3A_1602 : vector<1x128xi1>, vector<1x128xf32>
    %slice3A_1788 = vector.extract_strided_slice %broadcast_in_dim3A_1738 {offsets = [0, 1920], sizes = [1, 128], strides = [1, 1]} : vector<1x2048xf32> to vector<1x128xf32>
    %gt3A_1789 = arith.constant 0.000000e+00 : f32
    %gt3A_1790 = vector.broadcast %gt3A_1789 : f32 to vector<1x128xf32>
    %gt3A_1791 = arith.cmpf ogt, %slice3A_1788, %gt3A_1790 : vector<1x128xf32>
    %jit3A_1792 = arith.constant 0.000000e+00 : f32
    %broadcast_in_dim3A_1793 = vector.broadcast %jit3A_1792 : f32 to vector<1x128xf32>
    %select_n3A_1794 = arith.select %gt3A_1791, %broadcast_in_dim3A_1793, %select_n3A_1609 : vector<1x128xi1>, vector<1x128xf32>
    %slice3A_1795 = vector.extract_strided_slice %reshape3A {offsets = [8, 0], sizes = [1, 128], strides = [1, 1]} : vector<16x128xf32> to vector<1x128xf32>
    %squeeze3A_1796 = vector.shape_cast %slice3A_1795 : vector<1x128xf32> to vector<128xf32>
    %broadcast_in_dim3A_1797 = vector.shape_cast %squeeze3A_1796 : vector<128xf32> to vector<128x1xf32>
    %slice3A_1798 = vector.extract_strided_slice %reshape3A_114 {offsets = [8, 0], sizes = [1, 128], strides = [1, 1]} : vector<16x128xf32> to vector<1x128xf32>
    %squeeze3A_1799 = vector.shape_cast %slice3A_1798 : vector<1x128xf32> to vector<128xf32>
    %broadcast_in_dim3A_1800 = vector.shape_cast %squeeze3A_1799 : vector<128xf32> to vector<128x1xf32>
    %slice3A_1801 = vector.extract_strided_slice %reshape3A_115 {offsets = [8, 0], sizes = [1, 128], strides = [1, 1]} : vector<16x128xf32> to vector<1x128xf32>
    %squeeze3A_1802 = vector.shape_cast %slice3A_1801 : vector<1x128xf32> to vector<128xf32>
    %broadcast_in_dim3A_1803 = vector.shape_cast %squeeze3A_1802 : vector<128xf32> to vector<128x1xf32>
    %slice3A_1804 = vector.extract_strided_slice %reshape3A_116 {offsets = [8, 0], sizes = [1, 128], strides = [1, 1]} : vector<16x128xf32> to vector<1x128xf32>
    %squeeze3A_1805 = vector.shape_cast %slice3A_1804 : vector<1x128xf32> to vector<128xf32>
    %broadcast_in_dim3A_1806 = vector.shape_cast %squeeze3A_1805 : vector<128xf32> to vector<128x1xf32>
    %slice3A_1807 = vector.extract_strided_slice %reshape3A_117 {offsets = [8, 0], sizes = [1, 128], strides = [1, 1]} : vector<16x128xf32> to vector<1x128xf32>
    %squeeze3A_1808 = vector.shape_cast %slice3A_1807 : vector<1x128xf32> to vector<128xf32>
    %broadcast_in_dim3A_1809 = vector.shape_cast %squeeze3A_1808 : vector<128xf32> to vector<128x1xf32>
    %slice3A_1810 = vector.extract_strided_slice %reshape3A {offsets = [8, 0], sizes = [1, 128], strides = [1, 1]} : vector<16x128xf32> to vector<1x128xf32>
    %squeeze3A_1811 = vector.shape_cast %slice3A_1810 : vector<1x128xf32> to vector<128xf32>
    %broadcast_in_dim3A_1812 = vector.shape_cast %squeeze3A_1811 : vector<128xf32> to vector<1x128xf32>
    %max3A_1813 = vector.broadcast %broadcast_in_dim3A_1797 : vector<128x1xf32> to vector<128x128xf32>
    %max3A_1814 = vector.broadcast %broadcast_in_dim3A_1812 : vector<1x128xf32> to vector<128x128xf32>
    %max3A_1815 = arith.maximumf %max3A_1813, %max3A_1814 : vector<128x128xf32>
    %slice3A_1816 = vector.extract_strided_slice %reshape3A_114 {offsets = [8, 0], sizes = [1, 128], strides = [1, 1]} : vector<16x128xf32> to vector<1x128xf32>
    %squeeze3A_1817 = vector.shape_cast %slice3A_1816 : vector<1x128xf32> to vector<128xf32>
    %broadcast_in_dim3A_1818 = vector.shape_cast %squeeze3A_1817 : vector<128xf32> to vector<1x128xf32>
    %max3A_1819 = vector.broadcast %broadcast_in_dim3A_1800 : vector<128x1xf32> to vector<128x128xf32>
    %max3A_1820 = vector.broadcast %broadcast_in_dim3A_1818 : vector<1x128xf32> to vector<128x128xf32>
    %max3A_1821 = arith.maximumf %max3A_1819, %max3A_1820 : vector<128x128xf32>
    %slice3A_1822 = vector.extract_strided_slice %reshape3A_115 {offsets = [8, 0], sizes = [1, 128], strides = [1, 1]} : vector<16x128xf32> to vector<1x128xf32>
    %squeeze3A_1823 = vector.shape_cast %slice3A_1822 : vector<1x128xf32> to vector<128xf32>
    %broadcast_in_dim3A_1824 = vector.shape_cast %squeeze3A_1823 : vector<128xf32> to vector<1x128xf32>
    %min3A_1825 = vector.broadcast %broadcast_in_dim3A_1803 : vector<128x1xf32> to vector<128x128xf32>
    %min3A_1826 = vector.broadcast %broadcast_in_dim3A_1824 : vector<1x128xf32> to vector<128x128xf32>
    %min3A_1827 = arith.minimumf %min3A_1825, %min3A_1826 : vector<128x128xf32>
    %slice3A_1828 = vector.extract_strided_slice %reshape3A_116 {offsets = [8, 0], sizes = [1, 128], strides = [1, 1]} : vector<16x128xf32> to vector<1x128xf32>
    %squeeze3A_1829 = vector.shape_cast %slice3A_1828 : vector<1x128xf32> to vector<128xf32>
    %broadcast_in_dim3A_1830 = vector.shape_cast %squeeze3A_1829 : vector<128xf32> to vector<1x128xf32>
    %min3A_1831 = vector.broadcast %broadcast_in_dim3A_1806 : vector<128x1xf32> to vector<128x128xf32>
    %min3A_1832 = vector.broadcast %broadcast_in_dim3A_1830 : vector<1x128xf32> to vector<128x128xf32>
    %min3A_1833 = arith.minimumf %min3A_1831, %min3A_1832 : vector<128x128xf32>
    %sub3A_1834 = arith.subf %min3A_1827, %max3A_1815 : vector<128x128xf32>
    %max3A_1835 = arith.constant 0.000000e+00 : f32
    %max3A_1836 = vector.broadcast %max3A_1835 : f32 to vector<128x128xf32>
    %max3A_1837 = arith.maximumf %sub3A_1834, %max3A_1836 : vector<128x128xf32>
    %sub3A_1838 = arith.subf %min3A_1833, %max3A_1821 : vector<128x128xf32>
    %max3A_1839 = arith.constant 0.000000e+00 : f32
    %max3A_1840 = vector.broadcast %max3A_1839 : f32 to vector<128x128xf32>
    %max3A_1841 = arith.maximumf %sub3A_1838, %max3A_1840 : vector<128x128xf32>
    %mul3A_1842 = arith.mulf %max3A_1837, %max3A_1841 : vector<128x128xf32>
    %slice3A_1843 = vector.extract_strided_slice %reshape3A_117 {offsets = [8, 0], sizes = [1, 128], strides = [1, 1]} : vector<16x128xf32> to vector<1x128xf32>
    %squeeze3A_1844 = vector.shape_cast %slice3A_1843 : vector<1x128xf32> to vector<128xf32>
    %broadcast_in_dim3A_1845 = vector.shape_cast %squeeze3A_1844 : vector<128xf32> to vector<1x128xf32>
    %add3A_1846 = vector.broadcast %broadcast_in_dim3A_1809 : vector<128x1xf32> to vector<128x128xf32>
    %add3A_1847 = vector.broadcast %broadcast_in_dim3A_1845 : vector<1x128xf32> to vector<128x128xf32>
    %add3A_1848 = arith.addf %add3A_1846, %add3A_1847 : vector<128x128xf32>
    %sub3A_1849 = arith.subf %add3A_1848, %mul3A_1842 : vector<128x128xf32>
    %add3A_1850 = arith.constant 9.99999997E-7 : f32
    %add3A_1851 = vector.broadcast %add3A_1850 : f32 to vector<128x128xf32>
    %add3A_1852 = arith.addf %sub3A_1849, %add3A_1851 : vector<128x128xf32>
    %mul3A_1853 = arith.constant 0.699999988 : f32
    %mul3A_1854 = vector.broadcast %mul3A_1853 : f32 to vector<128x128xf32>
    %mul3A_1855 = arith.mulf %mul3A_1854, %add3A_1852 : vector<128x128xf32>
    %gt3A_1856 = arith.cmpf ogt, %mul3A_1842, %mul3A_1855 : vector<128x128xf32>
    %lt3A_1857 = arith.cmpi slt, %iota3A_119, %iota3A_120 : vector<128x128xi32>
    %and3A_1858 = arith.andi %gt3A_1856, %lt3A_1857 : vector<128x128xi1>
    %jit3A_1859 = arith.constant 1.000000e+00 : f32
    %jit3A_1860 = arith.constant 0.000000e+00 : f32
    %broadcast_in_dim3A_1861 = vector.broadcast %jit3A_1859 : f32 to vector<128x128xf32>
    %broadcast_in_dim3A_1862 = vector.broadcast %jit3A_1860 : f32 to vector<128x128xf32>
    %select_n3A_1863 = arith.select %and3A_1858, %broadcast_in_dim3A_1861, %broadcast_in_dim3A_1862 : vector<128x128xi1>, vector<128x128xf32>
    %swap3A_1864 = arith.constant 0 : index
    %swap3A_1865 = arith.constant 0 : index
    %swap3A_1866 = vector.load %arg6[%swap3A_1864, %swap3A_1865] : memref<128x128xf32, #tpu.memory_space<vmem>>, vector<128x128xf32>
    tpu.vector_store %arg6[%swap3A_1864, %swap3A_1865], %select_n3A_1863 {strides = array<i32>} : memref<128x128xf32, #tpu.memory_space<vmem>>, vector<128x128xf32>,
    %while3A_1867 = arith.constant 1.000000e+00 : f32
    %while3A_1868 = arith.constant 0 : i32
    %while3A_1869:3 = scf.while (%while3A_3026 = %select_n3A_1745, %while3A_3027 = %while3A_1867, %while3A_3028 = %while3A_1868) : (vector<1x128xf32>, f32, i32) -> (vector<1x128xf32>, f32, i32) {
      %gt3A_3029 = arith.constant 0.000000e+00 : f32
      %gt3A_3030 = arith.cmpf ogt, %while3A_3027, %gt3A_3029 : f32
      scf.condition(%gt3A_3030) %while3A_3026, %while3A_3027, %while3A_3028 : vector<1x128xf32>, f32, i32
    } do {
    ^bb0(%while3A_3026: vector<1x128xf32>, %while3A_3027: f32, %while3A_3028: i32):
      %get3A_3029 = arith.constant 0 : index
      %get3A_3030 = arith.constant 0 : index
      %get3A_3031 = vector.load %arg6[%get3A_3029, %get3A_3030] : memref<128x128xf32, #tpu.memory_space<vmem>>, vector<128x128xf32>
      %dot_general3A_3032 = arith.constant dense<0.000000e+00> : vector<1x128xf32>
      %dot_general3A_3033 = tpu.matmul %while3A_3026, %get3A_3031, %dot_general3A_3032 {dimension_numbers = #tpu.dot_dimension_numbers<[1], [0], [0], [1], [0, 0, 1, 1], [], []>, transpose_lhs_hint = false} : vector<1x128xf32>, vector<128x128xf32>, vector<1x128xf32> -> vector<1x128xf32>
      %lt3A_3034 = arith.constant 5.000000e-01 : f32
      %lt3A_3035 = vector.broadcast %lt3A_3034 : f32 to vector<1x128xf32>
      %lt3A_3036 = arith.cmpf olt, %dot_general3A_3033, %lt3A_3035 : vector<1x128xf32>
      %jit3A_3037 = arith.constant 0.000000e+00 : f32
      %broadcast_in_dim3A_3038 = vector.broadcast %jit3A_3037 : f32 to vector<1x128xf32>
      %select_n3A_3039 = arith.select %lt3A_3036, %select_n3A_1745, %broadcast_in_dim3A_3038 : vector<1x128xi1>, vector<1x128xf32>
      %sub3A_3040 = arith.subf %select_n3A_3039, %while3A_3026 : vector<1x128xf32>
      %abs3A = math.absf %sub3A_3040 : vector<1x128xf32>
      %reduce_sum3A_3041 = vector.shape_cast %abs3A : vector<1x128xf32> to vector<1x1x128xf32>
      %reduce_sum3A_3042 = arith.constant dense<0.000000e+00> : vector<1xf32>
      %reduce_sum3A_3043 = vector.multi_reduction <add>, %reduce_sum3A_3041, %reduce_sum3A_3042 [1, 2] : vector<1x1x128xf32> to vector<1xf32>
      %reduce_sum3A_3044 = vector.shape_cast %reduce_sum3A_3043 : vector<1xf32> to vector<1x1x1xf32>
      %reduce_sum3A_3045 = vector.extract %reduce_sum3A_3044[0, 0, 0] : f32 from vector<1x1x1xf32>
      %lt3A_3046 = arith.constant 128 : i32
      %lt3A_3047 = arith.cmpi slt, %while3A_3028, %lt3A_3046 : i32
      %jit3A_3048 = arith.constant 0.000000e+00 : f32
      %select_n3A_3049 = arith.select %lt3A_3047, %reduce_sum3A_3045, %jit3A_3048 : f32
      %add3A_3050 = arith.constant 1 : i32
      %add3A_3051 = arith.addi %while3A_3028, %add3A_3050 : i32
      scf.yield %select_n3A_3039, %select_n3A_3049, %add3A_3051 : vector<1x128xf32>, f32, i32
    }
    %dot_general3A_1870 = arith.constant dense<0.000000e+00> : vector<128x1xf32>
    %dot_general3A_1871 = tpu.matmul %select_n3A_125, %while3A_1869#0, %dot_general3A_1870 {dimension_numbers = #tpu.dot_dimension_numbers<[1], [1], [0], [0], [0, 0, 1, 0], [], []>, transpose_lhs_hint = false} : vector<128x128xf32>, vector<1x128xf32>, vector<128x1xf32> -> vector<128x1xf32>
    %add3A_1872 = arith.constant 1024 : i32
    %add3A_1873 = vector.broadcast %add3A_1872 : i32 to vector<128x1xi32>
    %add3A_1874 = arith.addi %add3A_1873, %iota3A_118 : vector<128x1xi32>
    %max3A_1875 = vector.broadcast %broadcast_in_dim3A_1797 : vector<128x1xf32> to vector<128x2048xf32>
    %max3A_1876 = vector.broadcast %min3A_47 : vector<1x2048xf32> to vector<128x2048xf32>
    %max3A_1877 = arith.maximumf %max3A_1875, %max3A_1876 : vector<128x2048xf32>
    %max3A_1878 = vector.broadcast %broadcast_in_dim3A_1800 : vector<128x1xf32> to vector<128x2048xf32>
    %max3A_1879 = vector.broadcast %min3A_57 : vector<1x2048xf32> to vector<128x2048xf32>
    %max3A_1880 = arith.maximumf %max3A_1878, %max3A_1879 : vector<128x2048xf32>
    %min3A_1881 = vector.broadcast %broadcast_in_dim3A_1803 : vector<128x1xf32> to vector<128x2048xf32>
    %min3A_1882 = vector.broadcast %min3A_67 : vector<1x2048xf32> to vector<128x2048xf32>
    %min3A_1883 = arith.minimumf %min3A_1881, %min3A_1882 : vector<128x2048xf32>
    %min3A_1884 = vector.broadcast %broadcast_in_dim3A_1806 : vector<128x1xf32> to vector<128x2048xf32>
    %min3A_1885 = vector.broadcast %min3A_77 : vector<1x2048xf32> to vector<128x2048xf32>
    %min3A_1886 = arith.minimumf %min3A_1884, %min3A_1885 : vector<128x2048xf32>
    %sub3A_1887 = arith.subf %min3A_1883, %max3A_1877 : vector<128x2048xf32>
    %max3A_1888 = arith.constant 0.000000e+00 : f32
    %max3A_1889 = vector.broadcast %max3A_1888 : f32 to vector<128x2048xf32>
    %max3A_1890 = arith.maximumf %sub3A_1887, %max3A_1889 : vector<128x2048xf32>
    %sub3A_1891 = arith.subf %min3A_1886, %max3A_1880 : vector<128x2048xf32>
    %max3A_1892 = arith.constant 0.000000e+00 : f32
    %max3A_1893 = vector.broadcast %max3A_1892 : f32 to vector<128x2048xf32>
    %max3A_1894 = arith.maximumf %sub3A_1891, %max3A_1893 : vector<128x2048xf32>
    %mul3A_1895 = arith.mulf %max3A_1890, %max3A_1894 : vector<128x2048xf32>
    %add3A_1896 = vector.broadcast %broadcast_in_dim3A_1809 : vector<128x1xf32> to vector<128x2048xf32>
    %add3A_1897 = vector.broadcast %mul3A_80 : vector<1x2048xf32> to vector<128x2048xf32>
    %add3A_1898 = arith.addf %add3A_1896, %add3A_1897 : vector<128x2048xf32>
    %sub3A_1899 = arith.subf %add3A_1898, %mul3A_1895 : vector<128x2048xf32>
    %add3A_1900 = arith.constant 9.99999997E-7 : f32
    %add3A_1901 = vector.broadcast %add3A_1900 : f32 to vector<128x2048xf32>
    %add3A_1902 = arith.addf %sub3A_1899, %add3A_1901 : vector<128x2048xf32>
    %mul3A_1903 = arith.constant 0.699999988 : f32
    %mul3A_1904 = vector.broadcast %mul3A_1903 : f32 to vector<128x2048xf32>
    %mul3A_1905 = arith.mulf %mul3A_1904, %add3A_1902 : vector<128x2048xf32>
    %gt3A_1906 = arith.cmpf ogt, %mul3A_1895, %mul3A_1905 : vector<128x2048xf32>
    %gt3A_1907 = arith.constant 0.000000e+00 : f32
    %gt3A_1908 = vector.broadcast %gt3A_1907 : f32 to vector<128x1xf32>
    %gt3A_1909 = arith.cmpf ogt, %dot_general3A_1871, %gt3A_1908 : vector<128x1xf32>
    %and3A_1910 = vector.broadcast %gt3A_1909 : vector<128x1xi1> to vector<128x2048xi1>
    %and3A_1911 = arith.andi %gt3A_1906, %and3A_1910 : vector<128x2048xi1>
    %gt3A_1912 = vector.broadcast %iota3A : vector<1x2048xi32> to vector<128x2048xi32>
    %gt3A_1913 = vector.broadcast %add3A_1874 : vector<128x1xi32> to vector<128x2048xi32>
    %gt3A_1914 = arith.cmpi sgt, %gt3A_1912, %gt3A_1913 : vector<128x2048xi32>
    %and3A_1915 = arith.andi %and3A_1911, %gt3A_1914 : vector<128x2048xi1>
    %jit3A_1916 = arith.constant 1.000000e+00 : f32
    %jit3A_1917 = arith.constant 0.000000e+00 : f32
    %broadcast_in_dim3A_1918 = vector.broadcast %jit3A_1916 : f32 to vector<128x2048xf32>
    %broadcast_in_dim3A_1919 = vector.broadcast %jit3A_1917 : f32 to vector<128x2048xf32>
    %select_n3A_1920 = arith.select %and3A_1915, %broadcast_in_dim3A_1918, %broadcast_in_dim3A_1919 : vector<128x2048xi1>, vector<128x2048xf32>
    %reduce_max3A_1921 = arith.constant dense<0xFF800000> : vector<2048xf32>
    %reduce_max3A_1922 = vector.multi_reduction <maximumf>, %select_n3A_1920, %reduce_max3A_1921 [0] : vector<128x2048xf32> to vector<2048xf32>
    %broadcast_in_dim3A_1923 = vector.shape_cast %reduce_max3A_1922 : vector<2048xf32> to vector<1x2048xf32>
    %slice3A_1924 = vector.extract_strided_slice %broadcast_in_dim3A_1923 {offsets = [0, 1152], sizes = [1, 128], strides = [1, 1]} : vector<1x2048xf32> to vector<1x128xf32>
    %gt3A_1925 = arith.constant 0.000000e+00 : f32
    %gt3A_1926 = vector.broadcast %gt3A_1925 : f32 to vector<1x128xf32>
    %gt3A_1927 = arith.cmpf ogt, %slice3A_1924, %gt3A_1926 : vector<1x128xf32>
    %jit3A_1928 = arith.constant 0.000000e+00 : f32
    %broadcast_in_dim3A_1929 = vector.broadcast %jit3A_1928 : f32 to vector<1x128xf32>
    %select_n3A_1930 = arith.select %gt3A_1927, %broadcast_in_dim3A_1929, %select_n3A_1752 : vector<1x128xi1>, vector<1x128xf32>
    %slice3A_1931 = vector.extract_strided_slice %broadcast_in_dim3A_1923 {offsets = [0, 1280], sizes = [1, 128], strides = [1, 1]} : vector<1x2048xf32> to vector<1x128xf32>
    %gt3A_1932 = arith.constant 0.000000e+00 : f32
    %gt3A_1933 = vector.broadcast %gt3A_1932 : f32 to vector<1x128xf32>
    %gt3A_1934 = arith.cmpf ogt, %slice3A_1931, %gt3A_1933 : vector<1x128xf32>
    %jit3A_1935 = arith.constant 0.000000e+00 : f32
    %broadcast_in_dim3A_1936 = vector.broadcast %jit3A_1935 : f32 to vector<1x128xf32>
    %select_n3A_1937 = arith.select %gt3A_1934, %broadcast_in_dim3A_1936, %select_n3A_1759 : vector<1x128xi1>, vector<1x128xf32>
    %slice3A_1938 = vector.extract_strided_slice %broadcast_in_dim3A_1923 {offsets = [0, 1408], sizes = [1, 128], strides = [1, 1]} : vector<1x2048xf32> to vector<1x128xf32>
    %gt3A_1939 = arith.constant 0.000000e+00 : f32
    %gt3A_1940 = vector.broadcast %gt3A_1939 : f32 to vector<1x128xf32>
    %gt3A_1941 = arith.cmpf ogt, %slice3A_1938, %gt3A_1940 : vector<1x128xf32>
    %jit3A_1942 = arith.constant 0.000000e+00 : f32
    %broadcast_in_dim3A_1943 = vector.broadcast %jit3A_1942 : f32 to vector<1x128xf32>
    %select_n3A_1944 = arith.select %gt3A_1941, %broadcast_in_dim3A_1943, %select_n3A_1766 : vector<1x128xi1>, vector<1x128xf32>
    %slice3A_1945 = vector.extract_strided_slice %broadcast_in_dim3A_1923 {offsets = [0, 1536], sizes = [1, 128], strides = [1, 1]} : vector<1x2048xf32> to vector<1x128xf32>
    %gt3A_1946 = arith.constant 0.000000e+00 : f32
    %gt3A_1947 = vector.broadcast %gt3A_1946 : f32 to vector<1x128xf32>
    %gt3A_1948 = arith.cmpf ogt, %slice3A_1945, %gt3A_1947 : vector<1x128xf32>
    %jit3A_1949 = arith.constant 0.000000e+00 : f32
    %broadcast_in_dim3A_1950 = vector.broadcast %jit3A_1949 : f32 to vector<1x128xf32>
    %select_n3A_1951 = arith.select %gt3A_1948, %broadcast_in_dim3A_1950, %select_n3A_1773 : vector<1x128xi1>, vector<1x128xf32>
    %slice3A_1952 = vector.extract_strided_slice %broadcast_in_dim3A_1923 {offsets = [0, 1664], sizes = [1, 128], strides = [1, 1]} : vector<1x2048xf32> to vector<1x128xf32>
    %gt3A_1953 = arith.constant 0.000000e+00 : f32
    %gt3A_1954 = vector.broadcast %gt3A_1953 : f32 to vector<1x128xf32>
    %gt3A_1955 = arith.cmpf ogt, %slice3A_1952, %gt3A_1954 : vector<1x128xf32>
    %jit3A_1956 = arith.constant 0.000000e+00 : f32
    %broadcast_in_dim3A_1957 = vector.broadcast %jit3A_1956 : f32 to vector<1x128xf32>
    %select_n3A_1958 = arith.select %gt3A_1955, %broadcast_in_dim3A_1957, %select_n3A_1780 : vector<1x128xi1>, vector<1x128xf32>
    %slice3A_1959 = vector.extract_strided_slice %broadcast_in_dim3A_1923 {offsets = [0, 1792], sizes = [1, 128], strides = [1, 1]} : vector<1x2048xf32> to vector<1x128xf32>
    %gt3A_1960 = arith.constant 0.000000e+00 : f32
    %gt3A_1961 = vector.broadcast %gt3A_1960 : f32 to vector<1x128xf32>
    %gt3A_1962 = arith.cmpf ogt, %slice3A_1959, %gt3A_1961 : vector<1x128xf32>
    %jit3A_1963 = arith.constant 0.000000e+00 : f32
    %broadcast_in_dim3A_1964 = vector.broadcast %jit3A_1963 : f32 to vector<1x128xf32>
    %select_n3A_1965 = arith.select %gt3A_1962, %broadcast_in_dim3A_1964, %select_n3A_1787 : vector<1x128xi1>, vector<1x128xf32>
    %slice3A_1966 = vector.extract_strided_slice %broadcast_in_dim3A_1923 {offsets = [0, 1920], sizes = [1, 128], strides = [1, 1]} : vector<1x2048xf32> to vector<1x128xf32>
    %gt3A_1967 = arith.constant 0.000000e+00 : f32
    %gt3A_1968 = vector.broadcast %gt3A_1967 : f32 to vector<1x128xf32>
    %gt3A_1969 = arith.cmpf ogt, %slice3A_1966, %gt3A_1968 : vector<1x128xf32>
    %jit3A_1970 = arith.constant 0.000000e+00 : f32
    %broadcast_in_dim3A_1971 = vector.broadcast %jit3A_1970 : f32 to vector<1x128xf32>
    %select_n3A_1972 = arith.select %gt3A_1969, %broadcast_in_dim3A_1971, %select_n3A_1794 : vector<1x128xi1>, vector<1x128xf32>
    %slice3A_1973 = vector.extract_strided_slice %reshape3A {offsets = [9, 0], sizes = [1, 128], strides = [1, 1]} : vector<16x128xf32> to vector<1x128xf32>
    %squeeze3A_1974 = vector.shape_cast %slice3A_1973 : vector<1x128xf32> to vector<128xf32>
    %broadcast_in_dim3A_1975 = vector.shape_cast %squeeze3A_1974 : vector<128xf32> to vector<128x1xf32>
    %slice3A_1976 = vector.extract_strided_slice %reshape3A_114 {offsets = [9, 0], sizes = [1, 128], strides = [1, 1]} : vector<16x128xf32> to vector<1x128xf32>
    %squeeze3A_1977 = vector.shape_cast %slice3A_1976 : vector<1x128xf32> to vector<128xf32>
    %broadcast_in_dim3A_1978 = vector.shape_cast %squeeze3A_1977 : vector<128xf32> to vector<128x1xf32>
    %slice3A_1979 = vector.extract_strided_slice %reshape3A_115 {offsets = [9, 0], sizes = [1, 128], strides = [1, 1]} : vector<16x128xf32> to vector<1x128xf32>
    %squeeze3A_1980 = vector.shape_cast %slice3A_1979 : vector<1x128xf32> to vector<128xf32>
    %broadcast_in_dim3A_1981 = vector.shape_cast %squeeze3A_1980 : vector<128xf32> to vector<128x1xf32>
    %slice3A_1982 = vector.extract_strided_slice %reshape3A_116 {offsets = [9, 0], sizes = [1, 128], strides = [1, 1]} : vector<16x128xf32> to vector<1x128xf32>
    %squeeze3A_1983 = vector.shape_cast %slice3A_1982 : vector<1x128xf32> to vector<128xf32>
    %broadcast_in_dim3A_1984 = vector.shape_cast %squeeze3A_1983 : vector<128xf32> to vector<128x1xf32>
    %slice3A_1985 = vector.extract_strided_slice %reshape3A_117 {offsets = [9, 0], sizes = [1, 128], strides = [1, 1]} : vector<16x128xf32> to vector<1x128xf32>
    %squeeze3A_1986 = vector.shape_cast %slice3A_1985 : vector<1x128xf32> to vector<128xf32>
    %broadcast_in_dim3A_1987 = vector.shape_cast %squeeze3A_1986 : vector<128xf32> to vector<128x1xf32>
    %slice3A_1988 = vector.extract_strided_slice %reshape3A {offsets = [9, 0], sizes = [1, 128], strides = [1, 1]} : vector<16x128xf32> to vector<1x128xf32>
    %squeeze3A_1989 = vector.shape_cast %slice3A_1988 : vector<1x128xf32> to vector<128xf32>
    %broadcast_in_dim3A_1990 = vector.shape_cast %squeeze3A_1989 : vector<128xf32> to vector<1x128xf32>
    %max3A_1991 = vector.broadcast %broadcast_in_dim3A_1975 : vector<128x1xf32> to vector<128x128xf32>
    %max3A_1992 = vector.broadcast %broadcast_in_dim3A_1990 : vector<1x128xf32> to vector<128x128xf32>
    %max3A_1993 = arith.maximumf %max3A_1991, %max3A_1992 : vector<128x128xf32>
    %slice3A_1994 = vector.extract_strided_slice %reshape3A_114 {offsets = [9, 0], sizes = [1, 128], strides = [1, 1]} : vector<16x128xf32> to vector<1x128xf32>
    %squeeze3A_1995 = vector.shape_cast %slice3A_1994 : vector<1x128xf32> to vector<128xf32>
    %broadcast_in_dim3A_1996 = vector.shape_cast %squeeze3A_1995 : vector<128xf32> to vector<1x128xf32>
    %max3A_1997 = vector.broadcast %broadcast_in_dim3A_1978 : vector<128x1xf32> to vector<128x128xf32>
    %max3A_1998 = vector.broadcast %broadcast_in_dim3A_1996 : vector<1x128xf32> to vector<128x128xf32>
    %max3A_1999 = arith.maximumf %max3A_1997, %max3A_1998 : vector<128x128xf32>
    %slice3A_2000 = vector.extract_strided_slice %reshape3A_115 {offsets = [9, 0], sizes = [1, 128], strides = [1, 1]} : vector<16x128xf32> to vector<1x128xf32>
    %squeeze3A_2001 = vector.shape_cast %slice3A_2000 : vector<1x128xf32> to vector<128xf32>
    %broadcast_in_dim3A_2002 = vector.shape_cast %squeeze3A_2001 : vector<128xf32> to vector<1x128xf32>
    %min3A_2003 = vector.broadcast %broadcast_in_dim3A_1981 : vector<128x1xf32> to vector<128x128xf32>
    %min3A_2004 = vector.broadcast %broadcast_in_dim3A_2002 : vector<1x128xf32> to vector<128x128xf32>
    %min3A_2005 = arith.minimumf %min3A_2003, %min3A_2004 : vector<128x128xf32>
    %slice3A_2006 = vector.extract_strided_slice %reshape3A_116 {offsets = [9, 0], sizes = [1, 128], strides = [1, 1]} : vector<16x128xf32> to vector<1x128xf32>
    %squeeze3A_2007 = vector.shape_cast %slice3A_2006 : vector<1x128xf32> to vector<128xf32>
    %broadcast_in_dim3A_2008 = vector.shape_cast %squeeze3A_2007 : vector<128xf32> to vector<1x128xf32>
    %min3A_2009 = vector.broadcast %broadcast_in_dim3A_1984 : vector<128x1xf32> to vector<128x128xf32>
    %min3A_2010 = vector.broadcast %broadcast_in_dim3A_2008 : vector<1x128xf32> to vector<128x128xf32>
    %min3A_2011 = arith.minimumf %min3A_2009, %min3A_2010 : vector<128x128xf32>
    %sub3A_2012 = arith.subf %min3A_2005, %max3A_1993 : vector<128x128xf32>
    %max3A_2013 = arith.constant 0.000000e+00 : f32
    %max3A_2014 = vector.broadcast %max3A_2013 : f32 to vector<128x128xf32>
    %max3A_2015 = arith.maximumf %sub3A_2012, %max3A_2014 : vector<128x128xf32>
    %sub3A_2016 = arith.subf %min3A_2011, %max3A_1999 : vector<128x128xf32>
    %max3A_2017 = arith.constant 0.000000e+00 : f32
    %max3A_2018 = vector.broadcast %max3A_2017 : f32 to vector<128x128xf32>
    %max3A_2019 = arith.maximumf %sub3A_2016, %max3A_2018 : vector<128x128xf32>
    %mul3A_2020 = arith.mulf %max3A_2015, %max3A_2019 : vector<128x128xf32>
    %slice3A_2021 = vector.extract_strided_slice %reshape3A_117 {offsets = [9, 0], sizes = [1, 128], strides = [1, 1]} : vector<16x128xf32> to vector<1x128xf32>
    %squeeze3A_2022 = vector.shape_cast %slice3A_2021 : vector<1x128xf32> to vector<128xf32>
    %broadcast_in_dim3A_2023 = vector.shape_cast %squeeze3A_2022 : vector<128xf32> to vector<1x128xf32>
    %add3A_2024 = vector.broadcast %broadcast_in_dim3A_1987 : vector<128x1xf32> to vector<128x128xf32>
    %add3A_2025 = vector.broadcast %broadcast_in_dim3A_2023 : vector<1x128xf32> to vector<128x128xf32>
    %add3A_2026 = arith.addf %add3A_2024, %add3A_2025 : vector<128x128xf32>
    %sub3A_2027 = arith.subf %add3A_2026, %mul3A_2020 : vector<128x128xf32>
    %add3A_2028 = arith.constant 9.99999997E-7 : f32
    %add3A_2029 = vector.broadcast %add3A_2028 : f32 to vector<128x128xf32>
    %add3A_2030 = arith.addf %sub3A_2027, %add3A_2029 : vector<128x128xf32>
    %mul3A_2031 = arith.constant 0.699999988 : f32
    %mul3A_2032 = vector.broadcast %mul3A_2031 : f32 to vector<128x128xf32>
    %mul3A_2033 = arith.mulf %mul3A_2032, %add3A_2030 : vector<128x128xf32>
    %gt3A_2034 = arith.cmpf ogt, %mul3A_2020, %mul3A_2033 : vector<128x128xf32>
    %lt3A_2035 = arith.cmpi slt, %iota3A_119, %iota3A_120 : vector<128x128xi32>
    %and3A_2036 = arith.andi %gt3A_2034, %lt3A_2035 : vector<128x128xi1>
    %jit3A_2037 = arith.constant 1.000000e+00 : f32
    %jit3A_2038 = arith.constant 0.000000e+00 : f32
    %broadcast_in_dim3A_2039 = vector.broadcast %jit3A_2037 : f32 to vector<128x128xf32>
    %broadcast_in_dim3A_2040 = vector.broadcast %jit3A_2038 : f32 to vector<128x128xf32>
    %select_n3A_2041 = arith.select %and3A_2036, %broadcast_in_dim3A_2039, %broadcast_in_dim3A_2040 : vector<128x128xi1>, vector<128x128xf32>
    %swap3A_2042 = arith.constant 0 : index
    %swap3A_2043 = arith.constant 0 : index
    %swap3A_2044 = vector.load %arg6[%swap3A_2042, %swap3A_2043] : memref<128x128xf32, #tpu.memory_space<vmem>>, vector<128x128xf32>
    tpu.vector_store %arg6[%swap3A_2042, %swap3A_2043], %select_n3A_2041 {strides = array<i32>} : memref<128x128xf32, #tpu.memory_space<vmem>>, vector<128x128xf32>,
    %while3A_2045 = arith.constant 1.000000e+00 : f32
    %while3A_2046 = arith.constant 0 : i32
    %while3A_2047:3 = scf.while (%while3A_3026 = %select_n3A_1930, %while3A_3027 = %while3A_2045, %while3A_3028 = %while3A_2046) : (vector<1x128xf32>, f32, i32) -> (vector<1x128xf32>, f32, i32) {
      %gt3A_3029 = arith.constant 0.000000e+00 : f32
      %gt3A_3030 = arith.cmpf ogt, %while3A_3027, %gt3A_3029 : f32
      scf.condition(%gt3A_3030) %while3A_3026, %while3A_3027, %while3A_3028 : vector<1x128xf32>, f32, i32
    } do {
    ^bb0(%while3A_3026: vector<1x128xf32>, %while3A_3027: f32, %while3A_3028: i32):
      %get3A_3029 = arith.constant 0 : index
      %get3A_3030 = arith.constant 0 : index
      %get3A_3031 = vector.load %arg6[%get3A_3029, %get3A_3030] : memref<128x128xf32, #tpu.memory_space<vmem>>, vector<128x128xf32>
      %dot_general3A_3032 = arith.constant dense<0.000000e+00> : vector<1x128xf32>
      %dot_general3A_3033 = tpu.matmul %while3A_3026, %get3A_3031, %dot_general3A_3032 {dimension_numbers = #tpu.dot_dimension_numbers<[1], [0], [0], [1], [0, 0, 1, 1], [], []>, transpose_lhs_hint = false} : vector<1x128xf32>, vector<128x128xf32>, vector<1x128xf32> -> vector<1x128xf32>
      %lt3A_3034 = arith.constant 5.000000e-01 : f32
      %lt3A_3035 = vector.broadcast %lt3A_3034 : f32 to vector<1x128xf32>
      %lt3A_3036 = arith.cmpf olt, %dot_general3A_3033, %lt3A_3035 : vector<1x128xf32>
      %jit3A_3037 = arith.constant 0.000000e+00 : f32
      %broadcast_in_dim3A_3038 = vector.broadcast %jit3A_3037 : f32 to vector<1x128xf32>
      %select_n3A_3039 = arith.select %lt3A_3036, %select_n3A_1930, %broadcast_in_dim3A_3038 : vector<1x128xi1>, vector<1x128xf32>
      %sub3A_3040 = arith.subf %select_n3A_3039, %while3A_3026 : vector<1x128xf32>
      %abs3A = math.absf %sub3A_3040 : vector<1x128xf32>
      %reduce_sum3A_3041 = vector.shape_cast %abs3A : vector<1x128xf32> to vector<1x1x128xf32>
      %reduce_sum3A_3042 = arith.constant dense<0.000000e+00> : vector<1xf32>
      %reduce_sum3A_3043 = vector.multi_reduction <add>, %reduce_sum3A_3041, %reduce_sum3A_3042 [1, 2] : vector<1x1x128xf32> to vector<1xf32>
      %reduce_sum3A_3044 = vector.shape_cast %reduce_sum3A_3043 : vector<1xf32> to vector<1x1x1xf32>
      %reduce_sum3A_3045 = vector.extract %reduce_sum3A_3044[0, 0, 0] : f32 from vector<1x1x1xf32>
      %lt3A_3046 = arith.constant 128 : i32
      %lt3A_3047 = arith.cmpi slt, %while3A_3028, %lt3A_3046 : i32
      %jit3A_3048 = arith.constant 0.000000e+00 : f32
      %select_n3A_3049 = arith.select %lt3A_3047, %reduce_sum3A_3045, %jit3A_3048 : f32
      %add3A_3050 = arith.constant 1 : i32
      %add3A_3051 = arith.addi %while3A_3028, %add3A_3050 : i32
      scf.yield %select_n3A_3039, %select_n3A_3049, %add3A_3051 : vector<1x128xf32>, f32, i32
    }
    %dot_general3A_2048 = arith.constant dense<0.000000e+00> : vector<128x1xf32>
    %dot_general3A_2049 = tpu.matmul %select_n3A_125, %while3A_2047#0, %dot_general3A_2048 {dimension_numbers = #tpu.dot_dimension_numbers<[1], [1], [0], [0], [0, 0, 1, 0], [], []>, transpose_lhs_hint = false} : vector<128x128xf32>, vector<1x128xf32>, vector<128x1xf32> -> vector<128x1xf32>
    %add3A_2050 = arith.constant 1152 : i32
    %add3A_2051 = vector.broadcast %add3A_2050 : i32 to vector<128x1xi32>
    %add3A_2052 = arith.addi %add3A_2051, %iota3A_118 : vector<128x1xi32>
    %max3A_2053 = vector.broadcast %broadcast_in_dim3A_1975 : vector<128x1xf32> to vector<128x2048xf32>
    %max3A_2054 = vector.broadcast %min3A_47 : vector<1x2048xf32> to vector<128x2048xf32>
    %max3A_2055 = arith.maximumf %max3A_2053, %max3A_2054 : vector<128x2048xf32>
    %max3A_2056 = vector.broadcast %broadcast_in_dim3A_1978 : vector<128x1xf32> to vector<128x2048xf32>
    %max3A_2057 = vector.broadcast %min3A_57 : vector<1x2048xf32> to vector<128x2048xf32>
    %max3A_2058 = arith.maximumf %max3A_2056, %max3A_2057 : vector<128x2048xf32>
    %min3A_2059 = vector.broadcast %broadcast_in_dim3A_1981 : vector<128x1xf32> to vector<128x2048xf32>
    %min3A_2060 = vector.broadcast %min3A_67 : vector<1x2048xf32> to vector<128x2048xf32>
    %min3A_2061 = arith.minimumf %min3A_2059, %min3A_2060 : vector<128x2048xf32>
    %min3A_2062 = vector.broadcast %broadcast_in_dim3A_1984 : vector<128x1xf32> to vector<128x2048xf32>
    %min3A_2063 = vector.broadcast %min3A_77 : vector<1x2048xf32> to vector<128x2048xf32>
    %min3A_2064 = arith.minimumf %min3A_2062, %min3A_2063 : vector<128x2048xf32>
    %sub3A_2065 = arith.subf %min3A_2061, %max3A_2055 : vector<128x2048xf32>
    %max3A_2066 = arith.constant 0.000000e+00 : f32
    %max3A_2067 = vector.broadcast %max3A_2066 : f32 to vector<128x2048xf32>
    %max3A_2068 = arith.maximumf %sub3A_2065, %max3A_2067 : vector<128x2048xf32>
    %sub3A_2069 = arith.subf %min3A_2064, %max3A_2058 : vector<128x2048xf32>
    %max3A_2070 = arith.constant 0.000000e+00 : f32
    %max3A_2071 = vector.broadcast %max3A_2070 : f32 to vector<128x2048xf32>
    %max3A_2072 = arith.maximumf %sub3A_2069, %max3A_2071 : vector<128x2048xf32>
    %mul3A_2073 = arith.mulf %max3A_2068, %max3A_2072 : vector<128x2048xf32>
    %add3A_2074 = vector.broadcast %broadcast_in_dim3A_1987 : vector<128x1xf32> to vector<128x2048xf32>
    %add3A_2075 = vector.broadcast %mul3A_80 : vector<1x2048xf32> to vector<128x2048xf32>
    %add3A_2076 = arith.addf %add3A_2074, %add3A_2075 : vector<128x2048xf32>
    %sub3A_2077 = arith.subf %add3A_2076, %mul3A_2073 : vector<128x2048xf32>
    %add3A_2078 = arith.constant 9.99999997E-7 : f32
    %add3A_2079 = vector.broadcast %add3A_2078 : f32 to vector<128x2048xf32>
    %add3A_2080 = arith.addf %sub3A_2077, %add3A_2079 : vector<128x2048xf32>
    %mul3A_2081 = arith.constant 0.699999988 : f32
    %mul3A_2082 = vector.broadcast %mul3A_2081 : f32 to vector<128x2048xf32>
    %mul3A_2083 = arith.mulf %mul3A_2082, %add3A_2080 : vector<128x2048xf32>
    %gt3A_2084 = arith.cmpf ogt, %mul3A_2073, %mul3A_2083 : vector<128x2048xf32>
    %gt3A_2085 = arith.constant 0.000000e+00 : f32
    %gt3A_2086 = vector.broadcast %gt3A_2085 : f32 to vector<128x1xf32>
    %gt3A_2087 = arith.cmpf ogt, %dot_general3A_2049, %gt3A_2086 : vector<128x1xf32>
    %and3A_2088 = vector.broadcast %gt3A_2087 : vector<128x1xi1> to vector<128x2048xi1>
    %and3A_2089 = arith.andi %gt3A_2084, %and3A_2088 : vector<128x2048xi1>
    %gt3A_2090 = vector.broadcast %iota3A : vector<1x2048xi32> to vector<128x2048xi32>
    %gt3A_2091 = vector.broadcast %add3A_2052 : vector<128x1xi32> to vector<128x2048xi32>
    %gt3A_2092 = arith.cmpi sgt, %gt3A_2090, %gt3A_2091 : vector<128x2048xi32>
    %and3A_2093 = arith.andi %and3A_2089, %gt3A_2092 : vector<128x2048xi1>
    %jit3A_2094 = arith.constant 1.000000e+00 : f32
    %jit3A_2095 = arith.constant 0.000000e+00 : f32
    %broadcast_in_dim3A_2096 = vector.broadcast %jit3A_2094 : f32 to vector<128x2048xf32>
    %broadcast_in_dim3A_2097 = vector.broadcast %jit3A_2095 : f32 to vector<128x2048xf32>
    %select_n3A_2098 = arith.select %and3A_2093, %broadcast_in_dim3A_2096, %broadcast_in_dim3A_2097 : vector<128x2048xi1>, vector<128x2048xf32>
    %reduce_max3A_2099 = arith.constant dense<0xFF800000> : vector<2048xf32>
    %reduce_max3A_2100 = vector.multi_reduction <maximumf>, %select_n3A_2098, %reduce_max3A_2099 [0] : vector<128x2048xf32> to vector<2048xf32>
    %broadcast_in_dim3A_2101 = vector.shape_cast %reduce_max3A_2100 : vector<2048xf32> to vector<1x2048xf32>
    %slice3A_2102 = vector.extract_strided_slice %broadcast_in_dim3A_2101 {offsets = [0, 1280], sizes = [1, 128], strides = [1, 1]} : vector<1x2048xf32> to vector<1x128xf32>
    %gt3A_2103 = arith.constant 0.000000e+00 : f32
    %gt3A_2104 = vector.broadcast %gt3A_2103 : f32 to vector<1x128xf32>
    %gt3A_2105 = arith.cmpf ogt, %slice3A_2102, %gt3A_2104 : vector<1x128xf32>
    %jit3A_2106 = arith.constant 0.000000e+00 : f32
    %broadcast_in_dim3A_2107 = vector.broadcast %jit3A_2106 : f32 to vector<1x128xf32>
    %select_n3A_2108 = arith.select %gt3A_2105, %broadcast_in_dim3A_2107, %select_n3A_1937 : vector<1x128xi1>, vector<1x128xf32>
    %slice3A_2109 = vector.extract_strided_slice %broadcast_in_dim3A_2101 {offsets = [0, 1408], sizes = [1, 128], strides = [1, 1]} : vector<1x2048xf32> to vector<1x128xf32>
    %gt3A_2110 = arith.constant 0.000000e+00 : f32
    %gt3A_2111 = vector.broadcast %gt3A_2110 : f32 to vector<1x128xf32>
    %gt3A_2112 = arith.cmpf ogt, %slice3A_2109, %gt3A_2111 : vector<1x128xf32>
    %jit3A_2113 = arith.constant 0.000000e+00 : f32
    %broadcast_in_dim3A_2114 = vector.broadcast %jit3A_2113 : f32 to vector<1x128xf32>
    %select_n3A_2115 = arith.select %gt3A_2112, %broadcast_in_dim3A_2114, %select_n3A_1944 : vector<1x128xi1>, vector<1x128xf32>
    %slice3A_2116 = vector.extract_strided_slice %broadcast_in_dim3A_2101 {offsets = [0, 1536], sizes = [1, 128], strides = [1, 1]} : vector<1x2048xf32> to vector<1x128xf32>
    %gt3A_2117 = arith.constant 0.000000e+00 : f32
    %gt3A_2118 = vector.broadcast %gt3A_2117 : f32 to vector<1x128xf32>
    %gt3A_2119 = arith.cmpf ogt, %slice3A_2116, %gt3A_2118 : vector<1x128xf32>
    %jit3A_2120 = arith.constant 0.000000e+00 : f32
    %broadcast_in_dim3A_2121 = vector.broadcast %jit3A_2120 : f32 to vector<1x128xf32>
    %select_n3A_2122 = arith.select %gt3A_2119, %broadcast_in_dim3A_2121, %select_n3A_1951 : vector<1x128xi1>, vector<1x128xf32>
    %slice3A_2123 = vector.extract_strided_slice %broadcast_in_dim3A_2101 {offsets = [0, 1664], sizes = [1, 128], strides = [1, 1]} : vector<1x2048xf32> to vector<1x128xf32>
    %gt3A_2124 = arith.constant 0.000000e+00 : f32
    %gt3A_2125 = vector.broadcast %gt3A_2124 : f32 to vector<1x128xf32>
    %gt3A_2126 = arith.cmpf ogt, %slice3A_2123, %gt3A_2125 : vector<1x128xf32>
    %jit3A_2127 = arith.constant 0.000000e+00 : f32
    %broadcast_in_dim3A_2128 = vector.broadcast %jit3A_2127 : f32 to vector<1x128xf32>
    %select_n3A_2129 = arith.select %gt3A_2126, %broadcast_in_dim3A_2128, %select_n3A_1958 : vector<1x128xi1>, vector<1x128xf32>
    %slice3A_2130 = vector.extract_strided_slice %broadcast_in_dim3A_2101 {offsets = [0, 1792], sizes = [1, 128], strides = [1, 1]} : vector<1x2048xf32> to vector<1x128xf32>
    %gt3A_2131 = arith.constant 0.000000e+00 : f32
    %gt3A_2132 = vector.broadcast %gt3A_2131 : f32 to vector<1x128xf32>
    %gt3A_2133 = arith.cmpf ogt, %slice3A_2130, %gt3A_2132 : vector<1x128xf32>
    %jit3A_2134 = arith.constant 0.000000e+00 : f32
    %broadcast_in_dim3A_2135 = vector.broadcast %jit3A_2134 : f32 to vector<1x128xf32>
    %select_n3A_2136 = arith.select %gt3A_2133, %broadcast_in_dim3A_2135, %select_n3A_1965 : vector<1x128xi1>, vector<1x128xf32>
    %slice3A_2137 = vector.extract_strided_slice %broadcast_in_dim3A_2101 {offsets = [0, 1920], sizes = [1, 128], strides = [1, 1]} : vector<1x2048xf32> to vector<1x128xf32>
    %gt3A_2138 = arith.constant 0.000000e+00 : f32
    %gt3A_2139 = vector.broadcast %gt3A_2138 : f32 to vector<1x128xf32>
    %gt3A_2140 = arith.cmpf ogt, %slice3A_2137, %gt3A_2139 : vector<1x128xf32>
    %jit3A_2141 = arith.constant 0.000000e+00 : f32
    %broadcast_in_dim3A_2142 = vector.broadcast %jit3A_2141 : f32 to vector<1x128xf32>
    %select_n3A_2143 = arith.select %gt3A_2140, %broadcast_in_dim3A_2142, %select_n3A_1972 : vector<1x128xi1>, vector<1x128xf32>
    %slice3A_2144 = vector.extract_strided_slice %reshape3A {offsets = [10, 0], sizes = [1, 128], strides = [1, 1]} : vector<16x128xf32> to vector<1x128xf32>
    %squeeze3A_2145 = vector.shape_cast %slice3A_2144 : vector<1x128xf32> to vector<128xf32>
    %broadcast_in_dim3A_2146 = vector.shape_cast %squeeze3A_2145 : vector<128xf32> to vector<128x1xf32>
    %slice3A_2147 = vector.extract_strided_slice %reshape3A_114 {offsets = [10, 0], sizes = [1, 128], strides = [1, 1]} : vector<16x128xf32> to vector<1x128xf32>
    %squeeze3A_2148 = vector.shape_cast %slice3A_2147 : vector<1x128xf32> to vector<128xf32>
    %broadcast_in_dim3A_2149 = vector.shape_cast %squeeze3A_2148 : vector<128xf32> to vector<128x1xf32>
    %slice3A_2150 = vector.extract_strided_slice %reshape3A_115 {offsets = [10, 0], sizes = [1, 128], strides = [1, 1]} : vector<16x128xf32> to vector<1x128xf32>
    %squeeze3A_2151 = vector.shape_cast %slice3A_2150 : vector<1x128xf32> to vector<128xf32>
    %broadcast_in_dim3A_2152 = vector.shape_cast %squeeze3A_2151 : vector<128xf32> to vector<128x1xf32>
    %slice3A_2153 = vector.extract_strided_slice %reshape3A_116 {offsets = [10, 0], sizes = [1, 128], strides = [1, 1]} : vector<16x128xf32> to vector<1x128xf32>
    %squeeze3A_2154 = vector.shape_cast %slice3A_2153 : vector<1x128xf32> to vector<128xf32>
    %broadcast_in_dim3A_2155 = vector.shape_cast %squeeze3A_2154 : vector<128xf32> to vector<128x1xf32>
    %slice3A_2156 = vector.extract_strided_slice %reshape3A_117 {offsets = [10, 0], sizes = [1, 128], strides = [1, 1]} : vector<16x128xf32> to vector<1x128xf32>
    %squeeze3A_2157 = vector.shape_cast %slice3A_2156 : vector<1x128xf32> to vector<128xf32>
    %broadcast_in_dim3A_2158 = vector.shape_cast %squeeze3A_2157 : vector<128xf32> to vector<128x1xf32>
    %slice3A_2159 = vector.extract_strided_slice %reshape3A {offsets = [10, 0], sizes = [1, 128], strides = [1, 1]} : vector<16x128xf32> to vector<1x128xf32>
    %squeeze3A_2160 = vector.shape_cast %slice3A_2159 : vector<1x128xf32> to vector<128xf32>
    %broadcast_in_dim3A_2161 = vector.shape_cast %squeeze3A_2160 : vector<128xf32> to vector<1x128xf32>
    %max3A_2162 = vector.broadcast %broadcast_in_dim3A_2146 : vector<128x1xf32> to vector<128x128xf32>
    %max3A_2163 = vector.broadcast %broadcast_in_dim3A_2161 : vector<1x128xf32> to vector<128x128xf32>
    %max3A_2164 = arith.maximumf %max3A_2162, %max3A_2163 : vector<128x128xf32>
    %slice3A_2165 = vector.extract_strided_slice %reshape3A_114 {offsets = [10, 0], sizes = [1, 128], strides = [1, 1]} : vector<16x128xf32> to vector<1x128xf32>
    %squeeze3A_2166 = vector.shape_cast %slice3A_2165 : vector<1x128xf32> to vector<128xf32>
    %broadcast_in_dim3A_2167 = vector.shape_cast %squeeze3A_2166 : vector<128xf32> to vector<1x128xf32>
    %max3A_2168 = vector.broadcast %broadcast_in_dim3A_2149 : vector<128x1xf32> to vector<128x128xf32>
    %max3A_2169 = vector.broadcast %broadcast_in_dim3A_2167 : vector<1x128xf32> to vector<128x128xf32>
    %max3A_2170 = arith.maximumf %max3A_2168, %max3A_2169 : vector<128x128xf32>
    %slice3A_2171 = vector.extract_strided_slice %reshape3A_115 {offsets = [10, 0], sizes = [1, 128], strides = [1, 1]} : vector<16x128xf32> to vector<1x128xf32>
    %squeeze3A_2172 = vector.shape_cast %slice3A_2171 : vector<1x128xf32> to vector<128xf32>
    %broadcast_in_dim3A_2173 = vector.shape_cast %squeeze3A_2172 : vector<128xf32> to vector<1x128xf32>
    %min3A_2174 = vector.broadcast %broadcast_in_dim3A_2152 : vector<128x1xf32> to vector<128x128xf32>
    %min3A_2175 = vector.broadcast %broadcast_in_dim3A_2173 : vector<1x128xf32> to vector<128x128xf32>
    %min3A_2176 = arith.minimumf %min3A_2174, %min3A_2175 : vector<128x128xf32>
    %slice3A_2177 = vector.extract_strided_slice %reshape3A_116 {offsets = [10, 0], sizes = [1, 128], strides = [1, 1]} : vector<16x128xf32> to vector<1x128xf32>
    %squeeze3A_2178 = vector.shape_cast %slice3A_2177 : vector<1x128xf32> to vector<128xf32>
    %broadcast_in_dim3A_2179 = vector.shape_cast %squeeze3A_2178 : vector<128xf32> to vector<1x128xf32>
    %min3A_2180 = vector.broadcast %broadcast_in_dim3A_2155 : vector<128x1xf32> to vector<128x128xf32>
    %min3A_2181 = vector.broadcast %broadcast_in_dim3A_2179 : vector<1x128xf32> to vector<128x128xf32>
    %min3A_2182 = arith.minimumf %min3A_2180, %min3A_2181 : vector<128x128xf32>
    %sub3A_2183 = arith.subf %min3A_2176, %max3A_2164 : vector<128x128xf32>
    %max3A_2184 = arith.constant 0.000000e+00 : f32
    %max3A_2185 = vector.broadcast %max3A_2184 : f32 to vector<128x128xf32>
    %max3A_2186 = arith.maximumf %sub3A_2183, %max3A_2185 : vector<128x128xf32>
    %sub3A_2187 = arith.subf %min3A_2182, %max3A_2170 : vector<128x128xf32>
    %max3A_2188 = arith.constant 0.000000e+00 : f32
    %max3A_2189 = vector.broadcast %max3A_2188 : f32 to vector<128x128xf32>
    %max3A_2190 = arith.maximumf %sub3A_2187, %max3A_2189 : vector<128x128xf32>
    %mul3A_2191 = arith.mulf %max3A_2186, %max3A_2190 : vector<128x128xf32>
    %slice3A_2192 = vector.extract_strided_slice %reshape3A_117 {offsets = [10, 0], sizes = [1, 128], strides = [1, 1]} : vector<16x128xf32> to vector<1x128xf32>
    %squeeze3A_2193 = vector.shape_cast %slice3A_2192 : vector<1x128xf32> to vector<128xf32>
    %broadcast_in_dim3A_2194 = vector.shape_cast %squeeze3A_2193 : vector<128xf32> to vector<1x128xf32>
    %add3A_2195 = vector.broadcast %broadcast_in_dim3A_2158 : vector<128x1xf32> to vector<128x128xf32>
    %add3A_2196 = vector.broadcast %broadcast_in_dim3A_2194 : vector<1x128xf32> to vector<128x128xf32>
    %add3A_2197 = arith.addf %add3A_2195, %add3A_2196 : vector<128x128xf32>
    %sub3A_2198 = arith.subf %add3A_2197, %mul3A_2191 : vector<128x128xf32>
    %add3A_2199 = arith.constant 9.99999997E-7 : f32
    %add3A_2200 = vector.broadcast %add3A_2199 : f32 to vector<128x128xf32>
    %add3A_2201 = arith.addf %sub3A_2198, %add3A_2200 : vector<128x128xf32>
    %mul3A_2202 = arith.constant 0.699999988 : f32
    %mul3A_2203 = vector.broadcast %mul3A_2202 : f32 to vector<128x128xf32>
    %mul3A_2204 = arith.mulf %mul3A_2203, %add3A_2201 : vector<128x128xf32>
    %gt3A_2205 = arith.cmpf ogt, %mul3A_2191, %mul3A_2204 : vector<128x128xf32>
    %lt3A_2206 = arith.cmpi slt, %iota3A_119, %iota3A_120 : vector<128x128xi32>
    %and3A_2207 = arith.andi %gt3A_2205, %lt3A_2206 : vector<128x128xi1>
    %jit3A_2208 = arith.constant 1.000000e+00 : f32
    %jit3A_2209 = arith.constant 0.000000e+00 : f32
    %broadcast_in_dim3A_2210 = vector.broadcast %jit3A_2208 : f32 to vector<128x128xf32>
    %broadcast_in_dim3A_2211 = vector.broadcast %jit3A_2209 : f32 to vector<128x128xf32>
    %select_n3A_2212 = arith.select %and3A_2207, %broadcast_in_dim3A_2210, %broadcast_in_dim3A_2211 : vector<128x128xi1>, vector<128x128xf32>
    %swap3A_2213 = arith.constant 0 : index
    %swap3A_2214 = arith.constant 0 : index
    %swap3A_2215 = vector.load %arg6[%swap3A_2213, %swap3A_2214] : memref<128x128xf32, #tpu.memory_space<vmem>>, vector<128x128xf32>
    tpu.vector_store %arg6[%swap3A_2213, %swap3A_2214], %select_n3A_2212 {strides = array<i32>} : memref<128x128xf32, #tpu.memory_space<vmem>>, vector<128x128xf32>,
    %while3A_2216 = arith.constant 1.000000e+00 : f32
    %while3A_2217 = arith.constant 0 : i32
    %while3A_2218:3 = scf.while (%while3A_3026 = %select_n3A_2108, %while3A_3027 = %while3A_2216, %while3A_3028 = %while3A_2217) : (vector<1x128xf32>, f32, i32) -> (vector<1x128xf32>, f32, i32) {
      %gt3A_3029 = arith.constant 0.000000e+00 : f32
      %gt3A_3030 = arith.cmpf ogt, %while3A_3027, %gt3A_3029 : f32
      scf.condition(%gt3A_3030) %while3A_3026, %while3A_3027, %while3A_3028 : vector<1x128xf32>, f32, i32
    } do {
    ^bb0(%while3A_3026: vector<1x128xf32>, %while3A_3027: f32, %while3A_3028: i32):
      %get3A_3029 = arith.constant 0 : index
      %get3A_3030 = arith.constant 0 : index
      %get3A_3031 = vector.load %arg6[%get3A_3029, %get3A_3030] : memref<128x128xf32, #tpu.memory_space<vmem>>, vector<128x128xf32>
      %dot_general3A_3032 = arith.constant dense<0.000000e+00> : vector<1x128xf32>
      %dot_general3A_3033 = tpu.matmul %while3A_3026, %get3A_3031, %dot_general3A_3032 {dimension_numbers = #tpu.dot_dimension_numbers<[1], [0], [0], [1], [0, 0, 1, 1], [], []>, transpose_lhs_hint = false} : vector<1x128xf32>, vector<128x128xf32>, vector<1x128xf32> -> vector<1x128xf32>
      %lt3A_3034 = arith.constant 5.000000e-01 : f32
      %lt3A_3035 = vector.broadcast %lt3A_3034 : f32 to vector<1x128xf32>
      %lt3A_3036 = arith.cmpf olt, %dot_general3A_3033, %lt3A_3035 : vector<1x128xf32>
      %jit3A_3037 = arith.constant 0.000000e+00 : f32
      %broadcast_in_dim3A_3038 = vector.broadcast %jit3A_3037 : f32 to vector<1x128xf32>
      %select_n3A_3039 = arith.select %lt3A_3036, %select_n3A_2108, %broadcast_in_dim3A_3038 : vector<1x128xi1>, vector<1x128xf32>
      %sub3A_3040 = arith.subf %select_n3A_3039, %while3A_3026 : vector<1x128xf32>
      %abs3A = math.absf %sub3A_3040 : vector<1x128xf32>
      %reduce_sum3A_3041 = vector.shape_cast %abs3A : vector<1x128xf32> to vector<1x1x128xf32>
      %reduce_sum3A_3042 = arith.constant dense<0.000000e+00> : vector<1xf32>
      %reduce_sum3A_3043 = vector.multi_reduction <add>, %reduce_sum3A_3041, %reduce_sum3A_3042 [1, 2] : vector<1x1x128xf32> to vector<1xf32>
      %reduce_sum3A_3044 = vector.shape_cast %reduce_sum3A_3043 : vector<1xf32> to vector<1x1x1xf32>
      %reduce_sum3A_3045 = vector.extract %reduce_sum3A_3044[0, 0, 0] : f32 from vector<1x1x1xf32>
      %lt3A_3046 = arith.constant 128 : i32
      %lt3A_3047 = arith.cmpi slt, %while3A_3028, %lt3A_3046 : i32
      %jit3A_3048 = arith.constant 0.000000e+00 : f32
      %select_n3A_3049 = arith.select %lt3A_3047, %reduce_sum3A_3045, %jit3A_3048 : f32
      %add3A_3050 = arith.constant 1 : i32
      %add3A_3051 = arith.addi %while3A_3028, %add3A_3050 : i32
      scf.yield %select_n3A_3039, %select_n3A_3049, %add3A_3051 : vector<1x128xf32>, f32, i32
    }
    %dot_general3A_2219 = arith.constant dense<0.000000e+00> : vector<128x1xf32>
    %dot_general3A_2220 = tpu.matmul %select_n3A_125, %while3A_2218#0, %dot_general3A_2219 {dimension_numbers = #tpu.dot_dimension_numbers<[1], [1], [0], [0], [0, 0, 1, 0], [], []>, transpose_lhs_hint = false} : vector<128x128xf32>, vector<1x128xf32>, vector<128x1xf32> -> vector<128x1xf32>
    %add3A_2221 = arith.constant 1280 : i32
    %add3A_2222 = vector.broadcast %add3A_2221 : i32 to vector<128x1xi32>
    %add3A_2223 = arith.addi %add3A_2222, %iota3A_118 : vector<128x1xi32>
    %max3A_2224 = vector.broadcast %broadcast_in_dim3A_2146 : vector<128x1xf32> to vector<128x2048xf32>
    %max3A_2225 = vector.broadcast %min3A_47 : vector<1x2048xf32> to vector<128x2048xf32>
    %max3A_2226 = arith.maximumf %max3A_2224, %max3A_2225 : vector<128x2048xf32>
    %max3A_2227 = vector.broadcast %broadcast_in_dim3A_2149 : vector<128x1xf32> to vector<128x2048xf32>
    %max3A_2228 = vector.broadcast %min3A_57 : vector<1x2048xf32> to vector<128x2048xf32>
    %max3A_2229 = arith.maximumf %max3A_2227, %max3A_2228 : vector<128x2048xf32>
    %min3A_2230 = vector.broadcast %broadcast_in_dim3A_2152 : vector<128x1xf32> to vector<128x2048xf32>
    %min3A_2231 = vector.broadcast %min3A_67 : vector<1x2048xf32> to vector<128x2048xf32>
    %min3A_2232 = arith.minimumf %min3A_2230, %min3A_2231 : vector<128x2048xf32>
    %min3A_2233 = vector.broadcast %broadcast_in_dim3A_2155 : vector<128x1xf32> to vector<128x2048xf32>
    %min3A_2234 = vector.broadcast %min3A_77 : vector<1x2048xf32> to vector<128x2048xf32>
    %min3A_2235 = arith.minimumf %min3A_2233, %min3A_2234 : vector<128x2048xf32>
    %sub3A_2236 = arith.subf %min3A_2232, %max3A_2226 : vector<128x2048xf32>
    %max3A_2237 = arith.constant 0.000000e+00 : f32
    %max3A_2238 = vector.broadcast %max3A_2237 : f32 to vector<128x2048xf32>
    %max3A_2239 = arith.maximumf %sub3A_2236, %max3A_2238 : vector<128x2048xf32>
    %sub3A_2240 = arith.subf %min3A_2235, %max3A_2229 : vector<128x2048xf32>
    %max3A_2241 = arith.constant 0.000000e+00 : f32
    %max3A_2242 = vector.broadcast %max3A_2241 : f32 to vector<128x2048xf32>
    %max3A_2243 = arith.maximumf %sub3A_2240, %max3A_2242 : vector<128x2048xf32>
    %mul3A_2244 = arith.mulf %max3A_2239, %max3A_2243 : vector<128x2048xf32>
    %add3A_2245 = vector.broadcast %broadcast_in_dim3A_2158 : vector<128x1xf32> to vector<128x2048xf32>
    %add3A_2246 = vector.broadcast %mul3A_80 : vector<1x2048xf32> to vector<128x2048xf32>
    %add3A_2247 = arith.addf %add3A_2245, %add3A_2246 : vector<128x2048xf32>
    %sub3A_2248 = arith.subf %add3A_2247, %mul3A_2244 : vector<128x2048xf32>
    %add3A_2249 = arith.constant 9.99999997E-7 : f32
    %add3A_2250 = vector.broadcast %add3A_2249 : f32 to vector<128x2048xf32>
    %add3A_2251 = arith.addf %sub3A_2248, %add3A_2250 : vector<128x2048xf32>
    %mul3A_2252 = arith.constant 0.699999988 : f32
    %mul3A_2253 = vector.broadcast %mul3A_2252 : f32 to vector<128x2048xf32>
    %mul3A_2254 = arith.mulf %mul3A_2253, %add3A_2251 : vector<128x2048xf32>
    %gt3A_2255 = arith.cmpf ogt, %mul3A_2244, %mul3A_2254 : vector<128x2048xf32>
    %gt3A_2256 = arith.constant 0.000000e+00 : f32
    %gt3A_2257 = vector.broadcast %gt3A_2256 : f32 to vector<128x1xf32>
    %gt3A_2258 = arith.cmpf ogt, %dot_general3A_2220, %gt3A_2257 : vector<128x1xf32>
    %and3A_2259 = vector.broadcast %gt3A_2258 : vector<128x1xi1> to vector<128x2048xi1>
    %and3A_2260 = arith.andi %gt3A_2255, %and3A_2259 : vector<128x2048xi1>
    %gt3A_2261 = vector.broadcast %iota3A : vector<1x2048xi32> to vector<128x2048xi32>
    %gt3A_2262 = vector.broadcast %add3A_2223 : vector<128x1xi32> to vector<128x2048xi32>
    %gt3A_2263 = arith.cmpi sgt, %gt3A_2261, %gt3A_2262 : vector<128x2048xi32>
    %and3A_2264 = arith.andi %and3A_2260, %gt3A_2263 : vector<128x2048xi1>
    %jit3A_2265 = arith.constant 1.000000e+00 : f32
    %jit3A_2266 = arith.constant 0.000000e+00 : f32
    %broadcast_in_dim3A_2267 = vector.broadcast %jit3A_2265 : f32 to vector<128x2048xf32>
    %broadcast_in_dim3A_2268 = vector.broadcast %jit3A_2266 : f32 to vector<128x2048xf32>
    %select_n3A_2269 = arith.select %and3A_2264, %broadcast_in_dim3A_2267, %broadcast_in_dim3A_2268 : vector<128x2048xi1>, vector<128x2048xf32>
    %reduce_max3A_2270 = arith.constant dense<0xFF800000> : vector<2048xf32>
    %reduce_max3A_2271 = vector.multi_reduction <maximumf>, %select_n3A_2269, %reduce_max3A_2270 [0] : vector<128x2048xf32> to vector<2048xf32>
    %broadcast_in_dim3A_2272 = vector.shape_cast %reduce_max3A_2271 : vector<2048xf32> to vector<1x2048xf32>
    %slice3A_2273 = vector.extract_strided_slice %broadcast_in_dim3A_2272 {offsets = [0, 1408], sizes = [1, 128], strides = [1, 1]} : vector<1x2048xf32> to vector<1x128xf32>
    %gt3A_2274 = arith.constant 0.000000e+00 : f32
    %gt3A_2275 = vector.broadcast %gt3A_2274 : f32 to vector<1x128xf32>
    %gt3A_2276 = arith.cmpf ogt, %slice3A_2273, %gt3A_2275 : vector<1x128xf32>
    %jit3A_2277 = arith.constant 0.000000e+00 : f32
    %broadcast_in_dim3A_2278 = vector.broadcast %jit3A_2277 : f32 to vector<1x128xf32>
    %select_n3A_2279 = arith.select %gt3A_2276, %broadcast_in_dim3A_2278, %select_n3A_2115 : vector<1x128xi1>, vector<1x128xf32>
    %slice3A_2280 = vector.extract_strided_slice %broadcast_in_dim3A_2272 {offsets = [0, 1536], sizes = [1, 128], strides = [1, 1]} : vector<1x2048xf32> to vector<1x128xf32>
    %gt3A_2281 = arith.constant 0.000000e+00 : f32
    %gt3A_2282 = vector.broadcast %gt3A_2281 : f32 to vector<1x128xf32>
    %gt3A_2283 = arith.cmpf ogt, %slice3A_2280, %gt3A_2282 : vector<1x128xf32>
    %jit3A_2284 = arith.constant 0.000000e+00 : f32
    %broadcast_in_dim3A_2285 = vector.broadcast %jit3A_2284 : f32 to vector<1x128xf32>
    %select_n3A_2286 = arith.select %gt3A_2283, %broadcast_in_dim3A_2285, %select_n3A_2122 : vector<1x128xi1>, vector<1x128xf32>
    %slice3A_2287 = vector.extract_strided_slice %broadcast_in_dim3A_2272 {offsets = [0, 1664], sizes = [1, 128], strides = [1, 1]} : vector<1x2048xf32> to vector<1x128xf32>
    %gt3A_2288 = arith.constant 0.000000e+00 : f32
    %gt3A_2289 = vector.broadcast %gt3A_2288 : f32 to vector<1x128xf32>
    %gt3A_2290 = arith.cmpf ogt, %slice3A_2287, %gt3A_2289 : vector<1x128xf32>
    %jit3A_2291 = arith.constant 0.000000e+00 : f32
    %broadcast_in_dim3A_2292 = vector.broadcast %jit3A_2291 : f32 to vector<1x128xf32>
    %select_n3A_2293 = arith.select %gt3A_2290, %broadcast_in_dim3A_2292, %select_n3A_2129 : vector<1x128xi1>, vector<1x128xf32>
    %slice3A_2294 = vector.extract_strided_slice %broadcast_in_dim3A_2272 {offsets = [0, 1792], sizes = [1, 128], strides = [1, 1]} : vector<1x2048xf32> to vector<1x128xf32>
    %gt3A_2295 = arith.constant 0.000000e+00 : f32
    %gt3A_2296 = vector.broadcast %gt3A_2295 : f32 to vector<1x128xf32>
    %gt3A_2297 = arith.cmpf ogt, %slice3A_2294, %gt3A_2296 : vector<1x128xf32>
    %jit3A_2298 = arith.constant 0.000000e+00 : f32
    %broadcast_in_dim3A_2299 = vector.broadcast %jit3A_2298 : f32 to vector<1x128xf32>
    %select_n3A_2300 = arith.select %gt3A_2297, %broadcast_in_dim3A_2299, %select_n3A_2136 : vector<1x128xi1>, vector<1x128xf32>
    %slice3A_2301 = vector.extract_strided_slice %broadcast_in_dim3A_2272 {offsets = [0, 1920], sizes = [1, 128], strides = [1, 1]} : vector<1x2048xf32> to vector<1x128xf32>
    %gt3A_2302 = arith.constant 0.000000e+00 : f32
    %gt3A_2303 = vector.broadcast %gt3A_2302 : f32 to vector<1x128xf32>
    %gt3A_2304 = arith.cmpf ogt, %slice3A_2301, %gt3A_2303 : vector<1x128xf32>
    %jit3A_2305 = arith.constant 0.000000e+00 : f32
    %broadcast_in_dim3A_2306 = vector.broadcast %jit3A_2305 : f32 to vector<1x128xf32>
    %select_n3A_2307 = arith.select %gt3A_2304, %broadcast_in_dim3A_2306, %select_n3A_2143 : vector<1x128xi1>, vector<1x128xf32>
    %slice3A_2308 = vector.extract_strided_slice %reshape3A {offsets = [11, 0], sizes = [1, 128], strides = [1, 1]} : vector<16x128xf32> to vector<1x128xf32>
    %squeeze3A_2309 = vector.shape_cast %slice3A_2308 : vector<1x128xf32> to vector<128xf32>
    %broadcast_in_dim3A_2310 = vector.shape_cast %squeeze3A_2309 : vector<128xf32> to vector<128x1xf32>
    %slice3A_2311 = vector.extract_strided_slice %reshape3A_114 {offsets = [11, 0], sizes = [1, 128], strides = [1, 1]} : vector<16x128xf32> to vector<1x128xf32>
    %squeeze3A_2312 = vector.shape_cast %slice3A_2311 : vector<1x128xf32> to vector<128xf32>
    %broadcast_in_dim3A_2313 = vector.shape_cast %squeeze3A_2312 : vector<128xf32> to vector<128x1xf32>
    %slice3A_2314 = vector.extract_strided_slice %reshape3A_115 {offsets = [11, 0], sizes = [1, 128], strides = [1, 1]} : vector<16x128xf32> to vector<1x128xf32>
    %squeeze3A_2315 = vector.shape_cast %slice3A_2314 : vector<1x128xf32> to vector<128xf32>
    %broadcast_in_dim3A_2316 = vector.shape_cast %squeeze3A_2315 : vector<128xf32> to vector<128x1xf32>
    %slice3A_2317 = vector.extract_strided_slice %reshape3A_116 {offsets = [11, 0], sizes = [1, 128], strides = [1, 1]} : vector<16x128xf32> to vector<1x128xf32>
    %squeeze3A_2318 = vector.shape_cast %slice3A_2317 : vector<1x128xf32> to vector<128xf32>
    %broadcast_in_dim3A_2319 = vector.shape_cast %squeeze3A_2318 : vector<128xf32> to vector<128x1xf32>
    %slice3A_2320 = vector.extract_strided_slice %reshape3A_117 {offsets = [11, 0], sizes = [1, 128], strides = [1, 1]} : vector<16x128xf32> to vector<1x128xf32>
    %squeeze3A_2321 = vector.shape_cast %slice3A_2320 : vector<1x128xf32> to vector<128xf32>
    %broadcast_in_dim3A_2322 = vector.shape_cast %squeeze3A_2321 : vector<128xf32> to vector<128x1xf32>
    %slice3A_2323 = vector.extract_strided_slice %reshape3A {offsets = [11, 0], sizes = [1, 128], strides = [1, 1]} : vector<16x128xf32> to vector<1x128xf32>
    %squeeze3A_2324 = vector.shape_cast %slice3A_2323 : vector<1x128xf32> to vector<128xf32>
    %broadcast_in_dim3A_2325 = vector.shape_cast %squeeze3A_2324 : vector<128xf32> to vector<1x128xf32>
    %max3A_2326 = vector.broadcast %broadcast_in_dim3A_2310 : vector<128x1xf32> to vector<128x128xf32>
    %max3A_2327 = vector.broadcast %broadcast_in_dim3A_2325 : vector<1x128xf32> to vector<128x128xf32>
    %max3A_2328 = arith.maximumf %max3A_2326, %max3A_2327 : vector<128x128xf32>
    %slice3A_2329 = vector.extract_strided_slice %reshape3A_114 {offsets = [11, 0], sizes = [1, 128], strides = [1, 1]} : vector<16x128xf32> to vector<1x128xf32>
    %squeeze3A_2330 = vector.shape_cast %slice3A_2329 : vector<1x128xf32> to vector<128xf32>
    %broadcast_in_dim3A_2331 = vector.shape_cast %squeeze3A_2330 : vector<128xf32> to vector<1x128xf32>
    %max3A_2332 = vector.broadcast %broadcast_in_dim3A_2313 : vector<128x1xf32> to vector<128x128xf32>
    %max3A_2333 = vector.broadcast %broadcast_in_dim3A_2331 : vector<1x128xf32> to vector<128x128xf32>
    %max3A_2334 = arith.maximumf %max3A_2332, %max3A_2333 : vector<128x128xf32>
    %slice3A_2335 = vector.extract_strided_slice %reshape3A_115 {offsets = [11, 0], sizes = [1, 128], strides = [1, 1]} : vector<16x128xf32> to vector<1x128xf32>
    %squeeze3A_2336 = vector.shape_cast %slice3A_2335 : vector<1x128xf32> to vector<128xf32>
    %broadcast_in_dim3A_2337 = vector.shape_cast %squeeze3A_2336 : vector<128xf32> to vector<1x128xf32>
    %min3A_2338 = vector.broadcast %broadcast_in_dim3A_2316 : vector<128x1xf32> to vector<128x128xf32>
    %min3A_2339 = vector.broadcast %broadcast_in_dim3A_2337 : vector<1x128xf32> to vector<128x128xf32>
    %min3A_2340 = arith.minimumf %min3A_2338, %min3A_2339 : vector<128x128xf32>
    %slice3A_2341 = vector.extract_strided_slice %reshape3A_116 {offsets = [11, 0], sizes = [1, 128], strides = [1, 1]} : vector<16x128xf32> to vector<1x128xf32>
    %squeeze3A_2342 = vector.shape_cast %slice3A_2341 : vector<1x128xf32> to vector<128xf32>
    %broadcast_in_dim3A_2343 = vector.shape_cast %squeeze3A_2342 : vector<128xf32> to vector<1x128xf32>
    %min3A_2344 = vector.broadcast %broadcast_in_dim3A_2319 : vector<128x1xf32> to vector<128x128xf32>
    %min3A_2345 = vector.broadcast %broadcast_in_dim3A_2343 : vector<1x128xf32> to vector<128x128xf32>
    %min3A_2346 = arith.minimumf %min3A_2344, %min3A_2345 : vector<128x128xf32>
    %sub3A_2347 = arith.subf %min3A_2340, %max3A_2328 : vector<128x128xf32>
    %max3A_2348 = arith.constant 0.000000e+00 : f32
    %max3A_2349 = vector.broadcast %max3A_2348 : f32 to vector<128x128xf32>
    %max3A_2350 = arith.maximumf %sub3A_2347, %max3A_2349 : vector<128x128xf32>
    %sub3A_2351 = arith.subf %min3A_2346, %max3A_2334 : vector<128x128xf32>
    %max3A_2352 = arith.constant 0.000000e+00 : f32
    %max3A_2353 = vector.broadcast %max3A_2352 : f32 to vector<128x128xf32>
    %max3A_2354 = arith.maximumf %sub3A_2351, %max3A_2353 : vector<128x128xf32>
    %mul3A_2355 = arith.mulf %max3A_2350, %max3A_2354 : vector<128x128xf32>
    %slice3A_2356 = vector.extract_strided_slice %reshape3A_117 {offsets = [11, 0], sizes = [1, 128], strides = [1, 1]} : vector<16x128xf32> to vector<1x128xf32>
    %squeeze3A_2357 = vector.shape_cast %slice3A_2356 : vector<1x128xf32> to vector<128xf32>
    %broadcast_in_dim3A_2358 = vector.shape_cast %squeeze3A_2357 : vector<128xf32> to vector<1x128xf32>
    %add3A_2359 = vector.broadcast %broadcast_in_dim3A_2322 : vector<128x1xf32> to vector<128x128xf32>
    %add3A_2360 = vector.broadcast %broadcast_in_dim3A_2358 : vector<1x128xf32> to vector<128x128xf32>
    %add3A_2361 = arith.addf %add3A_2359, %add3A_2360 : vector<128x128xf32>
    %sub3A_2362 = arith.subf %add3A_2361, %mul3A_2355 : vector<128x128xf32>
    %add3A_2363 = arith.constant 9.99999997E-7 : f32
    %add3A_2364 = vector.broadcast %add3A_2363 : f32 to vector<128x128xf32>
    %add3A_2365 = arith.addf %sub3A_2362, %add3A_2364 : vector<128x128xf32>
    %mul3A_2366 = arith.constant 0.699999988 : f32
    %mul3A_2367 = vector.broadcast %mul3A_2366 : f32 to vector<128x128xf32>
    %mul3A_2368 = arith.mulf %mul3A_2367, %add3A_2365 : vector<128x128xf32>
    %gt3A_2369 = arith.cmpf ogt, %mul3A_2355, %mul3A_2368 : vector<128x128xf32>
    %lt3A_2370 = arith.cmpi slt, %iota3A_119, %iota3A_120 : vector<128x128xi32>
    %and3A_2371 = arith.andi %gt3A_2369, %lt3A_2370 : vector<128x128xi1>
    %jit3A_2372 = arith.constant 1.000000e+00 : f32
    %jit3A_2373 = arith.constant 0.000000e+00 : f32
    %broadcast_in_dim3A_2374 = vector.broadcast %jit3A_2372 : f32 to vector<128x128xf32>
    %broadcast_in_dim3A_2375 = vector.broadcast %jit3A_2373 : f32 to vector<128x128xf32>
    %select_n3A_2376 = arith.select %and3A_2371, %broadcast_in_dim3A_2374, %broadcast_in_dim3A_2375 : vector<128x128xi1>, vector<128x128xf32>
    %swap3A_2377 = arith.constant 0 : index
    %swap3A_2378 = arith.constant 0 : index
    %swap3A_2379 = vector.load %arg6[%swap3A_2377, %swap3A_2378] : memref<128x128xf32, #tpu.memory_space<vmem>>, vector<128x128xf32>
    tpu.vector_store %arg6[%swap3A_2377, %swap3A_2378], %select_n3A_2376 {strides = array<i32>} : memref<128x128xf32, #tpu.memory_space<vmem>>, vector<128x128xf32>,
    %while3A_2380 = arith.constant 1.000000e+00 : f32
    %while3A_2381 = arith.constant 0 : i32
    %while3A_2382:3 = scf.while (%while3A_3026 = %select_n3A_2279, %while3A_3027 = %while3A_2380, %while3A_3028 = %while3A_2381) : (vector<1x128xf32>, f32, i32) -> (vector<1x128xf32>, f32, i32) {
      %gt3A_3029 = arith.constant 0.000000e+00 : f32
      %gt3A_3030 = arith.cmpf ogt, %while3A_3027, %gt3A_3029 : f32
      scf.condition(%gt3A_3030) %while3A_3026, %while3A_3027, %while3A_3028 : vector<1x128xf32>, f32, i32
    } do {
    ^bb0(%while3A_3026: vector<1x128xf32>, %while3A_3027: f32, %while3A_3028: i32):
      %get3A_3029 = arith.constant 0 : index
      %get3A_3030 = arith.constant 0 : index
      %get3A_3031 = vector.load %arg6[%get3A_3029, %get3A_3030] : memref<128x128xf32, #tpu.memory_space<vmem>>, vector<128x128xf32>
      %dot_general3A_3032 = arith.constant dense<0.000000e+00> : vector<1x128xf32>
      %dot_general3A_3033 = tpu.matmul %while3A_3026, %get3A_3031, %dot_general3A_3032 {dimension_numbers = #tpu.dot_dimension_numbers<[1], [0], [0], [1], [0, 0, 1, 1], [], []>, transpose_lhs_hint = false} : vector<1x128xf32>, vector<128x128xf32>, vector<1x128xf32> -> vector<1x128xf32>
      %lt3A_3034 = arith.constant 5.000000e-01 : f32
      %lt3A_3035 = vector.broadcast %lt3A_3034 : f32 to vector<1x128xf32>
      %lt3A_3036 = arith.cmpf olt, %dot_general3A_3033, %lt3A_3035 : vector<1x128xf32>
      %jit3A_3037 = arith.constant 0.000000e+00 : f32
      %broadcast_in_dim3A_3038 = vector.broadcast %jit3A_3037 : f32 to vector<1x128xf32>
      %select_n3A_3039 = arith.select %lt3A_3036, %select_n3A_2279, %broadcast_in_dim3A_3038 : vector<1x128xi1>, vector<1x128xf32>
      %sub3A_3040 = arith.subf %select_n3A_3039, %while3A_3026 : vector<1x128xf32>
      %abs3A = math.absf %sub3A_3040 : vector<1x128xf32>
      %reduce_sum3A_3041 = vector.shape_cast %abs3A : vector<1x128xf32> to vector<1x1x128xf32>
      %reduce_sum3A_3042 = arith.constant dense<0.000000e+00> : vector<1xf32>
      %reduce_sum3A_3043 = vector.multi_reduction <add>, %reduce_sum3A_3041, %reduce_sum3A_3042 [1, 2] : vector<1x1x128xf32> to vector<1xf32>
      %reduce_sum3A_3044 = vector.shape_cast %reduce_sum3A_3043 : vector<1xf32> to vector<1x1x1xf32>
      %reduce_sum3A_3045 = vector.extract %reduce_sum3A_3044[0, 0, 0] : f32 from vector<1x1x1xf32>
      %lt3A_3046 = arith.constant 128 : i32
      %lt3A_3047 = arith.cmpi slt, %while3A_3028, %lt3A_3046 : i32
      %jit3A_3048 = arith.constant 0.000000e+00 : f32
      %select_n3A_3049 = arith.select %lt3A_3047, %reduce_sum3A_3045, %jit3A_3048 : f32
      %add3A_3050 = arith.constant 1 : i32
      %add3A_3051 = arith.addi %while3A_3028, %add3A_3050 : i32
      scf.yield %select_n3A_3039, %select_n3A_3049, %add3A_3051 : vector<1x128xf32>, f32, i32
    }
    %dot_general3A_2383 = arith.constant dense<0.000000e+00> : vector<128x1xf32>
    %dot_general3A_2384 = tpu.matmul %select_n3A_125, %while3A_2382#0, %dot_general3A_2383 {dimension_numbers = #tpu.dot_dimension_numbers<[1], [1], [0], [0], [0, 0, 1, 0], [], []>, transpose_lhs_hint = false} : vector<128x128xf32>, vector<1x128xf32>, vector<128x1xf32> -> vector<128x1xf32>
    %add3A_2385 = arith.constant 1408 : i32
    %add3A_2386 = vector.broadcast %add3A_2385 : i32 to vector<128x1xi32>
    %add3A_2387 = arith.addi %add3A_2386, %iota3A_118 : vector<128x1xi32>
    %max3A_2388 = vector.broadcast %broadcast_in_dim3A_2310 : vector<128x1xf32> to vector<128x2048xf32>
    %max3A_2389 = vector.broadcast %min3A_47 : vector<1x2048xf32> to vector<128x2048xf32>
    %max3A_2390 = arith.maximumf %max3A_2388, %max3A_2389 : vector<128x2048xf32>
    %max3A_2391 = vector.broadcast %broadcast_in_dim3A_2313 : vector<128x1xf32> to vector<128x2048xf32>
    %max3A_2392 = vector.broadcast %min3A_57 : vector<1x2048xf32> to vector<128x2048xf32>
    %max3A_2393 = arith.maximumf %max3A_2391, %max3A_2392 : vector<128x2048xf32>
    %min3A_2394 = vector.broadcast %broadcast_in_dim3A_2316 : vector<128x1xf32> to vector<128x2048xf32>
    %min3A_2395 = vector.broadcast %min3A_67 : vector<1x2048xf32> to vector<128x2048xf32>
    %min3A_2396 = arith.minimumf %min3A_2394, %min3A_2395 : vector<128x2048xf32>
    %min3A_2397 = vector.broadcast %broadcast_in_dim3A_2319 : vector<128x1xf32> to vector<128x2048xf32>
    %min3A_2398 = vector.broadcast %min3A_77 : vector<1x2048xf32> to vector<128x2048xf32>
    %min3A_2399 = arith.minimumf %min3A_2397, %min3A_2398 : vector<128x2048xf32>
    %sub3A_2400 = arith.subf %min3A_2396, %max3A_2390 : vector<128x2048xf32>
    %max3A_2401 = arith.constant 0.000000e+00 : f32
    %max3A_2402 = vector.broadcast %max3A_2401 : f32 to vector<128x2048xf32>
    %max3A_2403 = arith.maximumf %sub3A_2400, %max3A_2402 : vector<128x2048xf32>
    %sub3A_2404 = arith.subf %min3A_2399, %max3A_2393 : vector<128x2048xf32>
    %max3A_2405 = arith.constant 0.000000e+00 : f32
    %max3A_2406 = vector.broadcast %max3A_2405 : f32 to vector<128x2048xf32>
    %max3A_2407 = arith.maximumf %sub3A_2404, %max3A_2406 : vector<128x2048xf32>
    %mul3A_2408 = arith.mulf %max3A_2403, %max3A_2407 : vector<128x2048xf32>
    %add3A_2409 = vector.broadcast %broadcast_in_dim3A_2322 : vector<128x1xf32> to vector<128x2048xf32>
    %add3A_2410 = vector.broadcast %mul3A_80 : vector<1x2048xf32> to vector<128x2048xf32>
    %add3A_2411 = arith.addf %add3A_2409, %add3A_2410 : vector<128x2048xf32>
    %sub3A_2412 = arith.subf %add3A_2411, %mul3A_2408 : vector<128x2048xf32>
    %add3A_2413 = arith.constant 9.99999997E-7 : f32
    %add3A_2414 = vector.broadcast %add3A_2413 : f32 to vector<128x2048xf32>
    %add3A_2415 = arith.addf %sub3A_2412, %add3A_2414 : vector<128x2048xf32>
    %mul3A_2416 = arith.constant 0.699999988 : f32
    %mul3A_2417 = vector.broadcast %mul3A_2416 : f32 to vector<128x2048xf32>
    %mul3A_2418 = arith.mulf %mul3A_2417, %add3A_2415 : vector<128x2048xf32>
    %gt3A_2419 = arith.cmpf ogt, %mul3A_2408, %mul3A_2418 : vector<128x2048xf32>
    %gt3A_2420 = arith.constant 0.000000e+00 : f32
    %gt3A_2421 = vector.broadcast %gt3A_2420 : f32 to vector<128x1xf32>
    %gt3A_2422 = arith.cmpf ogt, %dot_general3A_2384, %gt3A_2421 : vector<128x1xf32>
    %and3A_2423 = vector.broadcast %gt3A_2422 : vector<128x1xi1> to vector<128x2048xi1>
    %and3A_2424 = arith.andi %gt3A_2419, %and3A_2423 : vector<128x2048xi1>
    %gt3A_2425 = vector.broadcast %iota3A : vector<1x2048xi32> to vector<128x2048xi32>
    %gt3A_2426 = vector.broadcast %add3A_2387 : vector<128x1xi32> to vector<128x2048xi32>
    %gt3A_2427 = arith.cmpi sgt, %gt3A_2425, %gt3A_2426 : vector<128x2048xi32>
    %and3A_2428 = arith.andi %and3A_2424, %gt3A_2427 : vector<128x2048xi1>
    %jit3A_2429 = arith.constant 1.000000e+00 : f32
    %jit3A_2430 = arith.constant 0.000000e+00 : f32
    %broadcast_in_dim3A_2431 = vector.broadcast %jit3A_2429 : f32 to vector<128x2048xf32>
    %broadcast_in_dim3A_2432 = vector.broadcast %jit3A_2430 : f32 to vector<128x2048xf32>
    %select_n3A_2433 = arith.select %and3A_2428, %broadcast_in_dim3A_2431, %broadcast_in_dim3A_2432 : vector<128x2048xi1>, vector<128x2048xf32>
    %reduce_max3A_2434 = arith.constant dense<0xFF800000> : vector<2048xf32>
    %reduce_max3A_2435 = vector.multi_reduction <maximumf>, %select_n3A_2433, %reduce_max3A_2434 [0] : vector<128x2048xf32> to vector<2048xf32>
    %broadcast_in_dim3A_2436 = vector.shape_cast %reduce_max3A_2435 : vector<2048xf32> to vector<1x2048xf32>
    %slice3A_2437 = vector.extract_strided_slice %broadcast_in_dim3A_2436 {offsets = [0, 1536], sizes = [1, 128], strides = [1, 1]} : vector<1x2048xf32> to vector<1x128xf32>
    %gt3A_2438 = arith.constant 0.000000e+00 : f32
    %gt3A_2439 = vector.broadcast %gt3A_2438 : f32 to vector<1x128xf32>
    %gt3A_2440 = arith.cmpf ogt, %slice3A_2437, %gt3A_2439 : vector<1x128xf32>
    %jit3A_2441 = arith.constant 0.000000e+00 : f32
    %broadcast_in_dim3A_2442 = vector.broadcast %jit3A_2441 : f32 to vector<1x128xf32>
    %select_n3A_2443 = arith.select %gt3A_2440, %broadcast_in_dim3A_2442, %select_n3A_2286 : vector<1x128xi1>, vector<1x128xf32>
    %slice3A_2444 = vector.extract_strided_slice %broadcast_in_dim3A_2436 {offsets = [0, 1664], sizes = [1, 128], strides = [1, 1]} : vector<1x2048xf32> to vector<1x128xf32>
    %gt3A_2445 = arith.constant 0.000000e+00 : f32
    %gt3A_2446 = vector.broadcast %gt3A_2445 : f32 to vector<1x128xf32>
    %gt3A_2447 = arith.cmpf ogt, %slice3A_2444, %gt3A_2446 : vector<1x128xf32>
    %jit3A_2448 = arith.constant 0.000000e+00 : f32
    %broadcast_in_dim3A_2449 = vector.broadcast %jit3A_2448 : f32 to vector<1x128xf32>
    %select_n3A_2450 = arith.select %gt3A_2447, %broadcast_in_dim3A_2449, %select_n3A_2293 : vector<1x128xi1>, vector<1x128xf32>
    %slice3A_2451 = vector.extract_strided_slice %broadcast_in_dim3A_2436 {offsets = [0, 1792], sizes = [1, 128], strides = [1, 1]} : vector<1x2048xf32> to vector<1x128xf32>
    %gt3A_2452 = arith.constant 0.000000e+00 : f32
    %gt3A_2453 = vector.broadcast %gt3A_2452 : f32 to vector<1x128xf32>
    %gt3A_2454 = arith.cmpf ogt, %slice3A_2451, %gt3A_2453 : vector<1x128xf32>
    %jit3A_2455 = arith.constant 0.000000e+00 : f32
    %broadcast_in_dim3A_2456 = vector.broadcast %jit3A_2455 : f32 to vector<1x128xf32>
    %select_n3A_2457 = arith.select %gt3A_2454, %broadcast_in_dim3A_2456, %select_n3A_2300 : vector<1x128xi1>, vector<1x128xf32>
    %slice3A_2458 = vector.extract_strided_slice %broadcast_in_dim3A_2436 {offsets = [0, 1920], sizes = [1, 128], strides = [1, 1]} : vector<1x2048xf32> to vector<1x128xf32>
    %gt3A_2459 = arith.constant 0.000000e+00 : f32
    %gt3A_2460 = vector.broadcast %gt3A_2459 : f32 to vector<1x128xf32>
    %gt3A_2461 = arith.cmpf ogt, %slice3A_2458, %gt3A_2460 : vector<1x128xf32>
    %jit3A_2462 = arith.constant 0.000000e+00 : f32
    %broadcast_in_dim3A_2463 = vector.broadcast %jit3A_2462 : f32 to vector<1x128xf32>
    %select_n3A_2464 = arith.select %gt3A_2461, %broadcast_in_dim3A_2463, %select_n3A_2307 : vector<1x128xi1>, vector<1x128xf32>
    %slice3A_2465 = vector.extract_strided_slice %reshape3A {offsets = [12, 0], sizes = [1, 128], strides = [1, 1]} : vector<16x128xf32> to vector<1x128xf32>
    %squeeze3A_2466 = vector.shape_cast %slice3A_2465 : vector<1x128xf32> to vector<128xf32>
    %broadcast_in_dim3A_2467 = vector.shape_cast %squeeze3A_2466 : vector<128xf32> to vector<128x1xf32>
    %slice3A_2468 = vector.extract_strided_slice %reshape3A_114 {offsets = [12, 0], sizes = [1, 128], strides = [1, 1]} : vector<16x128xf32> to vector<1x128xf32>
    %squeeze3A_2469 = vector.shape_cast %slice3A_2468 : vector<1x128xf32> to vector<128xf32>
    %broadcast_in_dim3A_2470 = vector.shape_cast %squeeze3A_2469 : vector<128xf32> to vector<128x1xf32>
    %slice3A_2471 = vector.extract_strided_slice %reshape3A_115 {offsets = [12, 0], sizes = [1, 128], strides = [1, 1]} : vector<16x128xf32> to vector<1x128xf32>
    %squeeze3A_2472 = vector.shape_cast %slice3A_2471 : vector<1x128xf32> to vector<128xf32>
    %broadcast_in_dim3A_2473 = vector.shape_cast %squeeze3A_2472 : vector<128xf32> to vector<128x1xf32>
    %slice3A_2474 = vector.extract_strided_slice %reshape3A_116 {offsets = [12, 0], sizes = [1, 128], strides = [1, 1]} : vector<16x128xf32> to vector<1x128xf32>
    %squeeze3A_2475 = vector.shape_cast %slice3A_2474 : vector<1x128xf32> to vector<128xf32>
    %broadcast_in_dim3A_2476 = vector.shape_cast %squeeze3A_2475 : vector<128xf32> to vector<128x1xf32>
    %slice3A_2477 = vector.extract_strided_slice %reshape3A_117 {offsets = [12, 0], sizes = [1, 128], strides = [1, 1]} : vector<16x128xf32> to vector<1x128xf32>
    %squeeze3A_2478 = vector.shape_cast %slice3A_2477 : vector<1x128xf32> to vector<128xf32>
    %broadcast_in_dim3A_2479 = vector.shape_cast %squeeze3A_2478 : vector<128xf32> to vector<128x1xf32>
    %slice3A_2480 = vector.extract_strided_slice %reshape3A {offsets = [12, 0], sizes = [1, 128], strides = [1, 1]} : vector<16x128xf32> to vector<1x128xf32>
    %squeeze3A_2481 = vector.shape_cast %slice3A_2480 : vector<1x128xf32> to vector<128xf32>
    %broadcast_in_dim3A_2482 = vector.shape_cast %squeeze3A_2481 : vector<128xf32> to vector<1x128xf32>
    %max3A_2483 = vector.broadcast %broadcast_in_dim3A_2467 : vector<128x1xf32> to vector<128x128xf32>
    %max3A_2484 = vector.broadcast %broadcast_in_dim3A_2482 : vector<1x128xf32> to vector<128x128xf32>
    %max3A_2485 = arith.maximumf %max3A_2483, %max3A_2484 : vector<128x128xf32>
    %slice3A_2486 = vector.extract_strided_slice %reshape3A_114 {offsets = [12, 0], sizes = [1, 128], strides = [1, 1]} : vector<16x128xf32> to vector<1x128xf32>
    %squeeze3A_2487 = vector.shape_cast %slice3A_2486 : vector<1x128xf32> to vector<128xf32>
    %broadcast_in_dim3A_2488 = vector.shape_cast %squeeze3A_2487 : vector<128xf32> to vector<1x128xf32>
    %max3A_2489 = vector.broadcast %broadcast_in_dim3A_2470 : vector<128x1xf32> to vector<128x128xf32>
    %max3A_2490 = vector.broadcast %broadcast_in_dim3A_2488 : vector<1x128xf32> to vector<128x128xf32>
    %max3A_2491 = arith.maximumf %max3A_2489, %max3A_2490 : vector<128x128xf32>
    %slice3A_2492 = vector.extract_strided_slice %reshape3A_115 {offsets = [12, 0], sizes = [1, 128], strides = [1, 1]} : vector<16x128xf32> to vector<1x128xf32>
    %squeeze3A_2493 = vector.shape_cast %slice3A_2492 : vector<1x128xf32> to vector<128xf32>
    %broadcast_in_dim3A_2494 = vector.shape_cast %squeeze3A_2493 : vector<128xf32> to vector<1x128xf32>
    %min3A_2495 = vector.broadcast %broadcast_in_dim3A_2473 : vector<128x1xf32> to vector<128x128xf32>
    %min3A_2496 = vector.broadcast %broadcast_in_dim3A_2494 : vector<1x128xf32> to vector<128x128xf32>
    %min3A_2497 = arith.minimumf %min3A_2495, %min3A_2496 : vector<128x128xf32>
    %slice3A_2498 = vector.extract_strided_slice %reshape3A_116 {offsets = [12, 0], sizes = [1, 128], strides = [1, 1]} : vector<16x128xf32> to vector<1x128xf32>
    %squeeze3A_2499 = vector.shape_cast %slice3A_2498 : vector<1x128xf32> to vector<128xf32>
    %broadcast_in_dim3A_2500 = vector.shape_cast %squeeze3A_2499 : vector<128xf32> to vector<1x128xf32>
    %min3A_2501 = vector.broadcast %broadcast_in_dim3A_2476 : vector<128x1xf32> to vector<128x128xf32>
    %min3A_2502 = vector.broadcast %broadcast_in_dim3A_2500 : vector<1x128xf32> to vector<128x128xf32>
    %min3A_2503 = arith.minimumf %min3A_2501, %min3A_2502 : vector<128x128xf32>
    %sub3A_2504 = arith.subf %min3A_2497, %max3A_2485 : vector<128x128xf32>
    %max3A_2505 = arith.constant 0.000000e+00 : f32
    %max3A_2506 = vector.broadcast %max3A_2505 : f32 to vector<128x128xf32>
    %max3A_2507 = arith.maximumf %sub3A_2504, %max3A_2506 : vector<128x128xf32>
    %sub3A_2508 = arith.subf %min3A_2503, %max3A_2491 : vector<128x128xf32>
    %max3A_2509 = arith.constant 0.000000e+00 : f32
    %max3A_2510 = vector.broadcast %max3A_2509 : f32 to vector<128x128xf32>
    %max3A_2511 = arith.maximumf %sub3A_2508, %max3A_2510 : vector<128x128xf32>
    %mul3A_2512 = arith.mulf %max3A_2507, %max3A_2511 : vector<128x128xf32>
    %slice3A_2513 = vector.extract_strided_slice %reshape3A_117 {offsets = [12, 0], sizes = [1, 128], strides = [1, 1]} : vector<16x128xf32> to vector<1x128xf32>
    %squeeze3A_2514 = vector.shape_cast %slice3A_2513 : vector<1x128xf32> to vector<128xf32>
    %broadcast_in_dim3A_2515 = vector.shape_cast %squeeze3A_2514 : vector<128xf32> to vector<1x128xf32>
    %add3A_2516 = vector.broadcast %broadcast_in_dim3A_2479 : vector<128x1xf32> to vector<128x128xf32>
    %add3A_2517 = vector.broadcast %broadcast_in_dim3A_2515 : vector<1x128xf32> to vector<128x128xf32>
    %add3A_2518 = arith.addf %add3A_2516, %add3A_2517 : vector<128x128xf32>
    %sub3A_2519 = arith.subf %add3A_2518, %mul3A_2512 : vector<128x128xf32>
    %add3A_2520 = arith.constant 9.99999997E-7 : f32
    %add3A_2521 = vector.broadcast %add3A_2520 : f32 to vector<128x128xf32>
    %add3A_2522 = arith.addf %sub3A_2519, %add3A_2521 : vector<128x128xf32>
    %mul3A_2523 = arith.constant 0.699999988 : f32
    %mul3A_2524 = vector.broadcast %mul3A_2523 : f32 to vector<128x128xf32>
    %mul3A_2525 = arith.mulf %mul3A_2524, %add3A_2522 : vector<128x128xf32>
    %gt3A_2526 = arith.cmpf ogt, %mul3A_2512, %mul3A_2525 : vector<128x128xf32>
    %lt3A_2527 = arith.cmpi slt, %iota3A_119, %iota3A_120 : vector<128x128xi32>
    %and3A_2528 = arith.andi %gt3A_2526, %lt3A_2527 : vector<128x128xi1>
    %jit3A_2529 = arith.constant 1.000000e+00 : f32
    %jit3A_2530 = arith.constant 0.000000e+00 : f32
    %broadcast_in_dim3A_2531 = vector.broadcast %jit3A_2529 : f32 to vector<128x128xf32>
    %broadcast_in_dim3A_2532 = vector.broadcast %jit3A_2530 : f32 to vector<128x128xf32>
    %select_n3A_2533 = arith.select %and3A_2528, %broadcast_in_dim3A_2531, %broadcast_in_dim3A_2532 : vector<128x128xi1>, vector<128x128xf32>
    %swap3A_2534 = arith.constant 0 : index
    %swap3A_2535 = arith.constant 0 : index
    %swap3A_2536 = vector.load %arg6[%swap3A_2534, %swap3A_2535] : memref<128x128xf32, #tpu.memory_space<vmem>>, vector<128x128xf32>
    tpu.vector_store %arg6[%swap3A_2534, %swap3A_2535], %select_n3A_2533 {strides = array<i32>} : memref<128x128xf32, #tpu.memory_space<vmem>>, vector<128x128xf32>,
    %while3A_2537 = arith.constant 1.000000e+00 : f32
    %while3A_2538 = arith.constant 0 : i32
    %while3A_2539:3 = scf.while (%while3A_3026 = %select_n3A_2443, %while3A_3027 = %while3A_2537, %while3A_3028 = %while3A_2538) : (vector<1x128xf32>, f32, i32) -> (vector<1x128xf32>, f32, i32) {
      %gt3A_3029 = arith.constant 0.000000e+00 : f32
      %gt3A_3030 = arith.cmpf ogt, %while3A_3027, %gt3A_3029 : f32
      scf.condition(%gt3A_3030) %while3A_3026, %while3A_3027, %while3A_3028 : vector<1x128xf32>, f32, i32
    } do {
    ^bb0(%while3A_3026: vector<1x128xf32>, %while3A_3027: f32, %while3A_3028: i32):
      %get3A_3029 = arith.constant 0 : index
      %get3A_3030 = arith.constant 0 : index
      %get3A_3031 = vector.load %arg6[%get3A_3029, %get3A_3030] : memref<128x128xf32, #tpu.memory_space<vmem>>, vector<128x128xf32>
      %dot_general3A_3032 = arith.constant dense<0.000000e+00> : vector<1x128xf32>
      %dot_general3A_3033 = tpu.matmul %while3A_3026, %get3A_3031, %dot_general3A_3032 {dimension_numbers = #tpu.dot_dimension_numbers<[1], [0], [0], [1], [0, 0, 1, 1], [], []>, transpose_lhs_hint = false} : vector<1x128xf32>, vector<128x128xf32>, vector<1x128xf32> -> vector<1x128xf32>
      %lt3A_3034 = arith.constant 5.000000e-01 : f32
      %lt3A_3035 = vector.broadcast %lt3A_3034 : f32 to vector<1x128xf32>
      %lt3A_3036 = arith.cmpf olt, %dot_general3A_3033, %lt3A_3035 : vector<1x128xf32>
      %jit3A_3037 = arith.constant 0.000000e+00 : f32
      %broadcast_in_dim3A_3038 = vector.broadcast %jit3A_3037 : f32 to vector<1x128xf32>
      %select_n3A_3039 = arith.select %lt3A_3036, %select_n3A_2443, %broadcast_in_dim3A_3038 : vector<1x128xi1>, vector<1x128xf32>
      %sub3A_3040 = arith.subf %select_n3A_3039, %while3A_3026 : vector<1x128xf32>
      %abs3A = math.absf %sub3A_3040 : vector<1x128xf32>
      %reduce_sum3A_3041 = vector.shape_cast %abs3A : vector<1x128xf32> to vector<1x1x128xf32>
      %reduce_sum3A_3042 = arith.constant dense<0.000000e+00> : vector<1xf32>
      %reduce_sum3A_3043 = vector.multi_reduction <add>, %reduce_sum3A_3041, %reduce_sum3A_3042 [1, 2] : vector<1x1x128xf32> to vector<1xf32>
      %reduce_sum3A_3044 = vector.shape_cast %reduce_sum3A_3043 : vector<1xf32> to vector<1x1x1xf32>
      %reduce_sum3A_3045 = vector.extract %reduce_sum3A_3044[0, 0, 0] : f32 from vector<1x1x1xf32>
      %lt3A_3046 = arith.constant 128 : i32
      %lt3A_3047 = arith.cmpi slt, %while3A_3028, %lt3A_3046 : i32
      %jit3A_3048 = arith.constant 0.000000e+00 : f32
      %select_n3A_3049 = arith.select %lt3A_3047, %reduce_sum3A_3045, %jit3A_3048 : f32
      %add3A_3050 = arith.constant 1 : i32
      %add3A_3051 = arith.addi %while3A_3028, %add3A_3050 : i32
      scf.yield %select_n3A_3039, %select_n3A_3049, %add3A_3051 : vector<1x128xf32>, f32, i32
    }
    %dot_general3A_2540 = arith.constant dense<0.000000e+00> : vector<128x1xf32>
    %dot_general3A_2541 = tpu.matmul %select_n3A_125, %while3A_2539#0, %dot_general3A_2540 {dimension_numbers = #tpu.dot_dimension_numbers<[1], [1], [0], [0], [0, 0, 1, 0], [], []>, transpose_lhs_hint = false} : vector<128x128xf32>, vector<1x128xf32>, vector<128x1xf32> -> vector<128x1xf32>
    %add3A_2542 = arith.constant 1536 : i32
    %add3A_2543 = vector.broadcast %add3A_2542 : i32 to vector<128x1xi32>
    %add3A_2544 = arith.addi %add3A_2543, %iota3A_118 : vector<128x1xi32>
    %max3A_2545 = vector.broadcast %broadcast_in_dim3A_2467 : vector<128x1xf32> to vector<128x2048xf32>
    %max3A_2546 = vector.broadcast %min3A_47 : vector<1x2048xf32> to vector<128x2048xf32>
    %max3A_2547 = arith.maximumf %max3A_2545, %max3A_2546 : vector<128x2048xf32>
    %max3A_2548 = vector.broadcast %broadcast_in_dim3A_2470 : vector<128x1xf32> to vector<128x2048xf32>
    %max3A_2549 = vector.broadcast %min3A_57 : vector<1x2048xf32> to vector<128x2048xf32>
    %max3A_2550 = arith.maximumf %max3A_2548, %max3A_2549 : vector<128x2048xf32>
    %min3A_2551 = vector.broadcast %broadcast_in_dim3A_2473 : vector<128x1xf32> to vector<128x2048xf32>
    %min3A_2552 = vector.broadcast %min3A_67 : vector<1x2048xf32> to vector<128x2048xf32>
    %min3A_2553 = arith.minimumf %min3A_2551, %min3A_2552 : vector<128x2048xf32>
    %min3A_2554 = vector.broadcast %broadcast_in_dim3A_2476 : vector<128x1xf32> to vector<128x2048xf32>
    %min3A_2555 = vector.broadcast %min3A_77 : vector<1x2048xf32> to vector<128x2048xf32>
    %min3A_2556 = arith.minimumf %min3A_2554, %min3A_2555 : vector<128x2048xf32>
    %sub3A_2557 = arith.subf %min3A_2553, %max3A_2547 : vector<128x2048xf32>
    %max3A_2558 = arith.constant 0.000000e+00 : f32
    %max3A_2559 = vector.broadcast %max3A_2558 : f32 to vector<128x2048xf32>
    %max3A_2560 = arith.maximumf %sub3A_2557, %max3A_2559 : vector<128x2048xf32>
    %sub3A_2561 = arith.subf %min3A_2556, %max3A_2550 : vector<128x2048xf32>
    %max3A_2562 = arith.constant 0.000000e+00 : f32
    %max3A_2563 = vector.broadcast %max3A_2562 : f32 to vector<128x2048xf32>
    %max3A_2564 = arith.maximumf %sub3A_2561, %max3A_2563 : vector<128x2048xf32>
    %mul3A_2565 = arith.mulf %max3A_2560, %max3A_2564 : vector<128x2048xf32>
    %add3A_2566 = vector.broadcast %broadcast_in_dim3A_2479 : vector<128x1xf32> to vector<128x2048xf32>
    %add3A_2567 = vector.broadcast %mul3A_80 : vector<1x2048xf32> to vector<128x2048xf32>
    %add3A_2568 = arith.addf %add3A_2566, %add3A_2567 : vector<128x2048xf32>
    %sub3A_2569 = arith.subf %add3A_2568, %mul3A_2565 : vector<128x2048xf32>
    %add3A_2570 = arith.constant 9.99999997E-7 : f32
    %add3A_2571 = vector.broadcast %add3A_2570 : f32 to vector<128x2048xf32>
    %add3A_2572 = arith.addf %sub3A_2569, %add3A_2571 : vector<128x2048xf32>
    %mul3A_2573 = arith.constant 0.699999988 : f32
    %mul3A_2574 = vector.broadcast %mul3A_2573 : f32 to vector<128x2048xf32>
    %mul3A_2575 = arith.mulf %mul3A_2574, %add3A_2572 : vector<128x2048xf32>
    %gt3A_2576 = arith.cmpf ogt, %mul3A_2565, %mul3A_2575 : vector<128x2048xf32>
    %gt3A_2577 = arith.constant 0.000000e+00 : f32
    %gt3A_2578 = vector.broadcast %gt3A_2577 : f32 to vector<128x1xf32>
    %gt3A_2579 = arith.cmpf ogt, %dot_general3A_2541, %gt3A_2578 : vector<128x1xf32>
    %and3A_2580 = vector.broadcast %gt3A_2579 : vector<128x1xi1> to vector<128x2048xi1>
    %and3A_2581 = arith.andi %gt3A_2576, %and3A_2580 : vector<128x2048xi1>
    %gt3A_2582 = vector.broadcast %iota3A : vector<1x2048xi32> to vector<128x2048xi32>
    %gt3A_2583 = vector.broadcast %add3A_2544 : vector<128x1xi32> to vector<128x2048xi32>
    %gt3A_2584 = arith.cmpi sgt, %gt3A_2582, %gt3A_2583 : vector<128x2048xi32>
    %and3A_2585 = arith.andi %and3A_2581, %gt3A_2584 : vector<128x2048xi1>
    %jit3A_2586 = arith.constant 1.000000e+00 : f32
    %jit3A_2587 = arith.constant 0.000000e+00 : f32
    %broadcast_in_dim3A_2588 = vector.broadcast %jit3A_2586 : f32 to vector<128x2048xf32>
    %broadcast_in_dim3A_2589 = vector.broadcast %jit3A_2587 : f32 to vector<128x2048xf32>
    %select_n3A_2590 = arith.select %and3A_2585, %broadcast_in_dim3A_2588, %broadcast_in_dim3A_2589 : vector<128x2048xi1>, vector<128x2048xf32>
    %reduce_max3A_2591 = arith.constant dense<0xFF800000> : vector<2048xf32>
    %reduce_max3A_2592 = vector.multi_reduction <maximumf>, %select_n3A_2590, %reduce_max3A_2591 [0] : vector<128x2048xf32> to vector<2048xf32>
    %broadcast_in_dim3A_2593 = vector.shape_cast %reduce_max3A_2592 : vector<2048xf32> to vector<1x2048xf32>
    %slice3A_2594 = vector.extract_strided_slice %broadcast_in_dim3A_2593 {offsets = [0, 1664], sizes = [1, 128], strides = [1, 1]} : vector<1x2048xf32> to vector<1x128xf32>
    %gt3A_2595 = arith.constant 0.000000e+00 : f32
    %gt3A_2596 = vector.broadcast %gt3A_2595 : f32 to vector<1x128xf32>
    %gt3A_2597 = arith.cmpf ogt, %slice3A_2594, %gt3A_2596 : vector<1x128xf32>
    %jit3A_2598 = arith.constant 0.000000e+00 : f32
    %broadcast_in_dim3A_2599 = vector.broadcast %jit3A_2598 : f32 to vector<1x128xf32>
    %select_n3A_2600 = arith.select %gt3A_2597, %broadcast_in_dim3A_2599, %select_n3A_2450 : vector<1x128xi1>, vector<1x128xf32>
    %slice3A_2601 = vector.extract_strided_slice %broadcast_in_dim3A_2593 {offsets = [0, 1792], sizes = [1, 128], strides = [1, 1]} : vector<1x2048xf32> to vector<1x128xf32>
    %gt3A_2602 = arith.constant 0.000000e+00 : f32
    %gt3A_2603 = vector.broadcast %gt3A_2602 : f32 to vector<1x128xf32>
    %gt3A_2604 = arith.cmpf ogt, %slice3A_2601, %gt3A_2603 : vector<1x128xf32>
    %jit3A_2605 = arith.constant 0.000000e+00 : f32
    %broadcast_in_dim3A_2606 = vector.broadcast %jit3A_2605 : f32 to vector<1x128xf32>
    %select_n3A_2607 = arith.select %gt3A_2604, %broadcast_in_dim3A_2606, %select_n3A_2457 : vector<1x128xi1>, vector<1x128xf32>
    %slice3A_2608 = vector.extract_strided_slice %broadcast_in_dim3A_2593 {offsets = [0, 1920], sizes = [1, 128], strides = [1, 1]} : vector<1x2048xf32> to vector<1x128xf32>
    %gt3A_2609 = arith.constant 0.000000e+00 : f32
    %gt3A_2610 = vector.broadcast %gt3A_2609 : f32 to vector<1x128xf32>
    %gt3A_2611 = arith.cmpf ogt, %slice3A_2608, %gt3A_2610 : vector<1x128xf32>
    %jit3A_2612 = arith.constant 0.000000e+00 : f32
    %broadcast_in_dim3A_2613 = vector.broadcast %jit3A_2612 : f32 to vector<1x128xf32>
    %select_n3A_2614 = arith.select %gt3A_2611, %broadcast_in_dim3A_2613, %select_n3A_2464 : vector<1x128xi1>, vector<1x128xf32>
    %slice3A_2615 = vector.extract_strided_slice %reshape3A {offsets = [13, 0], sizes = [1, 128], strides = [1, 1]} : vector<16x128xf32> to vector<1x128xf32>
    %squeeze3A_2616 = vector.shape_cast %slice3A_2615 : vector<1x128xf32> to vector<128xf32>
    %broadcast_in_dim3A_2617 = vector.shape_cast %squeeze3A_2616 : vector<128xf32> to vector<128x1xf32>
    %slice3A_2618 = vector.extract_strided_slice %reshape3A_114 {offsets = [13, 0], sizes = [1, 128], strides = [1, 1]} : vector<16x128xf32> to vector<1x128xf32>
    %squeeze3A_2619 = vector.shape_cast %slice3A_2618 : vector<1x128xf32> to vector<128xf32>
    %broadcast_in_dim3A_2620 = vector.shape_cast %squeeze3A_2619 : vector<128xf32> to vector<128x1xf32>
    %slice3A_2621 = vector.extract_strided_slice %reshape3A_115 {offsets = [13, 0], sizes = [1, 128], strides = [1, 1]} : vector<16x128xf32> to vector<1x128xf32>
    %squeeze3A_2622 = vector.shape_cast %slice3A_2621 : vector<1x128xf32> to vector<128xf32>
    %broadcast_in_dim3A_2623 = vector.shape_cast %squeeze3A_2622 : vector<128xf32> to vector<128x1xf32>
    %slice3A_2624 = vector.extract_strided_slice %reshape3A_116 {offsets = [13, 0], sizes = [1, 128], strides = [1, 1]} : vector<16x128xf32> to vector<1x128xf32>
    %squeeze3A_2625 = vector.shape_cast %slice3A_2624 : vector<1x128xf32> to vector<128xf32>
    %broadcast_in_dim3A_2626 = vector.shape_cast %squeeze3A_2625 : vector<128xf32> to vector<128x1xf32>
    %slice3A_2627 = vector.extract_strided_slice %reshape3A_117 {offsets = [13, 0], sizes = [1, 128], strides = [1, 1]} : vector<16x128xf32> to vector<1x128xf32>
    %squeeze3A_2628 = vector.shape_cast %slice3A_2627 : vector<1x128xf32> to vector<128xf32>
    %broadcast_in_dim3A_2629 = vector.shape_cast %squeeze3A_2628 : vector<128xf32> to vector<128x1xf32>
    %slice3A_2630 = vector.extract_strided_slice %reshape3A {offsets = [13, 0], sizes = [1, 128], strides = [1, 1]} : vector<16x128xf32> to vector<1x128xf32>
    %squeeze3A_2631 = vector.shape_cast %slice3A_2630 : vector<1x128xf32> to vector<128xf32>
    %broadcast_in_dim3A_2632 = vector.shape_cast %squeeze3A_2631 : vector<128xf32> to vector<1x128xf32>
    %max3A_2633 = vector.broadcast %broadcast_in_dim3A_2617 : vector<128x1xf32> to vector<128x128xf32>
    %max3A_2634 = vector.broadcast %broadcast_in_dim3A_2632 : vector<1x128xf32> to vector<128x128xf32>
    %max3A_2635 = arith.maximumf %max3A_2633, %max3A_2634 : vector<128x128xf32>
    %slice3A_2636 = vector.extract_strided_slice %reshape3A_114 {offsets = [13, 0], sizes = [1, 128], strides = [1, 1]} : vector<16x128xf32> to vector<1x128xf32>
    %squeeze3A_2637 = vector.shape_cast %slice3A_2636 : vector<1x128xf32> to vector<128xf32>
    %broadcast_in_dim3A_2638 = vector.shape_cast %squeeze3A_2637 : vector<128xf32> to vector<1x128xf32>
    %max3A_2639 = vector.broadcast %broadcast_in_dim3A_2620 : vector<128x1xf32> to vector<128x128xf32>
    %max3A_2640 = vector.broadcast %broadcast_in_dim3A_2638 : vector<1x128xf32> to vector<128x128xf32>
    %max3A_2641 = arith.maximumf %max3A_2639, %max3A_2640 : vector<128x128xf32>
    %slice3A_2642 = vector.extract_strided_slice %reshape3A_115 {offsets = [13, 0], sizes = [1, 128], strides = [1, 1]} : vector<16x128xf32> to vector<1x128xf32>
    %squeeze3A_2643 = vector.shape_cast %slice3A_2642 : vector<1x128xf32> to vector<128xf32>
    %broadcast_in_dim3A_2644 = vector.shape_cast %squeeze3A_2643 : vector<128xf32> to vector<1x128xf32>
    %min3A_2645 = vector.broadcast %broadcast_in_dim3A_2623 : vector<128x1xf32> to vector<128x128xf32>
    %min3A_2646 = vector.broadcast %broadcast_in_dim3A_2644 : vector<1x128xf32> to vector<128x128xf32>
    %min3A_2647 = arith.minimumf %min3A_2645, %min3A_2646 : vector<128x128xf32>
    %slice3A_2648 = vector.extract_strided_slice %reshape3A_116 {offsets = [13, 0], sizes = [1, 128], strides = [1, 1]} : vector<16x128xf32> to vector<1x128xf32>
    %squeeze3A_2649 = vector.shape_cast %slice3A_2648 : vector<1x128xf32> to vector<128xf32>
    %broadcast_in_dim3A_2650 = vector.shape_cast %squeeze3A_2649 : vector<128xf32> to vector<1x128xf32>
    %min3A_2651 = vector.broadcast %broadcast_in_dim3A_2626 : vector<128x1xf32> to vector<128x128xf32>
    %min3A_2652 = vector.broadcast %broadcast_in_dim3A_2650 : vector<1x128xf32> to vector<128x128xf32>
    %min3A_2653 = arith.minimumf %min3A_2651, %min3A_2652 : vector<128x128xf32>
    %sub3A_2654 = arith.subf %min3A_2647, %max3A_2635 : vector<128x128xf32>
    %max3A_2655 = arith.constant 0.000000e+00 : f32
    %max3A_2656 = vector.broadcast %max3A_2655 : f32 to vector<128x128xf32>
    %max3A_2657 = arith.maximumf %sub3A_2654, %max3A_2656 : vector<128x128xf32>
    %sub3A_2658 = arith.subf %min3A_2653, %max3A_2641 : vector<128x128xf32>
    %max3A_2659 = arith.constant 0.000000e+00 : f32
    %max3A_2660 = vector.broadcast %max3A_2659 : f32 to vector<128x128xf32>
    %max3A_2661 = arith.maximumf %sub3A_2658, %max3A_2660 : vector<128x128xf32>
    %mul3A_2662 = arith.mulf %max3A_2657, %max3A_2661 : vector<128x128xf32>
    %slice3A_2663 = vector.extract_strided_slice %reshape3A_117 {offsets = [13, 0], sizes = [1, 128], strides = [1, 1]} : vector<16x128xf32> to vector<1x128xf32>
    %squeeze3A_2664 = vector.shape_cast %slice3A_2663 : vector<1x128xf32> to vector<128xf32>
    %broadcast_in_dim3A_2665 = vector.shape_cast %squeeze3A_2664 : vector<128xf32> to vector<1x128xf32>
    %add3A_2666 = vector.broadcast %broadcast_in_dim3A_2629 : vector<128x1xf32> to vector<128x128xf32>
    %add3A_2667 = vector.broadcast %broadcast_in_dim3A_2665 : vector<1x128xf32> to vector<128x128xf32>
    %add3A_2668 = arith.addf %add3A_2666, %add3A_2667 : vector<128x128xf32>
    %sub3A_2669 = arith.subf %add3A_2668, %mul3A_2662 : vector<128x128xf32>
    %add3A_2670 = arith.constant 9.99999997E-7 : f32
    %add3A_2671 = vector.broadcast %add3A_2670 : f32 to vector<128x128xf32>
    %add3A_2672 = arith.addf %sub3A_2669, %add3A_2671 : vector<128x128xf32>
    %mul3A_2673 = arith.constant 0.699999988 : f32
    %mul3A_2674 = vector.broadcast %mul3A_2673 : f32 to vector<128x128xf32>
    %mul3A_2675 = arith.mulf %mul3A_2674, %add3A_2672 : vector<128x128xf32>
    %gt3A_2676 = arith.cmpf ogt, %mul3A_2662, %mul3A_2675 : vector<128x128xf32>
    %lt3A_2677 = arith.cmpi slt, %iota3A_119, %iota3A_120 : vector<128x128xi32>
    %and3A_2678 = arith.andi %gt3A_2676, %lt3A_2677 : vector<128x128xi1>
    %jit3A_2679 = arith.constant 1.000000e+00 : f32
    %jit3A_2680 = arith.constant 0.000000e+00 : f32
    %broadcast_in_dim3A_2681 = vector.broadcast %jit3A_2679 : f32 to vector<128x128xf32>
    %broadcast_in_dim3A_2682 = vector.broadcast %jit3A_2680 : f32 to vector<128x128xf32>
    %select_n3A_2683 = arith.select %and3A_2678, %broadcast_in_dim3A_2681, %broadcast_in_dim3A_2682 : vector<128x128xi1>, vector<128x128xf32>
    %swap3A_2684 = arith.constant 0 : index
    %swap3A_2685 = arith.constant 0 : index
    %swap3A_2686 = vector.load %arg6[%swap3A_2684, %swap3A_2685] : memref<128x128xf32, #tpu.memory_space<vmem>>, vector<128x128xf32>
    tpu.vector_store %arg6[%swap3A_2684, %swap3A_2685], %select_n3A_2683 {strides = array<i32>} : memref<128x128xf32, #tpu.memory_space<vmem>>, vector<128x128xf32>,
    %while3A_2687 = arith.constant 1.000000e+00 : f32
    %while3A_2688 = arith.constant 0 : i32
    %while3A_2689:3 = scf.while (%while3A_3026 = %select_n3A_2600, %while3A_3027 = %while3A_2687, %while3A_3028 = %while3A_2688) : (vector<1x128xf32>, f32, i32) -> (vector<1x128xf32>, f32, i32) {
      %gt3A_3029 = arith.constant 0.000000e+00 : f32
      %gt3A_3030 = arith.cmpf ogt, %while3A_3027, %gt3A_3029 : f32
      scf.condition(%gt3A_3030) %while3A_3026, %while3A_3027, %while3A_3028 : vector<1x128xf32>, f32, i32
    } do {
    ^bb0(%while3A_3026: vector<1x128xf32>, %while3A_3027: f32, %while3A_3028: i32):
      %get3A_3029 = arith.constant 0 : index
      %get3A_3030 = arith.constant 0 : index
      %get3A_3031 = vector.load %arg6[%get3A_3029, %get3A_3030] : memref<128x128xf32, #tpu.memory_space<vmem>>, vector<128x128xf32>
      %dot_general3A_3032 = arith.constant dense<0.000000e+00> : vector<1x128xf32>
      %dot_general3A_3033 = tpu.matmul %while3A_3026, %get3A_3031, %dot_general3A_3032 {dimension_numbers = #tpu.dot_dimension_numbers<[1], [0], [0], [1], [0, 0, 1, 1], [], []>, transpose_lhs_hint = false} : vector<1x128xf32>, vector<128x128xf32>, vector<1x128xf32> -> vector<1x128xf32>
      %lt3A_3034 = arith.constant 5.000000e-01 : f32
      %lt3A_3035 = vector.broadcast %lt3A_3034 : f32 to vector<1x128xf32>
      %lt3A_3036 = arith.cmpf olt, %dot_general3A_3033, %lt3A_3035 : vector<1x128xf32>
      %jit3A_3037 = arith.constant 0.000000e+00 : f32
      %broadcast_in_dim3A_3038 = vector.broadcast %jit3A_3037 : f32 to vector<1x128xf32>
      %select_n3A_3039 = arith.select %lt3A_3036, %select_n3A_2600, %broadcast_in_dim3A_3038 : vector<1x128xi1>, vector<1x128xf32>
      %sub3A_3040 = arith.subf %select_n3A_3039, %while3A_3026 : vector<1x128xf32>
      %abs3A = math.absf %sub3A_3040 : vector<1x128xf32>
      %reduce_sum3A_3041 = vector.shape_cast %abs3A : vector<1x128xf32> to vector<1x1x128xf32>
      %reduce_sum3A_3042 = arith.constant dense<0.000000e+00> : vector<1xf32>
      %reduce_sum3A_3043 = vector.multi_reduction <add>, %reduce_sum3A_3041, %reduce_sum3A_3042 [1, 2] : vector<1x1x128xf32> to vector<1xf32>
      %reduce_sum3A_3044 = vector.shape_cast %reduce_sum3A_3043 : vector<1xf32> to vector<1x1x1xf32>
      %reduce_sum3A_3045 = vector.extract %reduce_sum3A_3044[0, 0, 0] : f32 from vector<1x1x1xf32>
      %lt3A_3046 = arith.constant 128 : i32
      %lt3A_3047 = arith.cmpi slt, %while3A_3028, %lt3A_3046 : i32
      %jit3A_3048 = arith.constant 0.000000e+00 : f32
      %select_n3A_3049 = arith.select %lt3A_3047, %reduce_sum3A_3045, %jit3A_3048 : f32
      %add3A_3050 = arith.constant 1 : i32
      %add3A_3051 = arith.addi %while3A_3028, %add3A_3050 : i32
      scf.yield %select_n3A_3039, %select_n3A_3049, %add3A_3051 : vector<1x128xf32>, f32, i32
    }
    %dot_general3A_2690 = arith.constant dense<0.000000e+00> : vector<128x1xf32>
    %dot_general3A_2691 = tpu.matmul %select_n3A_125, %while3A_2689#0, %dot_general3A_2690 {dimension_numbers = #tpu.dot_dimension_numbers<[1], [1], [0], [0], [0, 0, 1, 0], [], []>, transpose_lhs_hint = false} : vector<128x128xf32>, vector<1x128xf32>, vector<128x1xf32> -> vector<128x1xf32>
    %add3A_2692 = arith.constant 1664 : i32
    %add3A_2693 = vector.broadcast %add3A_2692 : i32 to vector<128x1xi32>
    %add3A_2694 = arith.addi %add3A_2693, %iota3A_118 : vector<128x1xi32>
    %max3A_2695 = vector.broadcast %broadcast_in_dim3A_2617 : vector<128x1xf32> to vector<128x2048xf32>
    %max3A_2696 = vector.broadcast %min3A_47 : vector<1x2048xf32> to vector<128x2048xf32>
    %max3A_2697 = arith.maximumf %max3A_2695, %max3A_2696 : vector<128x2048xf32>
    %max3A_2698 = vector.broadcast %broadcast_in_dim3A_2620 : vector<128x1xf32> to vector<128x2048xf32>
    %max3A_2699 = vector.broadcast %min3A_57 : vector<1x2048xf32> to vector<128x2048xf32>
    %max3A_2700 = arith.maximumf %max3A_2698, %max3A_2699 : vector<128x2048xf32>
    %min3A_2701 = vector.broadcast %broadcast_in_dim3A_2623 : vector<128x1xf32> to vector<128x2048xf32>
    %min3A_2702 = vector.broadcast %min3A_67 : vector<1x2048xf32> to vector<128x2048xf32>
    %min3A_2703 = arith.minimumf %min3A_2701, %min3A_2702 : vector<128x2048xf32>
    %min3A_2704 = vector.broadcast %broadcast_in_dim3A_2626 : vector<128x1xf32> to vector<128x2048xf32>
    %min3A_2705 = vector.broadcast %min3A_77 : vector<1x2048xf32> to vector<128x2048xf32>
    %min3A_2706 = arith.minimumf %min3A_2704, %min3A_2705 : vector<128x2048xf32>
    %sub3A_2707 = arith.subf %min3A_2703, %max3A_2697 : vector<128x2048xf32>
    %max3A_2708 = arith.constant 0.000000e+00 : f32
    %max3A_2709 = vector.broadcast %max3A_2708 : f32 to vector<128x2048xf32>
    %max3A_2710 = arith.maximumf %sub3A_2707, %max3A_2709 : vector<128x2048xf32>
    %sub3A_2711 = arith.subf %min3A_2706, %max3A_2700 : vector<128x2048xf32>
    %max3A_2712 = arith.constant 0.000000e+00 : f32
    %max3A_2713 = vector.broadcast %max3A_2712 : f32 to vector<128x2048xf32>
    %max3A_2714 = arith.maximumf %sub3A_2711, %max3A_2713 : vector<128x2048xf32>
    %mul3A_2715 = arith.mulf %max3A_2710, %max3A_2714 : vector<128x2048xf32>
    %add3A_2716 = vector.broadcast %broadcast_in_dim3A_2629 : vector<128x1xf32> to vector<128x2048xf32>
    %add3A_2717 = vector.broadcast %mul3A_80 : vector<1x2048xf32> to vector<128x2048xf32>
    %add3A_2718 = arith.addf %add3A_2716, %add3A_2717 : vector<128x2048xf32>
    %sub3A_2719 = arith.subf %add3A_2718, %mul3A_2715 : vector<128x2048xf32>
    %add3A_2720 = arith.constant 9.99999997E-7 : f32
    %add3A_2721 = vector.broadcast %add3A_2720 : f32 to vector<128x2048xf32>
    %add3A_2722 = arith.addf %sub3A_2719, %add3A_2721 : vector<128x2048xf32>
    %mul3A_2723 = arith.constant 0.699999988 : f32
    %mul3A_2724 = vector.broadcast %mul3A_2723 : f32 to vector<128x2048xf32>
    %mul3A_2725 = arith.mulf %mul3A_2724, %add3A_2722 : vector<128x2048xf32>
    %gt3A_2726 = arith.cmpf ogt, %mul3A_2715, %mul3A_2725 : vector<128x2048xf32>
    %gt3A_2727 = arith.constant 0.000000e+00 : f32
    %gt3A_2728 = vector.broadcast %gt3A_2727 : f32 to vector<128x1xf32>
    %gt3A_2729 = arith.cmpf ogt, %dot_general3A_2691, %gt3A_2728 : vector<128x1xf32>
    %and3A_2730 = vector.broadcast %gt3A_2729 : vector<128x1xi1> to vector<128x2048xi1>
    %and3A_2731 = arith.andi %gt3A_2726, %and3A_2730 : vector<128x2048xi1>
    %gt3A_2732 = vector.broadcast %iota3A : vector<1x2048xi32> to vector<128x2048xi32>
    %gt3A_2733 = vector.broadcast %add3A_2694 : vector<128x1xi32> to vector<128x2048xi32>
    %gt3A_2734 = arith.cmpi sgt, %gt3A_2732, %gt3A_2733 : vector<128x2048xi32>
    %and3A_2735 = arith.andi %and3A_2731, %gt3A_2734 : vector<128x2048xi1>
    %jit3A_2736 = arith.constant 1.000000e+00 : f32
    %jit3A_2737 = arith.constant 0.000000e+00 : f32
    %broadcast_in_dim3A_2738 = vector.broadcast %jit3A_2736 : f32 to vector<128x2048xf32>
    %broadcast_in_dim3A_2739 = vector.broadcast %jit3A_2737 : f32 to vector<128x2048xf32>
    %select_n3A_2740 = arith.select %and3A_2735, %broadcast_in_dim3A_2738, %broadcast_in_dim3A_2739 : vector<128x2048xi1>, vector<128x2048xf32>
    %reduce_max3A_2741 = arith.constant dense<0xFF800000> : vector<2048xf32>
    %reduce_max3A_2742 = vector.multi_reduction <maximumf>, %select_n3A_2740, %reduce_max3A_2741 [0] : vector<128x2048xf32> to vector<2048xf32>
    %broadcast_in_dim3A_2743 = vector.shape_cast %reduce_max3A_2742 : vector<2048xf32> to vector<1x2048xf32>
    %slice3A_2744 = vector.extract_strided_slice %broadcast_in_dim3A_2743 {offsets = [0, 1792], sizes = [1, 128], strides = [1, 1]} : vector<1x2048xf32> to vector<1x128xf32>
    %gt3A_2745 = arith.constant 0.000000e+00 : f32
    %gt3A_2746 = vector.broadcast %gt3A_2745 : f32 to vector<1x128xf32>
    %gt3A_2747 = arith.cmpf ogt, %slice3A_2744, %gt3A_2746 : vector<1x128xf32>
    %jit3A_2748 = arith.constant 0.000000e+00 : f32
    %broadcast_in_dim3A_2749 = vector.broadcast %jit3A_2748 : f32 to vector<1x128xf32>
    %select_n3A_2750 = arith.select %gt3A_2747, %broadcast_in_dim3A_2749, %select_n3A_2607 : vector<1x128xi1>, vector<1x128xf32>
    %slice3A_2751 = vector.extract_strided_slice %broadcast_in_dim3A_2743 {offsets = [0, 1920], sizes = [1, 128], strides = [1, 1]} : vector<1x2048xf32> to vector<1x128xf32>
    %gt3A_2752 = arith.constant 0.000000e+00 : f32
    %gt3A_2753 = vector.broadcast %gt3A_2752 : f32 to vector<1x128xf32>
    %gt3A_2754 = arith.cmpf ogt, %slice3A_2751, %gt3A_2753 : vector<1x128xf32>
    %jit3A_2755 = arith.constant 0.000000e+00 : f32
    %broadcast_in_dim3A_2756 = vector.broadcast %jit3A_2755 : f32 to vector<1x128xf32>
    %select_n3A_2757 = arith.select %gt3A_2754, %broadcast_in_dim3A_2756, %select_n3A_2614 : vector<1x128xi1>, vector<1x128xf32>
    %slice3A_2758 = vector.extract_strided_slice %reshape3A {offsets = [14, 0], sizes = [1, 128], strides = [1, 1]} : vector<16x128xf32> to vector<1x128xf32>
    %squeeze3A_2759 = vector.shape_cast %slice3A_2758 : vector<1x128xf32> to vector<128xf32>
    %broadcast_in_dim3A_2760 = vector.shape_cast %squeeze3A_2759 : vector<128xf32> to vector<128x1xf32>
    %slice3A_2761 = vector.extract_strided_slice %reshape3A_114 {offsets = [14, 0], sizes = [1, 128], strides = [1, 1]} : vector<16x128xf32> to vector<1x128xf32>
    %squeeze3A_2762 = vector.shape_cast %slice3A_2761 : vector<1x128xf32> to vector<128xf32>
    %broadcast_in_dim3A_2763 = vector.shape_cast %squeeze3A_2762 : vector<128xf32> to vector<128x1xf32>
    %slice3A_2764 = vector.extract_strided_slice %reshape3A_115 {offsets = [14, 0], sizes = [1, 128], strides = [1, 1]} : vector<16x128xf32> to vector<1x128xf32>
    %squeeze3A_2765 = vector.shape_cast %slice3A_2764 : vector<1x128xf32> to vector<128xf32>
    %broadcast_in_dim3A_2766 = vector.shape_cast %squeeze3A_2765 : vector<128xf32> to vector<128x1xf32>
    %slice3A_2767 = vector.extract_strided_slice %reshape3A_116 {offsets = [14, 0], sizes = [1, 128], strides = [1, 1]} : vector<16x128xf32> to vector<1x128xf32>
    %squeeze3A_2768 = vector.shape_cast %slice3A_2767 : vector<1x128xf32> to vector<128xf32>
    %broadcast_in_dim3A_2769 = vector.shape_cast %squeeze3A_2768 : vector<128xf32> to vector<128x1xf32>
    %slice3A_2770 = vector.extract_strided_slice %reshape3A_117 {offsets = [14, 0], sizes = [1, 128], strides = [1, 1]} : vector<16x128xf32> to vector<1x128xf32>
    %squeeze3A_2771 = vector.shape_cast %slice3A_2770 : vector<1x128xf32> to vector<128xf32>
    %broadcast_in_dim3A_2772 = vector.shape_cast %squeeze3A_2771 : vector<128xf32> to vector<128x1xf32>
    %slice3A_2773 = vector.extract_strided_slice %reshape3A {offsets = [14, 0], sizes = [1, 128], strides = [1, 1]} : vector<16x128xf32> to vector<1x128xf32>
    %squeeze3A_2774 = vector.shape_cast %slice3A_2773 : vector<1x128xf32> to vector<128xf32>
    %broadcast_in_dim3A_2775 = vector.shape_cast %squeeze3A_2774 : vector<128xf32> to vector<1x128xf32>
    %max3A_2776 = vector.broadcast %broadcast_in_dim3A_2760 : vector<128x1xf32> to vector<128x128xf32>
    %max3A_2777 = vector.broadcast %broadcast_in_dim3A_2775 : vector<1x128xf32> to vector<128x128xf32>
    %max3A_2778 = arith.maximumf %max3A_2776, %max3A_2777 : vector<128x128xf32>
    %slice3A_2779 = vector.extract_strided_slice %reshape3A_114 {offsets = [14, 0], sizes = [1, 128], strides = [1, 1]} : vector<16x128xf32> to vector<1x128xf32>
    %squeeze3A_2780 = vector.shape_cast %slice3A_2779 : vector<1x128xf32> to vector<128xf32>
    %broadcast_in_dim3A_2781 = vector.shape_cast %squeeze3A_2780 : vector<128xf32> to vector<1x128xf32>
    %max3A_2782 = vector.broadcast %broadcast_in_dim3A_2763 : vector<128x1xf32> to vector<128x128xf32>
    %max3A_2783 = vector.broadcast %broadcast_in_dim3A_2781 : vector<1x128xf32> to vector<128x128xf32>
    %max3A_2784 = arith.maximumf %max3A_2782, %max3A_2783 : vector<128x128xf32>
    %slice3A_2785 = vector.extract_strided_slice %reshape3A_115 {offsets = [14, 0], sizes = [1, 128], strides = [1, 1]} : vector<16x128xf32> to vector<1x128xf32>
    %squeeze3A_2786 = vector.shape_cast %slice3A_2785 : vector<1x128xf32> to vector<128xf32>
    %broadcast_in_dim3A_2787 = vector.shape_cast %squeeze3A_2786 : vector<128xf32> to vector<1x128xf32>
    %min3A_2788 = vector.broadcast %broadcast_in_dim3A_2766 : vector<128x1xf32> to vector<128x128xf32>
    %min3A_2789 = vector.broadcast %broadcast_in_dim3A_2787 : vector<1x128xf32> to vector<128x128xf32>
    %min3A_2790 = arith.minimumf %min3A_2788, %min3A_2789 : vector<128x128xf32>
    %slice3A_2791 = vector.extract_strided_slice %reshape3A_116 {offsets = [14, 0], sizes = [1, 128], strides = [1, 1]} : vector<16x128xf32> to vector<1x128xf32>
    %squeeze3A_2792 = vector.shape_cast %slice3A_2791 : vector<1x128xf32> to vector<128xf32>
    %broadcast_in_dim3A_2793 = vector.shape_cast %squeeze3A_2792 : vector<128xf32> to vector<1x128xf32>
    %min3A_2794 = vector.broadcast %broadcast_in_dim3A_2769 : vector<128x1xf32> to vector<128x128xf32>
    %min3A_2795 = vector.broadcast %broadcast_in_dim3A_2793 : vector<1x128xf32> to vector<128x128xf32>
    %min3A_2796 = arith.minimumf %min3A_2794, %min3A_2795 : vector<128x128xf32>
    %sub3A_2797 = arith.subf %min3A_2790, %max3A_2778 : vector<128x128xf32>
    %max3A_2798 = arith.constant 0.000000e+00 : f32
    %max3A_2799 = vector.broadcast %max3A_2798 : f32 to vector<128x128xf32>
    %max3A_2800 = arith.maximumf %sub3A_2797, %max3A_2799 : vector<128x128xf32>
    %sub3A_2801 = arith.subf %min3A_2796, %max3A_2784 : vector<128x128xf32>
    %max3A_2802 = arith.constant 0.000000e+00 : f32
    %max3A_2803 = vector.broadcast %max3A_2802 : f32 to vector<128x128xf32>
    %max3A_2804 = arith.maximumf %sub3A_2801, %max3A_2803 : vector<128x128xf32>
    %mul3A_2805 = arith.mulf %max3A_2800, %max3A_2804 : vector<128x128xf32>
    %slice3A_2806 = vector.extract_strided_slice %reshape3A_117 {offsets = [14, 0], sizes = [1, 128], strides = [1, 1]} : vector<16x128xf32> to vector<1x128xf32>
    %squeeze3A_2807 = vector.shape_cast %slice3A_2806 : vector<1x128xf32> to vector<128xf32>
    %broadcast_in_dim3A_2808 = vector.shape_cast %squeeze3A_2807 : vector<128xf32> to vector<1x128xf32>
    %add3A_2809 = vector.broadcast %broadcast_in_dim3A_2772 : vector<128x1xf32> to vector<128x128xf32>
    %add3A_2810 = vector.broadcast %broadcast_in_dim3A_2808 : vector<1x128xf32> to vector<128x128xf32>
    %add3A_2811 = arith.addf %add3A_2809, %add3A_2810 : vector<128x128xf32>
    %sub3A_2812 = arith.subf %add3A_2811, %mul3A_2805 : vector<128x128xf32>
    %add3A_2813 = arith.constant 9.99999997E-7 : f32
    %add3A_2814 = vector.broadcast %add3A_2813 : f32 to vector<128x128xf32>
    %add3A_2815 = arith.addf %sub3A_2812, %add3A_2814 : vector<128x128xf32>
    %mul3A_2816 = arith.constant 0.699999988 : f32
    %mul3A_2817 = vector.broadcast %mul3A_2816 : f32 to vector<128x128xf32>
    %mul3A_2818 = arith.mulf %mul3A_2817, %add3A_2815 : vector<128x128xf32>
    %gt3A_2819 = arith.cmpf ogt, %mul3A_2805, %mul3A_2818 : vector<128x128xf32>
    %lt3A_2820 = arith.cmpi slt, %iota3A_119, %iota3A_120 : vector<128x128xi32>
    %and3A_2821 = arith.andi %gt3A_2819, %lt3A_2820 : vector<128x128xi1>
    %jit3A_2822 = arith.constant 1.000000e+00 : f32
    %jit3A_2823 = arith.constant 0.000000e+00 : f32
    %broadcast_in_dim3A_2824 = vector.broadcast %jit3A_2822 : f32 to vector<128x128xf32>
    %broadcast_in_dim3A_2825 = vector.broadcast %jit3A_2823 : f32 to vector<128x128xf32>
    %select_n3A_2826 = arith.select %and3A_2821, %broadcast_in_dim3A_2824, %broadcast_in_dim3A_2825 : vector<128x128xi1>, vector<128x128xf32>
    %swap3A_2827 = arith.constant 0 : index
    %swap3A_2828 = arith.constant 0 : index
    %swap3A_2829 = vector.load %arg6[%swap3A_2827, %swap3A_2828] : memref<128x128xf32, #tpu.memory_space<vmem>>, vector<128x128xf32>
    tpu.vector_store %arg6[%swap3A_2827, %swap3A_2828], %select_n3A_2826 {strides = array<i32>} : memref<128x128xf32, #tpu.memory_space<vmem>>, vector<128x128xf32>,
    %while3A_2830 = arith.constant 1.000000e+00 : f32
    %while3A_2831 = arith.constant 0 : i32
    %while3A_2832:3 = scf.while (%while3A_3026 = %select_n3A_2750, %while3A_3027 = %while3A_2830, %while3A_3028 = %while3A_2831) : (vector<1x128xf32>, f32, i32) -> (vector<1x128xf32>, f32, i32) {
      %gt3A_3029 = arith.constant 0.000000e+00 : f32
      %gt3A_3030 = arith.cmpf ogt, %while3A_3027, %gt3A_3029 : f32
      scf.condition(%gt3A_3030) %while3A_3026, %while3A_3027, %while3A_3028 : vector<1x128xf32>, f32, i32
    } do {
    ^bb0(%while3A_3026: vector<1x128xf32>, %while3A_3027: f32, %while3A_3028: i32):
      %get3A_3029 = arith.constant 0 : index
      %get3A_3030 = arith.constant 0 : index
      %get3A_3031 = vector.load %arg6[%get3A_3029, %get3A_3030] : memref<128x128xf32, #tpu.memory_space<vmem>>, vector<128x128xf32>
      %dot_general3A_3032 = arith.constant dense<0.000000e+00> : vector<1x128xf32>
      %dot_general3A_3033 = tpu.matmul %while3A_3026, %get3A_3031, %dot_general3A_3032 {dimension_numbers = #tpu.dot_dimension_numbers<[1], [0], [0], [1], [0, 0, 1, 1], [], []>, transpose_lhs_hint = false} : vector<1x128xf32>, vector<128x128xf32>, vector<1x128xf32> -> vector<1x128xf32>
      %lt3A_3034 = arith.constant 5.000000e-01 : f32
      %lt3A_3035 = vector.broadcast %lt3A_3034 : f32 to vector<1x128xf32>
      %lt3A_3036 = arith.cmpf olt, %dot_general3A_3033, %lt3A_3035 : vector<1x128xf32>
      %jit3A_3037 = arith.constant 0.000000e+00 : f32
      %broadcast_in_dim3A_3038 = vector.broadcast %jit3A_3037 : f32 to vector<1x128xf32>
      %select_n3A_3039 = arith.select %lt3A_3036, %select_n3A_2750, %broadcast_in_dim3A_3038 : vector<1x128xi1>, vector<1x128xf32>
      %sub3A_3040 = arith.subf %select_n3A_3039, %while3A_3026 : vector<1x128xf32>
      %abs3A = math.absf %sub3A_3040 : vector<1x128xf32>
      %reduce_sum3A_3041 = vector.shape_cast %abs3A : vector<1x128xf32> to vector<1x1x128xf32>
      %reduce_sum3A_3042 = arith.constant dense<0.000000e+00> : vector<1xf32>
      %reduce_sum3A_3043 = vector.multi_reduction <add>, %reduce_sum3A_3041, %reduce_sum3A_3042 [1, 2] : vector<1x1x128xf32> to vector<1xf32>
      %reduce_sum3A_3044 = vector.shape_cast %reduce_sum3A_3043 : vector<1xf32> to vector<1x1x1xf32>
      %reduce_sum3A_3045 = vector.extract %reduce_sum3A_3044[0, 0, 0] : f32 from vector<1x1x1xf32>
      %lt3A_3046 = arith.constant 128 : i32
      %lt3A_3047 = arith.cmpi slt, %while3A_3028, %lt3A_3046 : i32
      %jit3A_3048 = arith.constant 0.000000e+00 : f32
      %select_n3A_3049 = arith.select %lt3A_3047, %reduce_sum3A_3045, %jit3A_3048 : f32
      %add3A_3050 = arith.constant 1 : i32
      %add3A_3051 = arith.addi %while3A_3028, %add3A_3050 : i32
      scf.yield %select_n3A_3039, %select_n3A_3049, %add3A_3051 : vector<1x128xf32>, f32, i32
    }
    %dot_general3A_2833 = arith.constant dense<0.000000e+00> : vector<128x1xf32>
    %dot_general3A_2834 = tpu.matmul %select_n3A_125, %while3A_2832#0, %dot_general3A_2833 {dimension_numbers = #tpu.dot_dimension_numbers<[1], [1], [0], [0], [0, 0, 1, 0], [], []>, transpose_lhs_hint = false} : vector<128x128xf32>, vector<1x128xf32>, vector<128x1xf32> -> vector<128x1xf32>
    %add3A_2835 = arith.constant 1792 : i32
    %add3A_2836 = vector.broadcast %add3A_2835 : i32 to vector<128x1xi32>
    %add3A_2837 = arith.addi %add3A_2836, %iota3A_118 : vector<128x1xi32>
    %max3A_2838 = vector.broadcast %broadcast_in_dim3A_2760 : vector<128x1xf32> to vector<128x2048xf32>
    %max3A_2839 = vector.broadcast %min3A_47 : vector<1x2048xf32> to vector<128x2048xf32>
    %max3A_2840 = arith.maximumf %max3A_2838, %max3A_2839 : vector<128x2048xf32>
    %max3A_2841 = vector.broadcast %broadcast_in_dim3A_2763 : vector<128x1xf32> to vector<128x2048xf32>
    %max3A_2842 = vector.broadcast %min3A_57 : vector<1x2048xf32> to vector<128x2048xf32>
    %max3A_2843 = arith.maximumf %max3A_2841, %max3A_2842 : vector<128x2048xf32>
    %min3A_2844 = vector.broadcast %broadcast_in_dim3A_2766 : vector<128x1xf32> to vector<128x2048xf32>
    %min3A_2845 = vector.broadcast %min3A_67 : vector<1x2048xf32> to vector<128x2048xf32>
    %min3A_2846 = arith.minimumf %min3A_2844, %min3A_2845 : vector<128x2048xf32>
    %min3A_2847 = vector.broadcast %broadcast_in_dim3A_2769 : vector<128x1xf32> to vector<128x2048xf32>
    %min3A_2848 = vector.broadcast %min3A_77 : vector<1x2048xf32> to vector<128x2048xf32>
    %min3A_2849 = arith.minimumf %min3A_2847, %min3A_2848 : vector<128x2048xf32>
    %sub3A_2850 = arith.subf %min3A_2846, %max3A_2840 : vector<128x2048xf32>
    %max3A_2851 = arith.constant 0.000000e+00 : f32
    %max3A_2852 = vector.broadcast %max3A_2851 : f32 to vector<128x2048xf32>
    %max3A_2853 = arith.maximumf %sub3A_2850, %max3A_2852 : vector<128x2048xf32>
    %sub3A_2854 = arith.subf %min3A_2849, %max3A_2843 : vector<128x2048xf32>
    %max3A_2855 = arith.constant 0.000000e+00 : f32
    %max3A_2856 = vector.broadcast %max3A_2855 : f32 to vector<128x2048xf32>
    %max3A_2857 = arith.maximumf %sub3A_2854, %max3A_2856 : vector<128x2048xf32>
    %mul3A_2858 = arith.mulf %max3A_2853, %max3A_2857 : vector<128x2048xf32>
    %add3A_2859 = vector.broadcast %broadcast_in_dim3A_2772 : vector<128x1xf32> to vector<128x2048xf32>
    %add3A_2860 = vector.broadcast %mul3A_80 : vector<1x2048xf32> to vector<128x2048xf32>
    %add3A_2861 = arith.addf %add3A_2859, %add3A_2860 : vector<128x2048xf32>
    %sub3A_2862 = arith.subf %add3A_2861, %mul3A_2858 : vector<128x2048xf32>
    %add3A_2863 = arith.constant 9.99999997E-7 : f32
    %add3A_2864 = vector.broadcast %add3A_2863 : f32 to vector<128x2048xf32>
    %add3A_2865 = arith.addf %sub3A_2862, %add3A_2864 : vector<128x2048xf32>
    %mul3A_2866 = arith.constant 0.699999988 : f32
    %mul3A_2867 = vector.broadcast %mul3A_2866 : f32 to vector<128x2048xf32>
    %mul3A_2868 = arith.mulf %mul3A_2867, %add3A_2865 : vector<128x2048xf32>
    %gt3A_2869 = arith.cmpf ogt, %mul3A_2858, %mul3A_2868 : vector<128x2048xf32>
    %gt3A_2870 = arith.constant 0.000000e+00 : f32
    %gt3A_2871 = vector.broadcast %gt3A_2870 : f32 to vector<128x1xf32>
    %gt3A_2872 = arith.cmpf ogt, %dot_general3A_2834, %gt3A_2871 : vector<128x1xf32>
    %and3A_2873 = vector.broadcast %gt3A_2872 : vector<128x1xi1> to vector<128x2048xi1>
    %and3A_2874 = arith.andi %gt3A_2869, %and3A_2873 : vector<128x2048xi1>
    %gt3A_2875 = vector.broadcast %iota3A : vector<1x2048xi32> to vector<128x2048xi32>
    %gt3A_2876 = vector.broadcast %add3A_2837 : vector<128x1xi32> to vector<128x2048xi32>
    %gt3A_2877 = arith.cmpi sgt, %gt3A_2875, %gt3A_2876 : vector<128x2048xi32>
    %and3A_2878 = arith.andi %and3A_2874, %gt3A_2877 : vector<128x2048xi1>
    %jit3A_2879 = arith.constant 1.000000e+00 : f32
    %jit3A_2880 = arith.constant 0.000000e+00 : f32
    %broadcast_in_dim3A_2881 = vector.broadcast %jit3A_2879 : f32 to vector<128x2048xf32>
    %broadcast_in_dim3A_2882 = vector.broadcast %jit3A_2880 : f32 to vector<128x2048xf32>
    %select_n3A_2883 = arith.select %and3A_2878, %broadcast_in_dim3A_2881, %broadcast_in_dim3A_2882 : vector<128x2048xi1>, vector<128x2048xf32>
    %reduce_max3A_2884 = arith.constant dense<0xFF800000> : vector<2048xf32>
    %reduce_max3A_2885 = vector.multi_reduction <maximumf>, %select_n3A_2883, %reduce_max3A_2884 [0] : vector<128x2048xf32> to vector<2048xf32>
    %broadcast_in_dim3A_2886 = vector.shape_cast %reduce_max3A_2885 : vector<2048xf32> to vector<1x2048xf32>
    %slice3A_2887 = vector.extract_strided_slice %broadcast_in_dim3A_2886 {offsets = [0, 1920], sizes = [1, 128], strides = [1, 1]} : vector<1x2048xf32> to vector<1x128xf32>
    %gt3A_2888 = arith.constant 0.000000e+00 : f32
    %gt3A_2889 = vector.broadcast %gt3A_2888 : f32 to vector<1x128xf32>
    %gt3A_2890 = arith.cmpf ogt, %slice3A_2887, %gt3A_2889 : vector<1x128xf32>
    %jit3A_2891 = arith.constant 0.000000e+00 : f32
    %broadcast_in_dim3A_2892 = vector.broadcast %jit3A_2891 : f32 to vector<1x128xf32>
    %select_n3A_2893 = arith.select %gt3A_2890, %broadcast_in_dim3A_2892, %select_n3A_2757 : vector<1x128xi1>, vector<1x128xf32>
    %slice3A_2894 = vector.extract_strided_slice %reshape3A {offsets = [15, 0], sizes = [1, 128], strides = [1, 1]} : vector<16x128xf32> to vector<1x128xf32>
    %squeeze3A_2895 = vector.shape_cast %slice3A_2894 : vector<1x128xf32> to vector<128xf32>
    %broadcast_in_dim3A_2896 = vector.shape_cast %squeeze3A_2895 : vector<128xf32> to vector<128x1xf32>
    %slice3A_2897 = vector.extract_strided_slice %reshape3A_114 {offsets = [15, 0], sizes = [1, 128], strides = [1, 1]} : vector<16x128xf32> to vector<1x128xf32>
    %squeeze3A_2898 = vector.shape_cast %slice3A_2897 : vector<1x128xf32> to vector<128xf32>
    %broadcast_in_dim3A_2899 = vector.shape_cast %squeeze3A_2898 : vector<128xf32> to vector<128x1xf32>
    %slice3A_2900 = vector.extract_strided_slice %reshape3A_115 {offsets = [15, 0], sizes = [1, 128], strides = [1, 1]} : vector<16x128xf32> to vector<1x128xf32>
    %squeeze3A_2901 = vector.shape_cast %slice3A_2900 : vector<1x128xf32> to vector<128xf32>
    %broadcast_in_dim3A_2902 = vector.shape_cast %squeeze3A_2901 : vector<128xf32> to vector<128x1xf32>
    %slice3A_2903 = vector.extract_strided_slice %reshape3A_116 {offsets = [15, 0], sizes = [1, 128], strides = [1, 1]} : vector<16x128xf32> to vector<1x128xf32>
    %squeeze3A_2904 = vector.shape_cast %slice3A_2903 : vector<1x128xf32> to vector<128xf32>
    %broadcast_in_dim3A_2905 = vector.shape_cast %squeeze3A_2904 : vector<128xf32> to vector<128x1xf32>
    %slice3A_2906 = vector.extract_strided_slice %reshape3A_117 {offsets = [15, 0], sizes = [1, 128], strides = [1, 1]} : vector<16x128xf32> to vector<1x128xf32>
    %squeeze3A_2907 = vector.shape_cast %slice3A_2906 : vector<1x128xf32> to vector<128xf32>
    %broadcast_in_dim3A_2908 = vector.shape_cast %squeeze3A_2907 : vector<128xf32> to vector<128x1xf32>
    %slice3A_2909 = vector.extract_strided_slice %reshape3A {offsets = [15, 0], sizes = [1, 128], strides = [1, 1]} : vector<16x128xf32> to vector<1x128xf32>
    %squeeze3A_2910 = vector.shape_cast %slice3A_2909 : vector<1x128xf32> to vector<128xf32>
    %broadcast_in_dim3A_2911 = vector.shape_cast %squeeze3A_2910 : vector<128xf32> to vector<1x128xf32>
    %max3A_2912 = vector.broadcast %broadcast_in_dim3A_2896 : vector<128x1xf32> to vector<128x128xf32>
    %max3A_2913 = vector.broadcast %broadcast_in_dim3A_2911 : vector<1x128xf32> to vector<128x128xf32>
    %max3A_2914 = arith.maximumf %max3A_2912, %max3A_2913 : vector<128x128xf32>
    %slice3A_2915 = vector.extract_strided_slice %reshape3A_114 {offsets = [15, 0], sizes = [1, 128], strides = [1, 1]} : vector<16x128xf32> to vector<1x128xf32>
    %squeeze3A_2916 = vector.shape_cast %slice3A_2915 : vector<1x128xf32> to vector<128xf32>
    %broadcast_in_dim3A_2917 = vector.shape_cast %squeeze3A_2916 : vector<128xf32> to vector<1x128xf32>
    %max3A_2918 = vector.broadcast %broadcast_in_dim3A_2899 : vector<128x1xf32> to vector<128x128xf32>
    %max3A_2919 = vector.broadcast %broadcast_in_dim3A_2917 : vector<1x128xf32> to vector<128x128xf32>
    %max3A_2920 = arith.maximumf %max3A_2918, %max3A_2919 : vector<128x128xf32>
    %slice3A_2921 = vector.extract_strided_slice %reshape3A_115 {offsets = [15, 0], sizes = [1, 128], strides = [1, 1]} : vector<16x128xf32> to vector<1x128xf32>
    %squeeze3A_2922 = vector.shape_cast %slice3A_2921 : vector<1x128xf32> to vector<128xf32>
    %broadcast_in_dim3A_2923 = vector.shape_cast %squeeze3A_2922 : vector<128xf32> to vector<1x128xf32>
    %min3A_2924 = vector.broadcast %broadcast_in_dim3A_2902 : vector<128x1xf32> to vector<128x128xf32>
    %min3A_2925 = vector.broadcast %broadcast_in_dim3A_2923 : vector<1x128xf32> to vector<128x128xf32>
    %min3A_2926 = arith.minimumf %min3A_2924, %min3A_2925 : vector<128x128xf32>
    %slice3A_2927 = vector.extract_strided_slice %reshape3A_116 {offsets = [15, 0], sizes = [1, 128], strides = [1, 1]} : vector<16x128xf32> to vector<1x128xf32>
    %squeeze3A_2928 = vector.shape_cast %slice3A_2927 : vector<1x128xf32> to vector<128xf32>
    %broadcast_in_dim3A_2929 = vector.shape_cast %squeeze3A_2928 : vector<128xf32> to vector<1x128xf32>
    %min3A_2930 = vector.broadcast %broadcast_in_dim3A_2905 : vector<128x1xf32> to vector<128x128xf32>
    %min3A_2931 = vector.broadcast %broadcast_in_dim3A_2929 : vector<1x128xf32> to vector<128x128xf32>
    %min3A_2932 = arith.minimumf %min3A_2930, %min3A_2931 : vector<128x128xf32>
    %sub3A_2933 = arith.subf %min3A_2926, %max3A_2914 : vector<128x128xf32>
    %max3A_2934 = arith.constant 0.000000e+00 : f32
    %max3A_2935 = vector.broadcast %max3A_2934 : f32 to vector<128x128xf32>
    %max3A_2936 = arith.maximumf %sub3A_2933, %max3A_2935 : vector<128x128xf32>
    %sub3A_2937 = arith.subf %min3A_2932, %max3A_2920 : vector<128x128xf32>
    %max3A_2938 = arith.constant 0.000000e+00 : f32
    %max3A_2939 = vector.broadcast %max3A_2938 : f32 to vector<128x128xf32>
    %max3A_2940 = arith.maximumf %sub3A_2937, %max3A_2939 : vector<128x128xf32>
    %mul3A_2941 = arith.mulf %max3A_2936, %max3A_2940 : vector<128x128xf32>
    %slice3A_2942 = vector.extract_strided_slice %reshape3A_117 {offsets = [15, 0], sizes = [1, 128], strides = [1, 1]} : vector<16x128xf32> to vector<1x128xf32>
    %squeeze3A_2943 = vector.shape_cast %slice3A_2942 : vector<1x128xf32> to vector<128xf32>
    %broadcast_in_dim3A_2944 = vector.shape_cast %squeeze3A_2943 : vector<128xf32> to vector<1x128xf32>
    %add3A_2945 = vector.broadcast %broadcast_in_dim3A_2908 : vector<128x1xf32> to vector<128x128xf32>
    %add3A_2946 = vector.broadcast %broadcast_in_dim3A_2944 : vector<1x128xf32> to vector<128x128xf32>
    %add3A_2947 = arith.addf %add3A_2945, %add3A_2946 : vector<128x128xf32>
    %sub3A_2948 = arith.subf %add3A_2947, %mul3A_2941 : vector<128x128xf32>
    %add3A_2949 = arith.constant 9.99999997E-7 : f32
    %add3A_2950 = vector.broadcast %add3A_2949 : f32 to vector<128x128xf32>
    %add3A_2951 = arith.addf %sub3A_2948, %add3A_2950 : vector<128x128xf32>
    %mul3A_2952 = arith.constant 0.699999988 : f32
    %mul3A_2953 = vector.broadcast %mul3A_2952 : f32 to vector<128x128xf32>
    %mul3A_2954 = arith.mulf %mul3A_2953, %add3A_2951 : vector<128x128xf32>
    %gt3A_2955 = arith.cmpf ogt, %mul3A_2941, %mul3A_2954 : vector<128x128xf32>
    %lt3A_2956 = arith.cmpi slt, %iota3A_119, %iota3A_120 : vector<128x128xi32>
    %and3A_2957 = arith.andi %gt3A_2955, %lt3A_2956 : vector<128x128xi1>
    %jit3A_2958 = arith.constant 1.000000e+00 : f32
    %jit3A_2959 = arith.constant 0.000000e+00 : f32
    %broadcast_in_dim3A_2960 = vector.broadcast %jit3A_2958 : f32 to vector<128x128xf32>
    %broadcast_in_dim3A_2961 = vector.broadcast %jit3A_2959 : f32 to vector<128x128xf32>
    %select_n3A_2962 = arith.select %and3A_2957, %broadcast_in_dim3A_2960, %broadcast_in_dim3A_2961 : vector<128x128xi1>, vector<128x128xf32>
    %swap3A_2963 = arith.constant 0 : index
    %swap3A_2964 = arith.constant 0 : index
    %swap3A_2965 = vector.load %arg6[%swap3A_2963, %swap3A_2964] : memref<128x128xf32, #tpu.memory_space<vmem>>, vector<128x128xf32>
    tpu.vector_store %arg6[%swap3A_2963, %swap3A_2964], %select_n3A_2962 {strides = array<i32>} : memref<128x128xf32, #tpu.memory_space<vmem>>, vector<128x128xf32>,
    %while3A_2966 = arith.constant 1.000000e+00 : f32
    %while3A_2967 = arith.constant 0 : i32
    %while3A_2968:3 = scf.while (%while3A_3026 = %select_n3A_2893, %while3A_3027 = %while3A_2966, %while3A_3028 = %while3A_2967) : (vector<1x128xf32>, f32, i32) -> (vector<1x128xf32>, f32, i32) {
      %gt3A_3029 = arith.constant 0.000000e+00 : f32
      %gt3A_3030 = arith.cmpf ogt, %while3A_3027, %gt3A_3029 : f32
      scf.condition(%gt3A_3030) %while3A_3026, %while3A_3027, %while3A_3028 : vector<1x128xf32>, f32, i32
    } do {
    ^bb0(%while3A_3026: vector<1x128xf32>, %while3A_3027: f32, %while3A_3028: i32):
      %get3A_3029 = arith.constant 0 : index
      %get3A_3030 = arith.constant 0 : index
      %get3A_3031 = vector.load %arg6[%get3A_3029, %get3A_3030] : memref<128x128xf32, #tpu.memory_space<vmem>>, vector<128x128xf32>
      %dot_general3A_3032 = arith.constant dense<0.000000e+00> : vector<1x128xf32>
      %dot_general3A_3033 = tpu.matmul %while3A_3026, %get3A_3031, %dot_general3A_3032 {dimension_numbers = #tpu.dot_dimension_numbers<[1], [0], [0], [1], [0, 0, 1, 1], [], []>, transpose_lhs_hint = false} : vector<1x128xf32>, vector<128x128xf32>, vector<1x128xf32> -> vector<1x128xf32>
      %lt3A_3034 = arith.constant 5.000000e-01 : f32
      %lt3A_3035 = vector.broadcast %lt3A_3034 : f32 to vector<1x128xf32>
      %lt3A_3036 = arith.cmpf olt, %dot_general3A_3033, %lt3A_3035 : vector<1x128xf32>
      %jit3A_3037 = arith.constant 0.000000e+00 : f32
      %broadcast_in_dim3A_3038 = vector.broadcast %jit3A_3037 : f32 to vector<1x128xf32>
      %select_n3A_3039 = arith.select %lt3A_3036, %select_n3A_2893, %broadcast_in_dim3A_3038 : vector<1x128xi1>, vector<1x128xf32>
      %sub3A_3040 = arith.subf %select_n3A_3039, %while3A_3026 : vector<1x128xf32>
      %abs3A = math.absf %sub3A_3040 : vector<1x128xf32>
      %reduce_sum3A_3041 = vector.shape_cast %abs3A : vector<1x128xf32> to vector<1x1x128xf32>
      %reduce_sum3A_3042 = arith.constant dense<0.000000e+00> : vector<1xf32>
      %reduce_sum3A_3043 = vector.multi_reduction <add>, %reduce_sum3A_3041, %reduce_sum3A_3042 [1, 2] : vector<1x1x128xf32> to vector<1xf32>
      %reduce_sum3A_3044 = vector.shape_cast %reduce_sum3A_3043 : vector<1xf32> to vector<1x1x1xf32>
      %reduce_sum3A_3045 = vector.extract %reduce_sum3A_3044[0, 0, 0] : f32 from vector<1x1x1xf32>
      %lt3A_3046 = arith.constant 128 : i32
      %lt3A_3047 = arith.cmpi slt, %while3A_3028, %lt3A_3046 : i32
      %jit3A_3048 = arith.constant 0.000000e+00 : f32
      %select_n3A_3049 = arith.select %lt3A_3047, %reduce_sum3A_3045, %jit3A_3048 : f32
      %add3A_3050 = arith.constant 1 : i32
      %add3A_3051 = arith.addi %while3A_3028, %add3A_3050 : i32
      scf.yield %select_n3A_3039, %select_n3A_3049, %add3A_3051 : vector<1x128xf32>, f32, i32
    }
    %concatenate3A = tpu.concatenate %while3A_195#0, %while3A_427#0, %while3A_654#0, %while3A_874#0, %while3A_1087#0, %while3A_1293#0, %while3A_1492#0, %while3A_1684#0, %while3A_1869#0, %while3A_2047#0, %while3A_2218#0, %while3A_2382#0, %while3A_2539#0, %while3A_2689#0, %while3A_2832#0, %while3A_2968#0 in 1 : vector<1x128xf32>, vector<1x128xf32>, vector<1x128xf32>, vector<1x128xf32>, vector<1x128xf32>, vector<1x128xf32>, vector<1x128xf32>, vector<1x128xf32>, vector<1x128xf32>, vector<1x128xf32>, vector<1x128xf32>, vector<1x128xf32>, vector<1x128xf32>, vector<1x128xf32>, vector<1x128xf32>, vector<1x128xf32> -> vector<1x2048xf32>
    %reshape3A_2969 = vector.shape_cast %concatenate3A : vector<1x2048xf32> to vector<16x128xf32>
    %le3A = arith.cmpi sle, %iota3A_119, %iota3A_120 : vector<128x128xi32>
    %jit3A_2970 = arith.constant 1.000000e+00 : f32
    %jit3A_2971 = arith.constant 0.000000e+00 : f32
    %broadcast_in_dim3A_2972 = vector.broadcast %jit3A_2970 : f32 to vector<128x128xf32>
    %broadcast_in_dim3A_2973 = vector.broadcast %jit3A_2971 : f32 to vector<128x128xf32>
    %select_n3A_2974 = arith.select %le3A, %broadcast_in_dim3A_2972, %broadcast_in_dim3A_2973 : vector<128x128xi1>, vector<128x128xf32>
    %dot_general3A_2975 = arith.constant dense<0.000000e+00> : vector<16x128xf32>
    %dot_general3A_2976 = tpu.matmul %reshape3A_2969, %select_n3A_2974, %dot_general3A_2975 {dimension_numbers = #tpu.dot_dimension_numbers<[1], [0], [0], [1], [0, 0, 1, 1], [], []>, transpose_lhs_hint = false} : vector<16x128xf32>, vector<128x128xf32>, vector<16x128xf32> -> vector<16x128xf32>
    %reduce_sum3A = arith.constant dense<0.000000e+00> : vector<16xf32>
    %reduce_sum3A_2977 = vector.multi_reduction <add>, %reshape3A_2969, %reduce_sum3A [1] : vector<16x128xf32> to vector<16xf32>
    %broadcast_in_dim3A_2978 = vector.shape_cast %reduce_sum3A_2977 : vector<16xf32> to vector<16x1xf32>
    %iota3A_2979 = tpu.iota {dimensions = array<i32: 0>} : vector<16x16xi32>
    %iota3A_2980 = tpu.iota {dimensions = array<i32: 1>} : vector<16x16xi32>
    %lt3A_2981 = arith.cmpi slt, %iota3A_2980, %iota3A_2979 : vector<16x16xi32>
    %jit3A_2982 = arith.constant 1.000000e+00 : f32
    %jit3A_2983 = arith.constant 0.000000e+00 : f32
    %broadcast_in_dim3A_2984 = vector.broadcast %jit3A_2982 : f32 to vector<16x16xf32>
    %broadcast_in_dim3A_2985 = vector.broadcast %jit3A_2983 : f32 to vector<16x16xf32>
    %select_n3A_2986 = arith.select %lt3A_2981, %broadcast_in_dim3A_2984, %broadcast_in_dim3A_2985 : vector<16x16xi1>, vector<16x16xf32>
    %dot_general3A_2987 = arith.constant dense<0.000000e+00> : vector<16x1xf32>
    %dot_general3A_2988 = tpu.matmul %select_n3A_2986, %broadcast_in_dim3A_2978, %dot_general3A_2987 {dimension_numbers = #tpu.dot_dimension_numbers<[1], [0], [0], [1], [0, 0, 1, 1], [], []>, transpose_lhs_hint = false} : vector<16x16xf32>, vector<16x1xf32>, vector<16x1xf32> -> vector<16x1xf32>
    %add3A_2989 = vector.broadcast %dot_general3A_2988 : vector<16x1xf32> to vector<16x128xf32>
    %add3A_2990 = arith.addf %dot_general3A_2976, %add3A_2989 : vector<16x128xf32>
    %sub3A_2991 = arith.constant 1.000000e+00 : f32
    %sub3A_2992 = vector.broadcast %sub3A_2991 : f32 to vector<16x128xf32>
    %sub3A_2993 = arith.subf %add3A_2990, %sub3A_2992 : vector<16x128xf32>
    %convert_element_type3A = arith.fptosi %sub3A_2993 : vector<16x128xf32> to vector<16x128xi32>
    %reshape3A_2994 = vector.shape_cast %convert_element_type3A : vector<16x128xi32> to vector<1x2048xi32>
    %iota3A_2995 = tpu.iota {dimensions = array<i32: 0>} : vector<1024x1xi32>
    %eq3A_2996 = vector.broadcast %iota3A_2995 : vector<1024x1xi32> to vector<1024x2048xi32>
    %eq3A_2997 = vector.broadcast %reshape3A_2994 : vector<1x2048xi32> to vector<1024x2048xi32>
    %eq3A_2998 = arith.cmpi eq, %eq3A_2996, %eq3A_2997 : vector<1024x2048xi32>
    %gt3A_2999 = arith.constant 0.000000e+00 : f32
    %gt3A_3000 = vector.broadcast %gt3A_2999 : f32 to vector<1x2048xf32>
    %gt3A_3001 = arith.cmpf ogt, %concatenate3A, %gt3A_3000 : vector<1x2048xf32>
    %and3A_3002 = vector.broadcast %gt3A_3001 : vector<1x2048xi1> to vector<1024x2048xi1>
    %and3A_3003 = arith.andi %eq3A_2998, %and3A_3002 : vector<1024x2048xi1>
    %jit3A_3004 = arith.constant 1.000000e+00 : f32
    %jit3A_3005 = arith.constant 0.000000e+00 : f32
    %broadcast_in_dim3A_3006 = vector.broadcast %jit3A_3004 : f32 to vector<1024x2048xf32>
    %broadcast_in_dim3A_3007 = vector.broadcast %jit3A_3005 : f32 to vector<1024x2048xf32>
    %select_n3A_3008 = arith.select %and3A_3003, %broadcast_in_dim3A_3006, %broadcast_in_dim3A_3007 : vector<1024x2048xi1>, vector<1024x2048xf32>
    %concatenate3A_3009 = tpu.concatenate %min3A_47, %min3A_57, %min3A_67, %min3A_77, %logistic3A_85 in 0 : vector<1x2048xf32>, vector<1x2048xf32>, vector<1x2048xf32>, vector<1x2048xf32>, vector<1x2048xf32> -> vector<5x2048xf32>
    %dot_general3A_3010 = arith.constant dense<0.000000e+00> : vector<5x1024xf32>
    %dot_general3A_3011 = tpu.matmul %concatenate3A_3009, %select_n3A_3008, %dot_general3A_3010 {dimension_numbers = #tpu.dot_dimension_numbers<[1], [1], [0], [0], [0, 0, 1, 0], [], []>, transpose_lhs_hint = false} : vector<5x2048xf32>, vector<1024x2048xf32>, vector<5x1024xf32> -> vector<5x1024xf32>
    %slice3A_3012 = vector.extract_strided_slice %dot_general3A_3011 {offsets = [0, 0], sizes = [4, 1024], strides = [1, 1]} : vector<5x1024xf32> to vector<4x1024xf32>
    %swap3A_3013 = arith.constant 0 : index
    %swap3A_3014 = arith.constant 0 : index
    %swap3A_3015 = arith.constant 0 : index
    %swap3A_3016 = vector.load %arg4[%swap3A_3013, %swap3A_3014, %swap3A_3015] : memref<1x4x1024xf32, #tpu.memory_space<vmem>>, vector<1x4x1024xf32>
    %swap3A_3017 = vector.shape_cast %swap3A_3016 : vector<1x4x1024xf32> to vector<4x1024xf32>
    %swap3A_3018 = vector.shape_cast %slice3A_3012 : vector<4x1024xf32> to vector<1x4x1024xf32>
    tpu.vector_store %arg4[%swap3A_3013, %swap3A_3014, %swap3A_3015], %swap3A_3018 {strides = array<i32>} : memref<1x4x1024xf32, #tpu.memory_space<vmem>>, vector<1x4x1024xf32>,
    %slice3A_3019 = vector.extract_strided_slice %dot_general3A_3011 {offsets = [4, 0], sizes = [1, 1024], strides = [1, 1]} : vector<5x1024xf32> to vector<1x1024xf32>
    %swap3A_3020 = arith.constant 0 : index
    %swap3A_3021 = arith.constant 0 : index
    %swap3A_3022 = arith.constant 0 : index
    %swap3A_3023 = vector.load %arg5[%swap3A_3020, %swap3A_3021, %swap3A_3022] : memref<1x1x1024xf32, #tpu.memory_space<vmem>>, vector<1x1x1024xf32>
    %swap3A_3024 = vector.shape_cast %swap3A_3023 : vector<1x1x1024xf32> to vector<1x1024xf32>
    %swap3A_3025 = vector.shape_cast %slice3A_3019 : vector<1x1024xf32> to vector<1x1x1024xf32>
    tpu.vector_store %arg5[%swap3A_3020, %swap3A_3021, %swap3A_3022], %swap3A_3025 {strides = array<i32>} : memref<1x1x1024xf32, #tpu.memory_space<vmem>>, vector<1x1x1024xf32>,
    return
  }
  func.func @transform_0(%arg0: i32) -> (i32, i32, i32) {
    %c0_i32 = arith.constant 0 : i32
    %c0_i32_0 = arith.constant 0 : i32
    %c0_i32_1 = arith.constant 0 : i32
    return %arg0, %c0_i32, %c0_i32_0 : i32, i32, i32
  }
  func.func @transform_1(%arg0: i32) -> (i32, i32, i32) {
    %c0_i32 = arith.constant 0 : i32
    %c0_i32_0 = arith.constant 0 : i32
    %c0_i32_1 = arith.constant 0 : i32
    return %arg0, %c0_i32, %c0_i32_0 : i32, i32, i32
  }
  func.func @transform_2(%arg0: i32) -> (i32, i32, i32) {
    %c0_i32 = arith.constant 0 : i32
    %c0_i32_0 = arith.constant 0 : i32
    %c0_i32_1 = arith.constant 0 : i32
    return %arg0, %c0_i32, %c0_i32_0 : i32, i32, i32
  }
  func.func @transform_3(%arg0: i32) -> (i32, i32, i32) {
    %c0_i32 = arith.constant 0 : i32
    %c0_i32_0 = arith.constant 0 : i32
    %c0_i32_1 = arith.constant 0 : i32
    return %arg0, %c0_i32, %c0_i32_0 : i32, i32, i32
  }
  func.func @transform_4(%arg0: i32) -> (i32, i32, i32) {
    %c0_i32 = arith.constant 0 : i32
    %c0_i32_0 = arith.constant 0 : i32
    %c0_i32_1 = arith.constant 0 : i32
    return %arg0, %c0_i32, %c0_i32_0 : i32, i32, i32
  }
}

</mosaic_0001>

<sc_bundles>
// kernel: gather_offload_async_start.1
scs
__scs_entry_jumppad:
0x0: {  	(pc) =	sbr.rel $0x88, $3  }
0x1: {  	(tag) =	ssettag $0x0;
	lr =	simm.s32 $0x1  }
0x2: {  	[smem:$0x3F9E] =	sst lr;
	_ =	strace $0xD0000000  }
0x3: {  	_ = 	snop  }
0x4: {  	_ = 	snop  }
0x5: {  	_ = 	snop  }
0x6: {  	_ = 	snop  }
0x7: {  	_ = 	snop  }
__scs_overlays_trampoline_lowered:
0x8: {  	[smem:$0x3FAD] =	sst s0  }
0x9: {  	[smem:$0x3FAE] =	sst s1  }
0xa: {  	[smem:$0x3FAF] =	sst s2  }
0xb: {  	[smem:$0x3FB0] =	sst s3  }
0xc: {  	[smem:$0x3FB1] =	sst s4  }
0xd: {  	[smem:$0x3FB2] =	sst s5  }
0xe: {  	[smem:$0x3FB3] =	sst s6  }
0xf: {  	[smem:$0x3FB4] =	sst s7  }
0x10: {  	[smem:$0x3FB5] =	sst s8  }
0x11: {  	[smem:$0x3FB6] =	sst s9;
	s0 =	simm.s32 @!p0 $0x0  }
0x12: {  	s1 =	sld [smem:$0x3F9C];
	s0 =	simm.s32 @p0 $0x1  }
0x13: {  	[smem:$0x3FB7] =	sst s0;
	s0 =	simm.s32 @!p1 $0x0  }
0x14: {  	s2 =	sld [smem:$0x3F9B];
	s0 =	simm.s32 @p1 $0x1  }
0x15: {  	[smem:$0x3FB8] =	sst s0;
	s0 =	simm.s32 @!p2 $0x0  }
0x16: {  	s3 =	sld [smem:$0x3FDB];
	s0 =	simm.s32 @p2 $0x1  }
0x17: {  	s4 =	simm.s32 $0x1BF5;
	[smem:$0x3FBA] =	sst s0  }
0x18: {  	s0 =	sld [smem:$0x3F9D];
	_ =	swait.ge [sflag:s4], $0x0  }
0x19: {  	s7 =	sld [smem:$0x3F9E]  }
0x1a: {  	s8 =	sadd.s32 $0xFFFFE003, lr  }
0x1b: {  	s9 =	sadd.s32 $0xFFFFFEF7, lr;
	s5 =	simm.s32 $0xFFFFFFFF;
	p2 =	slt.u32 s8, $0xFFFFF086  }
0x1c: {  	p1 =	slt.u32 s9, $0xF7A;
	s5 =	simm.s32 @!p2 $0x0  }
0x1d: {  	s5 =	simm.s32 @p1 $0x1;
	p0 =	seq.s32 s7, s2  }
0x1e: {  	s7 =	smul.u32 @!p0 $0xF7A, s2;
	p2 =	seq.s32 @!p0 s5, $0x0  }
0x1f: {  	s9 =	smul.u32 $0xF7A, s1;
	s8 =	simm.s32 @!p0 $0x1BF5;
	p2 =	por !p2, p0  }
0x20: {  	[sflag:s8] =	ssyncset.s32 @!p0 $0xFFFFF086;
	s6 =	sadd.s32 @!p0 s3, s7;
	s7 =	simm.s32 @!p0 $0x108  }
0x21: {  	s3 =	sadd.s32 s3, s9;
	s6 =	sadd.s32 @!p0 $0x88, s6;
	s7 =	simm.s32 @p2 $0x1082  }
0x22: {  	[simem:s7], [sflag:s8] =	dma.local @!p0 [hbm:s6], $0xF7A  }
0x23: {  	s9 =	sor.u32 $0xD0000000, s2;
	s6 =	simm.s32 $0x108;
	_ =	swait.ge @!p0 [sflag:s8], $0x0  }
0x24: {  	s3 =	sadd.s32 $0x88, s3;
	s6 =	simm.s32 @!p1 $0x1082;
	[sflag:s4] =	ssyncset.s32 $0xFFFFF086  }
0x25: {  	[simem:s6], [sflag:s4] =	dma.local [hbm:s3], $0xF7A  }
0x26: {  	[smem:$0x3F9E] =	sst s1;
	(tag) =	ssettag s2;
	_ =	strace s9  }
0x27: {  	s1 =	sld [smem:$0x3FAE]  }
0x28: {  	s2 =	sld [smem:$0x3FAF]  }
0x29: {  	s4 =	sld [smem:$0x3FB1]  }
0x2a: {  	p0 =	seq.s32 s5, $0x0;
	s5 =	sld [smem:$0x3FB2]  }
0x2b: {  	s6 =	sld [smem:$0x3FB3]  }
0x2c: {  	s7 =	sld [smem:$0x3FB4]  }
0x2d: {  	s3 =	simm.s32 $0x108;
	s8 =	sld [smem:$0x3FB5]  }
0x2e: {  	s3 =	simm.s32 @!p0 $0x1082;
	s9 =	sld [smem:$0x3FB6]  }
0x2f: {  	lr =	sadd.s32 s0, s3;
	s0 =	sld [smem:$0x3FAD]  }
0x30: {  	s3 =	sld [smem:$0x3FB0]  }
0x31: {  	[smem:$0x3FB9] =	sst s10  }
0x32: {  	s10 =	sld [smem:$0x3FB7];
	_ =	sdelay $0x3  }
0x33: {  	p0 =	seq.s32 s10, $0x1;
	s10 =	sld [smem:$0x3FB9];
	_ =	sdelay $0x3  }
0x34: {  	[smem:$0x3FB9] =	sst s10  }
0x35: {  	s10 =	sld [smem:$0x3FB8];
	_ =	sdelay $0x3  }
0x36: {  	p1 =	seq.s32 s10, $0x1;
	s10 =	sld [smem:$0x3FB9];
	_ =	sdelay $0x3  }
0x37: {  	[smem:$0x3FB9] =	sst s10  }
0x38: {  	s10 =	sld [smem:$0x3FBA]  }
0x39: {  	_ = 	snop;
	(pc) =	sbr.ind lr, $3  }
0x3a: {  	_ = 	snop  }
0x3b: {  	_ = 	snop  }
0x3c: {  	p2 =	seq.s32 s10, $0x1;
	s10 =	sld [smem:$0x3FB9]  }
0x3d: {  	_ =	shalt  }
0x3e: {  	_ =	shalt  }
0x3f: {  	_ =	shalt  }
0x40: {  	_ =	shalt  }
0x41: {  	_ =	shalt  }
0x42: {  	_ =	shalt  }
0x43: {  	_ =	shalt  }
0x44: {  	_ =	shalt  }
0x45: {  	_ =	shalt  }
0x46: {  	_ =	shalt  }
0x47: {  	_ =	shalt  }
0x48: {  	_ =	shalt  }
0x49: {  	_ =	shalt  }
0x4a: {  	_ =	shalt  }
0x4b: {  	_ =	shalt  }
0x4c: {  	_ =	shalt  }
0x4d: {  	_ =	shalt  }
0x4e: {  	_ =	shalt  }
0x4f: {  	_ =	shalt  }
0x50: {  	_ =	shalt  }
0x51: {  	_ =	shalt  }
0x52: {  	_ =	shalt  }
0x53: {  	_ =	shalt  }
0x54: {  	_ =	shalt  }
0x55: {  	_ =	shalt  }
0x56: {  	_ =	shalt  }
0x57: {  	_ =	shalt  }
0x58: {  	_ =	shalt  }
0x59: {  	_ =	shalt  }
0x5a: {  	_ =	shalt  }
0x5b: {  	_ =	shalt  }
0x5c: {  	_ =	shalt  }
0x5d: {  	_ =	shalt  }
0x5e: {  	_ =	shalt  }
0x5f: {  	_ =	shalt  }
0x60: {  	_ =	shalt  }
0x61: {  	_ =	shalt  }
0x62: {  	_ =	shalt  }
0x63: {  	_ =	shalt  }
0x64: {  	_ =	shalt  }
0x65: {  	_ =	shalt  }
0x66: {  	_ =	shalt  }
0x67: {  	_ =	shalt  }
0x68: {  	_ =	shalt  }
0x69: {  	_ =	shalt  }
0x6a: {  	_ =	shalt  }
0x6b: {  	_ =	shalt  }
0x6c: {  	_ =	shalt  }
0x6d: {  	_ =	shalt  }
0x6e: {  	_ =	shalt  }
0x6f: {  	_ =	shalt  }
0x70: {  	_ =	shalt  }
0x71: {  	_ =	shalt  }
0x72: {  	_ =	shalt  }
0x73: {  	_ =	shalt  }
0x74: {  	_ =	shalt  }
0x75: {  	_ =	shalt  }
0x76: {  	_ =	shalt  }
0x77: {  	_ =	shalt  }
0x78: {  	_ =	shalt  }
0x79: {  	_ =	shalt  }
0x7a: {  	_ =	shalt  }
0x7b: {  	_ =	shalt  }
0x7c: {  	_ =	shalt  }
0x7d: {  	_ =	shalt  }
0x7e: {  	_ =	shalt  }
0x7f: {  	_ =	shalt  }
0x80: {  	_ =	shalt  }
0x81: {  	_ =	shalt  }
0x82: {  	_ =	shalt  }
0x83: {  	_ =	shalt  }
0x84: {  	_ =	shalt  }
0x85: {  	_ =	shalt  }
0x86: {  	_ =	shalt  }
0x87: {  	_ =	shalt  }
.Lfunc_end0:
.L_simem_size_0:
called_computation.1_lowered:
.L_overlay_start_0:
0x88: {  	s2 =	sld [smem:$0x3FD9]  }
0x89: {  	s3 =	sld [smem:$0x3FFE];
	_ =	sdelay $0x1  }
0x8a: {  	s1 =	srdreg.scid  }
0x8b: {  	s0 =	sand.u32 $0x1, s1  }
0x8c: {  	s14 =	sshll.u32 s0, $0xA;
	s2 =	sadd.s32 s3, s2  }
0x8d: {  	s2 =	sadd.s32 s2, s14  }
0x8e: {  	[smem:$0x3FC5] =	sst s2  }
0x8f: {  	_ = 	snop  }
0x90: {  	s2 =	sld [smem:$0x3FD0];
	_ =	sdelay $0x2  }
0x91: {  	s15 =	simm.s32 $0xB;
	s4 =	simm.s32 $0x10  }
0x92: {  	[smem:s4], [sflag:s15] =	dma.local [hbm:s2], $0x1  }
0x93: {  	_ =	swait.eq [sflag:s15], $0x1  }
0x94: {  	[sflag:s15] =	ssyncset.done $0x0  }
0x95: {  	[sflag:s15] =	ssyncadd.s32 $0xFFFFFFFF  }
0x96: {  	s16 =	sld [smem:$0x10];
	(tm) =	ssettm $0x1  }
0x97: {  	s17 =	sld [smem:$0x3FFB];
	_ =	sdelay $0x3  }
0x98: {  	_ =	strace s17  }
0x99: {  	s3 =	sld [smem:$0x3FFC];
	_ =	sdelay $0x3  }
0x9a: {  	_ =	strace s3  }
0x9b: {  	s3 =	sld [smem:$0x3FFD];
	_ =	sdelay $0x3  }
0x9c: {  	_ =	strace s3  }
0x9d: {  	_ =	strace $0x8FFFFFFF  }
0x9e: {  	s18 =	sld [smem:$0x3FDB];
	_ =	sdelay $0x1  }
0x9f: {  	s19 =	simm.s32 $_scs_section_size  }
0xa0: {  	s5 =	simm.s32 $_size__tile_overlayer_lowered;
	s6 =	simm.s32 $_tile_overlayer_lowered  }
0xa1: {  	s22 =	simm.s32 $0x1BFF;
	s21 =	sshll.u32 s6, $0x1;
	s3 =	sadd.s32 s19, s18  }
0xa2: {  	s7 =	simm.s32 $0x0;
	s20 =	sshll.u32 s5, $0x1;
	s5 =	sadd.s32 s21, s3  }
0xa3: {  	[timem:s7], [sflag:s22] =	dma.local [hbm:s5], s20  }
0xa4: {  	_ =	swait.ge [sflag:s22], s20  }
0xa5: {  	s4 =	ssub.s32 $0x0, s20;
	[sflag:s22] =	ssyncset.done $0x0  }
0xa6: {  	[sflag:s22] =	ssyncadd.s32 s4;
	_ =	sdelay $0x1  }
0xa7: {  	s23 =	simm.s32 $0x1B8B  }
0xa8: {  	_ =	swait.ge [sflag:s23], $0x1  }
0xa9: {  	[sflag:s23] =	ssyncset.done $0x0  }
0xaa: {  	s25 =	simm.s32 $0x1B8E;
	s24 =	sld [smem:$0x3FFE];
	[sflag:s23] =	ssyncadd.s32 $0xFFFFFFFF  }
0xab: {  	s26 =	simm.s32 $execute0_lowered;
	[smem:$0x3FD2] =	sst s25  }
0xac: {  	s5 =	sshll.u32 s26, $0x1;
	_ =	strace $0x80000046;
	[dreg:$0x1] =	wrdreg $0xFFFFFFFF  }
0xad: {  	s28 =	simm.s32 $_size_execute0_lowered;
	s3 =	sadd.s32 s3, s5;
	[dreg:$0x0] =	wrdreg $0x0  }
0xae: {  	s5 =	sshll.u32 s28, $0x1;
	[dreg:$0x2] =	wrdreg s3  }
0xaf: {  	[dreg:$0x3] =	wrdreg s5  }
0xb0: {  	[dreg:$0x4] =	wrdreg $0xC0  }
0xb1: {  	_ =	task [dreg:s7], $0x5FFFF  }
0xb2: {  	[dreg:$0x1] =	wrdreg $0xFFFFFFFF  }
0xb3: {  	[dreg:$0x0] =	wrdreg $0x60  }
0xb4: {  	[dreg:$0x2] =	wrdreg s24  }
0xb5: {  	[dreg:$0x3] =	wrdreg s16  }
0xb6: {  	[dreg:$0x4] =	wrdreg $0xA  }
0xb7: {  	_ =	task.clear_ibuf [dreg:s7], $0x5FFFF;
	_ =	strace $0x90000046  }
0xb8: {  	s29 =	simm.s32 $0xA;
	_ =	strace $0x80000048  }
0xb9: {  	_ =	swait.ge [sflag:s29], $0x1  }
0xba: {  	[sflag:s29] =	ssyncadd.s32 $0xFFFFFFFF  }
0xbb: {  	_ =	strace $0x90000048  }
0xbc: {  	_ =	sfence  }
0xbd: {  	s30 =	sld [smem:$0x0];
	_ =	sdelay $0x2  }
0xbe: {  	s31 =	sshll.u32 s1, $0xD;
	s1 =	sshrl.u32 s1, $0x2  }
0xbf: {  	s3 =	sand.u32 $0x4000, s31;
	s1 =	sadd.s32 s1, s30  }
0xc0: {  	s0 =	sor.u32 s3, s0;
	s1 =	sshll.u32 s1, $0x11  }
0xc1: {  	s0 =	sor.u32 s1, s0  }
0xc2: {  	s0 =	sadd.s32 $0x8F2B, s0  }
0xc3: {  	[sflag:s0] =	ssyncadd.remote.s32 $0x1  }
0xc4: {  	_ =	sfence.sel $0xFFFF  }
0xc5: {  	[dreg:$0x0] =	wrdreg $0xFFFFFFFF;
	(pc) =	sbr.abs _section_cstart, $3  }
0xc6: {  	[dreg:$0x1] =	wrdreg $0xFFFFFFFF  }
0xc7: {  	_ =	task.clear_ibuf [dreg:s7], $0x2FFFF;
	_ =	strace $0x9FFFFFFF  }
0xc8: {  	(tm) =	ssettm $0x7FFFFFFF  }
0xc9: {  	_ =	shalt  }
tec
execute0_lowered:
.L_overlay_start_1:
0x0: {  	(tag) =	ssettag $0x1  }
0x1: {  	s0 =	srdreg.scid  }
0x2: {  	s1 =	sshll.u32 s0, $0x4  }
0x3: {  	s0 =	stileid.u32;
	s1 =	sand.u32 $0x10, s1  }
0x4: {  	s2 =	sor.u32 s0, s1  }
0x5: {  	s1 =	smin.u32 s2, $0x12  }
0x6: {  	s1 =	sadd.s32 s2, s1  }
0x7: {  	p0 =	slt.u32 s2, $0x12;
	s2 =	simm.s32 $0xA0;
	s1 =	smul.u32 $0x50, s1  }
0x8: {  	s2 =	simm.s32 @!p0 $0x50  }
0x9: {  	s2 =	sadd.s32 s2, s1  }
0xa: {  	s3 =	smin.u32 s2, $0xFA0  }
0xb: {  	s7 =	ssub.s32 s3, s1  }
0xc: {  	p0 =	sgt.s32 s7, $0x0  }
0xd: {  	s7 =	simm.s32 @!p0 $0x0  }
0xe: {  	s4 =	rddreg [dreg:$0x0];
	s31 =	smul.u32 $0xCCCD, s7  }
0xf: {  	s5 =	rddreg [dreg:$0x1]  }
0x10: {  	s6 =	simm.s32 $0x1;
	s10 =	simm.s32 $0x3;
	s8 =	sshrl.u32 s31, $0x16  }
0x11: {  	s13 =	simm.s32 $0x0;
	s12 =	simm.s32 $0x0;
	s9 =	smul.u32 $0x50, s8  }
.Ltmp0:
0x12: {  	s11 =	smov.u32 s1;
	s2 =	rddreg [dreg:$0x2];
	(pc) =	sbr.rel .LBB2_1-.Ltmp0, $4  }
0x13: {  	_ =	strace $0x80000047;
	p0 =	sne.s32 s7, s9;
	s9 =	simm.s32 $0x1  }
0x14: {  	[sflag:s6] =	ssyncpa.u1 $0x0;
	s7 =	simm.s32 $0x2;
	s9 =	simm.s32 @!p0 $0x0  }
0x15: {  	[sflag:s7] =	ssyncpa.u1 $0x0;
	p0 =	por $0x0, $0x0;
	s8 =	sadd.s32 s8, s9  }
0x16: {  	v0 =	vimm.s32 $0x0;
	vm0 =	vmmov $0xff;
	vm1 =	vcmask $0x3F20;
	s9 =	sadd.s32 $0x9C400, s4;
	[sflag:s10] =	ssyncpa.u1 $0x0;
	s10 =	sadd.s32 $0x1, s8  }
.LBB2_6:
0x17: {  	[hbm:s17] =	stream.linear.scatter [tilespmem:s14], [sflag:$0x3], $0x400, $0x38;
	[tilespmem:$0x50A0] =	vst v63  }
.LBB2_7:
0x18: {  	s13 =	sadd.s32 $0x50, s11  }
0x19: {  	s15 =	smov.u32 s1;
	p2 =	slt.s32 s13, s3  }
0x1a: {  	s15 =	smov.u32 @p2 s13;
	p2 =	sne.s32 s12, s10  }
.Ltmp1:
0x1b: {  	p1 =	slt.u32 s12, $0x2;
	(pc) =	sbr.rel @!p2 .LBB2_8-.Ltmp1, $4  }
0x1c: {  	s14 =	simm.s32 @!p1 $0x3  }
0x1d: {  	s16 =	sadd.s32 $0x1, s12;
	_ =	swait.ge @!p1 [sflag:s14], $0x2800  }
0x1e: {  	p0 =	por !p0, !p0;
	s13 =	smov.u32 s11;
	[sflag:s14] =	ssyncset.done @!p1 $0x0  }
0x1f: {  	s12 =	smov.u32 s16;
	s11 =	smov.u32 s15;
	[sflag:s14] =	ssyncadd.s32 @!p1 $0xFFFFD800  }
.LBB2_1:
0x20: {  	p1 =	sge.u32 s12, s8  }
0x21: {  	s14 =	sxor.u32 @!p1 $0xFFFFFFFF, s12  }
0x22: {  	s14 =	sand.u32 @!p1 $0x1, s14  }
0x23: {  	s14 =	smul.u32 @!p1 $0x140, s14  }
0x24: {  	s31 =	sadd.s32 $0xFFFFFFFF, s12;
	s15 =	sshrl.u32 @!p1 s11, $0x3  }
0x25: {  	s16 =	sand.u32 @!p1 $0x7, s11;
	s15 =	sadd.s32 @!p1 s5, s15;
	s14 =	sshrl.u32 @!p1 s14, $0x2  }
0x26: {  	[tilespmem:s14], [sflag:$0x2] =	stream.linear.gather @!p1 [hbm4b:s15+s16], $0x50, $0x38;
	[tilespmem:$0x50A0] =	vst v63  }
0x27: {  	p1 =	sge.u32 s31, s8  }
.Ltmp2:
0x28: {  	_ = 	snop;
	(pc) =	sbr.rel @p1 .LBB2_7-.Ltmp2, $1  }
0x29: {  	_ =	sdelay $0x3  }
0x2a: {  	s14 =	simm.s32 $0x1  }
0x2b: {  	s14 =	simm.s32 @!p0 $0x0  }
0x2c: {  	s15 =	smul.u32 $0x140, s14  }
0x2d: {  	_ =	swait.ge [sflag:s7], $0x50  }
0x2e: {  	[sflag:s7] =	ssyncset.done $0x0;
	s16 =	sshrl.u32 s15, $0x2  }
0x2f: {  	[sflag:s7] =	ssyncadd.s32 $0xFFFFFFB0;
	s15 =	sadd.s32 $0x0, s16  }
0x30: {  	v1 =	vld.msk [tilespmem:s15+$0x0 ss:$0x1], $0xffff;
	_ =	sdelay $0x4  }
0x31: {  	v2 =	vand.u32 $0x1, v1;
	v3 =	vshll.u32 v1, $0x6  }
0x32: {  	vm2 =	veq.s32 v1, $0x80000000;
	vm3 =	veq.s32 v2, $0x1;
	v1 =	vand.u32 $0x3FFF80, v3  }
0x33: {  	v2 =	vsel vm3, $0x271000, v0;
	v1 =	vsel vm2, $0xFFFFFF80, v1  }
0x34: {  	v2 =	vsel vm2, $0xFFD8F000, v2;
	v3 =	vand.u32 $0xFFFFFC00, v1  }
0x35: {  	v1 =	vand.u32 $0x380, v1;
	v2 =	vadd.s32 v2, v3  }
0x36: {  	v1 =	vor.u32 v1, v2  }
0x37: {  	v1 =	vshrl.u32 v1, $0x3  }
0x38: {  	s14 =	smul.u32 $0xA000, s14;
	_ =	sdelay $0x1  }
0x39: {  	s14 =	sshrl.u32 s14, $0x2  }
0x3a: {  	s14 =	sor.u32 $0xA0, s14  }
0x3b: {  	[tilespmem:s14], [sflag:$0x1] =	stream.indirect_vreg.gather [hbm:s4], $0x80, v1, vm0, $0x38;
	[tilespmem:$0x50A0] =	vst v63  }
0x3c: {  	s17 =	sadd.s32 $0x10, s16;
	s15 =	sadd.s32 $0x400, s14  }
0x3d: {  	[tilespmem:s15], [sflag:$0x1] =	stream.indirect_vreg.gather [hbm:s4], $0x80, v1, vm1, $0x38;
	[tilespmem:$0x50A0] =	vst v63  }
0x3e: {  	s18 =	simm.s32 $0x80;
	v1 =	vld.msk [tilespmem:s17+$0x0 ss:$0x1], $0xffff;
	s17 =	smov.u32 s14  }
.LBB2_3:
0x3f: {  	p1 =	sne.s32 s18, $0x100;
	_ =	sdelay $0x4  }
0x40: {  	v2 =	vand.u32 $0x1, v1;
	v3 =	vshll.u32 v1, $0x6  }
0x41: {  	vm2 =	veq.s32 v1, $0x80000000;
	vm3 =	veq.s32 v2, $0x1;
	v1 =	vand.u32 $0x3FFF80, v3  }
0x42: {  	v2 =	vsel vm3, $0x271000, v0;
	v1 =	vsel vm2, $0xFFFFFF80, v1  }
0x43: {  	v2 =	vsel vm2, $0xFFD8F000, v2;
	v3 =	vand.u32 $0xFFFFFC00, v1  }
0x44: {  	v1 =	vand.u32 $0x380, v1;
	v2 =	vadd.s32 v2, v3  }
0x45: {  	v1 =	vor.u32 v1, v2  }
0x46: {  	v1 =	vshrl.u32 v1, $0x3;
	_ =	sdelay $0x3  }
.Ltmp3:
0x47: {  	s19 =	sshra.s32 s18, $0x2;
	s17 =	sadd.s32 $0x800, s17;
	(pc) =	sbr.rel @p1 .LBB2_3-.Ltmp3, $4  }
0x48: {  	[tilespmem:s17], [sflag:$0x1] =	stream.indirect_vreg.gather [hbm:s4], $0x80, v1, vm0, $0x38;
	[tilespmem:$0x50A0] =	vst v63  }
0x49: {  	s19 =	sadd.s32 s19, s16;
	s20 =	sadd.s32 $0x400, s17  }
0x4a: {  	[tilespmem:s20], [sflag:$0x1] =	stream.indirect_vreg.gather [hbm:s4], $0x80, v1, vm1, $0x38;
	[tilespmem:$0x50A0] =	vst v63  }
0x4b: {  	s18 =	sadd.s32 $0x40, s18;
	v1 =	vld.msk [tilespmem:s19+$0x0 ss:$0x1], $0xffff  }
0x4c: {  	_ =	sdelay $0x3  }
0x4d: {  	v2 =	vand.u32 $0x1, v1;
	v3 =	vshll.u32 v1, $0x6  }
0x4e: {  	vm2 =	veq.s32 v1, $0x80000000;
	vm3 =	veq.s32 v2, $0x1;
	v1 =	vand.u32 $0x3FFF80, v3  }
0x4f: {  	v2 =	vsel vm3, $0x271000, v0;
	v1 =	vsel vm2, $0xFFFFFF80, v1  }
0x50: {  	v2 =	vsel vm2, $0xFFD8F000, v2;
	v3 =	vand.u32 $0xFFFFFC00, v1  }
0x51: {  	v1 =	vand.u32 $0x380, v1;
	v2 =	vadd.s32 v2, v3  }
0x52: {  	v1 =	vor.u32 v1, v2  }
0x53: {  	v1 =	vshrl.u32 v1, $0x3;
	_ =	sdelay $0x3  }
0x54: {  	s16 =	sadd.s32 $0x800, s17  }
0x55: {  	[tilespmem:s16], [sflag:$0x1] =	stream.indirect_vreg.gather [hbm:s4], $0x80, v1, vm0, $0x38;
	[tilespmem:$0x50A0] =	vst v63  }
0x56: {  	s16 =	sadd.s32 $0x400, s16  }
0x57: {  	[tilespmem:s16], [sflag:$0x1] =	stream.indirect_vreg.gather [hbm:s4], $0x80, v1, vm1, $0x38;
	[tilespmem:$0x50A0] =	vst v63  }
0x58: {  	s13 =	sshll.u32 s13, $0x4;
	_ =	swait.ge [sflag:s6], $0x2800  }
0x59: {  	s13 =	sadd.s32 s13, s9;
	[sflag:s6] =	ssyncset.done $0x0  }
0x5a: {  	s17 =	sadd.s32 $0x0, s13;
	s16 =	simm.s32 $0x80;
	[sflag:s6] =	ssyncadd.s32 $0xFFFFD800  }
.LBB2_5:
0x5b: {  	[hbm:s17] =	stream.linear.scatter [tilespmem:s14], [sflag:$0x3], $0x400, $0x38;
	[tilespmem:$0x50A0] =	vst v63  }
0x5c: {  	s17 =	smov.u32 s16;
	s14 =	smov.u32 s15;
	p1 =	sne.s32 s16, $0x480  }
.Ltmp4:
0x5d: {  	s16 =	sadd.s32 $0x80, s16;
	(pc) =	sbr.rel @p1 .LBB2_5-.Ltmp4, $2  }
0x5e: {  	_ =	sdelay $0x2  }
0x5f: {  	s15 =	sadd.s32 $0x400, s15;
	s17 =	sadd.s32 s17, s13  }
.Ltmp5:
0x60: {  	_ = 	snop;
	(pc) =	sbr.rel .LBB2_6-.Ltmp5, $1  }
0x61: {  	_ =	sdelay $0x3  }
.LBB2_8:
0x62: {  	_ =	sfence.sel $0x180000  }
0x63: {  	s1 =	simm.s32 $0x2;
	[bflag:$0x0] =	sbarrier.arrive $0xFFFF  }
0x64: {  	s30 =	simm.s32 $0x3;
	[sflag:s1] =	ssyncpa.u1 $0x1  }
0x65: {  	s31 =	simm.s32 $0x1;
	[sflag:s30] =	ssyncpa.u1 $0x1  }
0x66: {  	[sflag:s31] =	ssyncpa.u1 $0x1  }
0x67: {  	p0 =	sne.s32 s0, $0x0;
	_ =	strace $0x90000047  }
0x68: {  	s0 =	sadd.s32 @!p0 $0x100000, s2;
	[bflag:$0x2] =	sbarrier.arrive $0xFFFF  }
0x69: {  	[sflag:s0] =	ssyncadd.tile.s32 @!p0 $0x1;
	_ =	shalt  }
.Lfunc_end2:
_tile_overlayer_lowered:
.L_overlay_start_2:
0x6a: {  	(tag) =	ssettag $0x2  }
0x6b: {  	s0 =	rddreg [dreg:$0x0];
	s2 =	stileid.u32  }
0x6c: {  	s1 =	rddreg [dreg:$0x1];
	p0 =	sne.s32 s2, $0x0  }
0x6d: {  	s3 =	rddreg [dreg:$0x2];
	[bflag:$0x3] =	sbarrier.arrive $0xFFFF;
	s2 =	simm.s32 @!p0 $0x1C01  }
0x6e: {  	[timem:s3], [sflag:s2] =	dma.local @!p0 [hbm:s0], s1  }
0x6f: {  	s0 =	simm.s32 @!p0 $0x1  }
0x70: {  	_ =	swait.ge @!p0 [sflag:s0], s1  }
0x71: {  	s1 =	ssub.s32 @!p0 $0x0, s1;
	[sflag:s0] =	ssyncset.done @!p0 $0x0  }
0x72: {  	[sflag:s0] =	ssyncadd.s32 @!p0 s1  }
0x73: {  	[bflag:$0x3] =	sbarrier.arrive $0xFFFF  }
0x74: {  	_ =	shalt  }

// kernel: gather_offload_async_start
scs
__scs_entry_jumppad:
0x0: {  	(pc) =	sbr.rel $0x88, $3  }
0x1: {  	(tag) =	ssettag $0x0;
	lr =	simm.s32 $0x1  }
0x2: {  	[smem:$0x3F9E] =	sst lr;
	_ =	strace $0xD0000000  }
0x3: {  	_ = 	snop  }
0x4: {  	_ = 	snop  }
0x5: {  	_ = 	snop  }
0x6: {  	_ = 	snop  }
0x7: {  	_ = 	snop  }
__scs_overlays_trampoline_lowered:
0x8: {  	[smem:$0x3FAD] =	sst s0  }
0x9: {  	[smem:$0x3FAE] =	sst s1  }
0xa: {  	[smem:$0x3FAF] =	sst s2  }
0xb: {  	[smem:$0x3FB0] =	sst s3  }
0xc: {  	[smem:$0x3FB1] =	sst s4  }
0xd: {  	[smem:$0x3FB2] =	sst s5  }
0xe: {  	[smem:$0x3FB3] =	sst s6  }
0xf: {  	[smem:$0x3FB4] =	sst s7  }
0x10: {  	[smem:$0x3FB5] =	sst s8  }
0x11: {  	[smem:$0x3FB6] =	sst s9;
	s0 =	simm.s32 @!p0 $0x0  }
0x12: {  	s1 =	sld [smem:$0x3F9C];
	s0 =	simm.s32 @p0 $0x1  }
0x13: {  	[smem:$0x3FB7] =	sst s0;
	s0 =	simm.s32 @!p1 $0x0  }
0x14: {  	s2 =	sld [smem:$0x3F9B];
	s0 =	simm.s32 @p1 $0x1  }
0x15: {  	[smem:$0x3FB8] =	sst s0;
	s0 =	simm.s32 @!p2 $0x0  }
0x16: {  	s3 =	sld [smem:$0x3FDB];
	s0 =	simm.s32 @p2 $0x1  }
0x17: {  	s4 =	simm.s32 $0x1BF5;
	[smem:$0x3FBA] =	sst s0  }
0x18: {  	s0 =	sld [smem:$0x3F9D];
	_ =	swait.ge [sflag:s4], $0x0  }
0x19: {  	s7 =	sld [smem:$0x3F9E]  }
0x1a: {  	s8 =	sadd.s32 $0xFFFFE003, lr  }
0x1b: {  	s9 =	sadd.s32 $0xFFFFFEF7, lr;
	s5 =	simm.s32 $0xFFFFFFFF;
	p2 =	slt.u32 s8, $0xFFFFF086  }
0x1c: {  	p1 =	slt.u32 s9, $0xF7A;
	s5 =	simm.s32 @!p2 $0x0  }
0x1d: {  	s5 =	simm.s32 @p1 $0x1;
	p0 =	seq.s32 s7, s2  }
0x1e: {  	s7 =	smul.u32 @!p0 $0xF7A, s2;
	p2 =	seq.s32 @!p0 s5, $0x0  }
0x1f: {  	s9 =	smul.u32 $0xF7A, s1;
	s8 =	simm.s32 @!p0 $0x1BF5;
	p2 =	por !p2, p0  }
0x20: {  	[sflag:s8] =	ssyncset.s32 @!p0 $0xFFFFF086;
	s6 =	sadd.s32 @!p0 s3, s7;
	s7 =	simm.s32 @!p0 $0x108  }
0x21: {  	s3 =	sadd.s32 s3, s9;
	s6 =	sadd.s32 @!p0 $0x88, s6;
	s7 =	simm.s32 @p2 $0x1082  }
0x22: {  	[simem:s7], [sflag:s8] =	dma.local @!p0 [hbm:s6], $0xF7A  }
0x23: {  	s9 =	sor.u32 $0xD0000000, s2;
	s6 =	simm.s32 $0x108;
	_ =	swait.ge @!p0 [sflag:s8], $0x0  }
0x24: {  	s3 =	sadd.s32 $0x88, s3;
	s6 =	simm.s32 @!p1 $0x1082;
	[sflag:s4] =	ssyncset.s32 $0xFFFFF086  }
0x25: {  	[simem:s6], [sflag:s4] =	dma.local [hbm:s3], $0xF7A  }
0x26: {  	[smem:$0x3F9E] =	sst s1;
	(tag) =	ssettag s2;
	_ =	strace s9  }
0x27: {  	s1 =	sld [smem:$0x3FAE]  }
0x28: {  	s2 =	sld [smem:$0x3FAF]  }
0x29: {  	s4 =	sld [smem:$0x3FB1]  }
0x2a: {  	p0 =	seq.s32 s5, $0x0;
	s5 =	sld [smem:$0x3FB2]  }
0x2b: {  	s6 =	sld [smem:$0x3FB3]  }
0x2c: {  	s7 =	sld [smem:$0x3FB4]  }
0x2d: {  	s3 =	simm.s32 $0x108;
	s8 =	sld [smem:$0x3FB5]  }
0x2e: {  	s3 =	simm.s32 @!p0 $0x1082;
	s9 =	sld [smem:$0x3FB6]  }
0x2f: {  	lr =	sadd.s32 s0, s3;
	s0 =	sld [smem:$0x3FAD]  }
0x30: {  	s3 =	sld [smem:$0x3FB0]  }
0x31: {  	[smem:$0x3FB9] =	sst s10  }
0x32: {  	s10 =	sld [smem:$0x3FB7];
	_ =	sdelay $0x3  }
0x33: {  	p0 =	seq.s32 s10, $0x1;
	s10 =	sld [smem:$0x3FB9];
	_ =	sdelay $0x3  }
0x34: {  	[smem:$0x3FB9] =	sst s10  }
0x35: {  	s10 =	sld [smem:$0x3FB8];
	_ =	sdelay $0x3  }
0x36: {  	p1 =	seq.s32 s10, $0x1;
	s10 =	sld [smem:$0x3FB9];
	_ =	sdelay $0x3  }
0x37: {  	[smem:$0x3FB9] =	sst s10  }
0x38: {  	s10 =	sld [smem:$0x3FBA]  }
0x39: {  	_ = 	snop;
	(pc) =	sbr.ind lr, $3  }
0x3a: {  	_ = 	snop  }
0x3b: {  	_ = 	snop  }
0x3c: {  	p2 =	seq.s32 s10, $0x1;
	s10 =	sld [smem:$0x3FB9]  }
0x3d: {  	_ =	shalt  }
0x3e: {  	_ =	shalt  }
0x3f: {  	_ =	shalt  }
0x40: {  	_ =	shalt  }
0x41: {  	_ =	shalt  }
0x42: {  	_ =	shalt  }
0x43: {  	_ =	shalt  }
0x44: {  	_ =	shalt  }
0x45: {  	_ =	shalt  }
0x46: {  	_ =	shalt  }
0x47: {  	_ =	shalt  }
0x48: {  	_ =	shalt  }
0x49: {  	_ =	shalt  }
0x4a: {  	_ =	shalt  }
0x4b: {  	_ =	shalt  }
0x4c: {  	_ =	shalt  }
0x4d: {  	_ =	shalt  }
0x4e: {  	_ =	shalt  }
0x4f: {  	_ =	shalt  }
0x50: {  	_ =	shalt  }
0x51: {  	_ =	shalt  }
0x52: {  	_ =	shalt  }
0x53: {  	_ =	shalt  }
0x54: {  	_ =	shalt  }
0x55: {  	_ =	shalt  }
0x56: {  	_ =	shalt  }
0x57: {  	_ =	shalt  }
0x58: {  	_ =	shalt  }
0x59: {  	_ =	shalt  }
0x5a: {  	_ =	shalt  }
0x5b: {  	_ =	shalt  }
0x5c: {  	_ =	shalt  }
0x5d: {  	_ =	shalt  }
0x5e: {  	_ =	shalt  }
0x5f: {  	_ =	shalt  }
0x60: {  	_ =	shalt  }
0x61: {  	_ =	shalt  }
0x62: {  	_ =	shalt  }
0x63: {  	_ =	shalt  }
0x64: {  	_ =	shalt  }
0x65: {  	_ =	shalt  }
0x66: {  	_ =	shalt  }
0x67: {  	_ =	shalt  }
0x68: {  	_ =	shalt  }
0x69: {  	_ =	shalt  }
0x6a: {  	_ =	shalt  }
0x6b: {  	_ =	shalt  }
0x6c: {  	_ =	shalt  }
0x6d: {  	_ =	shalt  }
0x6e: {  	_ =	shalt  }
0x6f: {  	_ =	shalt  }
0x70: {  	_ =	shalt  }
0x71: {  	_ =	shalt  }
0x72: {  	_ =	shalt  }
0x73: {  	_ =	shalt  }
0x74: {  	_ =	shalt  }
0x75: {  	_ =	shalt  }
0x76: {  	_ =	shalt  }
0x77: {  	_ =	shalt  }
0x78: {  	_ =	shalt  }
0x79: {  	_ =	shalt  }
0x7a: {  	_ =	shalt  }
0x7b: {  	_ =	shalt  }
0x7c: {  	_ =	shalt  }
0x7d: {  	_ =	shalt  }
0x7e: {  	_ =	shalt  }
0x7f: {  	_ =	shalt  }
0x80: {  	_ =	shalt  }
0x81: {  	_ =	shalt  }
0x82: {  	_ =	shalt  }
0x83: {  	_ =	shalt  }
0x84: {  	_ =	shalt  }
0x85: {  	_ =	shalt  }
0x86: {  	_ =	shalt  }
0x87: {  	_ =	shalt  }
.Lfunc_end0:
.L_simem_size_0:
called_computation_lowered:
.L_overlay_start_0:
0x88: {  	s2 =	sld [smem:$0x3FD9]  }
0x89: {  	s3 =	sld [smem:$0x3FFE];
	_ =	sdelay $0x1  }
0x8a: {  	s1 =	srdreg.scid  }
0x8b: {  	s0 =	sand.u32 $0x1, s1  }
0x8c: {  	s15 =	sshll.u32 s0, $0xA;
	s2 =	sadd.s32 s3, s2  }
0x8d: {  	s2 =	sadd.s32 s2, s15  }
0x8e: {  	[smem:$0x3FC5] =	sst s2  }
0x8f: {  	_ = 	snop  }
0x90: {  	s2 =	sld [smem:$0x3FD0];
	_ =	sdelay $0x2  }
0x91: {  	s16 =	simm.s32 $0xB;
	s4 =	simm.s32 $0x10  }
0x92: {  	[smem:s4], [sflag:s16] =	dma.local [hbm:s2], $0x1  }
0x93: {  	_ =	swait.eq [sflag:s16], $0x1  }
0x94: {  	[sflag:s16] =	ssyncset.done $0x0  }
0x95: {  	[sflag:s16] =	ssyncadd.s32 $0xFFFFFFFF  }
0x96: {  	s17 =	sld [smem:$0x10];
	(tm) =	ssettm $0x1  }
0x97: {  	s18 =	sld [smem:$0x3FFB];
	_ =	sdelay $0x3  }
0x98: {  	_ =	strace s18  }
0x99: {  	s2 =	sld [smem:$0x3FFC];
	_ =	sdelay $0x3  }
0x9a: {  	_ =	strace s2  }
0x9b: {  	s2 =	sld [smem:$0x3FFD];
	_ =	sdelay $0x3  }
0x9c: {  	_ =	strace s2  }
0x9d: {  	_ =	strace $0x8FFFFFFF  }
0x9e: {  	s19 =	sld [smem:$0x3FDB];
	_ =	sdelay $0x1  }
0x9f: {  	s20 =	simm.s32 $_scs_section_size  }
0xa0: {  	s5 =	simm.s32 $_size__tile_overlayer_lowered;
	s6 =	simm.s32 $_tile_overlayer_lowered  }
0xa1: {  	s7 =	simm.s32 $0x1BFF;
	s21 =	sshll.u32 s6, $0x1;
	s4 =	sadd.s32 s20, s19  }
0xa2: {  	s22 =	simm.s32 $0x0;
	s5 =	sshll.u32 s5, $0x1;
	s6 =	sadd.s32 s21, s4  }
0xa3: {  	[timem:s22], [sflag:s7] =	dma.local [hbm:s6], s5  }
0xa4: {  	_ =	swait.ge [sflag:s7], s5  }
0xa5: {  	s5 =	ssub.s32 $0x0, s5;
	[sflag:s7] =	ssyncset.done $0x0  }
0xa6: {  	[sflag:s7] =	ssyncadd.s32 s5;
	_ =	sdelay $0x1  }
0xa7: {  	s23 =	simm.s32 $0x1B8B  }
0xa8: {  	_ =	swait.ge [sflag:s23], $0x1  }
0xa9: {  	[sflag:s23] =	ssyncset.done $0x0  }
0xaa: {  	[sflag:s23] =	ssyncadd.s32 $0xFFFFFFFF  }
0xab: {  	s5 =	sld [smem:$0x0]  }
0xac: {  	s6 =	sand.u32 $0xFFFFFFFE, s1  }
0xad: {  	p0 =	sne.s32 s1, s6  }
0xae: {  	s6 =	sshll.u32 @p0 s6, $0xE  }
0xaf: {  	s6 =	sadd.s32 @p0 $0x11B8D, s6;
	s7 =	sshll.u32 @p0 s5, $0x11  }
0xb0: {  	s6 =	sor.u32 @p0 s7, s6  }
0xb1: {  	[sflag:s6] =	ssyncadd.remote.s32 @p0 $0x1;
	_ =	sdelay $0x1  }
0xb2: {  	s6 =	simm.s32 @p0 $0x1B8D  }
0xb3: {  	_ =	swait.eq @p0 [sflag:s6], $0x1  }
0xb4: {  	[sflag:s6] =	ssyncadd.s32 @p0 $0xFFFFFFFF  }
0xb5: {  	s7 =	sshll.u32 @!p0 s1, $0xE  }
0xb6: {  	s7 =	sor.u32 @!p0 $0x4000, s7;
	s6 =	simm.s32 @!p0 $0x1B8D  }
0xb7: {  	s5 =	sshll.u32 @!p0 s5, $0x11;
	s7 =	sadd.s32 @!p0 $0x11B8D, s7;
	_ =	swait.eq @!p0 [sflag:s6], $0x1  }
0xb8: {  	s5 =	sor.u32 @!p0 s5, s7;
	[sflag:s6] =	ssyncadd.s32 @!p0 $0xFFFFFFFF  }
0xb9: {  	s25 =	simm.s32 $0x1B8E;
	s24 =	sld [smem:$0x3FFE];
	[sflag:s5] =	ssyncadd.remote.s32 @!p0 $0x1  }
0xba: {  	s26 =	simm.s32 $execute0_lowered;
	[smem:$0x3FD2] =	sst s25  }
0xbb: {  	s6 =	sshll.u32 s26, $0x1;
	_ =	strace $0x80000049;
	[dreg:$0x1] =	wrdreg $0xFFFFFFFF  }
0xbc: {  	s28 =	simm.s32 $_size_execute0_lowered;
	s4 =	sadd.s32 s4, s6;
	[dreg:$0x0] =	wrdreg $0x0  }
0xbd: {  	s6 =	sshll.u32 s28, $0x1;
	[dreg:$0x2] =	wrdreg s4  }
0xbe: {  	[dreg:$0x3] =	wrdreg s6  }
0xbf: {  	[dreg:$0x4] =	wrdreg $0xC0  }
0xc0: {  	_ =	task [dreg:s22], $0x5FFFF  }
0xc1: {  	[dreg:$0x1] =	wrdreg $0xFFFFFFFF  }
0xc2: {  	[dreg:$0x0] =	wrdreg $0x60  }
0xc3: {  	[dreg:$0x2] =	wrdreg s24  }
0xc4: {  	[dreg:$0x3] =	wrdreg s17  }
0xc5: {  	[dreg:$0x4] =	wrdreg $0x9  }
0xc6: {  	_ =	task.clear_ibuf [dreg:s22], $0x5FFFF;
	_ =	strace $0x90000049  }
0xc7: {  	s29 =	simm.s32 $0x9;
	_ =	strace $0x8000004B  }
0xc8: {  	_ =	swait.ge [sflag:s29], $0x1  }
0xc9: {  	[sflag:s29] =	ssyncadd.s32 $0xFFFFFFFF  }
0xca: {  	_ =	strace $0x9000004B  }
0xcb: {  	_ =	sfence  }
0xcc: {  	s30 =	sld [smem:$0x0];
	_ =	sdelay $0x2  }
0xcd: {  	s31 =	sshll.u32 s1, $0xD;
	s1 =	sshrl.u32 s1, $0x2  }
0xce: {  	s4 =	sand.u32 $0x4000, s31;
	s1 =	sadd.s32 s1, s30  }
0xcf: {  	s0 =	sor.u32 s4, s0;
	s1 =	sshll.u32 s1, $0x11  }
0xd0: {  	s0 =	sor.u32 s1, s0  }
0xd1: {  	s0 =	sadd.s32 $0x8F2B, s0  }
0xd2: {  	[sflag:s0] =	ssyncadd.remote.s32 $0x1  }
0xd3: {  	_ =	sfence.sel $0xFFFF  }
0xd4: {  	[dreg:$0x0] =	wrdreg $0xFFFFFFFF;
	(pc) =	sbr.abs _section_cstart, $3  }
0xd5: {  	[dreg:$0x1] =	wrdreg $0xFFFFFFFF  }
0xd6: {  	_ =	task.clear_ibuf [dreg:s22], $0x2FFFF;
	_ =	strace $0x9FFFFFFF  }
0xd7: {  	(tm) =	ssettm $0x7FFFFFFF  }
tec
execute0_lowered:
.L_overlay_start_1:
0x0: {  	(tag) =	ssettag $0x1  }
0x1: {  	s0 =	srdreg.scid  }
0x2: {  	s1 =	sshll.u32 s0, $0x4  }
0x3: {  	s0 =	stileid.u32;
	s1 =	sand.u32 $0x10, s1  }
0x4: {  	s2 =	sor.u32 s0, s1  }
0x5: {  	s1 =	smin.u32 s2, $0x12  }
0x6: {  	s1 =	sadd.s32 s2, s1  }
0x7: {  	p0 =	slt.u32 s2, $0x12;
	s2 =	simm.s32 $0xA0;
	s1 =	smul.u32 $0x50, s1  }
0x8: {  	s2 =	simm.s32 @!p0 $0x50  }
0x9: {  	s2 =	sadd.s32 s2, s1  }
0xa: {  	s3 =	smin.u32 s2, $0xFA0  }
0xb: {  	s7 =	ssub.s32 s3, s1  }
0xc: {  	p0 =	sgt.s32 s7, $0x0  }
0xd: {  	s7 =	simm.s32 @!p0 $0x0  }
0xe: {  	s9 =	rddreg [dreg:$0x0];
	s31 =	smul.u32 $0xCCCD, s7  }
0xf: {  	s4 =	rddreg [dreg:$0x1];
	s6 =	simm.s32 $0x1  }
0x10: {  	s11 =	simm.s32 $0x3;
	s13 =	simm.s32 $0x0;
	s8 =	sshrl.u32 s31, $0x16  }
0x11: {  	s12 =	simm.s32 $0x0;
	s5 =	sadd.s32 $0xABE00, s9;
	s10 =	smul.u32 $0x50, s8  }
.Ltmp0:
0x12: {  	s9 =	sadd.s32 $0x148200, s9;
	s2 =	rddreg [dreg:$0x2];
	(pc) =	sbr.rel .LBB2_1-.Ltmp0, $4  }
0x13: {  	_ =	strace $0x8000004A;
	p0 =	sne.s32 s7, s10;
	s10 =	simm.s32 $0x1  }
0x14: {  	[sflag:s6] =	ssyncpa.u1 $0x0;
	s7 =	simm.s32 $0x2;
	s10 =	simm.s32 @!p0 $0x0  }
0x15: {  	[sflag:s7] =	ssyncpa.u1 $0x0;
	p0 =	por $0x0, $0x0;
	s8 =	sadd.s32 s8, s10  }
0x16: {  	v0 =	vimm.s32 $0x0;
	vm0 =	vmmov $0xff;
	vm1 =	vcmask $0x3F20;
	[sflag:s11] =	ssyncpa.u1 $0x0;
	s11 =	smov.u32 s1;
	s10 =	sadd.s32 $0x1, s8  }
.LBB2_6:
0x17: {  	[hbm:s17] =	stream.linear.scatter [tilespmem:s14], [sflag:$0x3], $0x400, $0x38;
	[tilespmem:$0x50A0] =	vst v63  }
.LBB2_7:
0x18: {  	s13 =	sadd.s32 $0x50, s11  }
0x19: {  	s15 =	smov.u32 s1;
	p2 =	slt.s32 s13, s3  }
0x1a: {  	s15 =	smov.u32 @p2 s13;
	p2 =	sne.s32 s12, s10  }
.Ltmp1:
0x1b: {  	p1 =	slt.u32 s12, $0x2;
	(pc) =	sbr.rel @!p2 .LBB2_8-.Ltmp1, $4  }
0x1c: {  	s14 =	simm.s32 @!p1 $0x3  }
0x1d: {  	s16 =	sadd.s32 $0x1, s12;
	_ =	swait.ge @!p1 [sflag:s14], $0x2800  }
0x1e: {  	p0 =	por !p0, !p0;
	s13 =	smov.u32 s11;
	[sflag:s14] =	ssyncset.done @!p1 $0x0  }
0x1f: {  	s12 =	smov.u32 s16;
	s11 =	smov.u32 s15;
	[sflag:s14] =	ssyncadd.s32 @!p1 $0xFFFFD800  }
.LBB2_1:
0x20: {  	p1 =	sge.u32 s12, s8  }
0x21: {  	s14 =	sxor.u32 @!p1 $0xFFFFFFFF, s12  }
0x22: {  	s14 =	sand.u32 @!p1 $0x1, s14  }
0x23: {  	s14 =	smul.u32 @!p1 $0x140, s14  }
0x24: {  	s31 =	sadd.s32 $0xFFFFFFFF, s12;
	s15 =	sshrl.u32 @!p1 s11, $0x3  }
0x25: {  	s16 =	sand.u32 @!p1 $0x7, s11;
	s15 =	sadd.s32 @!p1 s4, s15;
	s14 =	sshrl.u32 @!p1 s14, $0x2  }
0x26: {  	[tilespmem:s14], [sflag:$0x2] =	stream.linear.gather @!p1 [hbm4b:s15+s16], $0x50, $0x38;
	[tilespmem:$0x50A0] =	vst v63  }
0x27: {  	p1 =	sge.u32 s31, s8  }
.Ltmp2:
0x28: {  	_ = 	snop;
	(pc) =	sbr.rel @p1 .LBB2_7-.Ltmp2, $1  }
0x29: {  	_ =	sdelay $0x3  }
0x2a: {  	s14 =	simm.s32 $0x1  }
0x2b: {  	s14 =	simm.s32 @!p0 $0x0  }
0x2c: {  	s15 =	smul.u32 $0x140, s14  }
0x2d: {  	_ =	swait.ge [sflag:s7], $0x50  }
0x2e: {  	[sflag:s7] =	ssyncset.done $0x0;
	s16 =	sshrl.u32 s15, $0x2  }
0x2f: {  	[sflag:s7] =	ssyncadd.s32 $0xFFFFFFB0;
	s15 =	sadd.s32 $0x0, s16  }
0x30: {  	v1 =	vld.msk [tilespmem:s15+$0x0 ss:$0x1], $0xffff;
	_ =	sdelay $0x4  }
0x31: {  	v2 =	vand.u32 $0x1, v1;
	v3 =	vshll.u32 v1, $0x6  }
0x32: {  	vm2 =	veq.s32 v1, $0x80000000;
	vm3 =	veq.s32 v2, $0x1;
	v1 =	vand.u32 $0x3FFF80, v3  }
0x33: {  	v2 =	vsel vm3, $0x271000, v0;
	v1 =	vsel vm2, $0xFFFFFF80, v1  }
0x34: {  	v2 =	vsel vm2, $0xFFD8F000, v2;
	v3 =	vand.u32 $0xFFFFFC00, v1  }
0x35: {  	v1 =	vand.u32 $0x380, v1;
	v2 =	vadd.s32 v2, v3  }
0x36: {  	v1 =	vor.u32 v1, v2  }
0x37: {  	v1 =	vshrl.u32 v1, $0x3  }
0x38: {  	s14 =	smul.u32 $0xA000, s14;
	_ =	sdelay $0x1  }
0x39: {  	s14 =	sshrl.u32 s14, $0x2  }
0x3a: {  	s14 =	sor.u32 $0xA0, s14  }
0x3b: {  	[tilespmem:s14], [sflag:$0x1] =	stream.indirect_vreg.gather [hbm:s5], $0x80, v1, vm0, $0x38;
	[tilespmem:$0x50A0] =	vst v63  }
0x3c: {  	s17 =	sadd.s32 $0x10, s16;
	s15 =	sadd.s32 $0x400, s14  }
0x3d: {  	[tilespmem:s15], [sflag:$0x1] =	stream.indirect_vreg.gather [hbm:s5], $0x80, v1, vm1, $0x38;
	[tilespmem:$0x50A0] =	vst v63  }
0x3e: {  	s18 =	simm.s32 $0x80;
	v1 =	vld.msk [tilespmem:s17+$0x0 ss:$0x1], $0xffff;
	s17 =	smov.u32 s14  }
.LBB2_3:
0x3f: {  	p1 =	sne.s32 s18, $0x100;
	_ =	sdelay $0x4  }
0x40: {  	v2 =	vand.u32 $0x1, v1;
	v3 =	vshll.u32 v1, $0x6  }
0x41: {  	vm2 =	veq.s32 v1, $0x80000000;
	vm3 =	veq.s32 v2, $0x1;
	v1 =	vand.u32 $0x3FFF80, v3  }
0x42: {  	v2 =	vsel vm3, $0x271000, v0;
	v1 =	vsel vm2, $0xFFFFFF80, v1  }
0x43: {  	v2 =	vsel vm2, $0xFFD8F000, v2;
	v3 =	vand.u32 $0xFFFFFC00, v1  }
0x44: {  	v1 =	vand.u32 $0x380, v1;
	v2 =	vadd.s32 v2, v3  }
0x45: {  	v1 =	vor.u32 v1, v2  }
0x46: {  	v1 =	vshrl.u32 v1, $0x3;
	_ =	sdelay $0x3  }
.Ltmp3:
0x47: {  	s19 =	sshra.s32 s18, $0x2;
	s17 =	sadd.s32 $0x800, s17;
	(pc) =	sbr.rel @p1 .LBB2_3-.Ltmp3, $4  }
0x48: {  	[tilespmem:s17], [sflag:$0x1] =	stream.indirect_vreg.gather [hbm:s5], $0x80, v1, vm0, $0x38;
	[tilespmem:$0x50A0] =	vst v63  }
0x49: {  	s19 =	sadd.s32 s19, s16;
	s20 =	sadd.s32 $0x400, s17  }
0x4a: {  	[tilespmem:s20], [sflag:$0x1] =	stream.indirect_vreg.gather [hbm:s5], $0x80, v1, vm1, $0x38;
	[tilespmem:$0x50A0] =	vst v63  }
0x4b: {  	s18 =	sadd.s32 $0x40, s18;
	v1 =	vld.msk [tilespmem:s19+$0x0 ss:$0x1], $0xffff  }
0x4c: {  	_ =	sdelay $0x3  }
0x4d: {  	v2 =	vand.u32 $0x1, v1;
	v3 =	vshll.u32 v1, $0x6  }
0x4e: {  	vm2 =	veq.s32 v1, $0x80000000;
	vm3 =	veq.s32 v2, $0x1;
	v1 =	vand.u32 $0x3FFF80, v3  }
0x4f: {  	v2 =	vsel vm3, $0x271000, v0;
	v1 =	vsel vm2, $0xFFFFFF80, v1  }
0x50: {  	v2 =	vsel vm2, $0xFFD8F000, v2;
	v3 =	vand.u32 $0xFFFFFC00, v1  }
0x51: {  	v1 =	vand.u32 $0x380, v1;
	v2 =	vadd.s32 v2, v3  }
0x52: {  	v1 =	vor.u32 v1, v2  }
0x53: {  	v1 =	vshrl.u32 v1, $0x3;
	_ =	sdelay $0x3  }
0x54: {  	s16 =	sadd.s32 $0x800, s17  }
0x55: {  	[tilespmem:s16], [sflag:$0x1] =	stream.indirect_vreg.gather [hbm:s5], $0x80, v1, vm0, $0x38;
	[tilespmem:$0x50A0] =	vst v63  }
0x56: {  	s16 =	sadd.s32 $0x400, s16  }
0x57: {  	[tilespmem:s16], [sflag:$0x1] =	stream.indirect_vreg.gather [hbm:s5], $0x80, v1, vm1, $0x38;
	[tilespmem:$0x50A0] =	vst v63  }
0x58: {  	s13 =	sshll.u32 s13, $0x4;
	_ =	swait.ge [sflag:s6], $0x2800  }
0x59: {  	s13 =	sadd.s32 s13, s9;
	[sflag:s6] =	ssyncset.done $0x0  }
0x5a: {  	s17 =	sadd.s32 $0x0, s13;
	s16 =	simm.s32 $0x80;
	[sflag:s6] =	ssyncadd.s32 $0xFFFFD800  }
.LBB2_5:
0x5b: {  	[hbm:s17] =	stream.linear.scatter [tilespmem:s14], [sflag:$0x3], $0x400, $0x38;
	[tilespmem:$0x50A0] =	vst v63  }
0x5c: {  	s17 =	smov.u32 s16;
	s14 =	smov.u32 s15;
	p1 =	sne.s32 s16, $0x480  }
.Ltmp4:
0x5d: {  	s16 =	sadd.s32 $0x80, s16;
	(pc) =	sbr.rel @p1 .LBB2_5-.Ltmp4, $2  }
0x5e: {  	_ =	sdelay $0x2  }
0x5f: {  	s15 =	sadd.s32 $0x400, s15;
	s17 =	sadd.s32 s17, s13  }
.Ltmp5:
0x60: {  	_ = 	snop;
	(pc) =	sbr.rel .LBB2_6-.Ltmp5, $1  }
0x61: {  	_ =	sdelay $0x3  }
.LBB2_8:
0x62: {  	_ =	sfence.sel $0x180000  }
0x63: {  	s1 =	simm.s32 $0x2;
	[bflag:$0x0] =	sbarrier.arrive $0xFFFF  }
0x64: {  	s30 =	simm.s32 $0x3;
	[sflag:s1] =	ssyncpa.u1 $0x1  }
0x65: {  	s31 =	simm.s32 $0x1;
	[sflag:s30] =	ssyncpa.u1 $0x1  }
0x66: {  	[sflag:s31] =	ssyncpa.u1 $0x1  }
0x67: {  	p0 =	sne.s32 s0, $0x0;
	_ =	strace $0x9000004A  }
0x68: {  	s0 =	sadd.s32 @!p0 $0x100000, s2;
	[bflag:$0x2] =	sbarrier.arrive $0xFFFF  }
0x69: {  	[sflag:s0] =	ssyncadd.tile.s32 @!p0 $0x1;
	_ =	shalt  }
.Lfunc_end2:
_tile_overlayer_lowered:
.L_overlay_start_2:
0x6a: {  	(tag) =	ssettag $0x2  }
0x6b: {  	s0 =	rddreg [dreg:$0x0];
	s2 =	stileid.u32  }
0x6c: {  	s1 =	rddreg [dreg:$0x1];
	p0 =	sne.s32 s2, $0x0  }
0x6d: {  	s3 =	rddreg [dreg:$0x2];
	[bflag:$0x3] =	sbarrier.arrive $0xFFFF;
	s2 =	simm.s32 @!p0 $0x1C01  }
0x6e: {  	[timem:s3], [sflag:s2] =	dma.local @!p0 [hbm:s0], s1  }
0x6f: {  	s0 =	simm.s32 @!p0 $0x1  }
0x70: {  	_ =	swait.ge @!p0 [sflag:s0], s1  }
0x71: {  	s1 =	ssub.s32 @!p0 $0x0, s1;
	[sflag:s0] =	ssyncset.done @!p0 $0x0  }
0x72: {  	[sflag:s0] =	ssyncadd.s32 @!p0 s1  }
0x73: {  	[bflag:$0x3] =	sbarrier.arrive $0xFFFF  }
0x74: {  	_ =	shalt  }

</sc_bundles>
